<compile_context>
chip_gen: v7x
topology: tpu7x:2x2x1
jax: 0.10.2.dev20260603
libtpu: 0.0.44.dev20260713+nightly
codegen_flags: <defaults>
</compile_context>

<pallas_src>
import dataclasses
import functools

import jax
import jax.numpy as jnp
from jax import lax
from jax.experimental import pallas as pl
from jax.experimental.pallas import tpu as pltpu
from jax.experimental.pallas import tpu_sc as plsc

NC, NS, L = 2, 16, 16
NW = NC * NS
N_NODES = 10000
N_PAD = 10240
F = 64
NE = 320000
NE_PAD = 327680
EPT = NE_PAD // NW
BLK = 1024
NBLK = EPT // BLK
CH = 128
NCHT = EPT // CH
NB = 4
CH0 = 144
CH1 = 16
CHMX = max(CH0, CH1)
ZR = CH
RPT = N_PAD // NS


@functools.cache
def _mesh():
    return plsc.VectorSubcoreMesh(
        core_axis_name="c", subcore_axis_name="s",
        num_cores=NC, num_subcores=NS,
    )


def _wid():
    return lax.axis_index("s") * NC + lax.axis_index("c")


@functools.cache
def _sc_params():
    cp = pltpu.CompilerParams()
    fields = pltpu.CompilerParams.__dataclass_fields__
    if "needs_layout_passes" in fields:
        cp = dataclasses.replace(cp, needs_layout_passes=False)
    if "use_tc_tiling_on_sc" in fields:
        cp = dataclasses.replace(cp, use_tc_tiling_on_sc=False)
    return cp


def _proj_body(x_ref, w_ref, o_ref):
    o_ref[...] = jnp.dot(x_ref[...], w_ref[...],
                         preferred_element_type=jnp.float32)


def _project(x_pad, wt):
    return pl.pallas_call(
        _proj_body,
        grid=(N_PAD // 1024,),
        in_specs=[
            pl.BlockSpec((1024, 128), lambda i: (i, 0)),
            pl.BlockSpec((128, F), lambda i: (0, 0)),
        ],
        out_specs=pl.BlockSpec((1024, F), lambda i: (i, 0)),
        out_shape=jax.ShapeDtypeStruct((N_PAD, F), jnp.float32),
    )(x_pad, wt)


def _deg_body(col_hbm, ew_hbm, degp_hbm, colb, ewb, dacc):
    wid = _wid()
    zero = jnp.zeros((L,), jnp.float32)

    @pl.loop(0, N_PAD // L)
    def _(i):
        dacc[pl.ds(i * L, L)] = zero

    @pl.loop(0, NBLK)
    def _(bk):
        pltpu.sync_copy(col_hbm.at[wid, bk], colb)
        pltpu.sync_copy(ew_hbm.at[wid, bk], ewb)

        @pl.loop(0, BLK // L)
        def _(g):
            idx = colb[pl.ds(g * L, L)]
            val = ewb[pl.ds(g * L, L)]
            plsc.addupdate_scatter(dacc, [idx], val)

    pltpu.sync_copy(dacc, degp_hbm.at[wid])


def _degrees(col2, ew2):
    k = pl.kernel(
        _deg_body,
        out_type=jax.ShapeDtypeStruct((NW, N_PAD), jnp.float32),
        mesh=_mesh(),
        compiler_params=_sc_params(),
        scratch_types=[
            pltpu.VMEM((BLK,), jnp.int32),
            pltpu.VMEM((BLK,), jnp.float32),
            pltpu.VMEM((N_PAD,), jnp.float32),
        ],
    )
    return k(col2, ew2)


def _prep_body(p_ref, h_ref, dd_ref, g_ref):
    deg = jnp.sum(p_ref[...], axis=0, keepdims=True) + 1.0
    dinv = jnp.where(deg > 0, lax.rsqrt(deg), 0.0)
    dd_ref[...] = jnp.concatenate([dinv, dinv * dinv], axis=0)
    g_ref[...] = dinv.reshape(N_PAD, 1) * h_ref[...]


def _prep(degp, h0):
    return pl.pallas_call(
        _prep_body,
        out_shape=(
            jax.ShapeDtypeStruct((2, N_PAD), jnp.float32),
            jax.ShapeDtypeStruct((N_PAD, F), jnp.float32),
        ),
    )(degp, h0)


def _prop_body(h_hbm, row_hbm, col_hbm, ew_hbm, out_hbm,
               rowb, colb, nb, b0, b1, b2, b3,
               acc, g0, g1, g2, g3, s0, s1, s2, s3):
    bufs = [b0, b1, b2, b3]
    gsems = [g0, g1, g2, g3]
    ssems = [s0, s1, s2, s3]
    cid = lax.axis_index("c")
    sid = lax.axis_index("s")

    @pl.loop(0, ZR)
    def _(i):
        for f in range(F // L):
            b0[i, pl.ds(f * L, L)] = jnp.zeros((L,), jnp.float32)

    @pl.loop(0, RPT // ZR)
    def _(i):
        pltpu.sync_copy(b0, acc.at[pl.ds(sid * RPT + i * ZR, ZR)])

    base = jnp.where(cid == 0, sid * CH0, NS * CH0 + sid * CH1)
    ngroups = jnp.where(cid == 0, CH0 // NB, CH1 // NB)

    @pl.when(cid == 0)
    def _():
        pltpu.sync_copy(row_hbm.at[pl.ds(base, CH0)], rowb.at[pl.ds(0, CH0)])
        pltpu.sync_copy(col_hbm.at[pl.ds(base, CH0)], colb.at[pl.ds(0, CH0)])
        pltpu.sync_copy(ew_hbm.at[pl.ds(base * CH, CH0 * CH)],
                        nb.at[pl.ds(0, CH0 * CH)])

    @pl.when(cid == 1)
    def _():
        pltpu.sync_copy(row_hbm.at[pl.ds(base, CH1)], rowb.at[pl.ds(0, CH1)])
        pltpu.sync_copy(col_hbm.at[pl.ds(base, CH1)], colb.at[pl.ds(0, CH1)])
        pltpu.sync_copy(ew_hbm.at[pl.ds(base * CH, CH1 * CH)],
                        nb.at[pl.ds(0, CH1 * CH)])

    plsc.subcore_barrier()

    @pl.loop(0, ngroups)
    def _(i):
        gds = []
        for k in range(NB):
            ch = i * NB + k
            gds.append(pltpu.async_copy(
                h_hbm.at[rowb.at[ch]], bufs[k], gsems[k]))

        sds = []
        for k in range(NB):
            ch = i * NB + k
            gds[k].wait()
            base2 = ch * CH

            @plsc.parallel_loop(0, CH, unroll=2)
            def _(e, _k=k):
                nv = plsc.load_gather(
                    nb, [jnp.full((L,), base2 + e, jnp.int32)])
                for f in range(F // L):
                    sl = (e, pl.ds(f * L, L))
                    bufs[_k][sl] = bufs[_k][sl] * nv

            sds.append(pltpu.async_copy(
                bufs[k], acc.at[colb.at[ch]], ssems[k], add=True))

        for k in range(NB):
            sds[k].wait()

    plsc.subcore_barrier()

    @pl.loop(0, RPT // ZR)
    def _(i):
        r = sid * RPT + i * ZR
        pltpu.sync_copy(acc.at[pl.ds(r, ZR)], out_hbm.at[cid, pl.ds(r, ZR)])


def _propagate(g, row3, col3, ew1):
    k = pl.kernel(
        _prop_body,
        out_type=jax.ShapeDtypeStruct((NC, N_PAD, F), jnp.float32),
        mesh=_mesh(),
        compiler_params=_sc_params(),
        scratch_types=(
            [
                pltpu.VMEM((CHMX, CH), jnp.int32),
                pltpu.VMEM((CHMX, CH), jnp.int32),
                pltpu.VMEM((CHMX * CH,), jnp.float32),
            ]
            + [pltpu.VMEM((CH, F), jnp.float32) for _ in range(NB)]
            + [pltpu.VMEM_SHARED((N_PAD, F), jnp.float32)]
            + [pltpu.SemaphoreType.DMA for _ in range(2 * NB)]
        ),
    )
    return k(g, row3, col3, ew1)


def _comb_body(p_ref, h_ref, s_ref, b_ref, o_ref):
    o_ref[...] = s_ref[...] * (p_ref[0] + p_ref[1] + h_ref[...]) + b_ref[...]


def _combine(p, h, scol, bias_row):
    return pl.pallas_call(
        _comb_body,
        out_shape=jax.ShapeDtypeStruct((N_PAD, F), jnp.float32),
    )(p, h, scol, bias_row)


@jax.jit
def kernel(x, edge_index, edge_weight, W, b):
    row = edge_index[0].astype(jnp.int32)
    col = edge_index[1].astype(jnp.int32)
    ew = edge_weight.astype(jnp.float32)

    pad_e = NE_PAD - NE
    row_p = jnp.concatenate([row, jnp.zeros((pad_e,), jnp.int32)])
    col_p = jnp.concatenate([col, jnp.zeros((pad_e,), jnp.int32)])
    ew_p = jnp.concatenate([ew, jnp.zeros((pad_e,), jnp.float32)])

    col2 = col_p.reshape(NW, NBLK, BLK)
    ew2 = ew_p.reshape(NW, NBLK, BLK)
    row3 = row_p.reshape(NE_PAD // CH, CH)
    col3 = col_p.reshape(NE_PAD // CH, CH)
    ew1 = ew_p

    x_pad = jnp.concatenate(
        [x, jnp.zeros((N_PAD - N_NODES, x.shape[1]), jnp.float32)])
    wt = W.T.astype(jnp.float32)

    h0 = _project(x_pad, wt)
    degp = _degrees(col2, ew2)
    dd, g0 = _prep(degp, h0)
    dcol = dd[0][:, None]
    d2col = dd[1][:, None]

    zero_b = jnp.zeros((1, F), jnp.float32)
    p1 = _propagate(g0, row3, col3, ew1)
    g1 = _combine(p1, g0, d2col, zero_b)
    p2 = _propagate(g1, row3, col3, ew1)
    out = _combine(p2, g1, dcol, b.reshape(1, F).astype(jnp.float32))

    return out[:N_NODES]

# --- scband reference (transcript-rebuilt; emitter-appended) ---
"""Pipeline reference for scband-sgc-2362232013426 (READ-ONLY COPY).

The authoritative reference and input builder live on the scoring server;
editing this copy changes nothing except your own understanding.
"""

import jax, jax.numpy as jnp
import numpy as np

NUM_NODES = 10000
NUM_EDGES = 320000
D_FEAT = 128
NUM_CLASSES = 64
NUM_LAYERS = 2


def setup_inputs(seed: int = 0) -> dict:
    key = jax.random.key(seed)
    k1, k2, k3, k4, k5 = jax.random.split(key, 5)
    x = jax.random.normal(k1, (NUM_NODES, D_FEAT), dtype=jnp.float32)
    edge_index = jax.random.randint(k2, (2, NUM_EDGES), 0, NUM_NODES, dtype=jnp.int64)
    edge_weight = jax.random.uniform(k3, (NUM_EDGES,), dtype=jnp.float32)
    # Linear layer params (num_classes x in_dim), torch nn.Linear init style
    bound = 1.0 / np.sqrt(D_FEAT)
    W = jax.random.uniform(k4, (NUM_CLASSES, D_FEAT), minval=-bound, maxval=bound, dtype=jnp.float32)
    b = jax.random.uniform(k5, (NUM_CLASSES,), minval=-bound, maxval=bound, dtype=jnp.float32)
    return {"x": x, "edge_index": edge_index, "edge_weight": edge_weight, "W": W, "b": b}


def _gcn_norm(edge_index, edge_weight, num_nodes):
    # PyG gcn_norm with add_self_loops=True, fill_value=1.0
    row, col = edge_index[0], edge_index[1]
    loop = jnp.arange(num_nodes, dtype=edge_index.dtype)
    row = jnp.concatenate([row, loop])
    col = jnp.concatenate([col, loop])
    ew = jnp.concatenate([edge_weight, jnp.ones((num_nodes,), dtype=edge_weight.dtype)])
    deg = jax.ops.segment_sum(ew, col, num_segments=num_nodes)
    deg_safe = jnp.where(deg > 0, deg, 1.0)
    deg_inv_sqrt = jnp.where(deg > 0, deg_safe ** -0.5, 0.0)
    norm = deg_inv_sqrt[row] * ew * deg_inv_sqrt[col]
    return row, col, norm


def _sgc_conv(x, edge_index, edge_weight, num_nodes):
    row, col, norm = _gcn_norm(edge_index, edge_weight, num_nodes)
    msg = norm[:, None] * x[row]              # gather from source nodes
    out = jax.ops.segment_sum(msg, col, num_segments=num_nodes)  # scatter-add at target nodes
    return out


def reference(x, edge_index, edge_weight, W, b):
    num_nodes = x.shape[0]
    h = x
    for _ in range(NUM_LAYERS):
        h = _sgc_conv(h, edge_index, edge_weight, num_nodes)
    out = h @ W.T + b
    return out


if False:  # reference __main__ guard neutralized (emitter)
    inp = setup_inputs()
    out = reference(**inp)
    print(out.shape, out.dtype)

if __name__ == "__main__":
    import jax
    _d = setup_inputs()
    print(jax.jit(kernel)(*tuple(_d.values())))

</pallas_src>

<mosaic_0001>
#map = affine_map<(d0, d1) -> (0, 0, 0)>
#map1 = affine_map<(d0, d1) -> (0, 0)>
module attributes {stable_mosaic.version = 14 : i64} {
  func.func @_deg_body(%arg0: i32, %arg1: i32, %arg2: memref<32x10x1024xi32, #tpu.memory_space<hbm>>, %arg3: memref<32x10x1024xf32, #tpu.memory_space<hbm>>, %arg4: memref<32x10240xf32, #tpu.memory_space<hbm>>, %arg5: memref<1024xi32, #tpu.memory_space<vmem>>, %arg6: memref<1024xf32, #tpu.memory_space<vmem>>, %arg7: memref<10240xf32, #tpu.memory_space<vmem>>) attributes {dimension_semantics = [#tpu.dimension_semantics<core_parallel>, #tpu.dimension_semantics<subcore_parallel>], iteration_bounds = array<i64: 2, 16>, scalar_prefetch = 0 : i64, scratch_operands = 3 : i64, tpu.core_type = #tpu.core_type<sc_vector_subcore>, window_params = [{transform_indices = #map}, {transform_indices = #map}, {transform_indices = #map1}]} {
    %mul3A = arith.constant 2 : i32
    %mul3A_0 = arith.muli %arg1, %mul3A : i32
    %add3A = arith.addi %mul3A_0, %arg0 : i32
    %broadcast_in_dim3A = arith.constant 0.000000e+00 : f32
    %broadcast_in_dim3A_1 = vector.broadcast %broadcast_in_dim3A : f32 to vector<16xf32>
    %scan3A = arith.constant 0 : i32
    %scan3A_2 = arith.constant 640 : i32
    %scan3A_3 = arith.addi %scan3A, %scan3A_2 : i32
    %scan3A_4 = arith.constant 1 : i32
    scf.for %scan3A_11 = %scan3A to %scan3A_3 step %scan3A_4  : i32 {
      %mul3A_12 = arith.constant 1 : i32
      %mul3A_13 = arith.muli %scan3A_11, %mul3A_12 : i32
      %add3A_14 = arith.constant 0 : i32
      %add3A_15 = arith.addi %add3A_14, %mul3A_13 : i32
      %mul3A_16 = arith.constant 16 : i32
      %mul3A_17 = arith.muli %add3A_15, %mul3A_16 : i32
      %swap3A = arith.index_cast %mul3A_17 : i32 to index
      %swap3A_18 = tpu.vector_load %arg7[%swap3A] {strides = array<i32>} : memref<10240xf32, #tpu.memory_space<vmem>>, vector<16xf32>,
      tpu.vector_store %arg7[%swap3A], %broadcast_in_dim3A_1 {strides = array<i32>} : memref<10240xf32, #tpu.memory_space<vmem>>, vector<16xf32>,
    }
    %scan3A_5 = arith.constant 640 : i32
    %scan3A_6 = arith.constant 0 : i32
    %scan3A_7 = arith.constant 10 : i32
    %scan3A_8 = arith.addi %scan3A_6, %scan3A_7 : i32
    %scan3A_9 = arith.constant 1 : i32
    scf.for %scan3A_11 = %scan3A_6 to %scan3A_8 step %scan3A_9  : i32 {
      %mul3A_12 = arith.constant 1 : i32
      %mul3A_13 = arith.muli %scan3A_11, %mul3A_12 : i32
      %add3A_14 = arith.constant 0 : i32
      %add3A_15 = arith.addi %add3A_14, %mul3A_13 : i32
      "tpu.region"() ({
        %run_scoped3A = tpu.sem_alloc : memref<!tpu.dma_semaphore, #tpu.memory_space<semaphore_mem>>
        %dma_start3A = arith.constant 0 : i32
        %dma_start3A_21 = tpu.memref_slice %arg2[%add3A, %add3A_15, %dma_start3A] : memref<32x10x1024xi32, #tpu.memory_space<hbm>> -> memref<1x1x1024xi32, #tpu.memory_space<hbm>>
        %dma_start3A_22 = tpu.memref_squeeze %dma_start3A_21 : memref<1x1x1024xi32, #tpu.memory_space<hbm>> -> memref<1024xi32, #tpu.memory_space<hbm>>
        %dma_start3A_23 = arith.constant 0 : i32
        %dma_start3A_24 = tpu.memref_slice %arg2[%add3A, %add3A_15, %dma_start3A_23] : memref<32x10x1024xi32, #tpu.memory_space<hbm>> -> memref<1x1x1024xi32, #tpu.memory_space<hbm>>
        %dma_start3A_25 = tpu.memref_squeeze %dma_start3A_24 : memref<1x1x1024xi32, #tpu.memory_space<hbm>> -> memref<1024xi32, #tpu.memory_space<hbm>>
        tpu.enqueue_dma source(%dma_start3A_25 : memref<1024xi32, #tpu.memory_space<hbm>>) target(%arg5 : memref<1024xi32, #tpu.memory_space<vmem>>) target_semaphore(%run_scoped3A : memref<!tpu.dma_semaphore, #tpu.memory_space<semaphore_mem>>)
        %dma_wait3A = arith.constant 0 : i32
        %dma_wait3A_26 = tpu.memref_slice %arg2[%add3A, %add3A_15, %dma_wait3A] : memref<32x10x1024xi32, #tpu.memory_space<hbm>> -> memref<1x1x1024xi32, #tpu.memory_space<hbm>>
        %dma_wait3A_27 = tpu.memref_squeeze %dma_wait3A_26 : memref<1x1x1024xi32, #tpu.memory_space<hbm>> -> memref<1024xi32, #tpu.memory_space<hbm>>
        %dma_wait3A_28 = arith.constant 0 : i32
        %dma_wait3A_29 = tpu.memref_slice %arg2[%add3A, %add3A_15, %dma_wait3A_28] : memref<32x10x1024xi32, #tpu.memory_space<hbm>> -> memref<1x1x1024xi32, #tpu.memory_space<hbm>>
        %dma_wait3A_30 = tpu.memref_squeeze %dma_wait3A_29 : memref<1x1x1024xi32, #tpu.memory_space<hbm>> -> memref<1024xi32, #tpu.memory_space<hbm>>
        tpu.wait_dma2 semaphore(%run_scoped3A : memref<!tpu.dma_semaphore, #tpu.memory_space<semaphore_mem>>) src(%dma_wait3A_30 : memref<1024xi32, #tpu.memory_space<hbm>>) dst(%arg5 : memref<1024xi32, #tpu.memory_space<vmem>>)
        tpu.yield
      }) : () -> ()
      "tpu.region"() ({
        %run_scoped3A = tpu.sem_alloc : memref<!tpu.dma_semaphore, #tpu.memory_space<semaphore_mem>>
        %dma_start3A = arith.constant 0 : i32
        %dma_start3A_21 = tpu.memref_slice %arg3[%add3A, %add3A_15, %dma_start3A] : memref<32x10x1024xf32, #tpu.memory_space<hbm>> -> memref<1x1x1024xf32, #tpu.memory_space<hbm>>
        %dma_start3A_22 = tpu.memref_squeeze %dma_start3A_21 : memref<1x1x1024xf32, #tpu.memory_space<hbm>> -> memref<1024xf32, #tpu.memory_space<hbm>>
        %dma_start3A_23 = arith.constant 0 : i32
        %dma_start3A_24 = tpu.memref_slice %arg3[%add3A, %add3A_15, %dma_start3A_23] : memref<32x10x1024xf32, #tpu.memory_space<hbm>> -> memref<1x1x1024xf32, #tpu.memory_space<hbm>>
        %dma_start3A_25 = tpu.memref_squeeze %dma_start3A_24 : memref<1x1x1024xf32, #tpu.memory_space<hbm>> -> memref<1024xf32, #tpu.memory_space<hbm>>
        tpu.enqueue_dma source(%dma_start3A_25 : memref<1024xf32, #tpu.memory_space<hbm>>) target(%arg6 : memref<1024xf32, #tpu.memory_space<vmem>>) target_semaphore(%run_scoped3A : memref<!tpu.dma_semaphore, #tpu.memory_space<semaphore_mem>>)
        %dma_wait3A = arith.constant 0 : i32
        %dma_wait3A_26 = tpu.memref_slice %arg3[%add3A, %add3A_15, %dma_wait3A] : memref<32x10x1024xf32, #tpu.memory_space<hbm>> -> memref<1x1x1024xf32, #tpu.memory_space<hbm>>
        %dma_wait3A_27 = tpu.memref_squeeze %dma_wait3A_26 : memref<1x1x1024xf32, #tpu.memory_space<hbm>> -> memref<1024xf32, #tpu.memory_space<hbm>>
        %dma_wait3A_28 = arith.constant 0 : i32
        %dma_wait3A_29 = tpu.memref_slice %arg3[%add3A, %add3A_15, %dma_wait3A_28] : memref<32x10x1024xf32, #tpu.memory_space<hbm>> -> memref<1x1x1024xf32, #tpu.memory_space<hbm>>
        %dma_wait3A_30 = tpu.memref_squeeze %dma_wait3A_29 : memref<1x1x1024xf32, #tpu.memory_space<hbm>> -> memref<1024xf32, #tpu.memory_space<hbm>>
        tpu.wait_dma2 semaphore(%run_scoped3A : memref<!tpu.dma_semaphore, #tpu.memory_space<semaphore_mem>>) src(%dma_wait3A_30 : memref<1024xf32, #tpu.memory_space<hbm>>) dst(%arg6 : memref<1024xf32, #tpu.memory_space<vmem>>)
        tpu.yield
      }) : () -> ()
      %scan3A_16 = arith.constant 0 : i32
      %scan3A_17 = arith.constant 64 : i32
      %scan3A_18 = arith.addi %scan3A_16, %scan3A_17 : i32
      %scan3A_19 = arith.constant 1 : i32
      scf.for %scan3A_21 = %scan3A_16 to %scan3A_18 step %scan3A_19  : i32 {
        %mul3A_22 = arith.constant 1 : i32
        %mul3A_23 = arith.muli %scan3A_21, %mul3A_22 : i32
        %add3A_24 = arith.constant 0 : i32
        %add3A_25 = arith.addi %add3A_24, %mul3A_23 : i32
        %mul3A_26 = arith.constant 16 : i32
        %mul3A_27 = arith.muli %add3A_25, %mul3A_26 : i32
        %get3A = arith.index_cast %mul3A_27 : i32 to index
        %get3A_28 = tpu.vector_load %arg5[%get3A] {strides = array<i32>} : memref<1024xi32, #tpu.memory_space<vmem>>, vector<16xi32>,
        %mul3A_29 = arith.constant 16 : i32
        %mul3A_30 = arith.muli %add3A_25, %mul3A_29 : i32
        %get3A_31 = arith.index_cast %mul3A_30 : i32 to index
        %get3A_32 = tpu.vector_load %arg6[%get3A_31] {strides = array<i32>} : memref<1024xf32, #tpu.memory_space<vmem>>, vector<16xf32>,
        tpu.vector_store_idx %arg7[%get3A_28], %get3A_32 {add = true} : memref<10240xf32, #tpu.memory_space<vmem>>[vector<16xi32>], vector<16xf32>,
      }
      %scan3A_20 = arith.constant 64 : i32
    }
    %scan3A_10 = arith.constant 10 : i32
    "tpu.region"() ({
      %run_scoped3A = tpu.sem_alloc : memref<!tpu.dma_semaphore, #tpu.memory_space<semaphore_mem>>
      %dma_start3A = arith.constant 0 : i32
      %dma_start3A_11 = tpu.memref_slice %arg4[%add3A, %dma_start3A] : memref<32x10240xf32, #tpu.memory_space<hbm>> -> memref<1x10240xf32, #tpu.memory_space<hbm>>
      %dma_start3A_12 = tpu.memref_squeeze %dma_start3A_11 : memref<1x10240xf32, #tpu.memory_space<hbm>> -> memref<10240xf32, #tpu.memory_space<hbm>>
      %dma_start3A_13 = arith.constant 0 : i32
      %dma_start3A_14 = tpu.memref_slice %arg4[%add3A, %dma_start3A_13] : memref<32x10240xf32, #tpu.memory_space<hbm>> -> memref<1x10240xf32, #tpu.memory_space<hbm>>
      %dma_start3A_15 = tpu.memref_squeeze %dma_start3A_14 : memref<1x10240xf32, #tpu.memory_space<hbm>> -> memref<10240xf32, #tpu.memory_space<hbm>>
      tpu.enqueue_dma source(%arg7 : memref<10240xf32, #tpu.memory_space<vmem>>) target(%dma_start3A_15 : memref<10240xf32, #tpu.memory_space<hbm>>) target_semaphore(%run_scoped3A : memref<!tpu.dma_semaphore, #tpu.memory_space<semaphore_mem>>)
      %dma_wait3A = arith.constant 0 : i32
      %dma_wait3A_16 = tpu.memref_slice %arg4[%add3A, %dma_wait3A] : memref<32x10240xf32, #tpu.memory_space<hbm>> -> memref<1x10240xf32, #tpu.memory_space<hbm>>
      %dma_wait3A_17 = tpu.memref_squeeze %dma_wait3A_16 : memref<1x10240xf32, #tpu.memory_space<hbm>> -> memref<10240xf32, #tpu.memory_space<hbm>>
      %dma_wait3A_18 = arith.constant 0 : i32
      %dma_wait3A_19 = tpu.memref_slice %arg4[%add3A, %dma_wait3A_18] : memref<32x10240xf32, #tpu.memory_space<hbm>> -> memref<1x10240xf32, #tpu.memory_space<hbm>>
      %dma_wait3A_20 = tpu.memref_squeeze %dma_wait3A_19 : memref<1x10240xf32, #tpu.memory_space<hbm>> -> memref<10240xf32, #tpu.memory_space<hbm>>
      tpu.wait_dma2 semaphore(%run_scoped3A : memref<!tpu.dma_semaphore, #tpu.memory_space<semaphore_mem>>) src(%arg7 : memref<10240xf32, #tpu.memory_space<vmem>>) dst(%dma_wait3A_20 : memref<10240xf32, #tpu.memory_space<hbm>>)
      tpu.yield
    }) : () -> ()
    return
  }
}

#map = affine_map<(d0, d1) -> (0, 0)>
#map1 = affine_map<(d0, d1) -> (0)>
#map2 = affine_map<(d0, d1) -> (0, 0, 0)>
module attributes {stable_mosaic.version = 14 : i64} {
  func.func @_prop_body(%arg0: i32, %arg1: i32, %arg2: memref<10240x64xf32, #tpu.memory_space<hbm>>, %arg3: memref<2560x128xi32, #tpu.memory_space<hbm>>, %arg4: memref<2560x128xi32, #tpu.memory_space<hbm>>, %arg5: memref<327680xf32, #tpu.memory_space<hbm>>, %arg6: memref<2x10240x64xf32, #tpu.memory_space<hbm>>, %arg7: memref<144x128xi32, #tpu.memory_space<vmem>>, %arg8: memref<144x128xi32, #tpu.memory_space<vmem>>, %arg9: memref<18432xf32, #tpu.memory_space<vmem>>, %arg10: memref<128x64xf32, #tpu.memory_space<vmem>>, %arg11: memref<128x64xf32, #tpu.memory_space<vmem>>, %arg12: memref<128x64xf32, #tpu.memory_space<vmem>>, %arg13: memref<128x64xf32, #tpu.memory_space<vmem>>, %arg14: memref<10240x64xf32, #tpu.memory_space<vmem_shared>>, %arg15: memref<!tpu.dma_semaphore, #tpu.memory_space<semaphore_mem>>, %arg16: memref<!tpu.dma_semaphore, #tpu.memory_space<semaphore_mem>>, %arg17: memref<!tpu.dma_semaphore, #tpu.memory_space<semaphore_mem>>, %arg18: memref<!tpu.dma_semaphore, #tpu.memory_space<semaphore_mem>>, %arg19: memref<!tpu.dma_semaphore, #tpu.memory_space<semaphore_mem>>, %arg20: memref<!tpu.dma_semaphore, #tpu.memory_space<semaphore_mem>>, %arg21: memref<!tpu.dma_semaphore, #tpu.memory_space<semaphore_mem>>, %arg22: memref<!tpu.dma_semaphore, #tpu.memory_space<semaphore_mem>>) attributes {dimension_semantics = [#tpu.dimension_semantics<core_parallel>, #tpu.dimension_semantics<subcore_parallel>], iteration_bounds = array<i64: 2, 16>, scalar_prefetch = 0 : i64, scratch_operands = 16 : i64, tpu.core_type = #tpu.core_type<sc_vector_subcore>, window_params = [{transform_indices = #map}, {transform_indices = #map}, {transform_indices = #map}, {transform_indices = #map1}, {transform_indices = #map2}]} {
    %scan3A = arith.constant 0 : i32
    %scan3A_0 = arith.constant 128 : i32
    %scan3A_1 = arith.addi %scan3A, %scan3A_0 : i32
    %scan3A_2 = arith.constant 1 : i32
    scf.for %scan3A_48 = %scan3A to %scan3A_1 step %scan3A_2  : i32 {
      %mul3A_49 = arith.constant 1 : i32
      %mul3A_50 = arith.muli %scan3A_48, %mul3A_49 : i32
      %add3A_51 = arith.constant 0 : i32
      %add3A_52 = arith.addi %add3A_51, %mul3A_50 : i32
      %broadcast_in_dim3A = arith.constant 0.000000e+00 : f32
      %broadcast_in_dim3A_53 = vector.broadcast %broadcast_in_dim3A : f32 to vector<16xf32>
      %swap3A = arith.index_cast %add3A_52 : i32 to index
      %swap3A_54 = arith.constant 0 : index
      %swap3A_55 = tpu.vector_load %arg10[%swap3A, %swap3A_54] {strides = array<i32>} : memref<128x64xf32, #tpu.memory_space<vmem>>, vector<16xf32>,
      tpu.vector_store %arg10[%swap3A, %swap3A_54], %broadcast_in_dim3A_53 {strides = array<i32>} : memref<128x64xf32, #tpu.memory_space<vmem>>, vector<16xf32>,
      %broadcast_in_dim3A_56 = arith.constant 0.000000e+00 : f32
      %broadcast_in_dim3A_57 = vector.broadcast %broadcast_in_dim3A_56 : f32 to vector<16xf32>
      %swap3A_58 = arith.index_cast %add3A_52 : i32 to index
      %swap3A_59 = arith.constant 16 : index
      %swap3A_60 = tpu.vector_load %arg10[%swap3A_58, %swap3A_59] {strides = array<i32>} : memref<128x64xf32, #tpu.memory_space<vmem>>, vector<16xf32>,
      tpu.vector_store %arg10[%swap3A_58, %swap3A_59], %broadcast_in_dim3A_57 {strides = array<i32>} : memref<128x64xf32, #tpu.memory_space<vmem>>, vector<16xf32>,
      %broadcast_in_dim3A_61 = arith.constant 0.000000e+00 : f32
      %broadcast_in_dim3A_62 = vector.broadcast %broadcast_in_dim3A_61 : f32 to vector<16xf32>
      %swap3A_63 = arith.index_cast %add3A_52 : i32 to index
      %swap3A_64 = arith.constant 32 : index
      %swap3A_65 = tpu.vector_load %arg10[%swap3A_63, %swap3A_64] {strides = array<i32>} : memref<128x64xf32, #tpu.memory_space<vmem>>, vector<16xf32>,
      tpu.vector_store %arg10[%swap3A_63, %swap3A_64], %broadcast_in_dim3A_62 {strides = array<i32>} : memref<128x64xf32, #tpu.memory_space<vmem>>, vector<16xf32>,
      %broadcast_in_dim3A_66 = arith.constant 0.000000e+00 : f32
      %broadcast_in_dim3A_67 = vector.broadcast %broadcast_in_dim3A_66 : f32 to vector<16xf32>
      %swap3A_68 = arith.index_cast %add3A_52 : i32 to index
      %swap3A_69 = arith.constant 48 : index
      %swap3A_70 = tpu.vector_load %arg10[%swap3A_68, %swap3A_69] {strides = array<i32>} : memref<128x64xf32, #tpu.memory_space<vmem>>, vector<16xf32>,
      tpu.vector_store %arg10[%swap3A_68, %swap3A_69], %broadcast_in_dim3A_67 {strides = array<i32>} : memref<128x64xf32, #tpu.memory_space<vmem>>, vector<16xf32>,
    }
    %scan3A_3 = arith.constant 128 : i32
    %scan3A_4 = arith.constant 0 : i32
    %scan3A_5 = arith.constant 5 : i32
    %scan3A_6 = arith.addi %scan3A_4, %scan3A_5 : i32
    %scan3A_7 = arith.constant 1 : i32
    scf.for %scan3A_48 = %scan3A_4 to %scan3A_6 step %scan3A_7  : i32 {
      %mul3A_49 = arith.constant 1 : i32
      %mul3A_50 = arith.muli %scan3A_48, %mul3A_49 : i32
      %add3A_51 = arith.constant 0 : i32
      %add3A_52 = arith.addi %add3A_51, %mul3A_50 : i32
      %mul3A_53 = arith.constant 640 : i32
      %mul3A_54 = arith.muli %arg1, %mul3A_53 : i32
      %mul3A_55 = arith.constant 128 : i32
      %mul3A_56 = arith.muli %add3A_52, %mul3A_55 : i32
      %add3A_57 = arith.addi %mul3A_54, %mul3A_56 : i32
      "tpu.region"() ({
        %run_scoped3A = tpu.sem_alloc : memref<!tpu.dma_semaphore, #tpu.memory_space<semaphore_mem>>
        %dma_start3A = arith.constant 0 : i32
        %dma_start3A_58 = tpu.memref_slice %arg14[%add3A_57, %dma_start3A] : memref<10240x64xf32, #tpu.memory_space<vmem_shared>> -> memref<128x64xf32, #tpu.memory_space<vmem_shared>>
        %dma_start3A_59 = arith.constant 0 : i32
        %dma_start3A_60 = tpu.memref_slice %arg14[%add3A_57, %dma_start3A_59] : memref<10240x64xf32, #tpu.memory_space<vmem_shared>> -> memref<128x64xf32, #tpu.memory_space<vmem_shared>>
        tpu.enqueue_dma source(%arg10 : memref<128x64xf32, #tpu.memory_space<vmem>>) target(%dma_start3A_60 : memref<128x64xf32, #tpu.memory_space<vmem_shared>>) target_semaphore(%run_scoped3A : memref<!tpu.dma_semaphore, #tpu.memory_space<semaphore_mem>>)
        %dma_wait3A = arith.constant 0 : i32
        %dma_wait3A_61 = tpu.memref_slice %arg14[%add3A_57, %dma_wait3A] : memref<10240x64xf32, #tpu.memory_space<vmem_shared>> -> memref<128x64xf32, #tpu.memory_space<vmem_shared>>
        %dma_wait3A_62 = arith.constant 0 : i32
        %dma_wait3A_63 = tpu.memref_slice %arg14[%add3A_57, %dma_wait3A_62] : memref<10240x64xf32, #tpu.memory_space<vmem_shared>> -> memref<128x64xf32, #tpu.memory_space<vmem_shared>>
        tpu.wait_dma2 semaphore(%run_scoped3A : memref<!tpu.dma_semaphore, #tpu.memory_space<semaphore_mem>>) src(%arg10 : memref<128x64xf32, #tpu.memory_space<vmem>>) dst(%dma_wait3A_63 : memref<128x64xf32, #tpu.memory_space<vmem_shared>>)
        tpu.yield
      }) : () -> ()
    }
    %scan3A_8 = arith.constant 5 : i32
    %eq3A = arith.constant 0 : i32
    %eq3A_9 = arith.cmpi eq, %arg0, %eq3A : i32
    %mul3A = arith.constant 144 : i32
    %mul3A_10 = arith.muli %arg1, %mul3A : i32
    %mul3A_11 = arith.constant 16 : i32
    %mul3A_12 = arith.muli %arg1, %mul3A_11 : i32
    %add3A = arith.constant 2304 : i32
    %add3A_13 = arith.addi %add3A, %mul3A_12 : i32
    %select_n3A = arith.select %eq3A_9, %mul3A_10, %add3A_13 : i32
    %eq3A_14 = arith.constant 0 : i32
    %eq3A_15 = arith.cmpi eq, %arg0, %eq3A_14 : i32
    %jit3A = arith.constant 36 : i32
    %jit3A_16 = arith.constant 4 : i32
    %select_n3A_17 = arith.select %eq3A_15, %jit3A, %jit3A_16 : i32
    %eq3A_18 = arith.constant 0 : i32
    %eq3A_19 = arith.cmpi eq, %arg0, %eq3A_18 : i32
    %convert_element_type3A = arith.extui %eq3A_19 : i1 to i32
    %cond3A = arith.constant 0 : i32
    %cond3A_20 = arith.cmpi ne, %convert_element_type3A, %cond3A : i32
    scf.if %cond3A_20 {
      "tpu.region"() ({
        %run_scoped3A = tpu.sem_alloc : memref<!tpu.dma_semaphore, #tpu.memory_space<semaphore_mem>>
        %dma_start3A = arith.constant 0 : i32
        %dma_start3A_50 = arith.constant 0 : i32
        %dma_start3A_51 = tpu.memref_slice %arg7[%dma_start3A, %dma_start3A_50] : memref<144x128xi32, #tpu.memory_space<vmem>> -> memref<144x128xi32, #tpu.memory_space<vmem>>
        %dma_start3A_52 = arith.constant 0 : i32
        %dma_start3A_53 = tpu.memref_slice %arg3[%select_n3A, %dma_start3A_52] : memref<2560x128xi32, #tpu.memory_space<hbm>> -> memref<144x128xi32, #tpu.memory_space<hbm>>
        %dma_start3A_54 = arith.constant 0 : i32
        %dma_start3A_55 = arith.constant 0 : i32
        %dma_start3A_56 = tpu.memref_slice %arg7[%dma_start3A_54, %dma_start3A_55] : memref<144x128xi32, #tpu.memory_space<vmem>> -> memref<144x128xi32, #tpu.memory_space<vmem>>
        %dma_start3A_57 = arith.constant 0 : i32
        %dma_start3A_58 = tpu.memref_slice %arg3[%select_n3A, %dma_start3A_57] : memref<2560x128xi32, #tpu.memory_space<hbm>> -> memref<144x128xi32, #tpu.memory_space<hbm>>
        tpu.enqueue_dma source(%dma_start3A_58 : memref<144x128xi32, #tpu.memory_space<hbm>>) target(%dma_start3A_56 : memref<144x128xi32, #tpu.memory_space<vmem>>) target_semaphore(%run_scoped3A : memref<!tpu.dma_semaphore, #tpu.memory_space<semaphore_mem>>)
        %dma_wait3A = arith.constant 0 : i32
        %dma_wait3A_59 = arith.constant 0 : i32
        %dma_wait3A_60 = tpu.memref_slice %arg7[%dma_wait3A, %dma_wait3A_59] : memref<144x128xi32, #tpu.memory_space<vmem>> -> memref<144x128xi32, #tpu.memory_space<vmem>>
        %dma_wait3A_61 = arith.constant 0 : i32
        %dma_wait3A_62 = tpu.memref_slice %arg3[%select_n3A, %dma_wait3A_61] : memref<2560x128xi32, #tpu.memory_space<hbm>> -> memref<144x128xi32, #tpu.memory_space<hbm>>
        %dma_wait3A_63 = arith.constant 0 : i32
        %dma_wait3A_64 = arith.constant 0 : i32
        %dma_wait3A_65 = tpu.memref_slice %arg7[%dma_wait3A_63, %dma_wait3A_64] : memref<144x128xi32, #tpu.memory_space<vmem>> -> memref<144x128xi32, #tpu.memory_space<vmem>>
        %dma_wait3A_66 = arith.constant 0 : i32
        %dma_wait3A_67 = tpu.memref_slice %arg3[%select_n3A, %dma_wait3A_66] : memref<2560x128xi32, #tpu.memory_space<hbm>> -> memref<144x128xi32, #tpu.memory_space<hbm>>
        tpu.wait_dma2 semaphore(%run_scoped3A : memref<!tpu.dma_semaphore, #tpu.memory_space<semaphore_mem>>) src(%dma_wait3A_67 : memref<144x128xi32, #tpu.memory_space<hbm>>) dst(%dma_wait3A_65 : memref<144x128xi32, #tpu.memory_space<vmem>>)
        tpu.yield
      }) : () -> ()
      "tpu.region"() ({
        %run_scoped3A = tpu.sem_alloc : memref<!tpu.dma_semaphore, #tpu.memory_space<semaphore_mem>>
        %dma_start3A = arith.constant 0 : i32
        %dma_start3A_50 = arith.constant 0 : i32
        %dma_start3A_51 = tpu.memref_slice %arg8[%dma_start3A, %dma_start3A_50] : memref<144x128xi32, #tpu.memory_space<vmem>> -> memref<144x128xi32, #tpu.memory_space<vmem>>
        %dma_start3A_52 = arith.constant 0 : i32
        %dma_start3A_53 = tpu.memref_slice %arg4[%select_n3A, %dma_start3A_52] : memref<2560x128xi32, #tpu.memory_space<hbm>> -> memref<144x128xi32, #tpu.memory_space<hbm>>
        %dma_start3A_54 = arith.constant 0 : i32
        %dma_start3A_55 = arith.constant 0 : i32
        %dma_start3A_56 = tpu.memref_slice %arg8[%dma_start3A_54, %dma_start3A_55] : memref<144x128xi32, #tpu.memory_space<vmem>> -> memref<144x128xi32, #tpu.memory_space<vmem>>
        %dma_start3A_57 = arith.constant 0 : i32
        %dma_start3A_58 = tpu.memref_slice %arg4[%select_n3A, %dma_start3A_57] : memref<2560x128xi32, #tpu.memory_space<hbm>> -> memref<144x128xi32, #tpu.memory_space<hbm>>
        tpu.enqueue_dma source(%dma_start3A_58 : memref<144x128xi32, #tpu.memory_space<hbm>>) target(%dma_start3A_56 : memref<144x128xi32, #tpu.memory_space<vmem>>) target_semaphore(%run_scoped3A : memref<!tpu.dma_semaphore, #tpu.memory_space<semaphore_mem>>)
        %dma_wait3A = arith.constant 0 : i32
        %dma_wait3A_59 = arith.constant 0 : i32
        %dma_wait3A_60 = tpu.memref_slice %arg8[%dma_wait3A, %dma_wait3A_59] : memref<144x128xi32, #tpu.memory_space<vmem>> -> memref<144x128xi32, #tpu.memory_space<vmem>>
        %dma_wait3A_61 = arith.constant 0 : i32
        %dma_wait3A_62 = tpu.memref_slice %arg4[%select_n3A, %dma_wait3A_61] : memref<2560x128xi32, #tpu.memory_space<hbm>> -> memref<144x128xi32, #tpu.memory_space<hbm>>
        %dma_wait3A_63 = arith.constant 0 : i32
        %dma_wait3A_64 = arith.constant 0 : i32
        %dma_wait3A_65 = tpu.memref_slice %arg8[%dma_wait3A_63, %dma_wait3A_64] : memref<144x128xi32, #tpu.memory_space<vmem>> -> memref<144x128xi32, #tpu.memory_space<vmem>>
        %dma_wait3A_66 = arith.constant 0 : i32
        %dma_wait3A_67 = tpu.memref_slice %arg4[%select_n3A, %dma_wait3A_66] : memref<2560x128xi32, #tpu.memory_space<hbm>> -> memref<144x128xi32, #tpu.memory_space<hbm>>
        tpu.wait_dma2 semaphore(%run_scoped3A : memref<!tpu.dma_semaphore, #tpu.memory_space<semaphore_mem>>) src(%dma_wait3A_67 : memref<144x128xi32, #tpu.memory_space<hbm>>) dst(%dma_wait3A_65 : memref<144x128xi32, #tpu.memory_space<vmem>>)
        tpu.yield
      }) : () -> ()
      %mul3A_48 = arith.constant 128 : i32
      %mul3A_49 = arith.muli %select_n3A, %mul3A_48 : i32
      "tpu.region"() ({
        %run_scoped3A = tpu.sem_alloc : memref<!tpu.dma_semaphore, #tpu.memory_space<semaphore_mem>>
        %dma_start3A = arith.constant 0 : i32
        %dma_start3A_50 = tpu.memref_slice %arg9[%dma_start3A] : memref<18432xf32, #tpu.memory_space<vmem>> -> memref<18432xf32, #tpu.memory_space<vmem>>
        %dma_start3A_51 = tpu.memref_slice %arg5[%mul3A_49] : memref<327680xf32, #tpu.memory_space<hbm>> -> memref<18432xf32, #tpu.memory_space<hbm>>
        %dma_start3A_52 = arith.constant 0 : i32
        %dma_start3A_53 = tpu.memref_slice %arg9[%dma_start3A_52] : memref<18432xf32, #tpu.memory_space<vmem>> -> memref<18432xf32, #tpu.memory_space<vmem>>
        %dma_start3A_54 = tpu.memref_slice %arg5[%mul3A_49] : memref<327680xf32, #tpu.memory_space<hbm>> -> memref<18432xf32, #tpu.memory_space<hbm>>
        tpu.enqueue_dma source(%dma_start3A_54 : memref<18432xf32, #tpu.memory_space<hbm>>) target(%dma_start3A_53 : memref<18432xf32, #tpu.memory_space<vmem>>) target_semaphore(%run_scoped3A : memref<!tpu.dma_semaphore, #tpu.memory_space<semaphore_mem>>)
        %dma_wait3A = arith.constant 0 : i32
        %dma_wait3A_55 = tpu.memref_slice %arg9[%dma_wait3A] : memref<18432xf32, #tpu.memory_space<vmem>> -> memref<18432xf32, #tpu.memory_space<vmem>>
        %dma_wait3A_56 = tpu.memref_slice %arg5[%mul3A_49] : memref<327680xf32, #tpu.memory_space<hbm>> -> memref<18432xf32, #tpu.memory_space<hbm>>
        %dma_wait3A_57 = arith.constant 0 : i32
        %dma_wait3A_58 = tpu.memref_slice %arg9[%dma_wait3A_57] : memref<18432xf32, #tpu.memory_space<vmem>> -> memref<18432xf32, #tpu.memory_space<vmem>>
        %dma_wait3A_59 = tpu.memref_slice %arg5[%mul3A_49] : memref<327680xf32, #tpu.memory_space<hbm>> -> memref<18432xf32, #tpu.memory_space<hbm>>
        tpu.wait_dma2 semaphore(%run_scoped3A : memref<!tpu.dma_semaphore, #tpu.memory_space<semaphore_mem>>) src(%dma_wait3A_59 : memref<18432xf32, #tpu.memory_space<hbm>>) dst(%dma_wait3A_58 : memref<18432xf32, #tpu.memory_space<vmem>>)
        tpu.yield
      }) : () -> ()
    } else {
    }
    %eq3A_21 = arith.constant 1 : i32
    %eq3A_22 = arith.cmpi eq, %arg0, %eq3A_21 : i32
    %convert_element_type3A_23 = arith.extui %eq3A_22 : i1 to i32
    %cond3A_24 = arith.constant 0 : i32
    %cond3A_25 = arith.cmpi ne, %convert_element_type3A_23, %cond3A_24 : i32
    scf.if %cond3A_25 {
      "tpu.region"() ({
        %run_scoped3A = tpu.sem_alloc : memref<!tpu.dma_semaphore, #tpu.memory_space<semaphore_mem>>
        %dma_start3A = arith.constant 0 : i32
        %dma_start3A_50 = arith.constant 0 : i32
        %dma_start3A_51 = tpu.memref_slice %arg7[%dma_start3A, %dma_start3A_50] : memref<144x128xi32, #tpu.memory_space<vmem>> -> memref<16x128xi32, #tpu.memory_space<vmem>>
        %dma_start3A_52 = arith.constant 0 : i32
        %dma_start3A_53 = tpu.memref_slice %arg3[%select_n3A, %dma_start3A_52] : memref<2560x128xi32, #tpu.memory_space<hbm>> -> memref<16x128xi32, #tpu.memory_space<hbm>>
        %dma_start3A_54 = arith.constant 0 : i32
        %dma_start3A_55 = arith.constant 0 : i32
        %dma_start3A_56 = tpu.memref_slice %arg7[%dma_start3A_54, %dma_start3A_55] : memref<144x128xi32, #tpu.memory_space<vmem>> -> memref<16x128xi32, #tpu.memory_space<vmem>>
        %dma_start3A_57 = arith.constant 0 : i32
        %dma_start3A_58 = tpu.memref_slice %arg3[%select_n3A, %dma_start3A_57] : memref<2560x128xi32, #tpu.memory_space<hbm>> -> memref<16x128xi32, #tpu.memory_space<hbm>>
        tpu.enqueue_dma source(%dma_start3A_58 : memref<16x128xi32, #tpu.memory_space<hbm>>) target(%dma_start3A_56 : memref<16x128xi32, #tpu.memory_space<vmem>>) target_semaphore(%run_scoped3A : memref<!tpu.dma_semaphore, #tpu.memory_space<semaphore_mem>>)
        %dma_wait3A = arith.constant 0 : i32
        %dma_wait3A_59 = arith.constant 0 : i32
        %dma_wait3A_60 = tpu.memref_slice %arg7[%dma_wait3A, %dma_wait3A_59] : memref<144x128xi32, #tpu.memory_space<vmem>> -> memref<16x128xi32, #tpu.memory_space<vmem>>
        %dma_wait3A_61 = arith.constant 0 : i32
        %dma_wait3A_62 = tpu.memref_slice %arg3[%select_n3A, %dma_wait3A_61] : memref<2560x128xi32, #tpu.memory_space<hbm>> -> memref<16x128xi32, #tpu.memory_space<hbm>>
        %dma_wait3A_63 = arith.constant 0 : i32
        %dma_wait3A_64 = arith.constant 0 : i32
        %dma_wait3A_65 = tpu.memref_slice %arg7[%dma_wait3A_63, %dma_wait3A_64] : memref<144x128xi32, #tpu.memory_space<vmem>> -> memref<16x128xi32, #tpu.memory_space<vmem>>
        %dma_wait3A_66 = arith.constant 0 : i32
        %dma_wait3A_67 = tpu.memref_slice %arg3[%select_n3A, %dma_wait3A_66] : memref<2560x128xi32, #tpu.memory_space<hbm>> -> memref<16x128xi32, #tpu.memory_space<hbm>>
        tpu.wait_dma2 semaphore(%run_scoped3A : memref<!tpu.dma_semaphore, #tpu.memory_space<semaphore_mem>>) src(%dma_wait3A_67 : memref<16x128xi32, #tpu.memory_space<hbm>>) dst(%dma_wait3A_65 : memref<16x128xi32, #tpu.memory_space<vmem>>)
        tpu.yield
      }) : () -> ()
      "tpu.region"() ({
        %run_scoped3A = tpu.sem_alloc : memref<!tpu.dma_semaphore, #tpu.memory_space<semaphore_mem>>
        %dma_start3A = arith.constant 0 : i32
        %dma_start3A_50 = arith.constant 0 : i32
        %dma_start3A_51 = tpu.memref_slice %arg8[%dma_start3A, %dma_start3A_50] : memref<144x128xi32, #tpu.memory_space<vmem>> -> memref<16x128xi32, #tpu.memory_space<vmem>>
        %dma_start3A_52 = arith.constant 0 : i32
        %dma_start3A_53 = tpu.memref_slice %arg4[%select_n3A, %dma_start3A_52] : memref<2560x128xi32, #tpu.memory_space<hbm>> -> memref<16x128xi32, #tpu.memory_space<hbm>>
        %dma_start3A_54 = arith.constant 0 : i32
        %dma_start3A_55 = arith.constant 0 : i32
        %dma_start3A_56 = tpu.memref_slice %arg8[%dma_start3A_54, %dma_start3A_55] : memref<144x128xi32, #tpu.memory_space<vmem>> -> memref<16x128xi32, #tpu.memory_space<vmem>>
        %dma_start3A_57 = arith.constant 0 : i32
        %dma_start3A_58 = tpu.memref_slice %arg4[%select_n3A, %dma_start3A_57] : memref<2560x128xi32, #tpu.memory_space<hbm>> -> memref<16x128xi32, #tpu.memory_space<hbm>>
        tpu.enqueue_dma source(%dma_start3A_58 : memref<16x128xi32, #tpu.memory_space<hbm>>) target(%dma_start3A_56 : memref<16x128xi32, #tpu.memory_space<vmem>>) target_semaphore(%run_scoped3A : memref<!tpu.dma_semaphore, #tpu.memory_space<semaphore_mem>>)
        %dma_wait3A = arith.constant 0 : i32
        %dma_wait3A_59 = arith.constant 0 : i32
        %dma_wait3A_60 = tpu.memref_slice %arg8[%dma_wait3A, %dma_wait3A_59] : memref<144x128xi32, #tpu.memory_space<vmem>> -> memref<16x128xi32, #tpu.memory_space<vmem>>
        %dma_wait3A_61 = arith.constant 0 : i32
        %dma_wait3A_62 = tpu.memref_slice %arg4[%select_n3A, %dma_wait3A_61] : memref<2560x128xi32, #tpu.memory_space<hbm>> -> memref<16x128xi32, #tpu.memory_space<hbm>>
        %dma_wait3A_63 = arith.constant 0 : i32
        %dma_wait3A_64 = arith.constant 0 : i32
        %dma_wait3A_65 = tpu.memref_slice %arg8[%dma_wait3A_63, %dma_wait3A_64] : memref<144x128xi32, #tpu.memory_space<vmem>> -> memref<16x128xi32, #tpu.memory_space<vmem>>
        %dma_wait3A_66 = arith.constant 0 : i32
        %dma_wait3A_67 = tpu.memref_slice %arg4[%select_n3A, %dma_wait3A_66] : memref<2560x128xi32, #tpu.memory_space<hbm>> -> memref<16x128xi32, #tpu.memory_space<hbm>>
        tpu.wait_dma2 semaphore(%run_scoped3A : memref<!tpu.dma_semaphore, #tpu.memory_space<semaphore_mem>>) src(%dma_wait3A_67 : memref<16x128xi32, #tpu.memory_space<hbm>>) dst(%dma_wait3A_65 : memref<16x128xi32, #tpu.memory_space<vmem>>)
        tpu.yield
      }) : () -> ()
      %mul3A_48 = arith.constant 128 : i32
      %mul3A_49 = arith.muli %select_n3A, %mul3A_48 : i32
      "tpu.region"() ({
        %run_scoped3A = tpu.sem_alloc : memref<!tpu.dma_semaphore, #tpu.memory_space<semaphore_mem>>
        %dma_start3A = arith.constant 0 : i32
        %dma_start3A_50 = tpu.memref_slice %arg9[%dma_start3A] : memref<18432xf32, #tpu.memory_space<vmem>> -> memref<2048xf32, #tpu.memory_space<vmem>>
        %dma_start3A_51 = tpu.memref_slice %arg5[%mul3A_49] : memref<327680xf32, #tpu.memory_space<hbm>> -> memref<2048xf32, #tpu.memory_space<hbm>>
        %dma_start3A_52 = arith.constant 0 : i32
        %dma_start3A_53 = tpu.memref_slice %arg9[%dma_start3A_52] : memref<18432xf32, #tpu.memory_space<vmem>> -> memref<2048xf32, #tpu.memory_space<vmem>>
        %dma_start3A_54 = tpu.memref_slice %arg5[%mul3A_49] : memref<327680xf32, #tpu.memory_space<hbm>> -> memref<2048xf32, #tpu.memory_space<hbm>>
        tpu.enqueue_dma source(%dma_start3A_54 : memref<2048xf32, #tpu.memory_space<hbm>>) target(%dma_start3A_53 : memref<2048xf32, #tpu.memory_space<vmem>>) target_semaphore(%run_scoped3A : memref<!tpu.dma_semaphore, #tpu.memory_space<semaphore_mem>>)
        %dma_wait3A = arith.constant 0 : i32
        %dma_wait3A_55 = tpu.memref_slice %arg9[%dma_wait3A] : memref<18432xf32, #tpu.memory_space<vmem>> -> memref<2048xf32, #tpu.memory_space<vmem>>
        %dma_wait3A_56 = tpu.memref_slice %arg5[%mul3A_49] : memref<327680xf32, #tpu.memory_space<hbm>> -> memref<2048xf32, #tpu.memory_space<hbm>>
        %dma_wait3A_57 = arith.constant 0 : i32
        %dma_wait3A_58 = tpu.memref_slice %arg9[%dma_wait3A_57] : memref<18432xf32, #tpu.memory_space<vmem>> -> memref<2048xf32, #tpu.memory_space<vmem>>
        %dma_wait3A_59 = tpu.memref_slice %arg5[%mul3A_49] : memref<327680xf32, #tpu.memory_space<hbm>> -> memref<2048xf32, #tpu.memory_space<hbm>>
        tpu.wait_dma2 semaphore(%run_scoped3A : memref<!tpu.dma_semaphore, #tpu.memory_space<semaphore_mem>>) src(%dma_wait3A_59 : memref<2048xf32, #tpu.memory_space<hbm>>) dst(%dma_wait3A_58 : memref<2048xf32, #tpu.memory_space<vmem>>)
        tpu.yield
      }) : () -> ()
    } else {
    }
    %barrier3A = arith.constant 0 : index
    tpu.barrier barrier_id(%barrier3A)
    %sub3A = arith.constant 0 : i32
    %sub3A_26 = arith.subi %select_n3A_17, %sub3A : i32
    %sub3A_27 = arith.constant 1 : i32
    %sub3A_28 = arith.constant 1 : i32
    %sub3A_29 = arith.subi %sub3A_27, %sub3A_28 : i32
    %add3A_30 = arith.addi %sub3A_26, %sub3A_29 : i32
    %div3A = arith.constant 1 : i32
    %div3A_31 = arith.divsi %add3A_30, %div3A : i32
    %while3A = arith.constant 1 : i32
    %while3A_32 = arith.constant 0 : i32
    %while3A_33 = arith.constant 0 : i32
    %while3A_34 = arith.subi %div3A_31, %while3A_33 : i32
    %while3A_35 = arith.addi %while3A_33, %while3A_34 : i32
    %while3A_36 = arith.constant 1 : i32
    %while3A_37 = arith.divsi %while3A_34, %while3A_36 : i32
    %while3A_38 = arith.muli %while3A_37, %while3A_36 : i32
    %while3A_39 = arith.addi %while3A_33, %while3A_38 : i32
    %while3A_40 = arith.constant 1 : i32
    scf.for %while3A_48 = %while3A_33 to %while3A_39 step %while3A_40  : i32 {
      %mul3A_49 = arith.muli %while3A_48, %while3A : i32
      %add3A_50 = arith.addi %while3A_32, %mul3A_49 : i32
      %mul3A_51 = arith.constant 4 : i32
      %mul3A_52 = arith.muli %add3A_50, %mul3A_51 : i32
      %add3A_53 = arith.constant 0 : i32
      %add3A_54 = arith.addi %mul3A_52, %add3A_53 : i32
      %dma_start3A = arith.constant 0 : i32
      %dma_start3A_55 = tpu.memref_slice %arg7[%add3A_54, %dma_start3A] : memref<144x128xi32, #tpu.memory_space<vmem>> -> memref<1x128xi32, #tpu.memory_space<vmem>>
      %dma_start3A_56 = tpu.memref_squeeze %dma_start3A_55 : memref<1x128xi32, #tpu.memory_space<vmem>> -> memref<128xi32, #tpu.memory_space<vmem>>
      %dma_start3A_57 = arith.constant 0 : i32
      %dma_start3A_58 = arith.constant 0 : i32
      %dma_start3A_59 = tpu.memref_slice %arg2[%dma_start3A_57, %dma_start3A_58] : memref<10240x64xf32, #tpu.memory_space<hbm>> -> memref<10240x64xf32, #tpu.memory_space<hbm>>
      tpu.enqueue_indirect_dma source(%dma_start3A_59 : memref<10240x64xf32, #tpu.memory_space<hbm>>) target(%arg10 : memref<128x64xf32, #tpu.memory_space<vmem>>) offsets(%dma_start3A_56 : memref<128xi32, #tpu.memory_space<vmem>>) semaphore(%arg15 : memref<!tpu.dma_semaphore, #tpu.memory_space<semaphore_mem>>)
      %mul3A_60 = arith.constant 4 : i32
      %mul3A_61 = arith.muli %add3A_50, %mul3A_60 : i32
      %add3A_62 = arith.constant 1 : i32
      %add3A_63 = arith.addi %mul3A_61, %add3A_62 : i32
      %dma_start3A_64 = arith.constant 0 : i32
      %dma_start3A_65 = tpu.memref_slice %arg7[%add3A_63, %dma_start3A_64] : memref<144x128xi32, #tpu.memory_space<vmem>> -> memref<1x128xi32, #tpu.memory_space<vmem>>
      %dma_start3A_66 = tpu.memref_squeeze %dma_start3A_65 : memref<1x128xi32, #tpu.memory_space<vmem>> -> memref<128xi32, #tpu.memory_space<vmem>>
      %dma_start3A_67 = arith.constant 0 : i32
      %dma_start3A_68 = arith.constant 0 : i32
      %dma_start3A_69 = tpu.memref_slice %arg2[%dma_start3A_67, %dma_start3A_68] : memref<10240x64xf32, #tpu.memory_space<hbm>> -> memref<10240x64xf32, #tpu.memory_space<hbm>>
      tpu.enqueue_indirect_dma source(%dma_start3A_69 : memref<10240x64xf32, #tpu.memory_space<hbm>>) target(%arg11 : memref<128x64xf32, #tpu.memory_space<vmem>>) offsets(%dma_start3A_66 : memref<128xi32, #tpu.memory_space<vmem>>) semaphore(%arg16 : memref<!tpu.dma_semaphore, #tpu.memory_space<semaphore_mem>>)
      %mul3A_70 = arith.constant 4 : i32
      %mul3A_71 = arith.muli %add3A_50, %mul3A_70 : i32
      %add3A_72 = arith.constant 2 : i32
      %add3A_73 = arith.addi %mul3A_71, %add3A_72 : i32
      %dma_start3A_74 = arith.constant 0 : i32
      %dma_start3A_75 = tpu.memref_slice %arg7[%add3A_73, %dma_start3A_74] : memref<144x128xi32, #tpu.memory_space<vmem>> -> memref<1x128xi32, #tpu.memory_space<vmem>>
      %dma_start3A_76 = tpu.memref_squeeze %dma_start3A_75 : memref<1x128xi32, #tpu.memory_space<vmem>> -> memref<128xi32, #tpu.memory_space<vmem>>
      %dma_start3A_77 = arith.constant 0 : i32
      %dma_start3A_78 = arith.constant 0 : i32
      %dma_start3A_79 = tpu.memref_slice %arg2[%dma_start3A_77, %dma_start3A_78] : memref<10240x64xf32, #tpu.memory_space<hbm>> -> memref<10240x64xf32, #tpu.memory_space<hbm>>
      tpu.enqueue_indirect_dma source(%dma_start3A_79 : memref<10240x64xf32, #tpu.memory_space<hbm>>) target(%arg12 : memref<128x64xf32, #tpu.memory_space<vmem>>) offsets(%dma_start3A_76 : memref<128xi32, #tpu.memory_space<vmem>>) semaphore(%arg17 : memref<!tpu.dma_semaphore, #tpu.memory_space<semaphore_mem>>)
      %mul3A_80 = arith.constant 4 : i32
      %mul3A_81 = arith.muli %add3A_50, %mul3A_80 : i32
      %add3A_82 = arith.constant 3 : i32
      %add3A_83 = arith.addi %mul3A_81, %add3A_82 : i32
      %dma_start3A_84 = arith.constant 0 : i32
      %dma_start3A_85 = tpu.memref_slice %arg7[%add3A_83, %dma_start3A_84] : memref<144x128xi32, #tpu.memory_space<vmem>> -> memref<1x128xi32, #tpu.memory_space<vmem>>
      %dma_start3A_86 = tpu.memref_squeeze %dma_start3A_85 : memref<1x128xi32, #tpu.memory_space<vmem>> -> memref<128xi32, #tpu.memory_space<vmem>>
      %dma_start3A_87 = arith.constant 0 : i32
      %dma_start3A_88 = arith.constant 0 : i32
      %dma_start3A_89 = tpu.memref_slice %arg2[%dma_start3A_87, %dma_start3A_88] : memref<10240x64xf32, #tpu.memory_space<hbm>> -> memref<10240x64xf32, #tpu.memory_space<hbm>>
      tpu.enqueue_indirect_dma source(%dma_start3A_89 : memref<10240x64xf32, #tpu.memory_space<hbm>>) target(%arg13 : memref<128x64xf32, #tpu.memory_space<vmem>>) offsets(%dma_start3A_86 : memref<128xi32, #tpu.memory_space<vmem>>) semaphore(%arg18 : memref<!tpu.dma_semaphore, #tpu.memory_space<semaphore_mem>>)
      %mul3A_90 = arith.constant 4 : i32
      %mul3A_91 = arith.muli %add3A_50, %mul3A_90 : i32
      %add3A_92 = arith.constant 0 : i32
      %add3A_93 = arith.addi %mul3A_91, %add3A_92 : i32
      %dma_wait3A = arith.constant 0 : i32
      %dma_wait3A_94 = tpu.memref_slice %arg7[%add3A_54, %dma_wait3A] : memref<144x128xi32, #tpu.memory_space<vmem>> -> memref<1x128xi32, #tpu.memory_space<vmem>>
      %dma_wait3A_95 = tpu.memref_squeeze %dma_wait3A_94 : memref<1x128xi32, #tpu.memory_space<vmem>> -> memref<128xi32, #tpu.memory_space<vmem>>
      %dma_wait3A_96 = arith.constant 0 : i32
      %dma_wait3A_97 = arith.constant 0 : i32
      %dma_wait3A_98 = tpu.memref_slice %arg2[%dma_wait3A_96, %dma_wait3A_97] : memref<10240x64xf32, #tpu.memory_space<hbm>> -> memref<10240x64xf32, #tpu.memory_space<hbm>>
      tpu.wait_indirect_dma semaphore(%arg15 : memref<!tpu.dma_semaphore, #tpu.memory_space<semaphore_mem>>) src(%dma_wait3A_98 : memref<10240x64xf32, #tpu.memory_space<hbm>>) dst(%arg10 : memref<128x64xf32, #tpu.memory_space<vmem>>)
      %mul3A_99 = arith.constant 128 : i32
      %mul3A_100 = arith.muli %add3A_93, %mul3A_99 : i32
      %parallel_loop3A = arith.constant 0 : i32
      %parallel_loop3A_101 = arith.constant 128 : i32
      %parallel_loop3A_102 = arith.constant 1 : i32
      scf.for %parallel_loop3A_196 = %parallel_loop3A to %parallel_loop3A_101 step %parallel_loop3A_102  : i32 {
        %parallel_loop3A_197 = arith.addi %mul3A_100, %parallel_loop3A_196 : i32
        %parallel_loop3A_198 = vector.broadcast %parallel_loop3A_197 : i32 to vector<16xi32>
        %parallel_loop3A_199 = tpu.vector_load_idx %arg9[%parallel_loop3A_198] : memref<18432xf32, #tpu.memory_space<vmem>>[vector<16xi32>], vector<16xf32>,
        %parallel_loop3A_200 = arith.index_cast %parallel_loop3A_196 : i32 to index
        %parallel_loop3A_201 = arith.constant 0 : index
        %parallel_loop3A_202 = tpu.vector_load %arg10[%parallel_loop3A_200, %parallel_loop3A_201] {strides = array<i32>} : memref<128x64xf32, #tpu.memory_space<vmem>>, vector<16xf32>,
        %parallel_loop3A_203 = arith.mulf %parallel_loop3A_202, %parallel_loop3A_199 : vector<16xf32>
        %parallel_loop3A_204 = arith.index_cast %parallel_loop3A_196 : i32 to index
        %parallel_loop3A_205 = arith.constant 0 : index
        %parallel_loop3A_206 = tpu.vector_load %arg10[%parallel_loop3A_204, %parallel_loop3A_205] {strides = array<i32>} : memref<128x64xf32, #tpu.memory_space<vmem>>, vector<16xf32>,
        tpu.vector_store %arg10[%parallel_loop3A_204, %parallel_loop3A_205], %parallel_loop3A_203 {strides = array<i32>} : memref<128x64xf32, #tpu.memory_space<vmem>>, vector<16xf32>,
        %parallel_loop3A_207 = arith.index_cast %parallel_loop3A_196 : i32 to index
        %parallel_loop3A_208 = arith.constant 16 : index
        %parallel_loop3A_209 = tpu.vector_load %arg10[%parallel_loop3A_207, %parallel_loop3A_208] {strides = array<i32>} : memref<128x64xf32, #tpu.memory_space<vmem>>, vector<16xf32>,
        %parallel_loop3A_210 = arith.mulf %parallel_loop3A_209, %parallel_loop3A_199 : vector<16xf32>
        %parallel_loop3A_211 = arith.index_cast %parallel_loop3A_196 : i32 to index
        %parallel_loop3A_212 = arith.constant 16 : index
        %parallel_loop3A_213 = tpu.vector_load %arg10[%parallel_loop3A_211, %parallel_loop3A_212] {strides = array<i32>} : memref<128x64xf32, #tpu.memory_space<vmem>>, vector<16xf32>,
        tpu.vector_store %arg10[%parallel_loop3A_211, %parallel_loop3A_212], %parallel_loop3A_210 {strides = array<i32>} : memref<128x64xf32, #tpu.memory_space<vmem>>, vector<16xf32>,
        %parallel_loop3A_214 = arith.index_cast %parallel_loop3A_196 : i32 to index
        %parallel_loop3A_215 = arith.constant 32 : index
        %parallel_loop3A_216 = tpu.vector_load %arg10[%parallel_loop3A_214, %parallel_loop3A_215] {strides = array<i32>} : memref<128x64xf32, #tpu.memory_space<vmem>>, vector<16xf32>,
        %parallel_loop3A_217 = arith.mulf %parallel_loop3A_216, %parallel_loop3A_199 : vector<16xf32>
        %parallel_loop3A_218 = arith.index_cast %parallel_loop3A_196 : i32 to index
        %parallel_loop3A_219 = arith.constant 32 : index
        %parallel_loop3A_220 = tpu.vector_load %arg10[%parallel_loop3A_218, %parallel_loop3A_219] {strides = array<i32>} : memref<128x64xf32, #tpu.memory_space<vmem>>, vector<16xf32>,
        tpu.vector_store %arg10[%parallel_loop3A_218, %parallel_loop3A_219], %parallel_loop3A_217 {strides = array<i32>} : memref<128x64xf32, #tpu.memory_space<vmem>>, vector<16xf32>,
        %parallel_loop3A_221 = arith.index_cast %parallel_loop3A_196 : i32 to index
        %parallel_loop3A_222 = arith.constant 48 : index
        %parallel_loop3A_223 = tpu.vector_load %arg10[%parallel_loop3A_221, %parallel_loop3A_222] {strides = array<i32>} : memref<128x64xf32, #tpu.memory_space<vmem>>, vector<16xf32>,
        %parallel_loop3A_224 = arith.mulf %parallel_loop3A_223, %parallel_loop3A_199 : vector<16xf32>
        %parallel_loop3A_225 = arith.index_cast %parallel_loop3A_196 : i32 to index
        %parallel_loop3A_226 = arith.constant 48 : index
        %parallel_loop3A_227 = tpu.vector_load %arg10[%parallel_loop3A_225, %parallel_loop3A_226] {strides = array<i32>} : memref<128x64xf32, #tpu.memory_space<vmem>>, vector<16xf32>,
        tpu.vector_store %arg10[%parallel_loop3A_225, %parallel_loop3A_226], %parallel_loop3A_224 {strides = array<i32>} : memref<128x64xf32, #tpu.memory_space<vmem>>, vector<16xf32>,
      } {sc.loop_unroll_factor = 2 : i64, sc.parallel_access}
      %dma_start3A_103 = arith.constant 0 : i32
      %dma_start3A_104 = tpu.memref_slice %arg8[%add3A_93, %dma_start3A_103] : memref<144x128xi32, #tpu.memory_space<vmem>> -> memref<1x128xi32, #tpu.memory_space<vmem>>
      %dma_start3A_105 = tpu.memref_squeeze %dma_start3A_104 : memref<1x128xi32, #tpu.memory_space<vmem>> -> memref<128xi32, #tpu.memory_space<vmem>>
      %dma_start3A_106 = arith.constant 0 : i32
      %dma_start3A_107 = arith.constant 0 : i32
      %dma_start3A_108 = tpu.memref_slice %arg14[%dma_start3A_106, %dma_start3A_107] : memref<10240x64xf32, #tpu.memory_space<vmem_shared>> -> memref<10240x64xf32, #tpu.memory_space<vmem_shared>>
      tpu.enqueue_indirect_dma source(%arg10 : memref<128x64xf32, #tpu.memory_space<vmem>>) target(%dma_start3A_108 : memref<10240x64xf32, #tpu.memory_space<vmem_shared>>) offsets(%dma_start3A_105 : memref<128xi32, #tpu.memory_space<vmem>>) semaphore(%arg19 : memref<!tpu.dma_semaphore, #tpu.memory_space<semaphore_mem>>) {add = true}
      %mul3A_109 = arith.constant 4 : i32
      %mul3A_110 = arith.muli %add3A_50, %mul3A_109 : i32
      %add3A_111 = arith.constant 1 : i32
      %add3A_112 = arith.addi %mul3A_110, %add3A_111 : i32
      %dma_wait3A_113 = arith.constant 0 : i32
      %dma_wait3A_114 = tpu.memref_slice %arg7[%add3A_63, %dma_wait3A_113] : memref<144x128xi32, #tpu.memory_space<vmem>> -> memref<1x128xi32, #tpu.memory_space<vmem>>
      %dma_wait3A_115 = tpu.memref_squeeze %dma_wait3A_114 : memref<1x128xi32, #tpu.memory_space<vmem>> -> memref<128xi32, #tpu.memory_space<vmem>>
      %dma_wait3A_116 = arith.constant 0 : i32
      %dma_wait3A_117 = arith.constant 0 : i32
      %dma_wait3A_118 = tpu.memref_slice %arg2[%dma_wait3A_116, %dma_wait3A_117] : memref<10240x64xf32, #tpu.memory_space<hbm>> -> memref<10240x64xf32, #tpu.memory_space<hbm>>
      tpu.wait_indirect_dma semaphore(%arg16 : memref<!tpu.dma_semaphore, #tpu.memory_space<semaphore_mem>>) src(%dma_wait3A_118 : memref<10240x64xf32, #tpu.memory_space<hbm>>) dst(%arg11 : memref<128x64xf32, #tpu.memory_space<vmem>>)
      %mul3A_119 = arith.constant 128 : i32
      %mul3A_120 = arith.muli %add3A_112, %mul3A_119 : i32
      %parallel_loop3A_121 = arith.constant 0 : i32
      %parallel_loop3A_122 = arith.constant 128 : i32
      %parallel_loop3A_123 = arith.constant 1 : i32
      scf.for %parallel_loop3A_196 = %parallel_loop3A_121 to %parallel_loop3A_122 step %parallel_loop3A_123  : i32 {
        %parallel_loop3A_197 = arith.addi %mul3A_120, %parallel_loop3A_196 : i32
        %parallel_loop3A_198 = vector.broadcast %parallel_loop3A_197 : i32 to vector<16xi32>
        %parallel_loop3A_199 = tpu.vector_load_idx %arg9[%parallel_loop3A_198] : memref<18432xf32, #tpu.memory_space<vmem>>[vector<16xi32>], vector<16xf32>,
        %parallel_loop3A_200 = arith.index_cast %parallel_loop3A_196 : i32 to index
        %parallel_loop3A_201 = arith.constant 0 : index
        %parallel_loop3A_202 = tpu.vector_load %arg11[%parallel_loop3A_200, %parallel_loop3A_201] {strides = array<i32>} : memref<128x64xf32, #tpu.memory_space<vmem>>, vector<16xf32>,
        %parallel_loop3A_203 = arith.mulf %parallel_loop3A_202, %parallel_loop3A_199 : vector<16xf32>
        %parallel_loop3A_204 = arith.index_cast %parallel_loop3A_196 : i32 to index
        %parallel_loop3A_205 = arith.constant 0 : index
        %parallel_loop3A_206 = tpu.vector_load %arg11[%parallel_loop3A_204, %parallel_loop3A_205] {strides = array<i32>} : memref<128x64xf32, #tpu.memory_space<vmem>>, vector<16xf32>,
        tpu.vector_store %arg11[%parallel_loop3A_204, %parallel_loop3A_205], %parallel_loop3A_203 {strides = array<i32>} : memref<128x64xf32, #tpu.memory_space<vmem>>, vector<16xf32>,
        %parallel_loop3A_207 = arith.index_cast %parallel_loop3A_196 : i32 to index
        %parallel_loop3A_208 = arith.constant 16 : index
        %parallel_loop3A_209 = tpu.vector_load %arg11[%parallel_loop3A_207, %parallel_loop3A_208] {strides = array<i32>} : memref<128x64xf32, #tpu.memory_space<vmem>>, vector<16xf32>,
        %parallel_loop3A_210 = arith.mulf %parallel_loop3A_209, %parallel_loop3A_199 : vector<16xf32>
        %parallel_loop3A_211 = arith.index_cast %parallel_loop3A_196 : i32 to index
        %parallel_loop3A_212 = arith.constant 16 : index
        %parallel_loop3A_213 = tpu.vector_load %arg11[%parallel_loop3A_211, %parallel_loop3A_212] {strides = array<i32>} : memref<128x64xf32, #tpu.memory_space<vmem>>, vector<16xf32>,
        tpu.vector_store %arg11[%parallel_loop3A_211, %parallel_loop3A_212], %parallel_loop3A_210 {strides = array<i32>} : memref<128x64xf32, #tpu.memory_space<vmem>>, vector<16xf32>,
        %parallel_loop3A_214 = arith.index_cast %parallel_loop3A_196 : i32 to index
        %parallel_loop3A_215 = arith.constant 32 : index
        %parallel_loop3A_216 = tpu.vector_load %arg11[%parallel_loop3A_214, %parallel_loop3A_215] {strides = array<i32>} : memref<128x64xf32, #tpu.memory_space<vmem>>, vector<16xf32>,
        %parallel_loop3A_217 = arith.mulf %parallel_loop3A_216, %parallel_loop3A_199 : vector<16xf32>
        %parallel_loop3A_218 = arith.index_cast %parallel_loop3A_196 : i32 to index
        %parallel_loop3A_219 = arith.constant 32 : index
        %parallel_loop3A_220 = tpu.vector_load %arg11[%parallel_loop3A_218, %parallel_loop3A_219] {strides = array<i32>} : memref<128x64xf32, #tpu.memory_space<vmem>>, vector<16xf32>,
        tpu.vector_store %arg11[%parallel_loop3A_218, %parallel_loop3A_219], %parallel_loop3A_217 {strides = array<i32>} : memref<128x64xf32, #tpu.memory_space<vmem>>, vector<16xf32>,
        %parallel_loop3A_221 = arith.index_cast %parallel_loop3A_196 : i32 to index
        %parallel_loop3A_222 = arith.constant 48 : index
        %parallel_loop3A_223 = tpu.vector_load %arg11[%parallel_loop3A_221, %parallel_loop3A_222] {strides = array<i32>} : memref<128x64xf32, #tpu.memory_space<vmem>>, vector<16xf32>,
        %parallel_loop3A_224 = arith.mulf %parallel_loop3A_223, %parallel_loop3A_199 : vector<16xf32>
        %parallel_loop3A_225 = arith.index_cast %parallel_loop3A_196 : i32 to index
        %parallel_loop3A_226 = arith.constant 48 : index
        %parallel_loop3A_227 = tpu.vector_load %arg11[%parallel_loop3A_225, %parallel_loop3A_226] {strides = array<i32>} : memref<128x64xf32, #tpu.memory_space<vmem>>, vector<16xf32>,
        tpu.vector_store %arg11[%parallel_loop3A_225, %parallel_loop3A_226], %parallel_loop3A_224 {strides = array<i32>} : memref<128x64xf32, #tpu.memory_space<vmem>>, vector<16xf32>,
      } {sc.loop_unroll_factor = 2 : i64, sc.parallel_access}
      %dma_start3A_124 = arith.constant 0 : i32
      %dma_start3A_125 = tpu.memref_slice %arg8[%add3A_112, %dma_start3A_124] : memref<144x128xi32, #tpu.memory_space<vmem>> -> memref<1x128xi32, #tpu.memory_space<vmem>>
      %dma_start3A_126 = tpu.memref_squeeze %dma_start3A_125 : memref<1x128xi32, #tpu.memory_space<vmem>> -> memref<128xi32, #tpu.memory_space<vmem>>
      %dma_start3A_127 = arith.constant 0 : i32
      %dma_start3A_128 = arith.constant 0 : i32
      %dma_start3A_129 = tpu.memref_slice %arg14[%dma_start3A_127, %dma_start3A_128] : memref<10240x64xf32, #tpu.memory_space<vmem_shared>> -> memref<10240x64xf32, #tpu.memory_space<vmem_shared>>
      tpu.enqueue_indirect_dma source(%arg11 : memref<128x64xf32, #tpu.memory_space<vmem>>) target(%dma_start3A_129 : memref<10240x64xf32, #tpu.memory_space<vmem_shared>>) offsets(%dma_start3A_126 : memref<128xi32, #tpu.memory_space<vmem>>) semaphore(%arg20 : memref<!tpu.dma_semaphore, #tpu.memory_space<semaphore_mem>>) {add = true}
      %mul3A_130 = arith.constant 4 : i32
      %mul3A_131 = arith.muli %add3A_50, %mul3A_130 : i32
      %add3A_132 = arith.constant 2 : i32
      %add3A_133 = arith.addi %mul3A_131, %add3A_132 : i32
      %dma_wait3A_134 = arith.constant 0 : i32
      %dma_wait3A_135 = tpu.memref_slice %arg7[%add3A_73, %dma_wait3A_134] : memref<144x128xi32, #tpu.memory_space<vmem>> -> memref<1x128xi32, #tpu.memory_space<vmem>>
      %dma_wait3A_136 = tpu.memref_squeeze %dma_wait3A_135 : memref<1x128xi32, #tpu.memory_space<vmem>> -> memref<128xi32, #tpu.memory_space<vmem>>
      %dma_wait3A_137 = arith.constant 0 : i32
      %dma_wait3A_138 = arith.constant 0 : i32
      %dma_wait3A_139 = tpu.memref_slice %arg2[%dma_wait3A_137, %dma_wait3A_138] : memref<10240x64xf32, #tpu.memory_space<hbm>> -> memref<10240x64xf32, #tpu.memory_space<hbm>>
      tpu.wait_indirect_dma semaphore(%arg17 : memref<!tpu.dma_semaphore, #tpu.memory_space<semaphore_mem>>) src(%dma_wait3A_139 : memref<10240x64xf32, #tpu.memory_space<hbm>>) dst(%arg12 : memref<128x64xf32, #tpu.memory_space<vmem>>)
      %mul3A_140 = arith.constant 128 : i32
      %mul3A_141 = arith.muli %add3A_133, %mul3A_140 : i32
      %parallel_loop3A_142 = arith.constant 0 : i32
      %parallel_loop3A_143 = arith.constant 128 : i32
      %parallel_loop3A_144 = arith.constant 1 : i32
      scf.for %parallel_loop3A_196 = %parallel_loop3A_142 to %parallel_loop3A_143 step %parallel_loop3A_144  : i32 {
        %parallel_loop3A_197 = arith.addi %mul3A_141, %parallel_loop3A_196 : i32
        %parallel_loop3A_198 = vector.broadcast %parallel_loop3A_197 : i32 to vector<16xi32>
        %parallel_loop3A_199 = tpu.vector_load_idx %arg9[%parallel_loop3A_198] : memref<18432xf32, #tpu.memory_space<vmem>>[vector<16xi32>], vector<16xf32>,
        %parallel_loop3A_200 = arith.index_cast %parallel_loop3A_196 : i32 to index
        %parallel_loop3A_201 = arith.constant 0 : index
        %parallel_loop3A_202 = tpu.vector_load %arg12[%parallel_loop3A_200, %parallel_loop3A_201] {strides = array<i32>} : memref<128x64xf32, #tpu.memory_space<vmem>>, vector<16xf32>,
        %parallel_loop3A_203 = arith.mulf %parallel_loop3A_202, %parallel_loop3A_199 : vector<16xf32>
        %parallel_loop3A_204 = arith.index_cast %parallel_loop3A_196 : i32 to index
        %parallel_loop3A_205 = arith.constant 0 : index
        %parallel_loop3A_206 = tpu.vector_load %arg12[%parallel_loop3A_204, %parallel_loop3A_205] {strides = array<i32>} : memref<128x64xf32, #tpu.memory_space<vmem>>, vector<16xf32>,
        tpu.vector_store %arg12[%parallel_loop3A_204, %parallel_loop3A_205], %parallel_loop3A_203 {strides = array<i32>} : memref<128x64xf32, #tpu.memory_space<vmem>>, vector<16xf32>,
        %parallel_loop3A_207 = arith.index_cast %parallel_loop3A_196 : i32 to index
        %parallel_loop3A_208 = arith.constant 16 : index
        %parallel_loop3A_209 = tpu.vector_load %arg12[%parallel_loop3A_207, %parallel_loop3A_208] {strides = array<i32>} : memref<128x64xf32, #tpu.memory_space<vmem>>, vector<16xf32>,
        %parallel_loop3A_210 = arith.mulf %parallel_loop3A_209, %parallel_loop3A_199 : vector<16xf32>
        %parallel_loop3A_211 = arith.index_cast %parallel_loop3A_196 : i32 to index
        %parallel_loop3A_212 = arith.constant 16 : index
        %parallel_loop3A_213 = tpu.vector_load %arg12[%parallel_loop3A_211, %parallel_loop3A_212] {strides = array<i32>} : memref<128x64xf32, #tpu.memory_space<vmem>>, vector<16xf32>,
        tpu.vector_store %arg12[%parallel_loop3A_211, %parallel_loop3A_212], %parallel_loop3A_210 {strides = array<i32>} : memref<128x64xf32, #tpu.memory_space<vmem>>, vector<16xf32>,
        %parallel_loop3A_214 = arith.index_cast %parallel_loop3A_196 : i32 to index
        %parallel_loop3A_215 = arith.constant 32 : index
        %parallel_loop3A_216 = tpu.vector_load %arg12[%parallel_loop3A_214, %parallel_loop3A_215] {strides = array<i32>} : memref<128x64xf32, #tpu.memory_space<vmem>>, vector<16xf32>,
        %parallel_loop3A_217 = arith.mulf %parallel_loop3A_216, %parallel_loop3A_199 : vector<16xf32>
        %parallel_loop3A_218 = arith.index_cast %parallel_loop3A_196 : i32 to index
        %parallel_loop3A_219 = arith.constant 32 : index
        %parallel_loop3A_220 = tpu.vector_load %arg12[%parallel_loop3A_218, %parallel_loop3A_219] {strides = array<i32>} : memref<128x64xf32, #tpu.memory_space<vmem>>, vector<16xf32>,
        tpu.vector_store %arg12[%parallel_loop3A_218, %parallel_loop3A_219], %parallel_loop3A_217 {strides = array<i32>} : memref<128x64xf32, #tpu.memory_space<vmem>>, vector<16xf32>,
        %parallel_loop3A_221 = arith.index_cast %parallel_loop3A_196 : i32 to index
        %parallel_loop3A_222 = arith.constant 48 : index
        %parallel_loop3A_223 = tpu.vector_load %arg12[%parallel_loop3A_221, %parallel_loop3A_222] {strides = array<i32>} : memref<128x64xf32, #tpu.memory_space<vmem>>, vector<16xf32>,
        %parallel_loop3A_224 = arith.mulf %parallel_loop3A_223, %parallel_loop3A_199 : vector<16xf32>
        %parallel_loop3A_225 = arith.index_cast %parallel_loop3A_196 : i32 to index
        %parallel_loop3A_226 = arith.constant 48 : index
        %parallel_loop3A_227 = tpu.vector_load %arg12[%parallel_loop3A_225, %parallel_loop3A_226] {strides = array<i32>} : memref<128x64xf32, #tpu.memory_space<vmem>>, vector<16xf32>,
        tpu.vector_store %arg12[%parallel_loop3A_225, %parallel_loop3A_226], %parallel_loop3A_224 {strides = array<i32>} : memref<128x64xf32, #tpu.memory_space<vmem>>, vector<16xf32>,
      } {sc.loop_unroll_factor = 2 : i64, sc.parallel_access}
      %dma_start3A_145 = arith.constant 0 : i32
      %dma_start3A_146 = tpu.memref_slice %arg8[%add3A_133, %dma_start3A_145] : memref<144x128xi32, #tpu.memory_space<vmem>> -> memref<1x128xi32, #tpu.memory_space<vmem>>
      %dma_start3A_147 = tpu.memref_squeeze %dma_start3A_146 : memref<1x128xi32, #tpu.memory_space<vmem>> -> memref<128xi32, #tpu.memory_space<vmem>>
      %dma_start3A_148 = arith.constant 0 : i32
      %dma_start3A_149 = arith.constant 0 : i32
      %dma_start3A_150 = tpu.memref_slice %arg14[%dma_start3A_148, %dma_start3A_149] : memref<10240x64xf32, #tpu.memory_space<vmem_shared>> -> memref<10240x64xf32, #tpu.memory_space<vmem_shared>>
      tpu.enqueue_indirect_dma source(%arg12 : memref<128x64xf32, #tpu.memory_space<vmem>>) target(%dma_start3A_150 : memref<10240x64xf32, #tpu.memory_space<vmem_shared>>) offsets(%dma_start3A_147 : memref<128xi32, #tpu.memory_space<vmem>>) semaphore(%arg21 : memref<!tpu.dma_semaphore, #tpu.memory_space<semaphore_mem>>) {add = true}
      %mul3A_151 = arith.constant 4 : i32
      %mul3A_152 = arith.muli %add3A_50, %mul3A_151 : i32
      %add3A_153 = arith.constant 3 : i32
      %add3A_154 = arith.addi %mul3A_152, %add3A_153 : i32
      %dma_wait3A_155 = arith.constant 0 : i32
      %dma_wait3A_156 = tpu.memref_slice %arg7[%add3A_83, %dma_wait3A_155] : memref<144x128xi32, #tpu.memory_space<vmem>> -> memref<1x128xi32, #tpu.memory_space<vmem>>
      %dma_wait3A_157 = tpu.memref_squeeze %dma_wait3A_156 : memref<1x128xi32, #tpu.memory_space<vmem>> -> memref<128xi32, #tpu.memory_space<vmem>>
      %dma_wait3A_158 = arith.constant 0 : i32
      %dma_wait3A_159 = arith.constant 0 : i32
      %dma_wait3A_160 = tpu.memref_slice %arg2[%dma_wait3A_158, %dma_wait3A_159] : memref<10240x64xf32, #tpu.memory_space<hbm>> -> memref<10240x64xf32, #tpu.memory_space<hbm>>
      tpu.wait_indirect_dma semaphore(%arg18 : memref<!tpu.dma_semaphore, #tpu.memory_space<semaphore_mem>>) src(%dma_wait3A_160 : memref<10240x64xf32, #tpu.memory_space<hbm>>) dst(%arg13 : memref<128x64xf32, #tpu.memory_space<vmem>>)
      %mul3A_161 = arith.constant 128 : i32
      %mul3A_162 = arith.muli %add3A_154, %mul3A_161 : i32
      %parallel_loop3A_163 = arith.constant 0 : i32
      %parallel_loop3A_164 = arith.constant 128 : i32
      %parallel_loop3A_165 = arith.constant 1 : i32
      scf.for %parallel_loop3A_196 = %parallel_loop3A_163 to %parallel_loop3A_164 step %parallel_loop3A_165  : i32 {
        %parallel_loop3A_197 = arith.addi %mul3A_162, %parallel_loop3A_196 : i32
        %parallel_loop3A_198 = vector.broadcast %parallel_loop3A_197 : i32 to vector<16xi32>
        %parallel_loop3A_199 = tpu.vector_load_idx %arg9[%parallel_loop3A_198] : memref<18432xf32, #tpu.memory_space<vmem>>[vector<16xi32>], vector<16xf32>,
        %parallel_loop3A_200 = arith.index_cast %parallel_loop3A_196 : i32 to index
        %parallel_loop3A_201 = arith.constant 0 : index
        %parallel_loop3A_202 = tpu.vector_load %arg13[%parallel_loop3A_200, %parallel_loop3A_201] {strides = array<i32>} : memref<128x64xf32, #tpu.memory_space<vmem>>, vector<16xf32>,
        %parallel_loop3A_203 = arith.mulf %parallel_loop3A_202, %parallel_loop3A_199 : vector<16xf32>
        %parallel_loop3A_204 = arith.index_cast %parallel_loop3A_196 : i32 to index
        %parallel_loop3A_205 = arith.constant 0 : index
        %parallel_loop3A_206 = tpu.vector_load %arg13[%parallel_loop3A_204, %parallel_loop3A_205] {strides = array<i32>} : memref<128x64xf32, #tpu.memory_space<vmem>>, vector<16xf32>,
        tpu.vector_store %arg13[%parallel_loop3A_204, %parallel_loop3A_205], %parallel_loop3A_203 {strides = array<i32>} : memref<128x64xf32, #tpu.memory_space<vmem>>, vector<16xf32>,
        %parallel_loop3A_207 = arith.index_cast %parallel_loop3A_196 : i32 to index
        %parallel_loop3A_208 = arith.constant 16 : index
        %parallel_loop3A_209 = tpu.vector_load %arg13[%parallel_loop3A_207, %parallel_loop3A_208] {strides = array<i32>} : memref<128x64xf32, #tpu.memory_space<vmem>>, vector<16xf32>,
        %parallel_loop3A_210 = arith.mulf %parallel_loop3A_209, %parallel_loop3A_199 : vector<16xf32>
        %parallel_loop3A_211 = arith.index_cast %parallel_loop3A_196 : i32 to index
        %parallel_loop3A_212 = arith.constant 16 : index
        %parallel_loop3A_213 = tpu.vector_load %arg13[%parallel_loop3A_211, %parallel_loop3A_212] {strides = array<i32>} : memref<128x64xf32, #tpu.memory_space<vmem>>, vector<16xf32>,
        tpu.vector_store %arg13[%parallel_loop3A_211, %parallel_loop3A_212], %parallel_loop3A_210 {strides = array<i32>} : memref<128x64xf32, #tpu.memory_space<vmem>>, vector<16xf32>,
        %parallel_loop3A_214 = arith.index_cast %parallel_loop3A_196 : i32 to index
        %parallel_loop3A_215 = arith.constant 32 : index
        %parallel_loop3A_216 = tpu.vector_load %arg13[%parallel_loop3A_214, %parallel_loop3A_215] {strides = array<i32>} : memref<128x64xf32, #tpu.memory_space<vmem>>, vector<16xf32>,
        %parallel_loop3A_217 = arith.mulf %parallel_loop3A_216, %parallel_loop3A_199 : vector<16xf32>
        %parallel_loop3A_218 = arith.index_cast %parallel_loop3A_196 : i32 to index
        %parallel_loop3A_219 = arith.constant 32 : index
        %parallel_loop3A_220 = tpu.vector_load %arg13[%parallel_loop3A_218, %parallel_loop3A_219] {strides = array<i32>} : memref<128x64xf32, #tpu.memory_space<vmem>>, vector<16xf32>,
        tpu.vector_store %arg13[%parallel_loop3A_218, %parallel_loop3A_219], %parallel_loop3A_217 {strides = array<i32>} : memref<128x64xf32, #tpu.memory_space<vmem>>, vector<16xf32>,
        %parallel_loop3A_221 = arith.index_cast %parallel_loop3A_196 : i32 to index
        %parallel_loop3A_222 = arith.constant 48 : index
        %parallel_loop3A_223 = tpu.vector_load %arg13[%parallel_loop3A_221, %parallel_loop3A_222] {strides = array<i32>} : memref<128x64xf32, #tpu.memory_space<vmem>>, vector<16xf32>,
        %parallel_loop3A_224 = arith.mulf %parallel_loop3A_223, %parallel_loop3A_199 : vector<16xf32>
        %parallel_loop3A_225 = arith.index_cast %parallel_loop3A_196 : i32 to index
        %parallel_loop3A_226 = arith.constant 48 : index
        %parallel_loop3A_227 = tpu.vector_load %arg13[%parallel_loop3A_225, %parallel_loop3A_226] {strides = array<i32>} : memref<128x64xf32, #tpu.memory_space<vmem>>, vector<16xf32>,
        tpu.vector_store %arg13[%parallel_loop3A_225, %parallel_loop3A_226], %parallel_loop3A_224 {strides = array<i32>} : memref<128x64xf32, #tpu.memory_space<vmem>>, vector<16xf32>,
      } {sc.loop_unroll_factor = 2 : i64, sc.parallel_access}
      %dma_start3A_166 = arith.constant 0 : i32
      %dma_start3A_167 = tpu.memref_slice %arg8[%add3A_154, %dma_start3A_166] : memref<144x128xi32, #tpu.memory_space<vmem>> -> memref<1x128xi32, #tpu.memory_space<vmem>>
      %dma_start3A_168 = tpu.memref_squeeze %dma_start3A_167 : memref<1x128xi32, #tpu.memory_space<vmem>> -> memref<128xi32, #tpu.memory_space<vmem>>
      %dma_start3A_169 = arith.constant 0 : i32
      %dma_start3A_170 = arith.constant 0 : i32
      %dma_start3A_171 = tpu.memref_slice %arg14[%dma_start3A_169, %dma_start3A_170] : memref<10240x64xf32, #tpu.memory_space<vmem_shared>> -> memref<10240x64xf32, #tpu.memory_space<vmem_shared>>
      tpu.enqueue_indirect_dma source(%arg13 : memref<128x64xf32, #tpu.memory_space<vmem>>) target(%dma_start3A_171 : memref<10240x64xf32, #tpu.memory_space<vmem_shared>>) offsets(%dma_start3A_168 : memref<128xi32, #tpu.memory_space<vmem>>) semaphore(%arg22 : memref<!tpu.dma_semaphore, #tpu.memory_space<semaphore_mem>>) {add = true}
      %dma_wait3A_172 = arith.constant 0 : i32
      %dma_wait3A_173 = tpu.memref_slice %arg8[%add3A_93, %dma_wait3A_172] : memref<144x128xi32, #tpu.memory_space<vmem>> -> memref<1x128xi32, #tpu.memory_space<vmem>>
      %dma_wait3A_174 = tpu.memref_squeeze %dma_wait3A_173 : memref<1x128xi32, #tpu.memory_space<vmem>> -> memref<128xi32, #tpu.memory_space<vmem>>
      %dma_wait3A_175 = arith.constant 0 : i32
      %dma_wait3A_176 = arith.constant 0 : i32
      %dma_wait3A_177 = tpu.memref_slice %arg14[%dma_wait3A_175, %dma_wait3A_176] : memref<10240x64xf32, #tpu.memory_space<vmem_shared>> -> memref<10240x64xf32, #tpu.memory_space<vmem_shared>>
      tpu.wait_indirect_dma semaphore(%arg19 : memref<!tpu.dma_semaphore, #tpu.memory_space<semaphore_mem>>) src(%arg10 : memref<128x64xf32, #tpu.memory_space<vmem>>) dst(%dma_wait3A_177 : memref<10240x64xf32, #tpu.memory_space<vmem_shared>>)
      %dma_wait3A_178 = arith.constant 0 : i32
      %dma_wait3A_179 = tpu.memref_slice %arg8[%add3A_112, %dma_wait3A_178] : memref<144x128xi32, #tpu.memory_space<vmem>> -> memref<1x128xi32, #tpu.memory_space<vmem>>
      %dma_wait3A_180 = tpu.memref_squeeze %dma_wait3A_179 : memref<1x128xi32, #tpu.memory_space<vmem>> -> memref<128xi32, #tpu.memory_space<vmem>>
      %dma_wait3A_181 = arith.constant 0 : i32
      %dma_wait3A_182 = arith.constant 0 : i32
      %dma_wait3A_183 = tpu.memref_slice %arg14[%dma_wait3A_181, %dma_wait3A_182] : memref<10240x64xf32, #tpu.memory_space<vmem_shared>> -> memref<10240x64xf32, #tpu.memory_space<vmem_shared>>
      tpu.wait_indirect_dma semaphore(%arg20 : memref<!tpu.dma_semaphore, #tpu.memory_space<semaphore_mem>>) src(%arg11 : memref<128x64xf32, #tpu.memory_space<vmem>>) dst(%dma_wait3A_183 : memref<10240x64xf32, #tpu.memory_space<vmem_shared>>)
      %dma_wait3A_184 = arith.constant 0 : i32
      %dma_wait3A_185 = tpu.memref_slice %arg8[%add3A_133, %dma_wait3A_184] : memref<144x128xi32, #tpu.memory_space<vmem>> -> memref<1x128xi32, #tpu.memory_space<vmem>>
      %dma_wait3A_186 = tpu.memref_squeeze %dma_wait3A_185 : memref<1x128xi32, #tpu.memory_space<vmem>> -> memref<128xi32, #tpu.memory_space<vmem>>
      %dma_wait3A_187 = arith.constant 0 : i32
      %dma_wait3A_188 = arith.constant 0 : i32
      %dma_wait3A_189 = tpu.memref_slice %arg14[%dma_wait3A_187, %dma_wait3A_188] : memref<10240x64xf32, #tpu.memory_space<vmem_shared>> -> memref<10240x64xf32, #tpu.memory_space<vmem_shared>>
      tpu.wait_indirect_dma semaphore(%arg21 : memref<!tpu.dma_semaphore, #tpu.memory_space<semaphore_mem>>) src(%arg12 : memref<128x64xf32, #tpu.memory_space<vmem>>) dst(%dma_wait3A_189 : memref<10240x64xf32, #tpu.memory_space<vmem_shared>>)
      %dma_wait3A_190 = arith.constant 0 : i32
      %dma_wait3A_191 = tpu.memref_slice %arg8[%add3A_154, %dma_wait3A_190] : memref<144x128xi32, #tpu.memory_space<vmem>> -> memref<1x128xi32, #tpu.memory_space<vmem>>
      %dma_wait3A_192 = tpu.memref_squeeze %dma_wait3A_191 : memref<1x128xi32, #tpu.memory_space<vmem>> -> memref<128xi32, #tpu.memory_space<vmem>>
      %dma_wait3A_193 = arith.constant 0 : i32
      %dma_wait3A_194 = arith.constant 0 : i32
      %dma_wait3A_195 = tpu.memref_slice %arg14[%dma_wait3A_193, %dma_wait3A_194] : memref<10240x64xf32, #tpu.memory_space<vmem_shared>> -> memref<10240x64xf32, #tpu.memory_space<vmem_shared>>
      tpu.wait_indirect_dma semaphore(%arg22 : memref<!tpu.dma_semaphore, #tpu.memory_space<semaphore_mem>>) src(%arg13 : memref<128x64xf32, #tpu.memory_space<vmem>>) dst(%dma_wait3A_195 : memref<10240x64xf32, #tpu.memory_space<vmem_shared>>)
    }
    %while3A_41 = arith.constant 1 : i32
    scf.for %while3A_48 = %while3A_39 to %while3A_35 step %while3A_41  : i32 {
      %mul3A_49 = arith.muli %while3A_48, %while3A : i32
      %add3A_50 = arith.addi %while3A_32, %mul3A_49 : i32
      %mul3A_51 = arith.constant 4 : i32
      %mul3A_52 = arith.muli %add3A_50, %mul3A_51 : i32
      %add3A_53 = arith.constant 0 : i32
      %add3A_54 = arith.addi %mul3A_52, %add3A_53 : i32
      %dma_start3A = arith.constant 0 : i32
      %dma_start3A_55 = tpu.memref_slice %arg7[%add3A_54, %dma_start3A] : memref<144x128xi32, #tpu.memory_space<vmem>> -> memref<1x128xi32, #tpu.memory_space<vmem>>
      %dma_start3A_56 = tpu.memref_squeeze %dma_start3A_55 : memref<1x128xi32, #tpu.memory_space<vmem>> -> memref<128xi32, #tpu.memory_space<vmem>>
      %dma_start3A_57 = arith.constant 0 : i32
      %dma_start3A_58 = arith.constant 0 : i32
      %dma_start3A_59 = tpu.memref_slice %arg2[%dma_start3A_57, %dma_start3A_58] : memref<10240x64xf32, #tpu.memory_space<hbm>> -> memref<10240x64xf32, #tpu.memory_space<hbm>>
      tpu.enqueue_indirect_dma source(%dma_start3A_59 : memref<10240x64xf32, #tpu.memory_space<hbm>>) target(%arg10 : memref<128x64xf32, #tpu.memory_space<vmem>>) offsets(%dma_start3A_56 : memref<128xi32, #tpu.memory_space<vmem>>) semaphore(%arg15 : memref<!tpu.dma_semaphore, #tpu.memory_space<semaphore_mem>>)
      %mul3A_60 = arith.constant 4 : i32
      %mul3A_61 = arith.muli %add3A_50, %mul3A_60 : i32
      %add3A_62 = arith.constant 1 : i32
      %add3A_63 = arith.addi %mul3A_61, %add3A_62 : i32
      %dma_start3A_64 = arith.constant 0 : i32
      %dma_start3A_65 = tpu.memref_slice %arg7[%add3A_63, %dma_start3A_64] : memref<144x128xi32, #tpu.memory_space<vmem>> -> memref<1x128xi32, #tpu.memory_space<vmem>>
      %dma_start3A_66 = tpu.memref_squeeze %dma_start3A_65 : memref<1x128xi32, #tpu.memory_space<vmem>> -> memref<128xi32, #tpu.memory_space<vmem>>
      %dma_start3A_67 = arith.constant 0 : i32
      %dma_start3A_68 = arith.constant 0 : i32
      %dma_start3A_69 = tpu.memref_slice %arg2[%dma_start3A_67, %dma_start3A_68] : memref<10240x64xf32, #tpu.memory_space<hbm>> -> memref<10240x64xf32, #tpu.memory_space<hbm>>
      tpu.enqueue_indirect_dma source(%dma_start3A_69 : memref<10240x64xf32, #tpu.memory_space<hbm>>) target(%arg11 : memref<128x64xf32, #tpu.memory_space<vmem>>) offsets(%dma_start3A_66 : memref<128xi32, #tpu.memory_space<vmem>>) semaphore(%arg16 : memref<!tpu.dma_semaphore, #tpu.memory_space<semaphore_mem>>)
      %mul3A_70 = arith.constant 4 : i32
      %mul3A_71 = arith.muli %add3A_50, %mul3A_70 : i32
      %add3A_72 = arith.constant 2 : i32
      %add3A_73 = arith.addi %mul3A_71, %add3A_72 : i32
      %dma_start3A_74 = arith.constant 0 : i32
      %dma_start3A_75 = tpu.memref_slice %arg7[%add3A_73, %dma_start3A_74] : memref<144x128xi32, #tpu.memory_space<vmem>> -> memref<1x128xi32, #tpu.memory_space<vmem>>
      %dma_start3A_76 = tpu.memref_squeeze %dma_start3A_75 : memref<1x128xi32, #tpu.memory_space<vmem>> -> memref<128xi32, #tpu.memory_space<vmem>>
      %dma_start3A_77 = arith.constant 0 : i32
      %dma_start3A_78 = arith.constant 0 : i32
      %dma_start3A_79 = tpu.memref_slice %arg2[%dma_start3A_77, %dma_start3A_78] : memref<10240x64xf32, #tpu.memory_space<hbm>> -> memref<10240x64xf32, #tpu.memory_space<hbm>>
      tpu.enqueue_indirect_dma source(%dma_start3A_79 : memref<10240x64xf32, #tpu.memory_space<hbm>>) target(%arg12 : memref<128x64xf32, #tpu.memory_space<vmem>>) offsets(%dma_start3A_76 : memref<128xi32, #tpu.memory_space<vmem>>) semaphore(%arg17 : memref<!tpu.dma_semaphore, #tpu.memory_space<semaphore_mem>>)
      %mul3A_80 = arith.constant 4 : i32
      %mul3A_81 = arith.muli %add3A_50, %mul3A_80 : i32
      %add3A_82 = arith.constant 3 : i32
      %add3A_83 = arith.addi %mul3A_81, %add3A_82 : i32
      %dma_start3A_84 = arith.constant 0 : i32
      %dma_start3A_85 = tpu.memref_slice %arg7[%add3A_83, %dma_start3A_84] : memref<144x128xi32, #tpu.memory_space<vmem>> -> memref<1x128xi32, #tpu.memory_space<vmem>>
      %dma_start3A_86 = tpu.memref_squeeze %dma_start3A_85 : memref<1x128xi32, #tpu.memory_space<vmem>> -> memref<128xi32, #tpu.memory_space<vmem>>
      %dma_start3A_87 = arith.constant 0 : i32
      %dma_start3A_88 = arith.constant 0 : i32
      %dma_start3A_89 = tpu.memref_slice %arg2[%dma_start3A_87, %dma_start3A_88] : memref<10240x64xf32, #tpu.memory_space<hbm>> -> memref<10240x64xf32, #tpu.memory_space<hbm>>
      tpu.enqueue_indirect_dma source(%dma_start3A_89 : memref<10240x64xf32, #tpu.memory_space<hbm>>) target(%arg13 : memref<128x64xf32, #tpu.memory_space<vmem>>) offsets(%dma_start3A_86 : memref<128xi32, #tpu.memory_space<vmem>>) semaphore(%arg18 : memref<!tpu.dma_semaphore, #tpu.memory_space<semaphore_mem>>)
      %mul3A_90 = arith.constant 4 : i32
      %mul3A_91 = arith.muli %add3A_50, %mul3A_90 : i32
      %add3A_92 = arith.constant 0 : i32
      %add3A_93 = arith.addi %mul3A_91, %add3A_92 : i32
      %dma_wait3A = arith.constant 0 : i32
      %dma_wait3A_94 = tpu.memref_slice %arg7[%add3A_54, %dma_wait3A] : memref<144x128xi32, #tpu.memory_space<vmem>> -> memref<1x128xi32, #tpu.memory_space<vmem>>
      %dma_wait3A_95 = tpu.memref_squeeze %dma_wait3A_94 : memref<1x128xi32, #tpu.memory_space<vmem>> -> memref<128xi32, #tpu.memory_space<vmem>>
      %dma_wait3A_96 = arith.constant 0 : i32
      %dma_wait3A_97 = arith.constant 0 : i32
      %dma_wait3A_98 = tpu.memref_slice %arg2[%dma_wait3A_96, %dma_wait3A_97] : memref<10240x64xf32, #tpu.memory_space<hbm>> -> memref<10240x64xf32, #tpu.memory_space<hbm>>
      tpu.wait_indirect_dma semaphore(%arg15 : memref<!tpu.dma_semaphore, #tpu.memory_space<semaphore_mem>>) src(%dma_wait3A_98 : memref<10240x64xf32, #tpu.memory_space<hbm>>) dst(%arg10 : memref<128x64xf32, #tpu.memory_space<vmem>>)
      %mul3A_99 = arith.constant 128 : i32
      %mul3A_100 = arith.muli %add3A_93, %mul3A_99 : i32
      %parallel_loop3A = arith.constant 0 : i32
      %parallel_loop3A_101 = arith.constant 128 : i32
      %parallel_loop3A_102 = arith.constant 1 : i32
      scf.for %parallel_loop3A_196 = %parallel_loop3A to %parallel_loop3A_101 step %parallel_loop3A_102  : i32 {
        %parallel_loop3A_197 = arith.addi %mul3A_100, %parallel_loop3A_196 : i32
        %parallel_loop3A_198 = vector.broadcast %parallel_loop3A_197 : i32 to vector<16xi32>
        %parallel_loop3A_199 = tpu.vector_load_idx %arg9[%parallel_loop3A_198] : memref<18432xf32, #tpu.memory_space<vmem>>[vector<16xi32>], vector<16xf32>,
        %parallel_loop3A_200 = arith.index_cast %parallel_loop3A_196 : i32 to index
        %parallel_loop3A_201 = arith.constant 0 : index
        %parallel_loop3A_202 = tpu.vector_load %arg10[%parallel_loop3A_200, %parallel_loop3A_201] {strides = array<i32>} : memref<128x64xf32, #tpu.memory_space<vmem>>, vector<16xf32>,
        %parallel_loop3A_203 = arith.mulf %parallel_loop3A_202, %parallel_loop3A_199 : vector<16xf32>
        %parallel_loop3A_204 = arith.index_cast %parallel_loop3A_196 : i32 to index
        %parallel_loop3A_205 = arith.constant 0 : index
        %parallel_loop3A_206 = tpu.vector_load %arg10[%parallel_loop3A_204, %parallel_loop3A_205] {strides = array<i32>} : memref<128x64xf32, #tpu.memory_space<vmem>>, vector<16xf32>,
        tpu.vector_store %arg10[%parallel_loop3A_204, %parallel_loop3A_205], %parallel_loop3A_203 {strides = array<i32>} : memref<128x64xf32, #tpu.memory_space<vmem>>, vector<16xf32>,
        %parallel_loop3A_207 = arith.index_cast %parallel_loop3A_196 : i32 to index
        %parallel_loop3A_208 = arith.constant 16 : index
        %parallel_loop3A_209 = tpu.vector_load %arg10[%parallel_loop3A_207, %parallel_loop3A_208] {strides = array<i32>} : memref<128x64xf32, #tpu.memory_space<vmem>>, vector<16xf32>,
        %parallel_loop3A_210 = arith.mulf %parallel_loop3A_209, %parallel_loop3A_199 : vector<16xf32>
        %parallel_loop3A_211 = arith.index_cast %parallel_loop3A_196 : i32 to index
        %parallel_loop3A_212 = arith.constant 16 : index
        %parallel_loop3A_213 = tpu.vector_load %arg10[%parallel_loop3A_211, %parallel_loop3A_212] {strides = array<i32>} : memref<128x64xf32, #tpu.memory_space<vmem>>, vector<16xf32>,
        tpu.vector_store %arg10[%parallel_loop3A_211, %parallel_loop3A_212], %parallel_loop3A_210 {strides = array<i32>} : memref<128x64xf32, #tpu.memory_space<vmem>>, vector<16xf32>,
        %parallel_loop3A_214 = arith.index_cast %parallel_loop3A_196 : i32 to index
        %parallel_loop3A_215 = arith.constant 32 : index
        %parallel_loop3A_216 = tpu.vector_load %arg10[%parallel_loop3A_214, %parallel_loop3A_215] {strides = array<i32>} : memref<128x64xf32, #tpu.memory_space<vmem>>, vector<16xf32>,
        %parallel_loop3A_217 = arith.mulf %parallel_loop3A_216, %parallel_loop3A_199 : vector<16xf32>
        %parallel_loop3A_218 = arith.index_cast %parallel_loop3A_196 : i32 to index
        %parallel_loop3A_219 = arith.constant 32 : index
        %parallel_loop3A_220 = tpu.vector_load %arg10[%parallel_loop3A_218, %parallel_loop3A_219] {strides = array<i32>} : memref<128x64xf32, #tpu.memory_space<vmem>>, vector<16xf32>,
        tpu.vector_store %arg10[%parallel_loop3A_218, %parallel_loop3A_219], %parallel_loop3A_217 {strides = array<i32>} : memref<128x64xf32, #tpu.memory_space<vmem>>, vector<16xf32>,
        %parallel_loop3A_221 = arith.index_cast %parallel_loop3A_196 : i32 to index
        %parallel_loop3A_222 = arith.constant 48 : index
        %parallel_loop3A_223 = tpu.vector_load %arg10[%parallel_loop3A_221, %parallel_loop3A_222] {strides = array<i32>} : memref<128x64xf32, #tpu.memory_space<vmem>>, vector<16xf32>,
        %parallel_loop3A_224 = arith.mulf %parallel_loop3A_223, %parallel_loop3A_199 : vector<16xf32>
        %parallel_loop3A_225 = arith.index_cast %parallel_loop3A_196 : i32 to index
        %parallel_loop3A_226 = arith.constant 48 : index
        %parallel_loop3A_227 = tpu.vector_load %arg10[%parallel_loop3A_225, %parallel_loop3A_226] {strides = array<i32>} : memref<128x64xf32, #tpu.memory_space<vmem>>, vector<16xf32>,
        tpu.vector_store %arg10[%parallel_loop3A_225, %parallel_loop3A_226], %parallel_loop3A_224 {strides = array<i32>} : memref<128x64xf32, #tpu.memory_space<vmem>>, vector<16xf32>,
      } {sc.loop_unroll_factor = 2 : i64, sc.parallel_access}
      %dma_start3A_103 = arith.constant 0 : i32
      %dma_start3A_104 = tpu.memref_slice %arg8[%add3A_93, %dma_start3A_103] : memref<144x128xi32, #tpu.memory_space<vmem>> -> memref<1x128xi32, #tpu.memory_space<vmem>>
      %dma_start3A_105 = tpu.memref_squeeze %dma_start3A_104 : memref<1x128xi32, #tpu.memory_space<vmem>> -> memref<128xi32, #tpu.memory_space<vmem>>
      %dma_start3A_106 = arith.constant 0 : i32
      %dma_start3A_107 = arith.constant 0 : i32
      %dma_start3A_108 = tpu.memref_slice %arg14[%dma_start3A_106, %dma_start3A_107] : memref<10240x64xf32, #tpu.memory_space<vmem_shared>> -> memref<10240x64xf32, #tpu.memory_space<vmem_shared>>
      tpu.enqueue_indirect_dma source(%arg10 : memref<128x64xf32, #tpu.memory_space<vmem>>) target(%dma_start3A_108 : memref<10240x64xf32, #tpu.memory_space<vmem_shared>>) offsets(%dma_start3A_105 : memref<128xi32, #tpu.memory_space<vmem>>) semaphore(%arg19 : memref<!tpu.dma_semaphore, #tpu.memory_space<semaphore_mem>>) {add = true}
      %mul3A_109 = arith.constant 4 : i32
      %mul3A_110 = arith.muli %add3A_50, %mul3A_109 : i32
      %add3A_111 = arith.constant 1 : i32
      %add3A_112 = arith.addi %mul3A_110, %add3A_111 : i32
      %dma_wait3A_113 = arith.constant 0 : i32
      %dma_wait3A_114 = tpu.memref_slice %arg7[%add3A_63, %dma_wait3A_113] : memref<144x128xi32, #tpu.memory_space<vmem>> -> memref<1x128xi32, #tpu.memory_space<vmem>>
      %dma_wait3A_115 = tpu.memref_squeeze %dma_wait3A_114 : memref<1x128xi32, #tpu.memory_space<vmem>> -> memref<128xi32, #tpu.memory_space<vmem>>
      %dma_wait3A_116 = arith.constant 0 : i32
      %dma_wait3A_117 = arith.constant 0 : i32
      %dma_wait3A_118 = tpu.memref_slice %arg2[%dma_wait3A_116, %dma_wait3A_117] : memref<10240x64xf32, #tpu.memory_space<hbm>> -> memref<10240x64xf32, #tpu.memory_space<hbm>>
      tpu.wait_indirect_dma semaphore(%arg16 : memref<!tpu.dma_semaphore, #tpu.memory_space<semaphore_mem>>) src(%dma_wait3A_118 : memref<10240x64xf32, #tpu.memory_space<hbm>>) dst(%arg11 : memref<128x64xf32, #tpu.memory_space<vmem>>)
      %mul3A_119 = arith.constant 128 : i32
      %mul3A_120 = arith.muli %add3A_112, %mul3A_119 : i32
      %parallel_loop3A_121 = arith.constant 0 : i32
      %parallel_loop3A_122 = arith.constant 128 : i32
      %parallel_loop3A_123 = arith.constant 1 : i32
      scf.for %parallel_loop3A_196 = %parallel_loop3A_121 to %parallel_loop3A_122 step %parallel_loop3A_123  : i32 {
        %parallel_loop3A_197 = arith.addi %mul3A_120, %parallel_loop3A_196 : i32
        %parallel_loop3A_198 = vector.broadcast %parallel_loop3A_197 : i32 to vector<16xi32>
        %parallel_loop3A_199 = tpu.vector_load_idx %arg9[%parallel_loop3A_198] : memref<18432xf32, #tpu.memory_space<vmem>>[vector<16xi32>], vector<16xf32>,
        %parallel_loop3A_200 = arith.index_cast %parallel_loop3A_196 : i32 to index
        %parallel_loop3A_201 = arith.constant 0 : index
        %parallel_loop3A_202 = tpu.vector_load %arg11[%parallel_loop3A_200, %parallel_loop3A_201] {strides = array<i32>} : memref<128x64xf32, #tpu.memory_space<vmem>>, vector<16xf32>,
        %parallel_loop3A_203 = arith.mulf %parallel_loop3A_202, %parallel_loop3A_199 : vector<16xf32>
        %parallel_loop3A_204 = arith.index_cast %parallel_loop3A_196 : i32 to index
        %parallel_loop3A_205 = arith.constant 0 : index
        %parallel_loop3A_206 = tpu.vector_load %arg11[%parallel_loop3A_204, %parallel_loop3A_205] {strides = array<i32>} : memref<128x64xf32, #tpu.memory_space<vmem>>, vector<16xf32>,
        tpu.vector_store %arg11[%parallel_loop3A_204, %parallel_loop3A_205], %parallel_loop3A_203 {strides = array<i32>} : memref<128x64xf32, #tpu.memory_space<vmem>>, vector<16xf32>,
        %parallel_loop3A_207 = arith.index_cast %parallel_loop3A_196 : i32 to index
        %parallel_loop3A_208 = arith.constant 16 : index
        %parallel_loop3A_209 = tpu.vector_load %arg11[%parallel_loop3A_207, %parallel_loop3A_208] {strides = array<i32>} : memref<128x64xf32, #tpu.memory_space<vmem>>, vector<16xf32>,
        %parallel_loop3A_210 = arith.mulf %parallel_loop3A_209, %parallel_loop3A_199 : vector<16xf32>
        %parallel_loop3A_211 = arith.index_cast %parallel_loop3A_196 : i32 to index
        %parallel_loop3A_212 = arith.constant 16 : index
        %parallel_loop3A_213 = tpu.vector_load %arg11[%parallel_loop3A_211, %parallel_loop3A_212] {strides = array<i32>} : memref<128x64xf32, #tpu.memory_space<vmem>>, vector<16xf32>,
        tpu.vector_store %arg11[%parallel_loop3A_211, %parallel_loop3A_212], %parallel_loop3A_210 {strides = array<i32>} : memref<128x64xf32, #tpu.memory_space<vmem>>, vector<16xf32>,
        %parallel_loop3A_214 = arith.index_cast %parallel_loop3A_196 : i32 to index
        %parallel_loop3A_215 = arith.constant 32 : index
        %parallel_loop3A_216 = tpu.vector_load %arg11[%parallel_loop3A_214, %parallel_loop3A_215] {strides = array<i32>} : memref<128x64xf32, #tpu.memory_space<vmem>>, vector<16xf32>,
        %parallel_loop3A_217 = arith.mulf %parallel_loop3A_216, %parallel_loop3A_199 : vector<16xf32>
        %parallel_loop3A_218 = arith.index_cast %parallel_loop3A_196 : i32 to index
        %parallel_loop3A_219 = arith.constant 32 : index
        %parallel_loop3A_220 = tpu.vector_load %arg11[%parallel_loop3A_218, %parallel_loop3A_219] {strides = array<i32>} : memref<128x64xf32, #tpu.memory_space<vmem>>, vector<16xf32>,
        tpu.vector_store %arg11[%parallel_loop3A_218, %parallel_loop3A_219], %parallel_loop3A_217 {strides = array<i32>} : memref<128x64xf32, #tpu.memory_space<vmem>>, vector<16xf32>,
        %parallel_loop3A_221 = arith.index_cast %parallel_loop3A_196 : i32 to index
        %parallel_loop3A_222 = arith.constant 48 : index
        %parallel_loop3A_223 = tpu.vector_load %arg11[%parallel_loop3A_221, %parallel_loop3A_222] {strides = array<i32>} : memref<128x64xf32, #tpu.memory_space<vmem>>, vector<16xf32>,
        %parallel_loop3A_224 = arith.mulf %parallel_loop3A_223, %parallel_loop3A_199 : vector<16xf32>
        %parallel_loop3A_225 = arith.index_cast %parallel_loop3A_196 : i32 to index
        %parallel_loop3A_226 = arith.constant 48 : index
        %parallel_loop3A_227 = tpu.vector_load %arg11[%parallel_loop3A_225, %parallel_loop3A_226] {strides = array<i32>} : memref<128x64xf32, #tpu.memory_space<vmem>>, vector<16xf32>,
        tpu.vector_store %arg11[%parallel_loop3A_225, %parallel_loop3A_226], %parallel_loop3A_224 {strides = array<i32>} : memref<128x64xf32, #tpu.memory_space<vmem>>, vector<16xf32>,
      } {sc.loop_unroll_factor = 2 : i64, sc.parallel_access}
      %dma_start3A_124 = arith.constant 0 : i32
      %dma_start3A_125 = tpu.memref_slice %arg8[%add3A_112, %dma_start3A_124] : memref<144x128xi32, #tpu.memory_space<vmem>> -> memref<1x128xi32, #tpu.memory_space<vmem>>
      %dma_start3A_126 = tpu.memref_squeeze %dma_start3A_125 : memref<1x128xi32, #tpu.memory_space<vmem>> -> memref<128xi32, #tpu.memory_space<vmem>>
      %dma_start3A_127 = arith.constant 0 : i32
      %dma_start3A_128 = arith.constant 0 : i32
      %dma_start3A_129 = tpu.memref_slice %arg14[%dma_start3A_127, %dma_start3A_128] : memref<10240x64xf32, #tpu.memory_space<vmem_shared>> -> memref<10240x64xf32, #tpu.memory_space<vmem_shared>>
      tpu.enqueue_indirect_dma source(%arg11 : memref<128x64xf32, #tpu.memory_space<vmem>>) target(%dma_start3A_129 : memref<10240x64xf32, #tpu.memory_space<vmem_shared>>) offsets(%dma_start3A_126 : memref<128xi32, #tpu.memory_space<vmem>>) semaphore(%arg20 : memref<!tpu.dma_semaphore, #tpu.memory_space<semaphore_mem>>) {add = true}
      %mul3A_130 = arith.constant 4 : i32
      %mul3A_131 = arith.muli %add3A_50, %mul3A_130 : i32
      %add3A_132 = arith.constant 2 : i32
      %add3A_133 = arith.addi %mul3A_131, %add3A_132 : i32
      %dma_wait3A_134 = arith.constant 0 : i32
      %dma_wait3A_135 = tpu.memref_slice %arg7[%add3A_73, %dma_wait3A_134] : memref<144x128xi32, #tpu.memory_space<vmem>> -> memref<1x128xi32, #tpu.memory_space<vmem>>
      %dma_wait3A_136 = tpu.memref_squeeze %dma_wait3A_135 : memref<1x128xi32, #tpu.memory_space<vmem>> -> memref<128xi32, #tpu.memory_space<vmem>>
      %dma_wait3A_137 = arith.constant 0 : i32
      %dma_wait3A_138 = arith.constant 0 : i32
      %dma_wait3A_139 = tpu.memref_slice %arg2[%dma_wait3A_137, %dma_wait3A_138] : memref<10240x64xf32, #tpu.memory_space<hbm>> -> memref<10240x64xf32, #tpu.memory_space<hbm>>
      tpu.wait_indirect_dma semaphore(%arg17 : memref<!tpu.dma_semaphore, #tpu.memory_space<semaphore_mem>>) src(%dma_wait3A_139 : memref<10240x64xf32, #tpu.memory_space<hbm>>) dst(%arg12 : memref<128x64xf32, #tpu.memory_space<vmem>>)
      %mul3A_140 = arith.constant 128 : i32
      %mul3A_141 = arith.muli %add3A_133, %mul3A_140 : i32
      %parallel_loop3A_142 = arith.constant 0 : i32
      %parallel_loop3A_143 = arith.constant 128 : i32
      %parallel_loop3A_144 = arith.constant 1 : i32
      scf.for %parallel_loop3A_196 = %parallel_loop3A_142 to %parallel_loop3A_143 step %parallel_loop3A_144  : i32 {
        %parallel_loop3A_197 = arith.addi %mul3A_141, %parallel_loop3A_196 : i32
        %parallel_loop3A_198 = vector.broadcast %parallel_loop3A_197 : i32 to vector<16xi32>
        %parallel_loop3A_199 = tpu.vector_load_idx %arg9[%parallel_loop3A_198] : memref<18432xf32, #tpu.memory_space<vmem>>[vector<16xi32>], vector<16xf32>,
        %parallel_loop3A_200 = arith.index_cast %parallel_loop3A_196 : i32 to index
        %parallel_loop3A_201 = arith.constant 0 : index
        %parallel_loop3A_202 = tpu.vector_load %arg12[%parallel_loop3A_200, %parallel_loop3A_201] {strides = array<i32>} : memref<128x64xf32, #tpu.memory_space<vmem>>, vector<16xf32>,
        %parallel_loop3A_203 = arith.mulf %parallel_loop3A_202, %parallel_loop3A_199 : vector<16xf32>
        %parallel_loop3A_204 = arith.index_cast %parallel_loop3A_196 : i32 to index
        %parallel_loop3A_205 = arith.constant 0 : index
        %parallel_loop3A_206 = tpu.vector_load %arg12[%parallel_loop3A_204, %parallel_loop3A_205] {strides = array<i32>} : memref<128x64xf32, #tpu.memory_space<vmem>>, vector<16xf32>,
        tpu.vector_store %arg12[%parallel_loop3A_204, %parallel_loop3A_205], %parallel_loop3A_203 {strides = array<i32>} : memref<128x64xf32, #tpu.memory_space<vmem>>, vector<16xf32>,
        %parallel_loop3A_207 = arith.index_cast %parallel_loop3A_196 : i32 to index
        %parallel_loop3A_208 = arith.constant 16 : index
        %parallel_loop3A_209 = tpu.vector_load %arg12[%parallel_loop3A_207, %parallel_loop3A_208] {strides = array<i32>} : memref<128x64xf32, #tpu.memory_space<vmem>>, vector<16xf32>,
        %parallel_loop3A_210 = arith.mulf %parallel_loop3A_209, %parallel_loop3A_199 : vector<16xf32>
        %parallel_loop3A_211 = arith.index_cast %parallel_loop3A_196 : i32 to index
        %parallel_loop3A_212 = arith.constant 16 : index
        %parallel_loop3A_213 = tpu.vector_load %arg12[%parallel_loop3A_211, %parallel_loop3A_212] {strides = array<i32>} : memref<128x64xf32, #tpu.memory_space<vmem>>, vector<16xf32>,
        tpu.vector_store %arg12[%parallel_loop3A_211, %parallel_loop3A_212], %parallel_loop3A_210 {strides = array<i32>} : memref<128x64xf32, #tpu.memory_space<vmem>>, vector<16xf32>,
        %parallel_loop3A_214 = arith.index_cast %parallel_loop3A_196 : i32 to index
        %parallel_loop3A_215 = arith.constant 32 : index
        %parallel_loop3A_216 = tpu.vector_load %arg12[%parallel_loop3A_214, %parallel_loop3A_215] {strides = array<i32>} : memref<128x64xf32, #tpu.memory_space<vmem>>, vector<16xf32>,
        %parallel_loop3A_217 = arith.mulf %parallel_loop3A_216, %parallel_loop3A_199 : vector<16xf32>
        %parallel_loop3A_218 = arith.index_cast %parallel_loop3A_196 : i32 to index
        %parallel_loop3A_219 = arith.constant 32 : index
        %parallel_loop3A_220 = tpu.vector_load %arg12[%parallel_loop3A_218, %parallel_loop3A_219] {strides = array<i32>} : memref<128x64xf32, #tpu.memory_space<vmem>>, vector<16xf32>,
        tpu.vector_store %arg12[%parallel_loop3A_218, %parallel_loop3A_219], %parallel_loop3A_217 {strides = array<i32>} : memref<128x64xf32, #tpu.memory_space<vmem>>, vector<16xf32>,
        %parallel_loop3A_221 = arith.index_cast %parallel_loop3A_196 : i32 to index
        %parallel_loop3A_222 = arith.constant 48 : index
        %parallel_loop3A_223 = tpu.vector_load %arg12[%parallel_loop3A_221, %parallel_loop3A_222] {strides = array<i32>} : memref<128x64xf32, #tpu.memory_space<vmem>>, vector<16xf32>,
        %parallel_loop3A_224 = arith.mulf %parallel_loop3A_223, %parallel_loop3A_199 : vector<16xf32>
        %parallel_loop3A_225 = arith.index_cast %parallel_loop3A_196 : i32 to index
        %parallel_loop3A_226 = arith.constant 48 : index
        %parallel_loop3A_227 = tpu.vector_load %arg12[%parallel_loop3A_225, %parallel_loop3A_226] {strides = array<i32>} : memref<128x64xf32, #tpu.memory_space<vmem>>, vector<16xf32>,
        tpu.vector_store %arg12[%parallel_loop3A_225, %parallel_loop3A_226], %parallel_loop3A_224 {strides = array<i32>} : memref<128x64xf32, #tpu.memory_space<vmem>>, vector<16xf32>,
      } {sc.loop_unroll_factor = 2 : i64, sc.parallel_access}
      %dma_start3A_145 = arith.constant 0 : i32
      %dma_start3A_146 = tpu.memref_slice %arg8[%add3A_133, %dma_start3A_145] : memref<144x128xi32, #tpu.memory_space<vmem>> -> memref<1x128xi32, #tpu.memory_space<vmem>>
      %dma_start3A_147 = tpu.memref_squeeze %dma_start3A_146 : memref<1x128xi32, #tpu.memory_space<vmem>> -> memref<128xi32, #tpu.memory_space<vmem>>
      %dma_start3A_148 = arith.constant 0 : i32
      %dma_start3A_149 = arith.constant 0 : i32
      %dma_start3A_150 = tpu.memref_slice %arg14[%dma_start3A_148, %dma_start3A_149] : memref<10240x64xf32, #tpu.memory_space<vmem_shared>> -> memref<10240x64xf32, #tpu.memory_space<vmem_shared>>
      tpu.enqueue_indirect_dma source(%arg12 : memref<128x64xf32, #tpu.memory_space<vmem>>) target(%dma_start3A_150 : memref<10240x64xf32, #tpu.memory_space<vmem_shared>>) offsets(%dma_start3A_147 : memref<128xi32, #tpu.memory_space<vmem>>) semaphore(%arg21 : memref<!tpu.dma_semaphore, #tpu.memory_space<semaphore_mem>>) {add = true}
      %mul3A_151 = arith.constant 4 : i32
      %mul3A_152 = arith.muli %add3A_50, %mul3A_151 : i32
      %add3A_153 = arith.constant 3 : i32
      %add3A_154 = arith.addi %mul3A_152, %add3A_153 : i32
      %dma_wait3A_155 = arith.constant 0 : i32
      %dma_wait3A_156 = tpu.memref_slice %arg7[%add3A_83, %dma_wait3A_155] : memref<144x128xi32, #tpu.memory_space<vmem>> -> memref<1x128xi32, #tpu.memory_space<vmem>>
      %dma_wait3A_157 = tpu.memref_squeeze %dma_wait3A_156 : memref<1x128xi32, #tpu.memory_space<vmem>> -> memref<128xi32, #tpu.memory_space<vmem>>
      %dma_wait3A_158 = arith.constant 0 : i32
      %dma_wait3A_159 = arith.constant 0 : i32
      %dma_wait3A_160 = tpu.memref_slice %arg2[%dma_wait3A_158, %dma_wait3A_159] : memref<10240x64xf32, #tpu.memory_space<hbm>> -> memref<10240x64xf32, #tpu.memory_space<hbm>>
      tpu.wait_indirect_dma semaphore(%arg18 : memref<!tpu.dma_semaphore, #tpu.memory_space<semaphore_mem>>) src(%dma_wait3A_160 : memref<10240x64xf32, #tpu.memory_space<hbm>>) dst(%arg13 : memref<128x64xf32, #tpu.memory_space<vmem>>)
      %mul3A_161 = arith.constant 128 : i32
      %mul3A_162 = arith.muli %add3A_154, %mul3A_161 : i32
      %parallel_loop3A_163 = arith.constant 0 : i32
      %parallel_loop3A_164 = arith.constant 128 : i32
      %parallel_loop3A_165 = arith.constant 1 : i32
      scf.for %parallel_loop3A_196 = %parallel_loop3A_163 to %parallel_loop3A_164 step %parallel_loop3A_165  : i32 {
        %parallel_loop3A_197 = arith.addi %mul3A_162, %parallel_loop3A_196 : i32
        %parallel_loop3A_198 = vector.broadcast %parallel_loop3A_197 : i32 to vector<16xi32>
        %parallel_loop3A_199 = tpu.vector_load_idx %arg9[%parallel_loop3A_198] : memref<18432xf32, #tpu.memory_space<vmem>>[vector<16xi32>], vector<16xf32>,
        %parallel_loop3A_200 = arith.index_cast %parallel_loop3A_196 : i32 to index
        %parallel_loop3A_201 = arith.constant 0 : index
        %parallel_loop3A_202 = tpu.vector_load %arg13[%parallel_loop3A_200, %parallel_loop3A_201] {strides = array<i32>} : memref<128x64xf32, #tpu.memory_space<vmem>>, vector<16xf32>,
        %parallel_loop3A_203 = arith.mulf %parallel_loop3A_202, %parallel_loop3A_199 : vector<16xf32>
        %parallel_loop3A_204 = arith.index_cast %parallel_loop3A_196 : i32 to index
        %parallel_loop3A_205 = arith.constant 0 : index
        %parallel_loop3A_206 = tpu.vector_load %arg13[%parallel_loop3A_204, %parallel_loop3A_205] {strides = array<i32>} : memref<128x64xf32, #tpu.memory_space<vmem>>, vector<16xf32>,
        tpu.vector_store %arg13[%parallel_loop3A_204, %parallel_loop3A_205], %parallel_loop3A_203 {strides = array<i32>} : memref<128x64xf32, #tpu.memory_space<vmem>>, vector<16xf32>,
        %parallel_loop3A_207 = arith.index_cast %parallel_loop3A_196 : i32 to index
        %parallel_loop3A_208 = arith.constant 16 : index
        %parallel_loop3A_209 = tpu.vector_load %arg13[%parallel_loop3A_207, %parallel_loop3A_208] {strides = array<i32>} : memref<128x64xf32, #tpu.memory_space<vmem>>, vector<16xf32>,
        %parallel_loop3A_210 = arith.mulf %parallel_loop3A_209, %parallel_loop3A_199 : vector<16xf32>
        %parallel_loop3A_211 = arith.index_cast %parallel_loop3A_196 : i32 to index
        %parallel_loop3A_212 = arith.constant 16 : index
        %parallel_loop3A_213 = tpu.vector_load %arg13[%parallel_loop3A_211, %parallel_loop3A_212] {strides = array<i32>} : memref<128x64xf32, #tpu.memory_space<vmem>>, vector<16xf32>,
        tpu.vector_store %arg13[%parallel_loop3A_211, %parallel_loop3A_212], %parallel_loop3A_210 {strides = array<i32>} : memref<128x64xf32, #tpu.memory_space<vmem>>, vector<16xf32>,
        %parallel_loop3A_214 = arith.index_cast %parallel_loop3A_196 : i32 to index
        %parallel_loop3A_215 = arith.constant 32 : index
        %parallel_loop3A_216 = tpu.vector_load %arg13[%parallel_loop3A_214, %parallel_loop3A_215] {strides = array<i32>} : memref<128x64xf32, #tpu.memory_space<vmem>>, vector<16xf32>,
        %parallel_loop3A_217 = arith.mulf %parallel_loop3A_216, %parallel_loop3A_199 : vector<16xf32>
        %parallel_loop3A_218 = arith.index_cast %parallel_loop3A_196 : i32 to index
        %parallel_loop3A_219 = arith.constant 32 : index
        %parallel_loop3A_220 = tpu.vector_load %arg13[%parallel_loop3A_218, %parallel_loop3A_219] {strides = array<i32>} : memref<128x64xf32, #tpu.memory_space<vmem>>, vector<16xf32>,
        tpu.vector_store %arg13[%parallel_loop3A_218, %parallel_loop3A_219], %parallel_loop3A_217 {strides = array<i32>} : memref<128x64xf32, #tpu.memory_space<vmem>>, vector<16xf32>,
        %parallel_loop3A_221 = arith.index_cast %parallel_loop3A_196 : i32 to index
        %parallel_loop3A_222 = arith.constant 48 : index
        %parallel_loop3A_223 = tpu.vector_load %arg13[%parallel_loop3A_221, %parallel_loop3A_222] {strides = array<i32>} : memref<128x64xf32, #tpu.memory_space<vmem>>, vector<16xf32>,
        %parallel_loop3A_224 = arith.mulf %parallel_loop3A_223, %parallel_loop3A_199 : vector<16xf32>
        %parallel_loop3A_225 = arith.index_cast %parallel_loop3A_196 : i32 to index
        %parallel_loop3A_226 = arith.constant 48 : index
        %parallel_loop3A_227 = tpu.vector_load %arg13[%parallel_loop3A_225, %parallel_loop3A_226] {strides = array<i32>} : memref<128x64xf32, #tpu.memory_space<vmem>>, vector<16xf32>,
        tpu.vector_store %arg13[%parallel_loop3A_225, %parallel_loop3A_226], %parallel_loop3A_224 {strides = array<i32>} : memref<128x64xf32, #tpu.memory_space<vmem>>, vector<16xf32>,
      } {sc.loop_unroll_factor = 2 : i64, sc.parallel_access}
      %dma_start3A_166 = arith.constant 0 : i32
      %dma_start3A_167 = tpu.memref_slice %arg8[%add3A_154, %dma_start3A_166] : memref<144x128xi32, #tpu.memory_space<vmem>> -> memref<1x128xi32, #tpu.memory_space<vmem>>
      %dma_start3A_168 = tpu.memref_squeeze %dma_start3A_167 : memref<1x128xi32, #tpu.memory_space<vmem>> -> memref<128xi32, #tpu.memory_space<vmem>>
      %dma_start3A_169 = arith.constant 0 : i32
      %dma_start3A_170 = arith.constant 0 : i32
      %dma_start3A_171 = tpu.memref_slice %arg14[%dma_start3A_169, %dma_start3A_170] : memref<10240x64xf32, #tpu.memory_space<vmem_shared>> -> memref<10240x64xf32, #tpu.memory_space<vmem_shared>>
      tpu.enqueue_indirect_dma source(%arg13 : memref<128x64xf32, #tpu.memory_space<vmem>>) target(%dma_start3A_171 : memref<10240x64xf32, #tpu.memory_space<vmem_shared>>) offsets(%dma_start3A_168 : memref<128xi32, #tpu.memory_space<vmem>>) semaphore(%arg22 : memref<!tpu.dma_semaphore, #tpu.memory_space<semaphore_mem>>) {add = true}
      %dma_wait3A_172 = arith.constant 0 : i32
      %dma_wait3A_173 = tpu.memref_slice %arg8[%add3A_93, %dma_wait3A_172] : memref<144x128xi32, #tpu.memory_space<vmem>> -> memref<1x128xi32, #tpu.memory_space<vmem>>
      %dma_wait3A_174 = tpu.memref_squeeze %dma_wait3A_173 : memref<1x128xi32, #tpu.memory_space<vmem>> -> memref<128xi32, #tpu.memory_space<vmem>>
      %dma_wait3A_175 = arith.constant 0 : i32
      %dma_wait3A_176 = arith.constant 0 : i32
      %dma_wait3A_177 = tpu.memref_slice %arg14[%dma_wait3A_175, %dma_wait3A_176] : memref<10240x64xf32, #tpu.memory_space<vmem_shared>> -> memref<10240x64xf32, #tpu.memory_space<vmem_shared>>
      tpu.wait_indirect_dma semaphore(%arg19 : memref<!tpu.dma_semaphore, #tpu.memory_space<semaphore_mem>>) src(%arg10 : memref<128x64xf32, #tpu.memory_space<vmem>>) dst(%dma_wait3A_177 : memref<10240x64xf32, #tpu.memory_space<vmem_shared>>)
      %dma_wait3A_178 = arith.constant 0 : i32
      %dma_wait3A_179 = tpu.memref_slice %arg8[%add3A_112, %dma_wait3A_178] : memref<144x128xi32, #tpu.memory_space<vmem>> -> memref<1x128xi32, #tpu.memory_space<vmem>>
      %dma_wait3A_180 = tpu.memref_squeeze %dma_wait3A_179 : memref<1x128xi32, #tpu.memory_space<vmem>> -> memref<128xi32, #tpu.memory_space<vmem>>
      %dma_wait3A_181 = arith.constant 0 : i32
      %dma_wait3A_182 = arith.constant 0 : i32
      %dma_wait3A_183 = tpu.memref_slice %arg14[%dma_wait3A_181, %dma_wait3A_182] : memref<10240x64xf32, #tpu.memory_space<vmem_shared>> -> memref<10240x64xf32, #tpu.memory_space<vmem_shared>>
      tpu.wait_indirect_dma semaphore(%arg20 : memref<!tpu.dma_semaphore, #tpu.memory_space<semaphore_mem>>) src(%arg11 : memref<128x64xf32, #tpu.memory_space<vmem>>) dst(%dma_wait3A_183 : memref<10240x64xf32, #tpu.memory_space<vmem_shared>>)
      %dma_wait3A_184 = arith.constant 0 : i32
      %dma_wait3A_185 = tpu.memref_slice %arg8[%add3A_133, %dma_wait3A_184] : memref<144x128xi32, #tpu.memory_space<vmem>> -> memref<1x128xi32, #tpu.memory_space<vmem>>
      %dma_wait3A_186 = tpu.memref_squeeze %dma_wait3A_185 : memref<1x128xi32, #tpu.memory_space<vmem>> -> memref<128xi32, #tpu.memory_space<vmem>>
      %dma_wait3A_187 = arith.constant 0 : i32
      %dma_wait3A_188 = arith.constant 0 : i32
      %dma_wait3A_189 = tpu.memref_slice %arg14[%dma_wait3A_187, %dma_wait3A_188] : memref<10240x64xf32, #tpu.memory_space<vmem_shared>> -> memref<10240x64xf32, #tpu.memory_space<vmem_shared>>
      tpu.wait_indirect_dma semaphore(%arg21 : memref<!tpu.dma_semaphore, #tpu.memory_space<semaphore_mem>>) src(%arg12 : memref<128x64xf32, #tpu.memory_space<vmem>>) dst(%dma_wait3A_189 : memref<10240x64xf32, #tpu.memory_space<vmem_shared>>)
      %dma_wait3A_190 = arith.constant 0 : i32
      %dma_wait3A_191 = tpu.memref_slice %arg8[%add3A_154, %dma_wait3A_190] : memref<144x128xi32, #tpu.memory_space<vmem>> -> memref<1x128xi32, #tpu.memory_space<vmem>>
      %dma_wait3A_192 = tpu.memref_squeeze %dma_wait3A_191 : memref<1x128xi32, #tpu.memory_space<vmem>> -> memref<128xi32, #tpu.memory_space<vmem>>
      %dma_wait3A_193 = arith.constant 0 : i32
      %dma_wait3A_194 = arith.constant 0 : i32
      %dma_wait3A_195 = tpu.memref_slice %arg14[%dma_wait3A_193, %dma_wait3A_194] : memref<10240x64xf32, #tpu.memory_space<vmem_shared>> -> memref<10240x64xf32, #tpu.memory_space<vmem_shared>>
      tpu.wait_indirect_dma semaphore(%arg22 : memref<!tpu.dma_semaphore, #tpu.memory_space<semaphore_mem>>) src(%arg13 : memref<128x64xf32, #tpu.memory_space<vmem>>) dst(%dma_wait3A_195 : memref<10240x64xf32, #tpu.memory_space<vmem_shared>>)
    }
    %barrier3A_42 = arith.constant 0 : index
    tpu.barrier barrier_id(%barrier3A_42)
    %scan3A_43 = arith.constant 0 : i32
    %scan3A_44 = arith.constant 5 : i32
    %scan3A_45 = arith.addi %scan3A_43, %scan3A_44 : i32
    %scan3A_46 = arith.constant 1 : i32
    scf.for %scan3A_48 = %scan3A_43 to %scan3A_45 step %scan3A_46  : i32 {
      %mul3A_49 = arith.constant 1 : i32
      %mul3A_50 = arith.muli %scan3A_48, %mul3A_49 : i32
      %add3A_51 = arith.constant 0 : i32
      %add3A_52 = arith.addi %add3A_51, %mul3A_50 : i32
      %mul3A_53 = arith.constant 640 : i32
      %mul3A_54 = arith.muli %arg1, %mul3A_53 : i32
      %mul3A_55 = arith.constant 128 : i32
      %mul3A_56 = arith.muli %add3A_52, %mul3A_55 : i32
      %add3A_57 = arith.addi %mul3A_54, %mul3A_56 : i32
      "tpu.region"() ({
        %run_scoped3A = tpu.sem_alloc : memref<!tpu.dma_semaphore, #tpu.memory_space<semaphore_mem>>
        %dma_start3A = arith.constant 0 : i32
        %dma_start3A_58 = tpu.memref_slice %arg6[%arg0, %add3A_57, %dma_start3A] : memref<2x10240x64xf32, #tpu.memory_space<hbm>> -> memref<1x128x64xf32, #tpu.memory_space<hbm>>
        %dma_start3A_59 = tpu.memref_squeeze %dma_start3A_58 : memref<1x128x64xf32, #tpu.memory_space<hbm>> -> memref<128x64xf32, #tpu.memory_space<hbm>>
        %dma_start3A_60 = arith.constant 0 : i32
        %dma_start3A_61 = tpu.memref_slice %arg14[%add3A_57, %dma_start3A_60] : memref<10240x64xf32, #tpu.memory_space<vmem_shared>> -> memref<128x64xf32, #tpu.memory_space<vmem_shared>>
        tpu.enqueue_dma source(%dma_start3A_61 : memref<128x64xf32, #tpu.memory_space<vmem_shared>>) target(%dma_start3A_59 : memref<128x64xf32, #tpu.memory_space<hbm>>) target_semaphore(%run_scoped3A : memref<!tpu.dma_semaphore, #tpu.memory_space<semaphore_mem>>)
        %dma_wait3A = arith.constant 0 : i32
        %dma_wait3A_62 = tpu.memref_slice %arg6[%arg0, %add3A_57, %dma_wait3A] : memref<2x10240x64xf32, #tpu.memory_space<hbm>> -> memref<1x128x64xf32, #tpu.memory_space<hbm>>
        %dma_wait3A_63 = tpu.memref_squeeze %dma_wait3A_62 : memref<1x128x64xf32, #tpu.memory_space<hbm>> -> memref<128x64xf32, #tpu.memory_space<hbm>>
        %dma_wait3A_64 = arith.constant 0 : i32
        %dma_wait3A_65 = tpu.memref_slice %arg14[%add3A_57, %dma_wait3A_64] : memref<10240x64xf32, #tpu.memory_space<vmem_shared>> -> memref<128x64xf32, #tpu.memory_space<vmem_shared>>
        tpu.wait_dma2 semaphore(%run_scoped3A : memref<!tpu.dma_semaphore, #tpu.memory_space<semaphore_mem>>) src(%dma_wait3A_65 : memref<128x64xf32, #tpu.memory_space<vmem_shared>>) dst(%dma_wait3A_63 : memref<128x64xf32, #tpu.memory_space<hbm>>)
        tpu.yield
      }) : () -> ()
    }
    %scan3A_47 = arith.constant 5 : i32
    return
  }
}

#map = affine_map<(d0, d1) -> (0, 0)>
#map1 = affine_map<(d0, d1) -> (0)>
#map2 = affine_map<(d0, d1) -> (0, 0, 0)>
module attributes {stable_mosaic.version = 14 : i64} {
  func.func @_prop_body(%arg0: i32, %arg1: i32, %arg2: memref<10240x64xf32, #tpu.memory_space<hbm>>, %arg3: memref<2560x128xi32, #tpu.memory_space<hbm>>, %arg4: memref<2560x128xi32, #tpu.memory_space<hbm>>, %arg5: memref<327680xf32, #tpu.memory_space<hbm>>, %arg6: memref<2x10240x64xf32, #tpu.memory_space<hbm>>, %arg7: memref<144x128xi32, #tpu.memory_space<vmem>>, %arg8: memref<144x128xi32, #tpu.memory_space<vmem>>, %arg9: memref<18432xf32, #tpu.memory_space<vmem>>, %arg10: memref<128x64xf32, #tpu.memory_space<vmem>>, %arg11: memref<128x64xf32, #tpu.memory_space<vmem>>, %arg12: memref<128x64xf32, #tpu.memory_space<vmem>>, %arg13: memref<128x64xf32, #tpu.memory_space<vmem>>, %arg14: memref<10240x64xf32, #tpu.memory_space<vmem_shared>>, %arg15: memref<!tpu.dma_semaphore, #tpu.memory_space<semaphore_mem>>, %arg16: memref<!tpu.dma_semaphore, #tpu.memory_space<semaphore_mem>>, %arg17: memref<!tpu.dma_semaphore, #tpu.memory_space<semaphore_mem>>, %arg18: memref<!tpu.dma_semaphore, #tpu.memory_space<semaphore_mem>>, %arg19: memref<!tpu.dma_semaphore, #tpu.memory_space<semaphore_mem>>, %arg20: memref<!tpu.dma_semaphore, #tpu.memory_space<semaphore_mem>>, %arg21: memref<!tpu.dma_semaphore, #tpu.memory_space<semaphore_mem>>, %arg22: memref<!tpu.dma_semaphore, #tpu.memory_space<semaphore_mem>>) attributes {dimension_semantics = [#tpu.dimension_semantics<core_parallel>, #tpu.dimension_semantics<subcore_parallel>], iteration_bounds = array<i64: 2, 16>, scalar_prefetch = 0 : i64, scratch_operands = 16 : i64, tpu.core_type = #tpu.core_type<sc_vector_subcore>, window_params = [{transform_indices = #map}, {transform_indices = #map}, {transform_indices = #map}, {transform_indices = #map1}, {transform_indices = #map2}]} {
    %scan3A = arith.constant 0 : i32
    %scan3A_0 = arith.constant 128 : i32
    %scan3A_1 = arith.addi %scan3A, %scan3A_0 : i32
    %scan3A_2 = arith.constant 1 : i32
    scf.for %scan3A_48 = %scan3A to %scan3A_1 step %scan3A_2  : i32 {
      %mul3A_49 = arith.constant 1 : i32
      %mul3A_50 = arith.muli %scan3A_48, %mul3A_49 : i32
      %add3A_51 = arith.constant 0 : i32
      %add3A_52 = arith.addi %add3A_51, %mul3A_50 : i32
      %broadcast_in_dim3A = arith.constant 0.000000e+00 : f32
      %broadcast_in_dim3A_53 = vector.broadcast %broadcast_in_dim3A : f32 to vector<16xf32>
      %swap3A = arith.index_cast %add3A_52 : i32 to index
      %swap3A_54 = arith.constant 0 : index
      %swap3A_55 = tpu.vector_load %arg10[%swap3A, %swap3A_54] {strides = array<i32>} : memref<128x64xf32, #tpu.memory_space<vmem>>, vector<16xf32>,
      tpu.vector_store %arg10[%swap3A, %swap3A_54], %broadcast_in_dim3A_53 {strides = array<i32>} : memref<128x64xf32, #tpu.memory_space<vmem>>, vector<16xf32>,
      %broadcast_in_dim3A_56 = arith.constant 0.000000e+00 : f32
      %broadcast_in_dim3A_57 = vector.broadcast %broadcast_in_dim3A_56 : f32 to vector<16xf32>
      %swap3A_58 = arith.index_cast %add3A_52 : i32 to index
      %swap3A_59 = arith.constant 16 : index
      %swap3A_60 = tpu.vector_load %arg10[%swap3A_58, %swap3A_59] {strides = array<i32>} : memref<128x64xf32, #tpu.memory_space<vmem>>, vector<16xf32>,
      tpu.vector_store %arg10[%swap3A_58, %swap3A_59], %broadcast_in_dim3A_57 {strides = array<i32>} : memref<128x64xf32, #tpu.memory_space<vmem>>, vector<16xf32>,
      %broadcast_in_dim3A_61 = arith.constant 0.000000e+00 : f32
      %broadcast_in_dim3A_62 = vector.broadcast %broadcast_in_dim3A_61 : f32 to vector<16xf32>
      %swap3A_63 = arith.index_cast %add3A_52 : i32 to index
      %swap3A_64 = arith.constant 32 : index
      %swap3A_65 = tpu.vector_load %arg10[%swap3A_63, %swap3A_64] {strides = array<i32>} : memref<128x64xf32, #tpu.memory_space<vmem>>, vector<16xf32>,
      tpu.vector_store %arg10[%swap3A_63, %swap3A_64], %broadcast_in_dim3A_62 {strides = array<i32>} : memref<128x64xf32, #tpu.memory_space<vmem>>, vector<16xf32>,
      %broadcast_in_dim3A_66 = arith.constant 0.000000e+00 : f32
      %broadcast_in_dim3A_67 = vector.broadcast %broadcast_in_dim3A_66 : f32 to vector<16xf32>
      %swap3A_68 = arith.index_cast %add3A_52 : i32 to index
      %swap3A_69 = arith.constant 48 : index
      %swap3A_70 = tpu.vector_load %arg10[%swap3A_68, %swap3A_69] {strides = array<i32>} : memref<128x64xf32, #tpu.memory_space<vmem>>, vector<16xf32>,
      tpu.vector_store %arg10[%swap3A_68, %swap3A_69], %broadcast_in_dim3A_67 {strides = array<i32>} : memref<128x64xf32, #tpu.memory_space<vmem>>, vector<16xf32>,
    }
    %scan3A_3 = arith.constant 128 : i32
    %scan3A_4 = arith.constant 0 : i32
    %scan3A_5 = arith.constant 5 : i32
    %scan3A_6 = arith.addi %scan3A_4, %scan3A_5 : i32
    %scan3A_7 = arith.constant 1 : i32
    scf.for %scan3A_48 = %scan3A_4 to %scan3A_6 step %scan3A_7  : i32 {
      %mul3A_49 = arith.constant 1 : i32
      %mul3A_50 = arith.muli %scan3A_48, %mul3A_49 : i32
      %add3A_51 = arith.constant 0 : i32
      %add3A_52 = arith.addi %add3A_51, %mul3A_50 : i32
      %mul3A_53 = arith.constant 640 : i32
      %mul3A_54 = arith.muli %arg1, %mul3A_53 : i32
      %mul3A_55 = arith.constant 128 : i32
      %mul3A_56 = arith.muli %add3A_52, %mul3A_55 : i32
      %add3A_57 = arith.addi %mul3A_54, %mul3A_56 : i32
      "tpu.region"() ({
        %run_scoped3A = tpu.sem_alloc : memref<!tpu.dma_semaphore, #tpu.memory_space<semaphore_mem>>
        %dma_start3A = arith.constant 0 : i32
        %dma_start3A_58 = tpu.memref_slice %arg14[%add3A_57, %dma_start3A] : memref<10240x64xf32, #tpu.memory_space<vmem_shared>> -> memref<128x64xf32, #tpu.memory_space<vmem_shared>>
        %dma_start3A_59 = arith.constant 0 : i32
        %dma_start3A_60 = tpu.memref_slice %arg14[%add3A_57, %dma_start3A_59] : memref<10240x64xf32, #tpu.memory_space<vmem_shared>> -> memref<128x64xf32, #tpu.memory_space<vmem_shared>>
        tpu.enqueue_dma source(%arg10 : memref<128x64xf32, #tpu.memory_space<vmem>>) target(%dma_start3A_60 : memref<128x64xf32, #tpu.memory_space<vmem_shared>>) target_semaphore(%run_scoped3A : memref<!tpu.dma_semaphore, #tpu.memory_space<semaphore_mem>>)
        %dma_wait3A = arith.constant 0 : i32
        %dma_wait3A_61 = tpu.memref_slice %arg14[%add3A_57, %dma_wait3A] : memref<10240x64xf32, #tpu.memory_space<vmem_shared>> -> memref<128x64xf32, #tpu.memory_space<vmem_shared>>
        %dma_wait3A_62 = arith.constant 0 : i32
        %dma_wait3A_63 = tpu.memref_slice %arg14[%add3A_57, %dma_wait3A_62] : memref<10240x64xf32, #tpu.memory_space<vmem_shared>> -> memref<128x64xf32, #tpu.memory_space<vmem_shared>>
        tpu.wait_dma2 semaphore(%run_scoped3A : memref<!tpu.dma_semaphore, #tpu.memory_space<semaphore_mem>>) src(%arg10 : memref<128x64xf32, #tpu.memory_space<vmem>>) dst(%dma_wait3A_63 : memref<128x64xf32, #tpu.memory_space<vmem_shared>>)
        tpu.yield
      }) : () -> ()
    }
    %scan3A_8 = arith.constant 5 : i32
    %eq3A = arith.constant 0 : i32
    %eq3A_9 = arith.cmpi eq, %arg0, %eq3A : i32
    %mul3A = arith.constant 144 : i32
    %mul3A_10 = arith.muli %arg1, %mul3A : i32
    %mul3A_11 = arith.constant 16 : i32
    %mul3A_12 = arith.muli %arg1, %mul3A_11 : i32
    %add3A = arith.constant 2304 : i32
    %add3A_13 = arith.addi %add3A, %mul3A_12 : i32
    %select_n3A = arith.select %eq3A_9, %mul3A_10, %add3A_13 : i32
    %eq3A_14 = arith.constant 0 : i32
    %eq3A_15 = arith.cmpi eq, %arg0, %eq3A_14 : i32
    %jit3A = arith.constant 36 : i32
    %jit3A_16 = arith.constant 4 : i32
    %select_n3A_17 = arith.select %eq3A_15, %jit3A, %jit3A_16 : i32
    %eq3A_18 = arith.constant 0 : i32
    %eq3A_19 = arith.cmpi eq, %arg0, %eq3A_18 : i32
    %convert_element_type3A = arith.extui %eq3A_19 : i1 to i32
    %cond3A = arith.constant 0 : i32
    %cond3A_20 = arith.cmpi ne, %convert_element_type3A, %cond3A : i32
    scf.if %cond3A_20 {
      "tpu.region"() ({
        %run_scoped3A = tpu.sem_alloc : memref<!tpu.dma_semaphore, #tpu.memory_space<semaphore_mem>>
        %dma_start3A = arith.constant 0 : i32
        %dma_start3A_50 = arith.constant 0 : i32
        %dma_start3A_51 = tpu.memref_slice %arg7[%dma_start3A, %dma_start3A_50] : memref<144x128xi32, #tpu.memory_space<vmem>> -> memref<144x128xi32, #tpu.memory_space<vmem>>
        %dma_start3A_52 = arith.constant 0 : i32
        %dma_start3A_53 = tpu.memref_slice %arg3[%select_n3A, %dma_start3A_52] : memref<2560x128xi32, #tpu.memory_space<hbm>> -> memref<144x128xi32, #tpu.memory_space<hbm>>
        %dma_start3A_54 = arith.constant 0 : i32
        %dma_start3A_55 = arith.constant 0 : i32
        %dma_start3A_56 = tpu.memref_slice %arg7[%dma_start3A_54, %dma_start3A_55] : memref<144x128xi32, #tpu.memory_space<vmem>> -> memref<144x128xi32, #tpu.memory_space<vmem>>
        %dma_start3A_57 = arith.constant 0 : i32
        %dma_start3A_58 = tpu.memref_slice %arg3[%select_n3A, %dma_start3A_57] : memref<2560x128xi32, #tpu.memory_space<hbm>> -> memref<144x128xi32, #tpu.memory_space<hbm>>
        tpu.enqueue_dma source(%dma_start3A_58 : memref<144x128xi32, #tpu.memory_space<hbm>>) target(%dma_start3A_56 : memref<144x128xi32, #tpu.memory_space<vmem>>) target_semaphore(%run_scoped3A : memref<!tpu.dma_semaphore, #tpu.memory_space<semaphore_mem>>)
        %dma_wait3A = arith.constant 0 : i32
        %dma_wait3A_59 = arith.constant 0 : i32
        %dma_wait3A_60 = tpu.memref_slice %arg7[%dma_wait3A, %dma_wait3A_59] : memref<144x128xi32, #tpu.memory_space<vmem>> -> memref<144x128xi32, #tpu.memory_space<vmem>>
        %dma_wait3A_61 = arith.constant 0 : i32
        %dma_wait3A_62 = tpu.memref_slice %arg3[%select_n3A, %dma_wait3A_61] : memref<2560x128xi32, #tpu.memory_space<hbm>> -> memref<144x128xi32, #tpu.memory_space<hbm>>
        %dma_wait3A_63 = arith.constant 0 : i32
        %dma_wait3A_64 = arith.constant 0 : i32
        %dma_wait3A_65 = tpu.memref_slice %arg7[%dma_wait3A_63, %dma_wait3A_64] : memref<144x128xi32, #tpu.memory_space<vmem>> -> memref<144x128xi32, #tpu.memory_space<vmem>>
        %dma_wait3A_66 = arith.constant 0 : i32
        %dma_wait3A_67 = tpu.memref_slice %arg3[%select_n3A, %dma_wait3A_66] : memref<2560x128xi32, #tpu.memory_space<hbm>> -> memref<144x128xi32, #tpu.memory_space<hbm>>
        tpu.wait_dma2 semaphore(%run_scoped3A : memref<!tpu.dma_semaphore, #tpu.memory_space<semaphore_mem>>) src(%dma_wait3A_67 : memref<144x128xi32, #tpu.memory_space<hbm>>) dst(%dma_wait3A_65 : memref<144x128xi32, #tpu.memory_space<vmem>>)
        tpu.yield
      }) : () -> ()
      "tpu.region"() ({
        %run_scoped3A = tpu.sem_alloc : memref<!tpu.dma_semaphore, #tpu.memory_space<semaphore_mem>>
        %dma_start3A = arith.constant 0 : i32
        %dma_start3A_50 = arith.constant 0 : i32
        %dma_start3A_51 = tpu.memref_slice %arg8[%dma_start3A, %dma_start3A_50] : memref<144x128xi32, #tpu.memory_space<vmem>> -> memref<144x128xi32, #tpu.memory_space<vmem>>
        %dma_start3A_52 = arith.constant 0 : i32
        %dma_start3A_53 = tpu.memref_slice %arg4[%select_n3A, %dma_start3A_52] : memref<2560x128xi32, #tpu.memory_space<hbm>> -> memref<144x128xi32, #tpu.memory_space<hbm>>
        %dma_start3A_54 = arith.constant 0 : i32
        %dma_start3A_55 = arith.constant 0 : i32
        %dma_start3A_56 = tpu.memref_slice %arg8[%dma_start3A_54, %dma_start3A_55] : memref<144x128xi32, #tpu.memory_space<vmem>> -> memref<144x128xi32, #tpu.memory_space<vmem>>
        %dma_start3A_57 = arith.constant 0 : i32
        %dma_start3A_58 = tpu.memref_slice %arg4[%select_n3A, %dma_start3A_57] : memref<2560x128xi32, #tpu.memory_space<hbm>> -> memref<144x128xi32, #tpu.memory_space<hbm>>
        tpu.enqueue_dma source(%dma_start3A_58 : memref<144x128xi32, #tpu.memory_space<hbm>>) target(%dma_start3A_56 : memref<144x128xi32, #tpu.memory_space<vmem>>) target_semaphore(%run_scoped3A : memref<!tpu.dma_semaphore, #tpu.memory_space<semaphore_mem>>)
        %dma_wait3A = arith.constant 0 : i32
        %dma_wait3A_59 = arith.constant 0 : i32
        %dma_wait3A_60 = tpu.memref_slice %arg8[%dma_wait3A, %dma_wait3A_59] : memref<144x128xi32, #tpu.memory_space<vmem>> -> memref<144x128xi32, #tpu.memory_space<vmem>>
        %dma_wait3A_61 = arith.constant 0 : i32
        %dma_wait3A_62 = tpu.memref_slice %arg4[%select_n3A, %dma_wait3A_61] : memref<2560x128xi32, #tpu.memory_space<hbm>> -> memref<144x128xi32, #tpu.memory_space<hbm>>
        %dma_wait3A_63 = arith.constant 0 : i32
        %dma_wait3A_64 = arith.constant 0 : i32
        %dma_wait3A_65 = tpu.memref_slice %arg8[%dma_wait3A_63, %dma_wait3A_64] : memref<144x128xi32, #tpu.memory_space<vmem>> -> memref<144x128xi32, #tpu.memory_space<vmem>>
        %dma_wait3A_66 = arith.constant 0 : i32
        %dma_wait3A_67 = tpu.memref_slice %arg4[%select_n3A, %dma_wait3A_66] : memref<2560x128xi32, #tpu.memory_space<hbm>> -> memref<144x128xi32, #tpu.memory_space<hbm>>
        tpu.wait_dma2 semaphore(%run_scoped3A : memref<!tpu.dma_semaphore, #tpu.memory_space<semaphore_mem>>) src(%dma_wait3A_67 : memref<144x128xi32, #tpu.memory_space<hbm>>) dst(%dma_wait3A_65 : memref<144x128xi32, #tpu.memory_space<vmem>>)
        tpu.yield
      }) : () -> ()
      %mul3A_48 = arith.constant 128 : i32
      %mul3A_49 = arith.muli %select_n3A, %mul3A_48 : i32
      "tpu.region"() ({
        %run_scoped3A = tpu.sem_alloc : memref<!tpu.dma_semaphore, #tpu.memory_space<semaphore_mem>>
        %dma_start3A = arith.constant 0 : i32
        %dma_start3A_50 = tpu.memref_slice %arg9[%dma_start3A] : memref<18432xf32, #tpu.memory_space<vmem>> -> memref<18432xf32, #tpu.memory_space<vmem>>
        %dma_start3A_51 = tpu.memref_slice %arg5[%mul3A_49] : memref<327680xf32, #tpu.memory_space<hbm>> -> memref<18432xf32, #tpu.memory_space<hbm>>
        %dma_start3A_52 = arith.constant 0 : i32
        %dma_start3A_53 = tpu.memref_slice %arg9[%dma_start3A_52] : memref<18432xf32, #tpu.memory_space<vmem>> -> memref<18432xf32, #tpu.memory_space<vmem>>
        %dma_start3A_54 = tpu.memref_slice %arg5[%mul3A_49] : memref<327680xf32, #tpu.memory_space<hbm>> -> memref<18432xf32, #tpu.memory_space<hbm>>
        tpu.enqueue_dma source(%dma_start3A_54 : memref<18432xf32, #tpu.memory_space<hbm>>) target(%dma_start3A_53 : memref<18432xf32, #tpu.memory_space<vmem>>) target_semaphore(%run_scoped3A : memref<!tpu.dma_semaphore, #tpu.memory_space<semaphore_mem>>)
        %dma_wait3A = arith.constant 0 : i32
        %dma_wait3A_55 = tpu.memref_slice %arg9[%dma_wait3A] : memref<18432xf32, #tpu.memory_space<vmem>> -> memref<18432xf32, #tpu.memory_space<vmem>>
        %dma_wait3A_56 = tpu.memref_slice %arg5[%mul3A_49] : memref<327680xf32, #tpu.memory_space<hbm>> -> memref<18432xf32, #tpu.memory_space<hbm>>
        %dma_wait3A_57 = arith.constant 0 : i32
        %dma_wait3A_58 = tpu.memref_slice %arg9[%dma_wait3A_57] : memref<18432xf32, #tpu.memory_space<vmem>> -> memref<18432xf32, #tpu.memory_space<vmem>>
        %dma_wait3A_59 = tpu.memref_slice %arg5[%mul3A_49] : memref<327680xf32, #tpu.memory_space<hbm>> -> memref<18432xf32, #tpu.memory_space<hbm>>
        tpu.wait_dma2 semaphore(%run_scoped3A : memref<!tpu.dma_semaphore, #tpu.memory_space<semaphore_mem>>) src(%dma_wait3A_59 : memref<18432xf32, #tpu.memory_space<hbm>>) dst(%dma_wait3A_58 : memref<18432xf32, #tpu.memory_space<vmem>>)
        tpu.yield
      }) : () -> ()
    } else {
    }
    %eq3A_21 = arith.constant 1 : i32
    %eq3A_22 = arith.cmpi eq, %arg0, %eq3A_21 : i32
    %convert_element_type3A_23 = arith.extui %eq3A_22 : i1 to i32
    %cond3A_24 = arith.constant 0 : i32
    %cond3A_25 = arith.cmpi ne, %convert_element_type3A_23, %cond3A_24 : i32
    scf.if %cond3A_25 {
      "tpu.region"() ({
        %run_scoped3A = tpu.sem_alloc : memref<!tpu.dma_semaphore, #tpu.memory_space<semaphore_mem>>
        %dma_start3A = arith.constant 0 : i32
        %dma_start3A_50 = arith.constant 0 : i32
        %dma_start3A_51 = tpu.memref_slice %arg7[%dma_start3A, %dma_start3A_50] : memref<144x128xi32, #tpu.memory_space<vmem>> -> memref<16x128xi32, #tpu.memory_space<vmem>>
        %dma_start3A_52 = arith.constant 0 : i32
        %dma_start3A_53 = tpu.memref_slice %arg3[%select_n3A, %dma_start3A_52] : memref<2560x128xi32, #tpu.memory_space<hbm>> -> memref<16x128xi32, #tpu.memory_space<hbm>>
        %dma_start3A_54 = arith.constant 0 : i32
        %dma_start3A_55 = arith.constant 0 : i32
        %dma_start3A_56 = tpu.memref_slice %arg7[%dma_start3A_54, %dma_start3A_55] : memref<144x128xi32, #tpu.memory_space<vmem>> -> memref<16x128xi32, #tpu.memory_space<vmem>>
        %dma_start3A_57 = arith.constant 0 : i32
        %dma_start3A_58 = tpu.memref_slice %arg3[%select_n3A, %dma_start3A_57] : memref<2560x128xi32, #tpu.memory_space<hbm>> -> memref<16x128xi32, #tpu.memory_space<hbm>>
        tpu.enqueue_dma source(%dma_start3A_58 : memref<16x128xi32, #tpu.memory_space<hbm>>) target(%dma_start3A_56 : memref<16x128xi32, #tpu.memory_space<vmem>>) target_semaphore(%run_scoped3A : memref<!tpu.dma_semaphore, #tpu.memory_space<semaphore_mem>>)
        %dma_wait3A = arith.constant 0 : i32
        %dma_wait3A_59 = arith.constant 0 : i32
        %dma_wait3A_60 = tpu.memref_slice %arg7[%dma_wait3A, %dma_wait3A_59] : memref<144x128xi32, #tpu.memory_space<vmem>> -> memref<16x128xi32, #tpu.memory_space<vmem>>
        %dma_wait3A_61 = arith.constant 0 : i32
        %dma_wait3A_62 = tpu.memref_slice %arg3[%select_n3A, %dma_wait3A_61] : memref<2560x128xi32, #tpu.memory_space<hbm>> -> memref<16x128xi32, #tpu.memory_space<hbm>>
        %dma_wait3A_63 = arith.constant 0 : i32
        %dma_wait3A_64 = arith.constant 0 : i32
        %dma_wait3A_65 = tpu.memref_slice %arg7[%dma_wait3A_63, %dma_wait3A_64] : memref<144x128xi32, #tpu.memory_space<vmem>> -> memref<16x128xi32, #tpu.memory_space<vmem>>
        %dma_wait3A_66 = arith.constant 0 : i32
        %dma_wait3A_67 = tpu.memref_slice %arg3[%select_n3A, %dma_wait3A_66] : memref<2560x128xi32, #tpu.memory_space<hbm>> -> memref<16x128xi32, #tpu.memory_space<hbm>>
        tpu.wait_dma2 semaphore(%run_scoped3A : memref<!tpu.dma_semaphore, #tpu.memory_space<semaphore_mem>>) src(%dma_wait3A_67 : memref<16x128xi32, #tpu.memory_space<hbm>>) dst(%dma_wait3A_65 : memref<16x128xi32, #tpu.memory_space<vmem>>)
        tpu.yield
      }) : () -> ()
      "tpu.region"() ({
        %run_scoped3A = tpu.sem_alloc : memref<!tpu.dma_semaphore, #tpu.memory_space<semaphore_mem>>
        %dma_start3A = arith.constant 0 : i32
        %dma_start3A_50 = arith.constant 0 : i32
        %dma_start3A_51 = tpu.memref_slice %arg8[%dma_start3A, %dma_start3A_50] : memref<144x128xi32, #tpu.memory_space<vmem>> -> memref<16x128xi32, #tpu.memory_space<vmem>>
        %dma_start3A_52 = arith.constant 0 : i32
        %dma_start3A_53 = tpu.memref_slice %arg4[%select_n3A, %dma_start3A_52] : memref<2560x128xi32, #tpu.memory_space<hbm>> -> memref<16x128xi32, #tpu.memory_space<hbm>>
        %dma_start3A_54 = arith.constant 0 : i32
        %dma_start3A_55 = arith.constant 0 : i32
        %dma_start3A_56 = tpu.memref_slice %arg8[%dma_start3A_54, %dma_start3A_55] : memref<144x128xi32, #tpu.memory_space<vmem>> -> memref<16x128xi32, #tpu.memory_space<vmem>>
        %dma_start3A_57 = arith.constant 0 : i32
        %dma_start3A_58 = tpu.memref_slice %arg4[%select_n3A, %dma_start3A_57] : memref<2560x128xi32, #tpu.memory_space<hbm>> -> memref<16x128xi32, #tpu.memory_space<hbm>>
        tpu.enqueue_dma source(%dma_start3A_58 : memref<16x128xi32, #tpu.memory_space<hbm>>) target(%dma_start3A_56 : memref<16x128xi32, #tpu.memory_space<vmem>>) target_semaphore(%run_scoped3A : memref<!tpu.dma_semaphore, #tpu.memory_space<semaphore_mem>>)
        %dma_wait3A = arith.constant 0 : i32
        %dma_wait3A_59 = arith.constant 0 : i32
        %dma_wait3A_60 = tpu.memref_slice %arg8[%dma_wait3A, %dma_wait3A_59] : memref<144x128xi32, #tpu.memory_space<vmem>> -> memref<16x128xi32, #tpu.memory_space<vmem>>
        %dma_wait3A_61 = arith.constant 0 : i32
        %dma_wait3A_62 = tpu.memref_slice %arg4[%select_n3A, %dma_wait3A_61] : memref<2560x128xi32, #tpu.memory_space<hbm>> -> memref<16x128xi32, #tpu.memory_space<hbm>>
        %dma_wait3A_63 = arith.constant 0 : i32
        %dma_wait3A_64 = arith.constant 0 : i32
        %dma_wait3A_65 = tpu.memref_slice %arg8[%dma_wait3A_63, %dma_wait3A_64] : memref<144x128xi32, #tpu.memory_space<vmem>> -> memref<16x128xi32, #tpu.memory_space<vmem>>
        %dma_wait3A_66 = arith.constant 0 : i32
        %dma_wait3A_67 = tpu.memref_slice %arg4[%select_n3A, %dma_wait3A_66] : memref<2560x128xi32, #tpu.memory_space<hbm>> -> memref<16x128xi32, #tpu.memory_space<hbm>>
        tpu.wait_dma2 semaphore(%run_scoped3A : memref<!tpu.dma_semaphore, #tpu.memory_space<semaphore_mem>>) src(%dma_wait3A_67 : memref<16x128xi32, #tpu.memory_space<hbm>>) dst(%dma_wait3A_65 : memref<16x128xi32, #tpu.memory_space<vmem>>)
        tpu.yield
      }) : () -> ()
      %mul3A_48 = arith.constant 128 : i32
      %mul3A_49 = arith.muli %select_n3A, %mul3A_48 : i32
      "tpu.region"() ({
        %run_scoped3A = tpu.sem_alloc : memref<!tpu.dma_semaphore, #tpu.memory_space<semaphore_mem>>
        %dma_start3A = arith.constant 0 : i32
        %dma_start3A_50 = tpu.memref_slice %arg9[%dma_start3A] : memref<18432xf32, #tpu.memory_space<vmem>> -> memref<2048xf32, #tpu.memory_space<vmem>>
        %dma_start3A_51 = tpu.memref_slice %arg5[%mul3A_49] : memref<327680xf32, #tpu.memory_space<hbm>> -> memref<2048xf32, #tpu.memory_space<hbm>>
        %dma_start3A_52 = arith.constant 0 : i32
        %dma_start3A_53 = tpu.memref_slice %arg9[%dma_start3A_52] : memref<18432xf32, #tpu.memory_space<vmem>> -> memref<2048xf32, #tpu.memory_space<vmem>>
        %dma_start3A_54 = tpu.memref_slice %arg5[%mul3A_49] : memref<327680xf32, #tpu.memory_space<hbm>> -> memref<2048xf32, #tpu.memory_space<hbm>>
        tpu.enqueue_dma source(%dma_start3A_54 : memref<2048xf32, #tpu.memory_space<hbm>>) target(%dma_start3A_53 : memref<2048xf32, #tpu.memory_space<vmem>>) target_semaphore(%run_scoped3A : memref<!tpu.dma_semaphore, #tpu.memory_space<semaphore_mem>>)
        %dma_wait3A = arith.constant 0 : i32
        %dma_wait3A_55 = tpu.memref_slice %arg9[%dma_wait3A] : memref<18432xf32, #tpu.memory_space<vmem>> -> memref<2048xf32, #tpu.memory_space<vmem>>
        %dma_wait3A_56 = tpu.memref_slice %arg5[%mul3A_49] : memref<327680xf32, #tpu.memory_space<hbm>> -> memref<2048xf32, #tpu.memory_space<hbm>>
        %dma_wait3A_57 = arith.constant 0 : i32
        %dma_wait3A_58 = tpu.memref_slice %arg9[%dma_wait3A_57] : memref<18432xf32, #tpu.memory_space<vmem>> -> memref<2048xf32, #tpu.memory_space<vmem>>
        %dma_wait3A_59 = tpu.memref_slice %arg5[%mul3A_49] : memref<327680xf32, #tpu.memory_space<hbm>> -> memref<2048xf32, #tpu.memory_space<hbm>>
        tpu.wait_dma2 semaphore(%run_scoped3A : memref<!tpu.dma_semaphore, #tpu.memory_space<semaphore_mem>>) src(%dma_wait3A_59 : memref<2048xf32, #tpu.memory_space<hbm>>) dst(%dma_wait3A_58 : memref<2048xf32, #tpu.memory_space<vmem>>)
        tpu.yield
      }) : () -> ()
    } else {
    }
    %barrier3A = arith.constant 0 : index
    tpu.barrier barrier_id(%barrier3A)
    %sub3A = arith.constant 0 : i32
    %sub3A_26 = arith.subi %select_n3A_17, %sub3A : i32
    %sub3A_27 = arith.constant 1 : i32
    %sub3A_28 = arith.constant 1 : i32
    %sub3A_29 = arith.subi %sub3A_27, %sub3A_28 : i32
    %add3A_30 = arith.addi %sub3A_26, %sub3A_29 : i32
    %div3A = arith.constant 1 : i32
    %div3A_31 = arith.divsi %add3A_30, %div3A : i32
    %while3A = arith.constant 1 : i32
    %while3A_32 = arith.constant 0 : i32
    %while3A_33 = arith.constant 0 : i32
    %while3A_34 = arith.subi %div3A_31, %while3A_33 : i32
    %while3A_35 = arith.addi %while3A_33, %while3A_34 : i32
    %while3A_36 = arith.constant 1 : i32
    %while3A_37 = arith.divsi %while3A_34, %while3A_36 : i32
    %while3A_38 = arith.muli %while3A_37, %while3A_36 : i32
    %while3A_39 = arith.addi %while3A_33, %while3A_38 : i32
    %while3A_40 = arith.constant 1 : i32
    scf.for %while3A_48 = %while3A_33 to %while3A_39 step %while3A_40  : i32 {
      %mul3A_49 = arith.muli %while3A_48, %while3A : i32
      %add3A_50 = arith.addi %while3A_32, %mul3A_49 : i32
      %mul3A_51 = arith.constant 4 : i32
      %mul3A_52 = arith.muli %add3A_50, %mul3A_51 : i32
      %add3A_53 = arith.constant 0 : i32
      %add3A_54 = arith.addi %mul3A_52, %add3A_53 : i32
      %dma_start3A = arith.constant 0 : i32
      %dma_start3A_55 = tpu.memref_slice %arg7[%add3A_54, %dma_start3A] : memref<144x128xi32, #tpu.memory_space<vmem>> -> memref<1x128xi32, #tpu.memory_space<vmem>>
      %dma_start3A_56 = tpu.memref_squeeze %dma_start3A_55 : memref<1x128xi32, #tpu.memory_space<vmem>> -> memref<128xi32, #tpu.memory_space<vmem>>
      %dma_start3A_57 = arith.constant 0 : i32
      %dma_start3A_58 = arith.constant 0 : i32
      %dma_start3A_59 = tpu.memref_slice %arg2[%dma_start3A_57, %dma_start3A_58] : memref<10240x64xf32, #tpu.memory_space<hbm>> -> memref<10240x64xf32, #tpu.memory_space<hbm>>
      tpu.enqueue_indirect_dma source(%dma_start3A_59 : memref<10240x64xf32, #tpu.memory_space<hbm>>) target(%arg10 : memref<128x64xf32, #tpu.memory_space<vmem>>) offsets(%dma_start3A_56 : memref<128xi32, #tpu.memory_space<vmem>>) semaphore(%arg15 : memref<!tpu.dma_semaphore, #tpu.memory_space<semaphore_mem>>)
      %mul3A_60 = arith.constant 4 : i32
      %mul3A_61 = arith.muli %add3A_50, %mul3A_60 : i32
      %add3A_62 = arith.constant 1 : i32
      %add3A_63 = arith.addi %mul3A_61, %add3A_62 : i32
      %dma_start3A_64 = arith.constant 0 : i32
      %dma_start3A_65 = tpu.memref_slice %arg7[%add3A_63, %dma_start3A_64] : memref<144x128xi32, #tpu.memory_space<vmem>> -> memref<1x128xi32, #tpu.memory_space<vmem>>
      %dma_start3A_66 = tpu.memref_squeeze %dma_start3A_65 : memref<1x128xi32, #tpu.memory_space<vmem>> -> memref<128xi32, #tpu.memory_space<vmem>>
      %dma_start3A_67 = arith.constant 0 : i32
      %dma_start3A_68 = arith.constant 0 : i32
      %dma_start3A_69 = tpu.memref_slice %arg2[%dma_start3A_67, %dma_start3A_68] : memref<10240x64xf32, #tpu.memory_space<hbm>> -> memref<10240x64xf32, #tpu.memory_space<hbm>>
      tpu.enqueue_indirect_dma source(%dma_start3A_69 : memref<10240x64xf32, #tpu.memory_space<hbm>>) target(%arg11 : memref<128x64xf32, #tpu.memory_space<vmem>>) offsets(%dma_start3A_66 : memref<128xi32, #tpu.memory_space<vmem>>) semaphore(%arg16 : memref<!tpu.dma_semaphore, #tpu.memory_space<semaphore_mem>>)
      %mul3A_70 = arith.constant 4 : i32
      %mul3A_71 = arith.muli %add3A_50, %mul3A_70 : i32
      %add3A_72 = arith.constant 2 : i32
      %add3A_73 = arith.addi %mul3A_71, %add3A_72 : i32
      %dma_start3A_74 = arith.constant 0 : i32
      %dma_start3A_75 = tpu.memref_slice %arg7[%add3A_73, %dma_start3A_74] : memref<144x128xi32, #tpu.memory_space<vmem>> -> memref<1x128xi32, #tpu.memory_space<vmem>>
      %dma_start3A_76 = tpu.memref_squeeze %dma_start3A_75 : memref<1x128xi32, #tpu.memory_space<vmem>> -> memref<128xi32, #tpu.memory_space<vmem>>
      %dma_start3A_77 = arith.constant 0 : i32
      %dma_start3A_78 = arith.constant 0 : i32
      %dma_start3A_79 = tpu.memref_slice %arg2[%dma_start3A_77, %dma_start3A_78] : memref<10240x64xf32, #tpu.memory_space<hbm>> -> memref<10240x64xf32, #tpu.memory_space<hbm>>
      tpu.enqueue_indirect_dma source(%dma_start3A_79 : memref<10240x64xf32, #tpu.memory_space<hbm>>) target(%arg12 : memref<128x64xf32, #tpu.memory_space<vmem>>) offsets(%dma_start3A_76 : memref<128xi32, #tpu.memory_space<vmem>>) semaphore(%arg17 : memref<!tpu.dma_semaphore, #tpu.memory_space<semaphore_mem>>)
      %mul3A_80 = arith.constant 4 : i32
      %mul3A_81 = arith.muli %add3A_50, %mul3A_80 : i32
      %add3A_82 = arith.constant 3 : i32
      %add3A_83 = arith.addi %mul3A_81, %add3A_82 : i32
      %dma_start3A_84 = arith.constant 0 : i32
      %dma_start3A_85 = tpu.memref_slice %arg7[%add3A_83, %dma_start3A_84] : memref<144x128xi32, #tpu.memory_space<vmem>> -> memref<1x128xi32, #tpu.memory_space<vmem>>
      %dma_start3A_86 = tpu.memref_squeeze %dma_start3A_85 : memref<1x128xi32, #tpu.memory_space<vmem>> -> memref<128xi32, #tpu.memory_space<vmem>>
      %dma_start3A_87 = arith.constant 0 : i32
      %dma_start3A_88 = arith.constant 0 : i32
      %dma_start3A_89 = tpu.memref_slice %arg2[%dma_start3A_87, %dma_start3A_88] : memref<10240x64xf32, #tpu.memory_space<hbm>> -> memref<10240x64xf32, #tpu.memory_space<hbm>>
      tpu.enqueue_indirect_dma source(%dma_start3A_89 : memref<10240x64xf32, #tpu.memory_space<hbm>>) target(%arg13 : memref<128x64xf32, #tpu.memory_space<vmem>>) offsets(%dma_start3A_86 : memref<128xi32, #tpu.memory_space<vmem>>) semaphore(%arg18 : memref<!tpu.dma_semaphore, #tpu.memory_space<semaphore_mem>>)
      %mul3A_90 = arith.constant 4 : i32
      %mul3A_91 = arith.muli %add3A_50, %mul3A_90 : i32
      %add3A_92 = arith.constant 0 : i32
      %add3A_93 = arith.addi %mul3A_91, %add3A_92 : i32
      %dma_wait3A = arith.constant 0 : i32
      %dma_wait3A_94 = tpu.memref_slice %arg7[%add3A_54, %dma_wait3A] : memref<144x128xi32, #tpu.memory_space<vmem>> -> memref<1x128xi32, #tpu.memory_space<vmem>>
      %dma_wait3A_95 = tpu.memref_squeeze %dma_wait3A_94 : memref<1x128xi32, #tpu.memory_space<vmem>> -> memref<128xi32, #tpu.memory_space<vmem>>
      %dma_wait3A_96 = arith.constant 0 : i32
      %dma_wait3A_97 = arith.constant 0 : i32
      %dma_wait3A_98 = tpu.memref_slice %arg2[%dma_wait3A_96, %dma_wait3A_97] : memref<10240x64xf32, #tpu.memory_space<hbm>> -> memref<10240x64xf32, #tpu.memory_space<hbm>>
      tpu.wait_indirect_dma semaphore(%arg15 : memref<!tpu.dma_semaphore, #tpu.memory_space<semaphore_mem>>) src(%dma_wait3A_98 : memref<10240x64xf32, #tpu.memory_space<hbm>>) dst(%arg10 : memref<128x64xf32, #tpu.memory_space<vmem>>)
      %mul3A_99 = arith.constant 128 : i32
      %mul3A_100 = arith.muli %add3A_93, %mul3A_99 : i32
      %parallel_loop3A = arith.constant 0 : i32
      %parallel_loop3A_101 = arith.constant 128 : i32
      %parallel_loop3A_102 = arith.constant 1 : i32
      scf.for %parallel_loop3A_196 = %parallel_loop3A to %parallel_loop3A_101 step %parallel_loop3A_102  : i32 {
        %parallel_loop3A_197 = arith.addi %mul3A_100, %parallel_loop3A_196 : i32
        %parallel_loop3A_198 = vector.broadcast %parallel_loop3A_197 : i32 to vector<16xi32>
        %parallel_loop3A_199 = tpu.vector_load_idx %arg9[%parallel_loop3A_198] : memref<18432xf32, #tpu.memory_space<vmem>>[vector<16xi32>], vector<16xf32>,
        %parallel_loop3A_200 = arith.index_cast %parallel_loop3A_196 : i32 to index
        %parallel_loop3A_201 = arith.constant 0 : index
        %parallel_loop3A_202 = tpu.vector_load %arg10[%parallel_loop3A_200, %parallel_loop3A_201] {strides = array<i32>} : memref<128x64xf32, #tpu.memory_space<vmem>>, vector<16xf32>,
        %parallel_loop3A_203 = arith.mulf %parallel_loop3A_202, %parallel_loop3A_199 : vector<16xf32>
        %parallel_loop3A_204 = arith.index_cast %parallel_loop3A_196 : i32 to index
        %parallel_loop3A_205 = arith.constant 0 : index
        %parallel_loop3A_206 = tpu.vector_load %arg10[%parallel_loop3A_204, %parallel_loop3A_205] {strides = array<i32>} : memref<128x64xf32, #tpu.memory_space<vmem>>, vector<16xf32>,
        tpu.vector_store %arg10[%parallel_loop3A_204, %parallel_loop3A_205], %parallel_loop3A_203 {strides = array<i32>} : memref<128x64xf32, #tpu.memory_space<vmem>>, vector<16xf32>,
        %parallel_loop3A_207 = arith.index_cast %parallel_loop3A_196 : i32 to index
        %parallel_loop3A_208 = arith.constant 16 : index
        %parallel_loop3A_209 = tpu.vector_load %arg10[%parallel_loop3A_207, %parallel_loop3A_208] {strides = array<i32>} : memref<128x64xf32, #tpu.memory_space<vmem>>, vector<16xf32>,
        %parallel_loop3A_210 = arith.mulf %parallel_loop3A_209, %parallel_loop3A_199 : vector<16xf32>
        %parallel_loop3A_211 = arith.index_cast %parallel_loop3A_196 : i32 to index
        %parallel_loop3A_212 = arith.constant 16 : index
        %parallel_loop3A_213 = tpu.vector_load %arg10[%parallel_loop3A_211, %parallel_loop3A_212] {strides = array<i32>} : memref<128x64xf32, #tpu.memory_space<vmem>>, vector<16xf32>,
        tpu.vector_store %arg10[%parallel_loop3A_211, %parallel_loop3A_212], %parallel_loop3A_210 {strides = array<i32>} : memref<128x64xf32, #tpu.memory_space<vmem>>, vector<16xf32>,
        %parallel_loop3A_214 = arith.index_cast %parallel_loop3A_196 : i32 to index
        %parallel_loop3A_215 = arith.constant 32 : index
        %parallel_loop3A_216 = tpu.vector_load %arg10[%parallel_loop3A_214, %parallel_loop3A_215] {strides = array<i32>} : memref<128x64xf32, #tpu.memory_space<vmem>>, vector<16xf32>,
        %parallel_loop3A_217 = arith.mulf %parallel_loop3A_216, %parallel_loop3A_199 : vector<16xf32>
        %parallel_loop3A_218 = arith.index_cast %parallel_loop3A_196 : i32 to index
        %parallel_loop3A_219 = arith.constant 32 : index
        %parallel_loop3A_220 = tpu.vector_load %arg10[%parallel_loop3A_218, %parallel_loop3A_219] {strides = array<i32>} : memref<128x64xf32, #tpu.memory_space<vmem>>, vector<16xf32>,
        tpu.vector_store %arg10[%parallel_loop3A_218, %parallel_loop3A_219], %parallel_loop3A_217 {strides = array<i32>} : memref<128x64xf32, #tpu.memory_space<vmem>>, vector<16xf32>,
        %parallel_loop3A_221 = arith.index_cast %parallel_loop3A_196 : i32 to index
        %parallel_loop3A_222 = arith.constant 48 : index
        %parallel_loop3A_223 = tpu.vector_load %arg10[%parallel_loop3A_221, %parallel_loop3A_222] {strides = array<i32>} : memref<128x64xf32, #tpu.memory_space<vmem>>, vector<16xf32>,
        %parallel_loop3A_224 = arith.mulf %parallel_loop3A_223, %parallel_loop3A_199 : vector<16xf32>
        %parallel_loop3A_225 = arith.index_cast %parallel_loop3A_196 : i32 to index
        %parallel_loop3A_226 = arith.constant 48 : index
        %parallel_loop3A_227 = tpu.vector_load %arg10[%parallel_loop3A_225, %parallel_loop3A_226] {strides = array<i32>} : memref<128x64xf32, #tpu.memory_space<vmem>>, vector<16xf32>,
        tpu.vector_store %arg10[%parallel_loop3A_225, %parallel_loop3A_226], %parallel_loop3A_224 {strides = array<i32>} : memref<128x64xf32, #tpu.memory_space<vmem>>, vector<16xf32>,
      } {sc.loop_unroll_factor = 2 : i64, sc.parallel_access}
      %dma_start3A_103 = arith.constant 0 : i32
      %dma_start3A_104 = tpu.memref_slice %arg8[%add3A_93, %dma_start3A_103] : memref<144x128xi32, #tpu.memory_space<vmem>> -> memref<1x128xi32, #tpu.memory_space<vmem>>
      %dma_start3A_105 = tpu.memref_squeeze %dma_start3A_104 : memref<1x128xi32, #tpu.memory_space<vmem>> -> memref<128xi32, #tpu.memory_space<vmem>>
      %dma_start3A_106 = arith.constant 0 : i32
      %dma_start3A_107 = arith.constant 0 : i32
      %dma_start3A_108 = tpu.memref_slice %arg14[%dma_start3A_106, %dma_start3A_107] : memref<10240x64xf32, #tpu.memory_space<vmem_shared>> -> memref<10240x64xf32, #tpu.memory_space<vmem_shared>>
      tpu.enqueue_indirect_dma source(%arg10 : memref<128x64xf32, #tpu.memory_space<vmem>>) target(%dma_start3A_108 : memref<10240x64xf32, #tpu.memory_space<vmem_shared>>) offsets(%dma_start3A_105 : memref<128xi32, #tpu.memory_space<vmem>>) semaphore(%arg19 : memref<!tpu.dma_semaphore, #tpu.memory_space<semaphore_mem>>) {add = true}
      %mul3A_109 = arith.constant 4 : i32
      %mul3A_110 = arith.muli %add3A_50, %mul3A_109 : i32
      %add3A_111 = arith.constant 1 : i32
      %add3A_112 = arith.addi %mul3A_110, %add3A_111 : i32
      %dma_wait3A_113 = arith.constant 0 : i32
      %dma_wait3A_114 = tpu.memref_slice %arg7[%add3A_63, %dma_wait3A_113] : memref<144x128xi32, #tpu.memory_space<vmem>> -> memref<1x128xi32, #tpu.memory_space<vmem>>
      %dma_wait3A_115 = tpu.memref_squeeze %dma_wait3A_114 : memref<1x128xi32, #tpu.memory_space<vmem>> -> memref<128xi32, #tpu.memory_space<vmem>>
      %dma_wait3A_116 = arith.constant 0 : i32
      %dma_wait3A_117 = arith.constant 0 : i32
      %dma_wait3A_118 = tpu.memref_slice %arg2[%dma_wait3A_116, %dma_wait3A_117] : memref<10240x64xf32, #tpu.memory_space<hbm>> -> memref<10240x64xf32, #tpu.memory_space<hbm>>
      tpu.wait_indirect_dma semaphore(%arg16 : memref<!tpu.dma_semaphore, #tpu.memory_space<semaphore_mem>>) src(%dma_wait3A_118 : memref<10240x64xf32, #tpu.memory_space<hbm>>) dst(%arg11 : memref<128x64xf32, #tpu.memory_space<vmem>>)
      %mul3A_119 = arith.constant 128 : i32
      %mul3A_120 = arith.muli %add3A_112, %mul3A_119 : i32
      %parallel_loop3A_121 = arith.constant 0 : i32
      %parallel_loop3A_122 = arith.constant 128 : i32
      %parallel_loop3A_123 = arith.constant 1 : i32
      scf.for %parallel_loop3A_196 = %parallel_loop3A_121 to %parallel_loop3A_122 step %parallel_loop3A_123  : i32 {
        %parallel_loop3A_197 = arith.addi %mul3A_120, %parallel_loop3A_196 : i32
        %parallel_loop3A_198 = vector.broadcast %parallel_loop3A_197 : i32 to vector<16xi32>
        %parallel_loop3A_199 = tpu.vector_load_idx %arg9[%parallel_loop3A_198] : memref<18432xf32, #tpu.memory_space<vmem>>[vector<16xi32>], vector<16xf32>,
        %parallel_loop3A_200 = arith.index_cast %parallel_loop3A_196 : i32 to index
        %parallel_loop3A_201 = arith.constant 0 : index
        %parallel_loop3A_202 = tpu.vector_load %arg11[%parallel_loop3A_200, %parallel_loop3A_201] {strides = array<i32>} : memref<128x64xf32, #tpu.memory_space<vmem>>, vector<16xf32>,
        %parallel_loop3A_203 = arith.mulf %parallel_loop3A_202, %parallel_loop3A_199 : vector<16xf32>
        %parallel_loop3A_204 = arith.index_cast %parallel_loop3A_196 : i32 to index
        %parallel_loop3A_205 = arith.constant 0 : index
        %parallel_loop3A_206 = tpu.vector_load %arg11[%parallel_loop3A_204, %parallel_loop3A_205] {strides = array<i32>} : memref<128x64xf32, #tpu.memory_space<vmem>>, vector<16xf32>,
        tpu.vector_store %arg11[%parallel_loop3A_204, %parallel_loop3A_205], %parallel_loop3A_203 {strides = array<i32>} : memref<128x64xf32, #tpu.memory_space<vmem>>, vector<16xf32>,
        %parallel_loop3A_207 = arith.index_cast %parallel_loop3A_196 : i32 to index
        %parallel_loop3A_208 = arith.constant 16 : index
        %parallel_loop3A_209 = tpu.vector_load %arg11[%parallel_loop3A_207, %parallel_loop3A_208] {strides = array<i32>} : memref<128x64xf32, #tpu.memory_space<vmem>>, vector<16xf32>,
        %parallel_loop3A_210 = arith.mulf %parallel_loop3A_209, %parallel_loop3A_199 : vector<16xf32>
        %parallel_loop3A_211 = arith.index_cast %parallel_loop3A_196 : i32 to index
        %parallel_loop3A_212 = arith.constant 16 : index
        %parallel_loop3A_213 = tpu.vector_load %arg11[%parallel_loop3A_211, %parallel_loop3A_212] {strides = array<i32>} : memref<128x64xf32, #tpu.memory_space<vmem>>, vector<16xf32>,
        tpu.vector_store %arg11[%parallel_loop3A_211, %parallel_loop3A_212], %parallel_loop3A_210 {strides = array<i32>} : memref<128x64xf32, #tpu.memory_space<vmem>>, vector<16xf32>,
        %parallel_loop3A_214 = arith.index_cast %parallel_loop3A_196 : i32 to index
        %parallel_loop3A_215 = arith.constant 32 : index
        %parallel_loop3A_216 = tpu.vector_load %arg11[%parallel_loop3A_214, %parallel_loop3A_215] {strides = array<i32>} : memref<128x64xf32, #tpu.memory_space<vmem>>, vector<16xf32>,
        %parallel_loop3A_217 = arith.mulf %parallel_loop3A_216, %parallel_loop3A_199 : vector<16xf32>
        %parallel_loop3A_218 = arith.index_cast %parallel_loop3A_196 : i32 to index
        %parallel_loop3A_219 = arith.constant 32 : index
        %parallel_loop3A_220 = tpu.vector_load %arg11[%parallel_loop3A_218, %parallel_loop3A_219] {strides = array<i32>} : memref<128x64xf32, #tpu.memory_space<vmem>>, vector<16xf32>,
        tpu.vector_store %arg11[%parallel_loop3A_218, %parallel_loop3A_219], %parallel_loop3A_217 {strides = array<i32>} : memref<128x64xf32, #tpu.memory_space<vmem>>, vector<16xf32>,
        %parallel_loop3A_221 = arith.index_cast %parallel_loop3A_196 : i32 to index
        %parallel_loop3A_222 = arith.constant 48 : index
        %parallel_loop3A_223 = tpu.vector_load %arg11[%parallel_loop3A_221, %parallel_loop3A_222] {strides = array<i32>} : memref<128x64xf32, #tpu.memory_space<vmem>>, vector<16xf32>,
        %parallel_loop3A_224 = arith.mulf %parallel_loop3A_223, %parallel_loop3A_199 : vector<16xf32>
        %parallel_loop3A_225 = arith.index_cast %parallel_loop3A_196 : i32 to index
        %parallel_loop3A_226 = arith.constant 48 : index
        %parallel_loop3A_227 = tpu.vector_load %arg11[%parallel_loop3A_225, %parallel_loop3A_226] {strides = array<i32>} : memref<128x64xf32, #tpu.memory_space<vmem>>, vector<16xf32>,
        tpu.vector_store %arg11[%parallel_loop3A_225, %parallel_loop3A_226], %parallel_loop3A_224 {strides = array<i32>} : memref<128x64xf32, #tpu.memory_space<vmem>>, vector<16xf32>,
      } {sc.loop_unroll_factor = 2 : i64, sc.parallel_access}
      %dma_start3A_124 = arith.constant 0 : i32
      %dma_start3A_125 = tpu.memref_slice %arg8[%add3A_112, %dma_start3A_124] : memref<144x128xi32, #tpu.memory_space<vmem>> -> memref<1x128xi32, #tpu.memory_space<vmem>>
      %dma_start3A_126 = tpu.memref_squeeze %dma_start3A_125 : memref<1x128xi32, #tpu.memory_space<vmem>> -> memref<128xi32, #tpu.memory_space<vmem>>
      %dma_start3A_127 = arith.constant 0 : i32
      %dma_start3A_128 = arith.constant 0 : i32
      %dma_start3A_129 = tpu.memref_slice %arg14[%dma_start3A_127, %dma_start3A_128] : memref<10240x64xf32, #tpu.memory_space<vmem_shared>> -> memref<10240x64xf32, #tpu.memory_space<vmem_shared>>
      tpu.enqueue_indirect_dma source(%arg11 : memref<128x64xf32, #tpu.memory_space<vmem>>) target(%dma_start3A_129 : memref<10240x64xf32, #tpu.memory_space<vmem_shared>>) offsets(%dma_start3A_126 : memref<128xi32, #tpu.memory_space<vmem>>) semaphore(%arg20 : memref<!tpu.dma_semaphore, #tpu.memory_space<semaphore_mem>>) {add = true}
      %mul3A_130 = arith.constant 4 : i32
      %mul3A_131 = arith.muli %add3A_50, %mul3A_130 : i32
      %add3A_132 = arith.constant 2 : i32
      %add3A_133 = arith.addi %mul3A_131, %add3A_132 : i32
      %dma_wait3A_134 = arith.constant 0 : i32
      %dma_wait3A_135 = tpu.memref_slice %arg7[%add3A_73, %dma_wait3A_134] : memref<144x128xi32, #tpu.memory_space<vmem>> -> memref<1x128xi32, #tpu.memory_space<vmem>>
      %dma_wait3A_136 = tpu.memref_squeeze %dma_wait3A_135 : memref<1x128xi32, #tpu.memory_space<vmem>> -> memref<128xi32, #tpu.memory_space<vmem>>
      %dma_wait3A_137 = arith.constant 0 : i32
      %dma_wait3A_138 = arith.constant 0 : i32
      %dma_wait3A_139 = tpu.memref_slice %arg2[%dma_wait3A_137, %dma_wait3A_138] : memref<10240x64xf32, #tpu.memory_space<hbm>> -> memref<10240x64xf32, #tpu.memory_space<hbm>>
      tpu.wait_indirect_dma semaphore(%arg17 : memref<!tpu.dma_semaphore, #tpu.memory_space<semaphore_mem>>) src(%dma_wait3A_139 : memref<10240x64xf32, #tpu.memory_space<hbm>>) dst(%arg12 : memref<128x64xf32, #tpu.memory_space<vmem>>)
      %mul3A_140 = arith.constant 128 : i32
      %mul3A_141 = arith.muli %add3A_133, %mul3A_140 : i32
      %parallel_loop3A_142 = arith.constant 0 : i32
      %parallel_loop3A_143 = arith.constant 128 : i32
      %parallel_loop3A_144 = arith.constant 1 : i32
      scf.for %parallel_loop3A_196 = %parallel_loop3A_142 to %parallel_loop3A_143 step %parallel_loop3A_144  : i32 {
        %parallel_loop3A_197 = arith.addi %mul3A_141, %parallel_loop3A_196 : i32
        %parallel_loop3A_198 = vector.broadcast %parallel_loop3A_197 : i32 to vector<16xi32>
        %parallel_loop3A_199 = tpu.vector_load_idx %arg9[%parallel_loop3A_198] : memref<18432xf32, #tpu.memory_space<vmem>>[vector<16xi32>], vector<16xf32>,
        %parallel_loop3A_200 = arith.index_cast %parallel_loop3A_196 : i32 to index
        %parallel_loop3A_201 = arith.constant 0 : index
        %parallel_loop3A_202 = tpu.vector_load %arg12[%parallel_loop3A_200, %parallel_loop3A_201] {strides = array<i32>} : memref<128x64xf32, #tpu.memory_space<vmem>>, vector<16xf32>,
        %parallel_loop3A_203 = arith.mulf %parallel_loop3A_202, %parallel_loop3A_199 : vector<16xf32>
        %parallel_loop3A_204 = arith.index_cast %parallel_loop3A_196 : i32 to index
        %parallel_loop3A_205 = arith.constant 0 : index
        %parallel_loop3A_206 = tpu.vector_load %arg12[%parallel_loop3A_204, %parallel_loop3A_205] {strides = array<i32>} : memref<128x64xf32, #tpu.memory_space<vmem>>, vector<16xf32>,
        tpu.vector_store %arg12[%parallel_loop3A_204, %parallel_loop3A_205], %parallel_loop3A_203 {strides = array<i32>} : memref<128x64xf32, #tpu.memory_space<vmem>>, vector<16xf32>,
        %parallel_loop3A_207 = arith.index_cast %parallel_loop3A_196 : i32 to index
        %parallel_loop3A_208 = arith.constant 16 : index
        %parallel_loop3A_209 = tpu.vector_load %arg12[%parallel_loop3A_207, %parallel_loop3A_208] {strides = array<i32>} : memref<128x64xf32, #tpu.memory_space<vmem>>, vector<16xf32>,
        %parallel_loop3A_210 = arith.mulf %parallel_loop3A_209, %parallel_loop3A_199 : vector<16xf32>
        %parallel_loop3A_211 = arith.index_cast %parallel_loop3A_196 : i32 to index
        %parallel_loop3A_212 = arith.constant 16 : index
        %parallel_loop3A_213 = tpu.vector_load %arg12[%parallel_loop3A_211, %parallel_loop3A_212] {strides = array<i32>} : memref<128x64xf32, #tpu.memory_space<vmem>>, vector<16xf32>,
        tpu.vector_store %arg12[%parallel_loop3A_211, %parallel_loop3A_212], %parallel_loop3A_210 {strides = array<i32>} : memref<128x64xf32, #tpu.memory_space<vmem>>, vector<16xf32>,
        %parallel_loop3A_214 = arith.index_cast %parallel_loop3A_196 : i32 to index
        %parallel_loop3A_215 = arith.constant 32 : index
        %parallel_loop3A_216 = tpu.vector_load %arg12[%parallel_loop3A_214, %parallel_loop3A_215] {strides = array<i32>} : memref<128x64xf32, #tpu.memory_space<vmem>>, vector<16xf32>,
        %parallel_loop3A_217 = arith.mulf %parallel_loop3A_216, %parallel_loop3A_199 : vector<16xf32>
        %parallel_loop3A_218 = arith.index_cast %parallel_loop3A_196 : i32 to index
        %parallel_loop3A_219 = arith.constant 32 : index
        %parallel_loop3A_220 = tpu.vector_load %arg12[%parallel_loop3A_218, %parallel_loop3A_219] {strides = array<i32>} : memref<128x64xf32, #tpu.memory_space<vmem>>, vector<16xf32>,
        tpu.vector_store %arg12[%parallel_loop3A_218, %parallel_loop3A_219], %parallel_loop3A_217 {strides = array<i32>} : memref<128x64xf32, #tpu.memory_space<vmem>>, vector<16xf32>,
        %parallel_loop3A_221 = arith.index_cast %parallel_loop3A_196 : i32 to index
        %parallel_loop3A_222 = arith.constant 48 : index
        %parallel_loop3A_223 = tpu.vector_load %arg12[%parallel_loop3A_221, %parallel_loop3A_222] {strides = array<i32>} : memref<128x64xf32, #tpu.memory_space<vmem>>, vector<16xf32>,
        %parallel_loop3A_224 = arith.mulf %parallel_loop3A_223, %parallel_loop3A_199 : vector<16xf32>
        %parallel_loop3A_225 = arith.index_cast %parallel_loop3A_196 : i32 to index
        %parallel_loop3A_226 = arith.constant 48 : index
        %parallel_loop3A_227 = tpu.vector_load %arg12[%parallel_loop3A_225, %parallel_loop3A_226] {strides = array<i32>} : memref<128x64xf32, #tpu.memory_space<vmem>>, vector<16xf32>,
        tpu.vector_store %arg12[%parallel_loop3A_225, %parallel_loop3A_226], %parallel_loop3A_224 {strides = array<i32>} : memref<128x64xf32, #tpu.memory_space<vmem>>, vector<16xf32>,
      } {sc.loop_unroll_factor = 2 : i64, sc.parallel_access}
      %dma_start3A_145 = arith.constant 0 : i32
      %dma_start3A_146 = tpu.memref_slice %arg8[%add3A_133, %dma_start3A_145] : memref<144x128xi32, #tpu.memory_space<vmem>> -> memref<1x128xi32, #tpu.memory_space<vmem>>
      %dma_start3A_147 = tpu.memref_squeeze %dma_start3A_146 : memref<1x128xi32, #tpu.memory_space<vmem>> -> memref<128xi32, #tpu.memory_space<vmem>>
      %dma_start3A_148 = arith.constant 0 : i32
      %dma_start3A_149 = arith.constant 0 : i32
      %dma_start3A_150 = tpu.memref_slice %arg14[%dma_start3A_148, %dma_start3A_149] : memref<10240x64xf32, #tpu.memory_space<vmem_shared>> -> memref<10240x64xf32, #tpu.memory_space<vmem_shared>>
      tpu.enqueue_indirect_dma source(%arg12 : memref<128x64xf32, #tpu.memory_space<vmem>>) target(%dma_start3A_150 : memref<10240x64xf32, #tpu.memory_space<vmem_shared>>) offsets(%dma_start3A_147 : memref<128xi32, #tpu.memory_space<vmem>>) semaphore(%arg21 : memref<!tpu.dma_semaphore, #tpu.memory_space<semaphore_mem>>) {add = true}
      %mul3A_151 = arith.constant 4 : i32
      %mul3A_152 = arith.muli %add3A_50, %mul3A_151 : i32
      %add3A_153 = arith.constant 3 : i32
      %add3A_154 = arith.addi %mul3A_152, %add3A_153 : i32
      %dma_wait3A_155 = arith.constant 0 : i32
      %dma_wait3A_156 = tpu.memref_slice %arg7[%add3A_83, %dma_wait3A_155] : memref<144x128xi32, #tpu.memory_space<vmem>> -> memref<1x128xi32, #tpu.memory_space<vmem>>
      %dma_wait3A_157 = tpu.memref_squeeze %dma_wait3A_156 : memref<1x128xi32, #tpu.memory_space<vmem>> -> memref<128xi32, #tpu.memory_space<vmem>>
      %dma_wait3A_158 = arith.constant 0 : i32
      %dma_wait3A_159 = arith.constant 0 : i32
      %dma_wait3A_160 = tpu.memref_slice %arg2[%dma_wait3A_158, %dma_wait3A_159] : memref<10240x64xf32, #tpu.memory_space<hbm>> -> memref<10240x64xf32, #tpu.memory_space<hbm>>
      tpu.wait_indirect_dma semaphore(%arg18 : memref<!tpu.dma_semaphore, #tpu.memory_space<semaphore_mem>>) src(%dma_wait3A_160 : memref<10240x64xf32, #tpu.memory_space<hbm>>) dst(%arg13 : memref<128x64xf32, #tpu.memory_space<vmem>>)
      %mul3A_161 = arith.constant 128 : i32
      %mul3A_162 = arith.muli %add3A_154, %mul3A_161 : i32
      %parallel_loop3A_163 = arith.constant 0 : i32
      %parallel_loop3A_164 = arith.constant 128 : i32
      %parallel_loop3A_165 = arith.constant 1 : i32
      scf.for %parallel_loop3A_196 = %parallel_loop3A_163 to %parallel_loop3A_164 step %parallel_loop3A_165  : i32 {
        %parallel_loop3A_197 = arith.addi %mul3A_162, %parallel_loop3A_196 : i32
        %parallel_loop3A_198 = vector.broadcast %parallel_loop3A_197 : i32 to vector<16xi32>
        %parallel_loop3A_199 = tpu.vector_load_idx %arg9[%parallel_loop3A_198] : memref<18432xf32, #tpu.memory_space<vmem>>[vector<16xi32>], vector<16xf32>,
        %parallel_loop3A_200 = arith.index_cast %parallel_loop3A_196 : i32 to index
        %parallel_loop3A_201 = arith.constant 0 : index
        %parallel_loop3A_202 = tpu.vector_load %arg13[%parallel_loop3A_200, %parallel_loop3A_201] {strides = array<i32>} : memref<128x64xf32, #tpu.memory_space<vmem>>, vector<16xf32>,
        %parallel_loop3A_203 = arith.mulf %parallel_loop3A_202, %parallel_loop3A_199 : vector<16xf32>
        %parallel_loop3A_204 = arith.index_cast %parallel_loop3A_196 : i32 to index
        %parallel_loop3A_205 = arith.constant 0 : index
        %parallel_loop3A_206 = tpu.vector_load %arg13[%parallel_loop3A_204, %parallel_loop3A_205] {strides = array<i32>} : memref<128x64xf32, #tpu.memory_space<vmem>>, vector<16xf32>,
        tpu.vector_store %arg13[%parallel_loop3A_204, %parallel_loop3A_205], %parallel_loop3A_203 {strides = array<i32>} : memref<128x64xf32, #tpu.memory_space<vmem>>, vector<16xf32>,
        %parallel_loop3A_207 = arith.index_cast %parallel_loop3A_196 : i32 to index
        %parallel_loop3A_208 = arith.constant 16 : index
        %parallel_loop3A_209 = tpu.vector_load %arg13[%parallel_loop3A_207, %parallel_loop3A_208] {strides = array<i32>} : memref<128x64xf32, #tpu.memory_space<vmem>>, vector<16xf32>,
        %parallel_loop3A_210 = arith.mulf %parallel_loop3A_209, %parallel_loop3A_199 : vector<16xf32>
        %parallel_loop3A_211 = arith.index_cast %parallel_loop3A_196 : i32 to index
        %parallel_loop3A_212 = arith.constant 16 : index
        %parallel_loop3A_213 = tpu.vector_load %arg13[%parallel_loop3A_211, %parallel_loop3A_212] {strides = array<i32>} : memref<128x64xf32, #tpu.memory_space<vmem>>, vector<16xf32>,
        tpu.vector_store %arg13[%parallel_loop3A_211, %parallel_loop3A_212], %parallel_loop3A_210 {strides = array<i32>} : memref<128x64xf32, #tpu.memory_space<vmem>>, vector<16xf32>,
        %parallel_loop3A_214 = arith.index_cast %parallel_loop3A_196 : i32 to index
        %parallel_loop3A_215 = arith.constant 32 : index
        %parallel_loop3A_216 = tpu.vector_load %arg13[%parallel_loop3A_214, %parallel_loop3A_215] {strides = array<i32>} : memref<128x64xf32, #tpu.memory_space<vmem>>, vector<16xf32>,
        %parallel_loop3A_217 = arith.mulf %parallel_loop3A_216, %parallel_loop3A_199 : vector<16xf32>
        %parallel_loop3A_218 = arith.index_cast %parallel_loop3A_196 : i32 to index
        %parallel_loop3A_219 = arith.constant 32 : index
        %parallel_loop3A_220 = tpu.vector_load %arg13[%parallel_loop3A_218, %parallel_loop3A_219] {strides = array<i32>} : memref<128x64xf32, #tpu.memory_space<vmem>>, vector<16xf32>,
        tpu.vector_store %arg13[%parallel_loop3A_218, %parallel_loop3A_219], %parallel_loop3A_217 {strides = array<i32>} : memref<128x64xf32, #tpu.memory_space<vmem>>, vector<16xf32>,
        %parallel_loop3A_221 = arith.index_cast %parallel_loop3A_196 : i32 to index
        %parallel_loop3A_222 = arith.constant 48 : index
        %parallel_loop3A_223 = tpu.vector_load %arg13[%parallel_loop3A_221, %parallel_loop3A_222] {strides = array<i32>} : memref<128x64xf32, #tpu.memory_space<vmem>>, vector<16xf32>,
        %parallel_loop3A_224 = arith.mulf %parallel_loop3A_223, %parallel_loop3A_199 : vector<16xf32>
        %parallel_loop3A_225 = arith.index_cast %parallel_loop3A_196 : i32 to index
        %parallel_loop3A_226 = arith.constant 48 : index
        %parallel_loop3A_227 = tpu.vector_load %arg13[%parallel_loop3A_225, %parallel_loop3A_226] {strides = array<i32>} : memref<128x64xf32, #tpu.memory_space<vmem>>, vector<16xf32>,
        tpu.vector_store %arg13[%parallel_loop3A_225, %parallel_loop3A_226], %parallel_loop3A_224 {strides = array<i32>} : memref<128x64xf32, #tpu.memory_space<vmem>>, vector<16xf32>,
      } {sc.loop_unroll_factor = 2 : i64, sc.parallel_access}
      %dma_start3A_166 = arith.constant 0 : i32
      %dma_start3A_167 = tpu.memref_slice %arg8[%add3A_154, %dma_start3A_166] : memref<144x128xi32, #tpu.memory_space<vmem>> -> memref<1x128xi32, #tpu.memory_space<vmem>>
      %dma_start3A_168 = tpu.memref_squeeze %dma_start3A_167 : memref<1x128xi32, #tpu.memory_space<vmem>> -> memref<128xi32, #tpu.memory_space<vmem>>
      %dma_start3A_169 = arith.constant 0 : i32
      %dma_start3A_170 = arith.constant 0 : i32
      %dma_start3A_171 = tpu.memref_slice %arg14[%dma_start3A_169, %dma_start3A_170] : memref<10240x64xf32, #tpu.memory_space<vmem_shared>> -> memref<10240x64xf32, #tpu.memory_space<vmem_shared>>
      tpu.enqueue_indirect_dma source(%arg13 : memref<128x64xf32, #tpu.memory_space<vmem>>) target(%dma_start3A_171 : memref<10240x64xf32, #tpu.memory_space<vmem_shared>>) offsets(%dma_start3A_168 : memref<128xi32, #tpu.memory_space<vmem>>) semaphore(%arg22 : memref<!tpu.dma_semaphore, #tpu.memory_space<semaphore_mem>>) {add = true}
      %dma_wait3A_172 = arith.constant 0 : i32
      %dma_wait3A_173 = tpu.memref_slice %arg8[%add3A_93, %dma_wait3A_172] : memref<144x128xi32, #tpu.memory_space<vmem>> -> memref<1x128xi32, #tpu.memory_space<vmem>>
      %dma_wait3A_174 = tpu.memref_squeeze %dma_wait3A_173 : memref<1x128xi32, #tpu.memory_space<vmem>> -> memref<128xi32, #tpu.memory_space<vmem>>
      %dma_wait3A_175 = arith.constant 0 : i32
      %dma_wait3A_176 = arith.constant 0 : i32
      %dma_wait3A_177 = tpu.memref_slice %arg14[%dma_wait3A_175, %dma_wait3A_176] : memref<10240x64xf32, #tpu.memory_space<vmem_shared>> -> memref<10240x64xf32, #tpu.memory_space<vmem_shared>>
      tpu.wait_indirect_dma semaphore(%arg19 : memref<!tpu.dma_semaphore, #tpu.memory_space<semaphore_mem>>) src(%arg10 : memref<128x64xf32, #tpu.memory_space<vmem>>) dst(%dma_wait3A_177 : memref<10240x64xf32, #tpu.memory_space<vmem_shared>>)
      %dma_wait3A_178 = arith.constant 0 : i32
      %dma_wait3A_179 = tpu.memref_slice %arg8[%add3A_112, %dma_wait3A_178] : memref<144x128xi32, #tpu.memory_space<vmem>> -> memref<1x128xi32, #tpu.memory_space<vmem>>
      %dma_wait3A_180 = tpu.memref_squeeze %dma_wait3A_179 : memref<1x128xi32, #tpu.memory_space<vmem>> -> memref<128xi32, #tpu.memory_space<vmem>>
      %dma_wait3A_181 = arith.constant 0 : i32
      %dma_wait3A_182 = arith.constant 0 : i32
      %dma_wait3A_183 = tpu.memref_slice %arg14[%dma_wait3A_181, %dma_wait3A_182] : memref<10240x64xf32, #tpu.memory_space<vmem_shared>> -> memref<10240x64xf32, #tpu.memory_space<vmem_shared>>
      tpu.wait_indirect_dma semaphore(%arg20 : memref<!tpu.dma_semaphore, #tpu.memory_space<semaphore_mem>>) src(%arg11 : memref<128x64xf32, #tpu.memory_space<vmem>>) dst(%dma_wait3A_183 : memref<10240x64xf32, #tpu.memory_space<vmem_shared>>)
      %dma_wait3A_184 = arith.constant 0 : i32
      %dma_wait3A_185 = tpu.memref_slice %arg8[%add3A_133, %dma_wait3A_184] : memref<144x128xi32, #tpu.memory_space<vmem>> -> memref<1x128xi32, #tpu.memory_space<vmem>>
      %dma_wait3A_186 = tpu.memref_squeeze %dma_wait3A_185 : memref<1x128xi32, #tpu.memory_space<vmem>> -> memref<128xi32, #tpu.memory_space<vmem>>
      %dma_wait3A_187 = arith.constant 0 : i32
      %dma_wait3A_188 = arith.constant 0 : i32
      %dma_wait3A_189 = tpu.memref_slice %arg14[%dma_wait3A_187, %dma_wait3A_188] : memref<10240x64xf32, #tpu.memory_space<vmem_shared>> -> memref<10240x64xf32, #tpu.memory_space<vmem_shared>>
      tpu.wait_indirect_dma semaphore(%arg21 : memref<!tpu.dma_semaphore, #tpu.memory_space<semaphore_mem>>) src(%arg12 : memref<128x64xf32, #tpu.memory_space<vmem>>) dst(%dma_wait3A_189 : memref<10240x64xf32, #tpu.memory_space<vmem_shared>>)
      %dma_wait3A_190 = arith.constant 0 : i32
      %dma_wait3A_191 = tpu.memref_slice %arg8[%add3A_154, %dma_wait3A_190] : memref<144x128xi32, #tpu.memory_space<vmem>> -> memref<1x128xi32, #tpu.memory_space<vmem>>
      %dma_wait3A_192 = tpu.memref_squeeze %dma_wait3A_191 : memref<1x128xi32, #tpu.memory_space<vmem>> -> memref<128xi32, #tpu.memory_space<vmem>>
      %dma_wait3A_193 = arith.constant 0 : i32
      %dma_wait3A_194 = arith.constant 0 : i32
      %dma_wait3A_195 = tpu.memref_slice %arg14[%dma_wait3A_193, %dma_wait3A_194] : memref<10240x64xf32, #tpu.memory_space<vmem_shared>> -> memref<10240x64xf32, #tpu.memory_space<vmem_shared>>
      tpu.wait_indirect_dma semaphore(%arg22 : memref<!tpu.dma_semaphore, #tpu.memory_space<semaphore_mem>>) src(%arg13 : memref<128x64xf32, #tpu.memory_space<vmem>>) dst(%dma_wait3A_195 : memref<10240x64xf32, #tpu.memory_space<vmem_shared>>)
    }
    %while3A_41 = arith.constant 1 : i32
    scf.for %while3A_48 = %while3A_39 to %while3A_35 step %while3A_41  : i32 {
      %mul3A_49 = arith.muli %while3A_48, %while3A : i32
      %add3A_50 = arith.addi %while3A_32, %mul3A_49 : i32
      %mul3A_51 = arith.constant 4 : i32
      %mul3A_52 = arith.muli %add3A_50, %mul3A_51 : i32
      %add3A_53 = arith.constant 0 : i32
      %add3A_54 = arith.addi %mul3A_52, %add3A_53 : i32
      %dma_start3A = arith.constant 0 : i32
      %dma_start3A_55 = tpu.memref_slice %arg7[%add3A_54, %dma_start3A] : memref<144x128xi32, #tpu.memory_space<vmem>> -> memref<1x128xi32, #tpu.memory_space<vmem>>
      %dma_start3A_56 = tpu.memref_squeeze %dma_start3A_55 : memref<1x128xi32, #tpu.memory_space<vmem>> -> memref<128xi32, #tpu.memory_space<vmem>>
      %dma_start3A_57 = arith.constant 0 : i32
      %dma_start3A_58 = arith.constant 0 : i32
      %dma_start3A_59 = tpu.memref_slice %arg2[%dma_start3A_57, %dma_start3A_58] : memref<10240x64xf32, #tpu.memory_space<hbm>> -> memref<10240x64xf32, #tpu.memory_space<hbm>>
      tpu.enqueue_indirect_dma source(%dma_start3A_59 : memref<10240x64xf32, #tpu.memory_space<hbm>>) target(%arg10 : memref<128x64xf32, #tpu.memory_space<vmem>>) offsets(%dma_start3A_56 : memref<128xi32, #tpu.memory_space<vmem>>) semaphore(%arg15 : memref<!tpu.dma_semaphore, #tpu.memory_space<semaphore_mem>>)
      %mul3A_60 = arith.constant 4 : i32
      %mul3A_61 = arith.muli %add3A_50, %mul3A_60 : i32
      %add3A_62 = arith.constant 1 : i32
      %add3A_63 = arith.addi %mul3A_61, %add3A_62 : i32
      %dma_start3A_64 = arith.constant 0 : i32
      %dma_start3A_65 = tpu.memref_slice %arg7[%add3A_63, %dma_start3A_64] : memref<144x128xi32, #tpu.memory_space<vmem>> -> memref<1x128xi32, #tpu.memory_space<vmem>>
      %dma_start3A_66 = tpu.memref_squeeze %dma_start3A_65 : memref<1x128xi32, #tpu.memory_space<vmem>> -> memref<128xi32, #tpu.memory_space<vmem>>
      %dma_start3A_67 = arith.constant 0 : i32
      %dma_start3A_68 = arith.constant 0 : i32
      %dma_start3A_69 = tpu.memref_slice %arg2[%dma_start3A_67, %dma_start3A_68] : memref<10240x64xf32, #tpu.memory_space<hbm>> -> memref<10240x64xf32, #tpu.memory_space<hbm>>
      tpu.enqueue_indirect_dma source(%dma_start3A_69 : memref<10240x64xf32, #tpu.memory_space<hbm>>) target(%arg11 : memref<128x64xf32, #tpu.memory_space<vmem>>) offsets(%dma_start3A_66 : memref<128xi32, #tpu.memory_space<vmem>>) semaphore(%arg16 : memref<!tpu.dma_semaphore, #tpu.memory_space<semaphore_mem>>)
      %mul3A_70 = arith.constant 4 : i32
      %mul3A_71 = arith.muli %add3A_50, %mul3A_70 : i32
      %add3A_72 = arith.constant 2 : i32
      %add3A_73 = arith.addi %mul3A_71, %add3A_72 : i32
      %dma_start3A_74 = arith.constant 0 : i32
      %dma_start3A_75 = tpu.memref_slice %arg7[%add3A_73, %dma_start3A_74] : memref<144x128xi32, #tpu.memory_space<vmem>> -> memref<1x128xi32, #tpu.memory_space<vmem>>
      %dma_start3A_76 = tpu.memref_squeeze %dma_start3A_75 : memref<1x128xi32, #tpu.memory_space<vmem>> -> memref<128xi32, #tpu.memory_space<vmem>>
      %dma_start3A_77 = arith.constant 0 : i32
      %dma_start3A_78 = arith.constant 0 : i32
      %dma_start3A_79 = tpu.memref_slice %arg2[%dma_start3A_77, %dma_start3A_78] : memref<10240x64xf32, #tpu.memory_space<hbm>> -> memref<10240x64xf32, #tpu.memory_space<hbm>>
      tpu.enqueue_indirect_dma source(%dma_start3A_79 : memref<10240x64xf32, #tpu.memory_space<hbm>>) target(%arg12 : memref<128x64xf32, #tpu.memory_space<vmem>>) offsets(%dma_start3A_76 : memref<128xi32, #tpu.memory_space<vmem>>) semaphore(%arg17 : memref<!tpu.dma_semaphore, #tpu.memory_space<semaphore_mem>>)
      %mul3A_80 = arith.constant 4 : i32
      %mul3A_81 = arith.muli %add3A_50, %mul3A_80 : i32
      %add3A_82 = arith.constant 3 : i32
      %add3A_83 = arith.addi %mul3A_81, %add3A_82 : i32
      %dma_start3A_84 = arith.constant 0 : i32
      %dma_start3A_85 = tpu.memref_slice %arg7[%add3A_83, %dma_start3A_84] : memref<144x128xi32, #tpu.memory_space<vmem>> -> memref<1x128xi32, #tpu.memory_space<vmem>>
      %dma_start3A_86 = tpu.memref_squeeze %dma_start3A_85 : memref<1x128xi32, #tpu.memory_space<vmem>> -> memref<128xi32, #tpu.memory_space<vmem>>
      %dma_start3A_87 = arith.constant 0 : i32
      %dma_start3A_88 = arith.constant 0 : i32
      %dma_start3A_89 = tpu.memref_slice %arg2[%dma_start3A_87, %dma_start3A_88] : memref<10240x64xf32, #tpu.memory_space<hbm>> -> memref<10240x64xf32, #tpu.memory_space<hbm>>
      tpu.enqueue_indirect_dma source(%dma_start3A_89 : memref<10240x64xf32, #tpu.memory_space<hbm>>) target(%arg13 : memref<128x64xf32, #tpu.memory_space<vmem>>) offsets(%dma_start3A_86 : memref<128xi32, #tpu.memory_space<vmem>>) semaphore(%arg18 : memref<!tpu.dma_semaphore, #tpu.memory_space<semaphore_mem>>)
      %mul3A_90 = arith.constant 4 : i32
      %mul3A_91 = arith.muli %add3A_50, %mul3A_90 : i32
      %add3A_92 = arith.constant 0 : i32
      %add3A_93 = arith.addi %mul3A_91, %add3A_92 : i32
      %dma_wait3A = arith.constant 0 : i32
      %dma_wait3A_94 = tpu.memref_slice %arg7[%add3A_54, %dma_wait3A] : memref<144x128xi32, #tpu.memory_space<vmem>> -> memref<1x128xi32, #tpu.memory_space<vmem>>
      %dma_wait3A_95 = tpu.memref_squeeze %dma_wait3A_94 : memref<1x128xi32, #tpu.memory_space<vmem>> -> memref<128xi32, #tpu.memory_space<vmem>>
      %dma_wait3A_96 = arith.constant 0 : i32
      %dma_wait3A_97 = arith.constant 0 : i32
      %dma_wait3A_98 = tpu.memref_slice %arg2[%dma_wait3A_96, %dma_wait3A_97] : memref<10240x64xf32, #tpu.memory_space<hbm>> -> memref<10240x64xf32, #tpu.memory_space<hbm>>
      tpu.wait_indirect_dma semaphore(%arg15 : memref<!tpu.dma_semaphore, #tpu.memory_space<semaphore_mem>>) src(%dma_wait3A_98 : memref<10240x64xf32, #tpu.memory_space<hbm>>) dst(%arg10 : memref<128x64xf32, #tpu.memory_space<vmem>>)
      %mul3A_99 = arith.constant 128 : i32
      %mul3A_100 = arith.muli %add3A_93, %mul3A_99 : i32
      %parallel_loop3A = arith.constant 0 : i32
      %parallel_loop3A_101 = arith.constant 128 : i32
      %parallel_loop3A_102 = arith.constant 1 : i32
      scf.for %parallel_loop3A_196 = %parallel_loop3A to %parallel_loop3A_101 step %parallel_loop3A_102  : i32 {
        %parallel_loop3A_197 = arith.addi %mul3A_100, %parallel_loop3A_196 : i32
        %parallel_loop3A_198 = vector.broadcast %parallel_loop3A_197 : i32 to vector<16xi32>
        %parallel_loop3A_199 = tpu.vector_load_idx %arg9[%parallel_loop3A_198] : memref<18432xf32, #tpu.memory_space<vmem>>[vector<16xi32>], vector<16xf32>,
        %parallel_loop3A_200 = arith.index_cast %parallel_loop3A_196 : i32 to index
        %parallel_loop3A_201 = arith.constant 0 : index
        %parallel_loop3A_202 = tpu.vector_load %arg10[%parallel_loop3A_200, %parallel_loop3A_201] {strides = array<i32>} : memref<128x64xf32, #tpu.memory_space<vmem>>, vector<16xf32>,
        %parallel_loop3A_203 = arith.mulf %parallel_loop3A_202, %parallel_loop3A_199 : vector<16xf32>
        %parallel_loop3A_204 = arith.index_cast %parallel_loop3A_196 : i32 to index
        %parallel_loop3A_205 = arith.constant 0 : index
        %parallel_loop3A_206 = tpu.vector_load %arg10[%parallel_loop3A_204, %parallel_loop3A_205] {strides = array<i32>} : memref<128x64xf32, #tpu.memory_space<vmem>>, vector<16xf32>,
        tpu.vector_store %arg10[%parallel_loop3A_204, %parallel_loop3A_205], %parallel_loop3A_203 {strides = array<i32>} : memref<128x64xf32, #tpu.memory_space<vmem>>, vector<16xf32>,
        %parallel_loop3A_207 = arith.index_cast %parallel_loop3A_196 : i32 to index
        %parallel_loop3A_208 = arith.constant 16 : index
        %parallel_loop3A_209 = tpu.vector_load %arg10[%parallel_loop3A_207, %parallel_loop3A_208] {strides = array<i32>} : memref<128x64xf32, #tpu.memory_space<vmem>>, vector<16xf32>,
        %parallel_loop3A_210 = arith.mulf %parallel_loop3A_209, %parallel_loop3A_199 : vector<16xf32>
        %parallel_loop3A_211 = arith.index_cast %parallel_loop3A_196 : i32 to index
        %parallel_loop3A_212 = arith.constant 16 : index
        %parallel_loop3A_213 = tpu.vector_load %arg10[%parallel_loop3A_211, %parallel_loop3A_212] {strides = array<i32>} : memref<128x64xf32, #tpu.memory_space<vmem>>, vector<16xf32>,
        tpu.vector_store %arg10[%parallel_loop3A_211, %parallel_loop3A_212], %parallel_loop3A_210 {strides = array<i32>} : memref<128x64xf32, #tpu.memory_space<vmem>>, vector<16xf32>,
        %parallel_loop3A_214 = arith.index_cast %parallel_loop3A_196 : i32 to index
        %parallel_loop3A_215 = arith.constant 32 : index
        %parallel_loop3A_216 = tpu.vector_load %arg10[%parallel_loop3A_214, %parallel_loop3A_215] {strides = array<i32>} : memref<128x64xf32, #tpu.memory_space<vmem>>, vector<16xf32>,
        %parallel_loop3A_217 = arith.mulf %parallel_loop3A_216, %parallel_loop3A_199 : vector<16xf32>
        %parallel_loop3A_218 = arith.index_cast %parallel_loop3A_196 : i32 to index
        %parallel_loop3A_219 = arith.constant 32 : index
        %parallel_loop3A_220 = tpu.vector_load %arg10[%parallel_loop3A_218, %parallel_loop3A_219] {strides = array<i32>} : memref<128x64xf32, #tpu.memory_space<vmem>>, vector<16xf32>,
        tpu.vector_store %arg10[%parallel_loop3A_218, %parallel_loop3A_219], %parallel_loop3A_217 {strides = array<i32>} : memref<128x64xf32, #tpu.memory_space<vmem>>, vector<16xf32>,
        %parallel_loop3A_221 = arith.index_cast %parallel_loop3A_196 : i32 to index
        %parallel_loop3A_222 = arith.constant 48 : index
        %parallel_loop3A_223 = tpu.vector_load %arg10[%parallel_loop3A_221, %parallel_loop3A_222] {strides = array<i32>} : memref<128x64xf32, #tpu.memory_space<vmem>>, vector<16xf32>,
        %parallel_loop3A_224 = arith.mulf %parallel_loop3A_223, %parallel_loop3A_199 : vector<16xf32>
        %parallel_loop3A_225 = arith.index_cast %parallel_loop3A_196 : i32 to index
        %parallel_loop3A_226 = arith.constant 48 : index
        %parallel_loop3A_227 = tpu.vector_load %arg10[%parallel_loop3A_225, %parallel_loop3A_226] {strides = array<i32>} : memref<128x64xf32, #tpu.memory_space<vmem>>, vector<16xf32>,
        tpu.vector_store %arg10[%parallel_loop3A_225, %parallel_loop3A_226], %parallel_loop3A_224 {strides = array<i32>} : memref<128x64xf32, #tpu.memory_space<vmem>>, vector<16xf32>,
      } {sc.loop_unroll_factor = 2 : i64, sc.parallel_access}
      %dma_start3A_103 = arith.constant 0 : i32
      %dma_start3A_104 = tpu.memref_slice %arg8[%add3A_93, %dma_start3A_103] : memref<144x128xi32, #tpu.memory_space<vmem>> -> memref<1x128xi32, #tpu.memory_space<vmem>>
      %dma_start3A_105 = tpu.memref_squeeze %dma_start3A_104 : memref<1x128xi32, #tpu.memory_space<vmem>> -> memref<128xi32, #tpu.memory_space<vmem>>
      %dma_start3A_106 = arith.constant 0 : i32
      %dma_start3A_107 = arith.constant 0 : i32
      %dma_start3A_108 = tpu.memref_slice %arg14[%dma_start3A_106, %dma_start3A_107] : memref<10240x64xf32, #tpu.memory_space<vmem_shared>> -> memref<10240x64xf32, #tpu.memory_space<vmem_shared>>
      tpu.enqueue_indirect_dma source(%arg10 : memref<128x64xf32, #tpu.memory_space<vmem>>) target(%dma_start3A_108 : memref<10240x64xf32, #tpu.memory_space<vmem_shared>>) offsets(%dma_start3A_105 : memref<128xi32, #tpu.memory_space<vmem>>) semaphore(%arg19 : memref<!tpu.dma_semaphore, #tpu.memory_space<semaphore_mem>>) {add = true}
      %mul3A_109 = arith.constant 4 : i32
      %mul3A_110 = arith.muli %add3A_50, %mul3A_109 : i32
      %add3A_111 = arith.constant 1 : i32
      %add3A_112 = arith.addi %mul3A_110, %add3A_111 : i32
      %dma_wait3A_113 = arith.constant 0 : i32
      %dma_wait3A_114 = tpu.memref_slice %arg7[%add3A_63, %dma_wait3A_113] : memref<144x128xi32, #tpu.memory_space<vmem>> -> memref<1x128xi32, #tpu.memory_space<vmem>>
      %dma_wait3A_115 = tpu.memref_squeeze %dma_wait3A_114 : memref<1x128xi32, #tpu.memory_space<vmem>> -> memref<128xi32, #tpu.memory_space<vmem>>
      %dma_wait3A_116 = arith.constant 0 : i32
      %dma_wait3A_117 = arith.constant 0 : i32
      %dma_wait3A_118 = tpu.memref_slice %arg2[%dma_wait3A_116, %dma_wait3A_117] : memref<10240x64xf32, #tpu.memory_space<hbm>> -> memref<10240x64xf32, #tpu.memory_space<hbm>>
      tpu.wait_indirect_dma semaphore(%arg16 : memref<!tpu.dma_semaphore, #tpu.memory_space<semaphore_mem>>) src(%dma_wait3A_118 : memref<10240x64xf32, #tpu.memory_space<hbm>>) dst(%arg11 : memref<128x64xf32, #tpu.memory_space<vmem>>)
      %mul3A_119 = arith.constant 128 : i32
      %mul3A_120 = arith.muli %add3A_112, %mul3A_119 : i32
      %parallel_loop3A_121 = arith.constant 0 : i32
      %parallel_loop3A_122 = arith.constant 128 : i32
      %parallel_loop3A_123 = arith.constant 1 : i32
      scf.for %parallel_loop3A_196 = %parallel_loop3A_121 to %parallel_loop3A_122 step %parallel_loop3A_123  : i32 {
        %parallel_loop3A_197 = arith.addi %mul3A_120, %parallel_loop3A_196 : i32
        %parallel_loop3A_198 = vector.broadcast %parallel_loop3A_197 : i32 to vector<16xi32>
        %parallel_loop3A_199 = tpu.vector_load_idx %arg9[%parallel_loop3A_198] : memref<18432xf32, #tpu.memory_space<vmem>>[vector<16xi32>], vector<16xf32>,
        %parallel_loop3A_200 = arith.index_cast %parallel_loop3A_196 : i32 to index
        %parallel_loop3A_201 = arith.constant 0 : index
        %parallel_loop3A_202 = tpu.vector_load %arg11[%parallel_loop3A_200, %parallel_loop3A_201] {strides = array<i32>} : memref<128x64xf32, #tpu.memory_space<vmem>>, vector<16xf32>,
        %parallel_loop3A_203 = arith.mulf %parallel_loop3A_202, %parallel_loop3A_199 : vector<16xf32>
        %parallel_loop3A_204 = arith.index_cast %parallel_loop3A_196 : i32 to index
        %parallel_loop3A_205 = arith.constant 0 : index
        %parallel_loop3A_206 = tpu.vector_load %arg11[%parallel_loop3A_204, %parallel_loop3A_205] {strides = array<i32>} : memref<128x64xf32, #tpu.memory_space<vmem>>, vector<16xf32>,
        tpu.vector_store %arg11[%parallel_loop3A_204, %parallel_loop3A_205], %parallel_loop3A_203 {strides = array<i32>} : memref<128x64xf32, #tpu.memory_space<vmem>>, vector<16xf32>,
        %parallel_loop3A_207 = arith.index_cast %parallel_loop3A_196 : i32 to index
        %parallel_loop3A_208 = arith.constant 16 : index
        %parallel_loop3A_209 = tpu.vector_load %arg11[%parallel_loop3A_207, %parallel_loop3A_208] {strides = array<i32>} : memref<128x64xf32, #tpu.memory_space<vmem>>, vector<16xf32>,
        %parallel_loop3A_210 = arith.mulf %parallel_loop3A_209, %parallel_loop3A_199 : vector<16xf32>
        %parallel_loop3A_211 = arith.index_cast %parallel_loop3A_196 : i32 to index
        %parallel_loop3A_212 = arith.constant 16 : index
        %parallel_loop3A_213 = tpu.vector_load %arg11[%parallel_loop3A_211, %parallel_loop3A_212] {strides = array<i32>} : memref<128x64xf32, #tpu.memory_space<vmem>>, vector<16xf32>,
        tpu.vector_store %arg11[%parallel_loop3A_211, %parallel_loop3A_212], %parallel_loop3A_210 {strides = array<i32>} : memref<128x64xf32, #tpu.memory_space<vmem>>, vector<16xf32>,
        %parallel_loop3A_214 = arith.index_cast %parallel_loop3A_196 : i32 to index
        %parallel_loop3A_215 = arith.constant 32 : index
        %parallel_loop3A_216 = tpu.vector_load %arg11[%parallel_loop3A_214, %parallel_loop3A_215] {strides = array<i32>} : memref<128x64xf32, #tpu.memory_space<vmem>>, vector<16xf32>,
        %parallel_loop3A_217 = arith.mulf %parallel_loop3A_216, %parallel_loop3A_199 : vector<16xf32>
        %parallel_loop3A_218 = arith.index_cast %parallel_loop3A_196 : i32 to index
        %parallel_loop3A_219 = arith.constant 32 : index
        %parallel_loop3A_220 = tpu.vector_load %arg11[%parallel_loop3A_218, %parallel_loop3A_219] {strides = array<i32>} : memref<128x64xf32, #tpu.memory_space<vmem>>, vector<16xf32>,
        tpu.vector_store %arg11[%parallel_loop3A_218, %parallel_loop3A_219], %parallel_loop3A_217 {strides = array<i32>} : memref<128x64xf32, #tpu.memory_space<vmem>>, vector<16xf32>,
        %parallel_loop3A_221 = arith.index_cast %parallel_loop3A_196 : i32 to index
        %parallel_loop3A_222 = arith.constant 48 : index
        %parallel_loop3A_223 = tpu.vector_load %arg11[%parallel_loop3A_221, %parallel_loop3A_222] {strides = array<i32>} : memref<128x64xf32, #tpu.memory_space<vmem>>, vector<16xf32>,
        %parallel_loop3A_224 = arith.mulf %parallel_loop3A_223, %parallel_loop3A_199 : vector<16xf32>
        %parallel_loop3A_225 = arith.index_cast %parallel_loop3A_196 : i32 to index
        %parallel_loop3A_226 = arith.constant 48 : index
        %parallel_loop3A_227 = tpu.vector_load %arg11[%parallel_loop3A_225, %parallel_loop3A_226] {strides = array<i32>} : memref<128x64xf32, #tpu.memory_space<vmem>>, vector<16xf32>,
        tpu.vector_store %arg11[%parallel_loop3A_225, %parallel_loop3A_226], %parallel_loop3A_224 {strides = array<i32>} : memref<128x64xf32, #tpu.memory_space<vmem>>, vector<16xf32>,
      } {sc.loop_unroll_factor = 2 : i64, sc.parallel_access}
      %dma_start3A_124 = arith.constant 0 : i32
      %dma_start3A_125 = tpu.memref_slice %arg8[%add3A_112, %dma_start3A_124] : memref<144x128xi32, #tpu.memory_space<vmem>> -> memref<1x128xi32, #tpu.memory_space<vmem>>
      %dma_start3A_126 = tpu.memref_squeeze %dma_start3A_125 : memref<1x128xi32, #tpu.memory_space<vmem>> -> memref<128xi32, #tpu.memory_space<vmem>>
      %dma_start3A_127 = arith.constant 0 : i32
      %dma_start3A_128 = arith.constant 0 : i32
      %dma_start3A_129 = tpu.memref_slice %arg14[%dma_start3A_127, %dma_start3A_128] : memref<10240x64xf32, #tpu.memory_space<vmem_shared>> -> memref<10240x64xf32, #tpu.memory_space<vmem_shared>>
      tpu.enqueue_indirect_dma source(%arg11 : memref<128x64xf32, #tpu.memory_space<vmem>>) target(%dma_start3A_129 : memref<10240x64xf32, #tpu.memory_space<vmem_shared>>) offsets(%dma_start3A_126 : memref<128xi32, #tpu.memory_space<vmem>>) semaphore(%arg20 : memref<!tpu.dma_semaphore, #tpu.memory_space<semaphore_mem>>) {add = true}
      %mul3A_130 = arith.constant 4 : i32
      %mul3A_131 = arith.muli %add3A_50, %mul3A_130 : i32
      %add3A_132 = arith.constant 2 : i32
      %add3A_133 = arith.addi %mul3A_131, %add3A_132 : i32
      %dma_wait3A_134 = arith.constant 0 : i32
      %dma_wait3A_135 = tpu.memref_slice %arg7[%add3A_73, %dma_wait3A_134] : memref<144x128xi32, #tpu.memory_space<vmem>> -> memref<1x128xi32, #tpu.memory_space<vmem>>
      %dma_wait3A_136 = tpu.memref_squeeze %dma_wait3A_135 : memref<1x128xi32, #tpu.memory_space<vmem>> -> memref<128xi32, #tpu.memory_space<vmem>>
      %dma_wait3A_137 = arith.constant 0 : i32
      %dma_wait3A_138 = arith.constant 0 : i32
      %dma_wait3A_139 = tpu.memref_slice %arg2[%dma_wait3A_137, %dma_wait3A_138] : memref<10240x64xf32, #tpu.memory_space<hbm>> -> memref<10240x64xf32, #tpu.memory_space<hbm>>
      tpu.wait_indirect_dma semaphore(%arg17 : memref<!tpu.dma_semaphore, #tpu.memory_space<semaphore_mem>>) src(%dma_wait3A_139 : memref<10240x64xf32, #tpu.memory_space<hbm>>) dst(%arg12 : memref<128x64xf32, #tpu.memory_space<vmem>>)
      %mul3A_140 = arith.constant 128 : i32
      %mul3A_141 = arith.muli %add3A_133, %mul3A_140 : i32
      %parallel_loop3A_142 = arith.constant 0 : i32
      %parallel_loop3A_143 = arith.constant 128 : i32
      %parallel_loop3A_144 = arith.constant 1 : i32
      scf.for %parallel_loop3A_196 = %parallel_loop3A_142 to %parallel_loop3A_143 step %parallel_loop3A_144  : i32 {
        %parallel_loop3A_197 = arith.addi %mul3A_141, %parallel_loop3A_196 : i32
        %parallel_loop3A_198 = vector.broadcast %parallel_loop3A_197 : i32 to vector<16xi32>
        %parallel_loop3A_199 = tpu.vector_load_idx %arg9[%parallel_loop3A_198] : memref<18432xf32, #tpu.memory_space<vmem>>[vector<16xi32>], vector<16xf32>,
        %parallel_loop3A_200 = arith.index_cast %parallel_loop3A_196 : i32 to index
        %parallel_loop3A_201 = arith.constant 0 : index
        %parallel_loop3A_202 = tpu.vector_load %arg12[%parallel_loop3A_200, %parallel_loop3A_201] {strides = array<i32>} : memref<128x64xf32, #tpu.memory_space<vmem>>, vector<16xf32>,
        %parallel_loop3A_203 = arith.mulf %parallel_loop3A_202, %parallel_loop3A_199 : vector<16xf32>
        %parallel_loop3A_204 = arith.index_cast %parallel_loop3A_196 : i32 to index
        %parallel_loop3A_205 = arith.constant 0 : index
        %parallel_loop3A_206 = tpu.vector_load %arg12[%parallel_loop3A_204, %parallel_loop3A_205] {strides = array<i32>} : memref<128x64xf32, #tpu.memory_space<vmem>>, vector<16xf32>,
        tpu.vector_store %arg12[%parallel_loop3A_204, %parallel_loop3A_205], %parallel_loop3A_203 {strides = array<i32>} : memref<128x64xf32, #tpu.memory_space<vmem>>, vector<16xf32>,
        %parallel_loop3A_207 = arith.index_cast %parallel_loop3A_196 : i32 to index
        %parallel_loop3A_208 = arith.constant 16 : index
        %parallel_loop3A_209 = tpu.vector_load %arg12[%parallel_loop3A_207, %parallel_loop3A_208] {strides = array<i32>} : memref<128x64xf32, #tpu.memory_space<vmem>>, vector<16xf32>,
        %parallel_loop3A_210 = arith.mulf %parallel_loop3A_209, %parallel_loop3A_199 : vector<16xf32>
        %parallel_loop3A_211 = arith.index_cast %parallel_loop3A_196 : i32 to index
        %parallel_loop3A_212 = arith.constant 16 : index
        %parallel_loop3A_213 = tpu.vector_load %arg12[%parallel_loop3A_211, %parallel_loop3A_212] {strides = array<i32>} : memref<128x64xf32, #tpu.memory_space<vmem>>, vector<16xf32>,
        tpu.vector_store %arg12[%parallel_loop3A_211, %parallel_loop3A_212], %parallel_loop3A_210 {strides = array<i32>} : memref<128x64xf32, #tpu.memory_space<vmem>>, vector<16xf32>,
        %parallel_loop3A_214 = arith.index_cast %parallel_loop3A_196 : i32 to index
        %parallel_loop3A_215 = arith.constant 32 : index
        %parallel_loop3A_216 = tpu.vector_load %arg12[%parallel_loop3A_214, %parallel_loop3A_215] {strides = array<i32>} : memref<128x64xf32, #tpu.memory_space<vmem>>, vector<16xf32>,
        %parallel_loop3A_217 = arith.mulf %parallel_loop3A_216, %parallel_loop3A_199 : vector<16xf32>
        %parallel_loop3A_218 = arith.index_cast %parallel_loop3A_196 : i32 to index
        %parallel_loop3A_219 = arith.constant 32 : index
        %parallel_loop3A_220 = tpu.vector_load %arg12[%parallel_loop3A_218, %parallel_loop3A_219] {strides = array<i32>} : memref<128x64xf32, #tpu.memory_space<vmem>>, vector<16xf32>,
        tpu.vector_store %arg12[%parallel_loop3A_218, %parallel_loop3A_219], %parallel_loop3A_217 {strides = array<i32>} : memref<128x64xf32, #tpu.memory_space<vmem>>, vector<16xf32>,
        %parallel_loop3A_221 = arith.index_cast %parallel_loop3A_196 : i32 to index
        %parallel_loop3A_222 = arith.constant 48 : index
        %parallel_loop3A_223 = tpu.vector_load %arg12[%parallel_loop3A_221, %parallel_loop3A_222] {strides = array<i32>} : memref<128x64xf32, #tpu.memory_space<vmem>>, vector<16xf32>,
        %parallel_loop3A_224 = arith.mulf %parallel_loop3A_223, %parallel_loop3A_199 : vector<16xf32>
        %parallel_loop3A_225 = arith.index_cast %parallel_loop3A_196 : i32 to index
        %parallel_loop3A_226 = arith.constant 48 : index
        %parallel_loop3A_227 = tpu.vector_load %arg12[%parallel_loop3A_225, %parallel_loop3A_226] {strides = array<i32>} : memref<128x64xf32, #tpu.memory_space<vmem>>, vector<16xf32>,
        tpu.vector_store %arg12[%parallel_loop3A_225, %parallel_loop3A_226], %parallel_loop3A_224 {strides = array<i32>} : memref<128x64xf32, #tpu.memory_space<vmem>>, vector<16xf32>,
      } {sc.loop_unroll_factor = 2 : i64, sc.parallel_access}
      %dma_start3A_145 = arith.constant 0 : i32
      %dma_start3A_146 = tpu.memref_slice %arg8[%add3A_133, %dma_start3A_145] : memref<144x128xi32, #tpu.memory_space<vmem>> -> memref<1x128xi32, #tpu.memory_space<vmem>>
      %dma_start3A_147 = tpu.memref_squeeze %dma_start3A_146 : memref<1x128xi32, #tpu.memory_space<vmem>> -> memref<128xi32, #tpu.memory_space<vmem>>
      %dma_start3A_148 = arith.constant 0 : i32
      %dma_start3A_149 = arith.constant 0 : i32
      %dma_start3A_150 = tpu.memref_slice %arg14[%dma_start3A_148, %dma_start3A_149] : memref<10240x64xf32, #tpu.memory_space<vmem_shared>> -> memref<10240x64xf32, #tpu.memory_space<vmem_shared>>
      tpu.enqueue_indirect_dma source(%arg12 : memref<128x64xf32, #tpu.memory_space<vmem>>) target(%dma_start3A_150 : memref<10240x64xf32, #tpu.memory_space<vmem_shared>>) offsets(%dma_start3A_147 : memref<128xi32, #tpu.memory_space<vmem>>) semaphore(%arg21 : memref<!tpu.dma_semaphore, #tpu.memory_space<semaphore_mem>>) {add = true}
      %mul3A_151 = arith.constant 4 : i32
      %mul3A_152 = arith.muli %add3A_50, %mul3A_151 : i32
      %add3A_153 = arith.constant 3 : i32
      %add3A_154 = arith.addi %mul3A_152, %add3A_153 : i32
      %dma_wait3A_155 = arith.constant 0 : i32
      %dma_wait3A_156 = tpu.memref_slice %arg7[%add3A_83, %dma_wait3A_155] : memref<144x128xi32, #tpu.memory_space<vmem>> -> memref<1x128xi32, #tpu.memory_space<vmem>>
      %dma_wait3A_157 = tpu.memref_squeeze %dma_wait3A_156 : memref<1x128xi32, #tpu.memory_space<vmem>> -> memref<128xi32, #tpu.memory_space<vmem>>
      %dma_wait3A_158 = arith.constant 0 : i32
      %dma_wait3A_159 = arith.constant 0 : i32
      %dma_wait3A_160 = tpu.memref_slice %arg2[%dma_wait3A_158, %dma_wait3A_159] : memref<10240x64xf32, #tpu.memory_space<hbm>> -> memref<10240x64xf32, #tpu.memory_space<hbm>>
      tpu.wait_indirect_dma semaphore(%arg18 : memref<!tpu.dma_semaphore, #tpu.memory_space<semaphore_mem>>) src(%dma_wait3A_160 : memref<10240x64xf32, #tpu.memory_space<hbm>>) dst(%arg13 : memref<128x64xf32, #tpu.memory_space<vmem>>)
      %mul3A_161 = arith.constant 128 : i32
      %mul3A_162 = arith.muli %add3A_154, %mul3A_161 : i32
      %parallel_loop3A_163 = arith.constant 0 : i32
      %parallel_loop3A_164 = arith.constant 128 : i32
      %parallel_loop3A_165 = arith.constant 1 : i32
      scf.for %parallel_loop3A_196 = %parallel_loop3A_163 to %parallel_loop3A_164 step %parallel_loop3A_165  : i32 {
        %parallel_loop3A_197 = arith.addi %mul3A_162, %parallel_loop3A_196 : i32
        %parallel_loop3A_198 = vector.broadcast %parallel_loop3A_197 : i32 to vector<16xi32>
        %parallel_loop3A_199 = tpu.vector_load_idx %arg9[%parallel_loop3A_198] : memref<18432xf32, #tpu.memory_space<vmem>>[vector<16xi32>], vector<16xf32>,
        %parallel_loop3A_200 = arith.index_cast %parallel_loop3A_196 : i32 to index
        %parallel_loop3A_201 = arith.constant 0 : index
        %parallel_loop3A_202 = tpu.vector_load %arg13[%parallel_loop3A_200, %parallel_loop3A_201] {strides = array<i32>} : memref<128x64xf32, #tpu.memory_space<vmem>>, vector<16xf32>,
        %parallel_loop3A_203 = arith.mulf %parallel_loop3A_202, %parallel_loop3A_199 : vector<16xf32>
        %parallel_loop3A_204 = arith.index_cast %parallel_loop3A_196 : i32 to index
        %parallel_loop3A_205 = arith.constant 0 : index
        %parallel_loop3A_206 = tpu.vector_load %arg13[%parallel_loop3A_204, %parallel_loop3A_205] {strides = array<i32>} : memref<128x64xf32, #tpu.memory_space<vmem>>, vector<16xf32>,
        tpu.vector_store %arg13[%parallel_loop3A_204, %parallel_loop3A_205], %parallel_loop3A_203 {strides = array<i32>} : memref<128x64xf32, #tpu.memory_space<vmem>>, vector<16xf32>,
        %parallel_loop3A_207 = arith.index_cast %parallel_loop3A_196 : i32 to index
        %parallel_loop3A_208 = arith.constant 16 : index
        %parallel_loop3A_209 = tpu.vector_load %arg13[%parallel_loop3A_207, %parallel_loop3A_208] {strides = array<i32>} : memref<128x64xf32, #tpu.memory_space<vmem>>, vector<16xf32>,
        %parallel_loop3A_210 = arith.mulf %parallel_loop3A_209, %parallel_loop3A_199 : vector<16xf32>
        %parallel_loop3A_211 = arith.index_cast %parallel_loop3A_196 : i32 to index
        %parallel_loop3A_212 = arith.constant 16 : index
        %parallel_loop3A_213 = tpu.vector_load %arg13[%parallel_loop3A_211, %parallel_loop3A_212] {strides = array<i32>} : memref<128x64xf32, #tpu.memory_space<vmem>>, vector<16xf32>,
        tpu.vector_store %arg13[%parallel_loop3A_211, %parallel_loop3A_212], %parallel_loop3A_210 {strides = array<i32>} : memref<128x64xf32, #tpu.memory_space<vmem>>, vector<16xf32>,
        %parallel_loop3A_214 = arith.index_cast %parallel_loop3A_196 : i32 to index
        %parallel_loop3A_215 = arith.constant 32 : index
        %parallel_loop3A_216 = tpu.vector_load %arg13[%parallel_loop3A_214, %parallel_loop3A_215] {strides = array<i32>} : memref<128x64xf32, #tpu.memory_space<vmem>>, vector<16xf32>,
        %parallel_loop3A_217 = arith.mulf %parallel_loop3A_216, %parallel_loop3A_199 : vector<16xf32>
        %parallel_loop3A_218 = arith.index_cast %parallel_loop3A_196 : i32 to index
        %parallel_loop3A_219 = arith.constant 32 : index
        %parallel_loop3A_220 = tpu.vector_load %arg13[%parallel_loop3A_218, %parallel_loop3A_219] {strides = array<i32>} : memref<128x64xf32, #tpu.memory_space<vmem>>, vector<16xf32>,
        tpu.vector_store %arg13[%parallel_loop3A_218, %parallel_loop3A_219], %parallel_loop3A_217 {strides = array<i32>} : memref<128x64xf32, #tpu.memory_space<vmem>>, vector<16xf32>,
        %parallel_loop3A_221 = arith.index_cast %parallel_loop3A_196 : i32 to index
        %parallel_loop3A_222 = arith.constant 48 : index
        %parallel_loop3A_223 = tpu.vector_load %arg13[%parallel_loop3A_221, %parallel_loop3A_222] {strides = array<i32>} : memref<128x64xf32, #tpu.memory_space<vmem>>, vector<16xf32>,
        %parallel_loop3A_224 = arith.mulf %parallel_loop3A_223, %parallel_loop3A_199 : vector<16xf32>
        %parallel_loop3A_225 = arith.index_cast %parallel_loop3A_196 : i32 to index
        %parallel_loop3A_226 = arith.constant 48 : index
        %parallel_loop3A_227 = tpu.vector_load %arg13[%parallel_loop3A_225, %parallel_loop3A_226] {strides = array<i32>} : memref<128x64xf32, #tpu.memory_space<vmem>>, vector<16xf32>,
        tpu.vector_store %arg13[%parallel_loop3A_225, %parallel_loop3A_226], %parallel_loop3A_224 {strides = array<i32>} : memref<128x64xf32, #tpu.memory_space<vmem>>, vector<16xf32>,
      } {sc.loop_unroll_factor = 2 : i64, sc.parallel_access}
      %dma_start3A_166 = arith.constant 0 : i32
      %dma_start3A_167 = tpu.memref_slice %arg8[%add3A_154, %dma_start3A_166] : memref<144x128xi32, #tpu.memory_space<vmem>> -> memref<1x128xi32, #tpu.memory_space<vmem>>
      %dma_start3A_168 = tpu.memref_squeeze %dma_start3A_167 : memref<1x128xi32, #tpu.memory_space<vmem>> -> memref<128xi32, #tpu.memory_space<vmem>>
      %dma_start3A_169 = arith.constant 0 : i32
      %dma_start3A_170 = arith.constant 0 : i32
      %dma_start3A_171 = tpu.memref_slice %arg14[%dma_start3A_169, %dma_start3A_170] : memref<10240x64xf32, #tpu.memory_space<vmem_shared>> -> memref<10240x64xf32, #tpu.memory_space<vmem_shared>>
      tpu.enqueue_indirect_dma source(%arg13 : memref<128x64xf32, #tpu.memory_space<vmem>>) target(%dma_start3A_171 : memref<10240x64xf32, #tpu.memory_space<vmem_shared>>) offsets(%dma_start3A_168 : memref<128xi32, #tpu.memory_space<vmem>>) semaphore(%arg22 : memref<!tpu.dma_semaphore, #tpu.memory_space<semaphore_mem>>) {add = true}
      %dma_wait3A_172 = arith.constant 0 : i32
      %dma_wait3A_173 = tpu.memref_slice %arg8[%add3A_93, %dma_wait3A_172] : memref<144x128xi32, #tpu.memory_space<vmem>> -> memref<1x128xi32, #tpu.memory_space<vmem>>
      %dma_wait3A_174 = tpu.memref_squeeze %dma_wait3A_173 : memref<1x128xi32, #tpu.memory_space<vmem>> -> memref<128xi32, #tpu.memory_space<vmem>>
      %dma_wait3A_175 = arith.constant 0 : i32
      %dma_wait3A_176 = arith.constant 0 : i32
      %dma_wait3A_177 = tpu.memref_slice %arg14[%dma_wait3A_175, %dma_wait3A_176] : memref<10240x64xf32, #tpu.memory_space<vmem_shared>> -> memref<10240x64xf32, #tpu.memory_space<vmem_shared>>
      tpu.wait_indirect_dma semaphore(%arg19 : memref<!tpu.dma_semaphore, #tpu.memory_space<semaphore_mem>>) src(%arg10 : memref<128x64xf32, #tpu.memory_space<vmem>>) dst(%dma_wait3A_177 : memref<10240x64xf32, #tpu.memory_space<vmem_shared>>)
      %dma_wait3A_178 = arith.constant 0 : i32
      %dma_wait3A_179 = tpu.memref_slice %arg8[%add3A_112, %dma_wait3A_178] : memref<144x128xi32, #tpu.memory_space<vmem>> -> memref<1x128xi32, #tpu.memory_space<vmem>>
      %dma_wait3A_180 = tpu.memref_squeeze %dma_wait3A_179 : memref<1x128xi32, #tpu.memory_space<vmem>> -> memref<128xi32, #tpu.memory_space<vmem>>
      %dma_wait3A_181 = arith.constant 0 : i32
      %dma_wait3A_182 = arith.constant 0 : i32
      %dma_wait3A_183 = tpu.memref_slice %arg14[%dma_wait3A_181, %dma_wait3A_182] : memref<10240x64xf32, #tpu.memory_space<vmem_shared>> -> memref<10240x64xf32, #tpu.memory_space<vmem_shared>>
      tpu.wait_indirect_dma semaphore(%arg20 : memref<!tpu.dma_semaphore, #tpu.memory_space<semaphore_mem>>) src(%arg11 : memref<128x64xf32, #tpu.memory_space<vmem>>) dst(%dma_wait3A_183 : memref<10240x64xf32, #tpu.memory_space<vmem_shared>>)
      %dma_wait3A_184 = arith.constant 0 : i32
      %dma_wait3A_185 = tpu.memref_slice %arg8[%add3A_133, %dma_wait3A_184] : memref<144x128xi32, #tpu.memory_space<vmem>> -> memref<1x128xi32, #tpu.memory_space<vmem>>
      %dma_wait3A_186 = tpu.memref_squeeze %dma_wait3A_185 : memref<1x128xi32, #tpu.memory_space<vmem>> -> memref<128xi32, #tpu.memory_space<vmem>>
      %dma_wait3A_187 = arith.constant 0 : i32
      %dma_wait3A_188 = arith.constant 0 : i32
      %dma_wait3A_189 = tpu.memref_slice %arg14[%dma_wait3A_187, %dma_wait3A_188] : memref<10240x64xf32, #tpu.memory_space<vmem_shared>> -> memref<10240x64xf32, #tpu.memory_space<vmem_shared>>
      tpu.wait_indirect_dma semaphore(%arg21 : memref<!tpu.dma_semaphore, #tpu.memory_space<semaphore_mem>>) src(%arg12 : memref<128x64xf32, #tpu.memory_space<vmem>>) dst(%dma_wait3A_189 : memref<10240x64xf32, #tpu.memory_space<vmem_shared>>)
      %dma_wait3A_190 = arith.constant 0 : i32
      %dma_wait3A_191 = tpu.memref_slice %arg8[%add3A_154, %dma_wait3A_190] : memref<144x128xi32, #tpu.memory_space<vmem>> -> memref<1x128xi32, #tpu.memory_space<vmem>>
      %dma_wait3A_192 = tpu.memref_squeeze %dma_wait3A_191 : memref<1x128xi32, #tpu.memory_space<vmem>> -> memref<128xi32, #tpu.memory_space<vmem>>
      %dma_wait3A_193 = arith.constant 0 : i32
      %dma_wait3A_194 = arith.constant 0 : i32
      %dma_wait3A_195 = tpu.memref_slice %arg14[%dma_wait3A_193, %dma_wait3A_194] : memref<10240x64xf32, #tpu.memory_space<vmem_shared>> -> memref<10240x64xf32, #tpu.memory_space<vmem_shared>>
      tpu.wait_indirect_dma semaphore(%arg22 : memref<!tpu.dma_semaphore, #tpu.memory_space<semaphore_mem>>) src(%arg13 : memref<128x64xf32, #tpu.memory_space<vmem>>) dst(%dma_wait3A_195 : memref<10240x64xf32, #tpu.memory_space<vmem_shared>>)
    }
    %barrier3A_42 = arith.constant 0 : index
    tpu.barrier barrier_id(%barrier3A_42)
    %scan3A_43 = arith.constant 0 : i32
    %scan3A_44 = arith.constant 5 : i32
    %scan3A_45 = arith.addi %scan3A_43, %scan3A_44 : i32
    %scan3A_46 = arith.constant 1 : i32
    scf.for %scan3A_48 = %scan3A_43 to %scan3A_45 step %scan3A_46  : i32 {
      %mul3A_49 = arith.constant 1 : i32
      %mul3A_50 = arith.muli %scan3A_48, %mul3A_49 : i32
      %add3A_51 = arith.constant 0 : i32
      %add3A_52 = arith.addi %add3A_51, %mul3A_50 : i32
      %mul3A_53 = arith.constant 640 : i32
      %mul3A_54 = arith.muli %arg1, %mul3A_53 : i32
      %mul3A_55 = arith.constant 128 : i32
      %mul3A_56 = arith.muli %add3A_52, %mul3A_55 : i32
      %add3A_57 = arith.addi %mul3A_54, %mul3A_56 : i32
      "tpu.region"() ({
        %run_scoped3A = tpu.sem_alloc : memref<!tpu.dma_semaphore, #tpu.memory_space<semaphore_mem>>
        %dma_start3A = arith.constant 0 : i32
        %dma_start3A_58 = tpu.memref_slice %arg6[%arg0, %add3A_57, %dma_start3A] : memref<2x10240x64xf32, #tpu.memory_space<hbm>> -> memref<1x128x64xf32, #tpu.memory_space<hbm>>
        %dma_start3A_59 = tpu.memref_squeeze %dma_start3A_58 : memref<1x128x64xf32, #tpu.memory_space<hbm>> -> memref<128x64xf32, #tpu.memory_space<hbm>>
        %dma_start3A_60 = arith.constant 0 : i32
        %dma_start3A_61 = tpu.memref_slice %arg14[%add3A_57, %dma_start3A_60] : memref<10240x64xf32, #tpu.memory_space<vmem_shared>> -> memref<128x64xf32, #tpu.memory_space<vmem_shared>>
        tpu.enqueue_dma source(%dma_start3A_61 : memref<128x64xf32, #tpu.memory_space<vmem_shared>>) target(%dma_start3A_59 : memref<128x64xf32, #tpu.memory_space<hbm>>) target_semaphore(%run_scoped3A : memref<!tpu.dma_semaphore, #tpu.memory_space<semaphore_mem>>)
        %dma_wait3A = arith.constant 0 : i32
        %dma_wait3A_62 = tpu.memref_slice %arg6[%arg0, %add3A_57, %dma_wait3A] : memref<2x10240x64xf32, #tpu.memory_space<hbm>> -> memref<1x128x64xf32, #tpu.memory_space<hbm>>
        %dma_wait3A_63 = tpu.memref_squeeze %dma_wait3A_62 : memref<1x128x64xf32, #tpu.memory_space<hbm>> -> memref<128x64xf32, #tpu.memory_space<hbm>>
        %dma_wait3A_64 = arith.constant 0 : i32
        %dma_wait3A_65 = tpu.memref_slice %arg14[%add3A_57, %dma_wait3A_64] : memref<10240x64xf32, #tpu.memory_space<vmem_shared>> -> memref<128x64xf32, #tpu.memory_space<vmem_shared>>
        tpu.wait_dma2 semaphore(%run_scoped3A : memref<!tpu.dma_semaphore, #tpu.memory_space<semaphore_mem>>) src(%dma_wait3A_65 : memref<128x64xf32, #tpu.memory_space<vmem_shared>>) dst(%dma_wait3A_63 : memref<128x64xf32, #tpu.memory_space<hbm>>)
        tpu.yield
      }) : () -> ()
    }
    %scan3A_47 = arith.constant 5 : i32
    return
  }
}

module attributes {stable_mosaic.version = 14 : i64} {
  func.func @_proj_body(%arg0: i32, %arg1: memref<1024x128xf32, #tpu.memory_space<vmem>>, %arg2: memref<128x64xf32, #tpu.memory_space<vmem>>, %arg3: memref<1024x64xf32, #tpu.memory_space<vmem>>) attributes {dimension_semantics = [#tpu.dimension_semantics<arbitrary>], iteration_bounds = array<i64: 10>, scalar_prefetch = 0 : i64, scratch_operands = 0 : i64, tpu.core_type = #tpu.core_type<tc>, window_params = [{transform_indices = @transform_0, window_bounds = array<i64: 1024, 128>}, {pipeline_mode = #tpu.pipeline_mode<synchronous>, transform_indices = @transform_1, window_bounds = array<i64: 128, 64>}, {transform_indices = @transform_2, window_bounds = array<i64: 1024, 64>}]} {
    %get3A = arith.constant 0 : index
    %get3A_0 = arith.constant 0 : index
    %get3A_1 = vector.load %arg1[%get3A, %get3A_0] : memref<1024x128xf32, #tpu.memory_space<vmem>>, vector<1024x128xf32>
    %get3A_2 = arith.constant 0 : index
    %get3A_3 = arith.constant 0 : index
    %get3A_4 = vector.load %arg2[%get3A_2, %get3A_3] : memref<128x64xf32, #tpu.memory_space<vmem>>, vector<128x64xf32>
    %dot_general3A = arith.constant dense<0.000000e+00> : vector<1024x64xf32>
    %dot_general3A_5 = tpu.matmul %get3A_1, %get3A_4, %dot_general3A {dimension_numbers = #tpu.dot_dimension_numbers<[1], [0], [0], [1], [0, 0, 1, 1], [], []>, transpose_lhs_hint = false} : vector<1024x128xf32>, vector<128x64xf32>, vector<1024x64xf32> -> vector<1024x64xf32>
    %swap3A = arith.constant 0 : index
    %swap3A_6 = arith.constant 0 : index
    %swap3A_7 = vector.load %arg3[%swap3A, %swap3A_6] : memref<1024x64xf32, #tpu.memory_space<vmem>>, vector<1024x64xf32>
    tpu.vector_store %arg3[%swap3A, %swap3A_6], %dot_general3A_5 {strides = array<i32>} : memref<1024x64xf32, #tpu.memory_space<vmem>>, vector<1024x64xf32>,
    return
  }
  func.func @transform_0(%arg0: i32) -> (i32, i32) {
    %c0_i32 = arith.constant 0 : i32
    %c0_i32_0 = arith.constant 0 : i32
    return %arg0, %c0_i32 : i32, i32
  }
  func.func @transform_1(%arg0: i32) -> (i32, i32) {
    %c0_i32 = arith.constant 0 : i32
    %c0_i32_0 = arith.constant 0 : i32
    %c0_i32_1 = arith.constant 0 : i32
    return %c0_i32, %c0_i32_0 : i32, i32
  }
  func.func @transform_2(%arg0: i32) -> (i32, i32) {
    %c0_i32 = arith.constant 0 : i32
    %c0_i32_0 = arith.constant 0 : i32
    return %arg0, %c0_i32 : i32, i32
  }
}

module attributes {stable_mosaic.version = 14 : i64} {
  func.func @_prep_body(%arg0: memref<32x10240xf32, #tpu.memory_space<vmem>>, %arg1: memref<10240x64xf32, #tpu.memory_space<vmem>>, %arg2: memref<2x10240xf32, #tpu.memory_space<vmem>>, %arg3: memref<10240x64xf32, #tpu.memory_space<vmem>>) attributes {dimension_semantics = [], scalar_prefetch = 0 : i64, scratch_operands = 0 : i64, tpu.core_type = #tpu.core_type<tc>} {
    %get3A = arith.constant 0 : index
    %get3A_0 = arith.constant 0 : index
    %get3A_1 = vector.load %arg0[%get3A, %get3A_0] : memref<32x10240xf32, #tpu.memory_space<vmem>>, vector<32x10240xf32>
    %reduce_sum3A = arith.constant dense<0.000000e+00> : vector<10240xf32>
    %reduce_sum3A_2 = vector.multi_reduction <add>, %get3A_1, %reduce_sum3A [0] : vector<32x10240xf32> to vector<10240xf32>
    %broadcast_in_dim3A = vector.shape_cast %reduce_sum3A_2 : vector<10240xf32> to vector<1x10240xf32>
    %add3A = arith.constant 1.000000e+00 : f32
    %add3A_3 = vector.broadcast %add3A : f32 to vector<1x10240xf32>
    %add3A_4 = arith.addf %broadcast_in_dim3A, %add3A_3 : vector<1x10240xf32>
    %gt3A = arith.constant 0.000000e+00 : f32
    %gt3A_5 = vector.broadcast %gt3A : f32 to vector<1x10240xf32>
    %gt3A_6 = arith.cmpf ogt, %add3A_4, %gt3A_5 : vector<1x10240xf32>
    %rsqrt3A = math.rsqrt %add3A_4 : vector<1x10240xf32>
    %jit3A = arith.constant 0.000000e+00 : f32
    %broadcast_in_dim3A_7 = vector.broadcast %jit3A : f32 to vector<1x10240xf32>
    %select_n3A = arith.select %gt3A_6, %rsqrt3A, %broadcast_in_dim3A_7 : vector<1x10240xi1>, vector<1x10240xf32>
    %mul3A = arith.mulf %select_n3A, %select_n3A : vector<1x10240xf32>
    %concatenate3A = tpu.concatenate %select_n3A, %mul3A in 0 : vector<1x10240xf32>, vector<1x10240xf32> -> vector<2x10240xf32>
    %swap3A = arith.constant 0 : index
    %swap3A_8 = arith.constant 0 : index
    %swap3A_9 = vector.load %arg2[%swap3A, %swap3A_8] : memref<2x10240xf32, #tpu.memory_space<vmem>>, vector<2x10240xf32>
    tpu.vector_store %arg2[%swap3A, %swap3A_8], %concatenate3A {strides = array<i32>} : memref<2x10240xf32, #tpu.memory_space<vmem>>, vector<2x10240xf32>,
    %reshape3A = vector.shape_cast %select_n3A : vector<1x10240xf32> to vector<10240x1xf32>
    %get3A_10 = arith.constant 0 : index
    %get3A_11 = arith.constant 0 : index
    %get3A_12 = vector.load %arg1[%get3A_10, %get3A_11] : memref<10240x64xf32, #tpu.memory_space<vmem>>, vector<10240x64xf32>
    %mul3A_13 = vector.broadcast %reshape3A : vector<10240x1xf32> to vector<10240x64xf32>
    %mul3A_14 = arith.mulf %mul3A_13, %get3A_12 : vector<10240x64xf32>
    %swap3A_15 = arith.constant 0 : index
    %swap3A_16 = arith.constant 0 : index
    %swap3A_17 = vector.load %arg3[%swap3A_15, %swap3A_16] : memref<10240x64xf32, #tpu.memory_space<vmem>>, vector<10240x64xf32>
    tpu.vector_store %arg3[%swap3A_15, %swap3A_16], %mul3A_14 {strides = array<i32>} : memref<10240x64xf32, #tpu.memory_space<vmem>>, vector<10240x64xf32>,
    return
  }
}

module attributes {stable_mosaic.version = 14 : i64} {
  func.func @_comb_body(%arg0: memref<2x10240x64xf32, #tpu.memory_space<vmem>>, %arg1: memref<10240x64xf32, #tpu.memory_space<vmem>>, %arg2: memref<10240x1xf32, #tpu.memory_space<vmem>>, %arg3: memref<1x64xf32, #tpu.memory_space<vmem>>, %arg4: memref<10240x64xf32, #tpu.memory_space<vmem>>) attributes {dimension_semantics = [], scalar_prefetch = 0 : i64, scratch_operands = 0 : i64, tpu.core_type = #tpu.core_type<tc>} {
    %get3A = arith.constant 0 : index
    %get3A_0 = arith.constant 0 : index
    %get3A_1 = vector.load %arg2[%get3A, %get3A_0] : memref<10240x1xf32, #tpu.memory_space<vmem>>, vector<10240x1xf32>
    %get3A_2 = arith.constant 0 : index
    %get3A_3 = arith.constant 0 : index
    %get3A_4 = arith.constant 0 : index
    %get3A_5 = vector.load %arg0[%get3A_2, %get3A_3, %get3A_4] : memref<2x10240x64xf32, #tpu.memory_space<vmem>>, vector<1x10240x64xf32>
    %get3A_6 = vector.shape_cast %get3A_5 : vector<1x10240x64xf32> to vector<10240x64xf32>
    %get3A_7 = arith.constant 1 : index
    %get3A_8 = arith.constant 0 : index
    %get3A_9 = arith.constant 0 : index
    %get3A_10 = vector.load %arg0[%get3A_7, %get3A_8, %get3A_9] : memref<2x10240x64xf32, #tpu.memory_space<vmem>>, vector<1x10240x64xf32>
    %get3A_11 = vector.shape_cast %get3A_10 : vector<1x10240x64xf32> to vector<10240x64xf32>
    %add3A = arith.addf %get3A_6, %get3A_11 : vector<10240x64xf32>
    %get3A_12 = arith.constant 0 : index
    %get3A_13 = arith.constant 0 : index
    %get3A_14 = vector.load %arg1[%get3A_12, %get3A_13] : memref<10240x64xf32, #tpu.memory_space<vmem>>, vector<10240x64xf32>
    %add3A_15 = arith.addf %add3A, %get3A_14 : vector<10240x64xf32>
    %mul3A = vector.broadcast %get3A_1 : vector<10240x1xf32> to vector<10240x64xf32>
    %mul3A_16 = arith.mulf %mul3A, %add3A_15 : vector<10240x64xf32>
    %get3A_17 = arith.constant 0 : index
    %get3A_18 = arith.constant 0 : index
    %get3A_19 = vector.load %arg3[%get3A_17, %get3A_18] : memref<1x64xf32, #tpu.memory_space<vmem>>, vector<1x64xf32>
    %add3A_20 = vector.broadcast %get3A_19 : vector<1x64xf32> to vector<10240x64xf32>
    %add3A_21 = arith.addf %mul3A_16, %add3A_20 : vector<10240x64xf32>
    %swap3A = arith.constant 0 : index
    %swap3A_22 = arith.constant 0 : index
    %swap3A_23 = vector.load %arg4[%swap3A, %swap3A_22] : memref<10240x64xf32, #tpu.memory_space<vmem>>, vector<10240x64xf32>
    tpu.vector_store %arg4[%swap3A, %swap3A_22], %add3A_21 {strides = array<i32>} : memref<10240x64xf32, #tpu.memory_space<vmem>>, vector<10240x64xf32>,
    return
  }
}

</mosaic_0001>

<sc_bundles>
// kernel: kernel.12.cloned.1.call-start
scs
__scs_entry_jumppad:
0x0: {  	(pc) =	sbr.rel $0x88, $3  }
0x1: {  	(tag) =	ssettag $0x0;
	lr =	simm.s32 $0x1  }
0x2: {  	[smem:$0x3F9C] =	sst lr;
	_ =	strace $0xD0000000  }
0x3: {  	_ = 	snop  }
0x4: {  	_ = 	snop  }
0x5: {  	_ = 	snop  }
0x6: {  	_ = 	snop  }
0x7: {  	_ = 	snop  }
__scs_overlays_trampoline_lowered:
0x8: {  	[smem:$0x3FAB] =	sst s0  }
0x9: {  	[smem:$0x3FAC] =	sst s1  }
0xa: {  	[smem:$0x3FAD] =	sst s2  }
0xb: {  	[smem:$0x3FAE] =	sst s3  }
0xc: {  	[smem:$0x3FAF] =	sst s4  }
0xd: {  	[smem:$0x3FB0] =	sst s5  }
0xe: {  	[smem:$0x3FB1] =	sst s6  }
0xf: {  	[smem:$0x3FB2] =	sst s7  }
0x10: {  	[smem:$0x3FB3] =	sst s8  }
0x11: {  	[smem:$0x3FB4] =	sst s9;
	s0 =	simm.s32 @!p0 $0x0  }
0x12: {  	s1 =	sld [smem:$0x3F9A];
	s0 =	simm.s32 @p0 $0x1  }
0x13: {  	[smem:$0x3FB5] =	sst s0;
	s0 =	simm.s32 @!p1 $0x0  }
0x14: {  	s2 =	sld [smem:$0x3F99];
	s0 =	simm.s32 @p1 $0x1  }
0x15: {  	[smem:$0x3FB6] =	sst s0;
	s0 =	simm.s32 @!p2 $0x0  }
0x16: {  	s3 =	sld [smem:$0x3FDB];
	s0 =	simm.s32 @p2 $0x1  }
0x17: {  	s4 =	simm.s32 $0x1BF5;
	[smem:$0x3FB8] =	sst s0  }
0x18: {  	s0 =	sld [smem:$0x3F9B];
	_ =	swait.ge [sflag:s4], $0x0  }
0x19: {  	s7 =	sld [smem:$0x3F9C]  }
0x1a: {  	s8 =	sadd.s32 $0xFFFFE003, lr  }
0x1b: {  	s9 =	sadd.s32 $0xFFFFFEF7, lr;
	s5 =	simm.s32 $0xFFFFFFFF;
	p2 =	slt.u32 s8, $0xFFFFF086  }
0x1c: {  	p1 =	slt.u32 s9, $0xF7A;
	s5 =	simm.s32 @!p2 $0x0  }
0x1d: {  	s5 =	simm.s32 @p1 $0x1;
	p0 =	seq.s32 s7, s2  }
0x1e: {  	s7 =	smul.u32 @!p0 $0xF7A, s2;
	p2 =	seq.s32 @!p0 s5, $0x0  }
0x1f: {  	s9 =	smul.u32 $0xF7A, s1;
	s8 =	simm.s32 @!p0 $0x1BF5;
	p2 =	por !p2, p0  }
0x20: {  	[sflag:s8] =	ssyncset.s32 @!p0 $0xFFFFF086;
	s6 =	sadd.s32 @!p0 s3, s7;
	s7 =	simm.s32 @!p0 $0x108  }
0x21: {  	s3 =	sadd.s32 s3, s9;
	s6 =	sadd.s32 @!p0 $0x88, s6;
	s7 =	simm.s32 @p2 $0x1082  }
0x22: {  	[simem:s7], [sflag:s8] =	dma.local @!p0 [hbm:s6], $0xF7A  }
0x23: {  	s9 =	sor.u32 $0xD0000000, s2;
	s6 =	simm.s32 $0x108;
	_ =	swait.ge @!p0 [sflag:s8], $0x0  }
0x24: {  	s3 =	sadd.s32 $0x88, s3;
	s6 =	simm.s32 @!p1 $0x1082;
	[sflag:s4] =	ssyncset.s32 $0xFFFFF086  }
0x25: {  	[simem:s6], [sflag:s4] =	dma.local [hbm:s3], $0xF7A  }
0x26: {  	[smem:$0x3F9C] =	sst s1;
	(tag) =	ssettag s2;
	_ =	strace s9  }
0x27: {  	s1 =	sld [smem:$0x3FAC]  }
0x28: {  	s2 =	sld [smem:$0x3FAD]  }
0x29: {  	s4 =	sld [smem:$0x3FAF]  }
0x2a: {  	p0 =	seq.s32 s5, $0x0;
	s5 =	sld [smem:$0x3FB0]  }
0x2b: {  	s6 =	sld [smem:$0x3FB1]  }
0x2c: {  	s7 =	sld [smem:$0x3FB2]  }
0x2d: {  	s3 =	simm.s32 $0x108;
	s8 =	sld [smem:$0x3FB3]  }
0x2e: {  	s3 =	simm.s32 @!p0 $0x1082;
	s9 =	sld [smem:$0x3FB4]  }
0x2f: {  	lr =	sadd.s32 s0, s3;
	s0 =	sld [smem:$0x3FAB]  }
0x30: {  	s3 =	sld [smem:$0x3FAE]  }
0x31: {  	[smem:$0x3FB7] =	sst s10  }
0x32: {  	s10 =	sld [smem:$0x3FB5];
	_ =	sdelay $0x3  }
0x33: {  	p0 =	seq.s32 s10, $0x1;
	s10 =	sld [smem:$0x3FB7];
	_ =	sdelay $0x3  }
0x34: {  	[smem:$0x3FB7] =	sst s10  }
0x35: {  	s10 =	sld [smem:$0x3FB6];
	_ =	sdelay $0x3  }
0x36: {  	p1 =	seq.s32 s10, $0x1;
	s10 =	sld [smem:$0x3FB7];
	_ =	sdelay $0x3  }
0x37: {  	[smem:$0x3FB7] =	sst s10  }
0x38: {  	s10 =	sld [smem:$0x3FB8]  }
0x39: {  	_ = 	snop;
	(pc) =	sbr.ind lr, $3  }
0x3a: {  	_ = 	snop  }
0x3b: {  	_ = 	snop  }
0x3c: {  	p2 =	seq.s32 s10, $0x1;
	s10 =	sld [smem:$0x3FB7]  }
0x3d: {  	_ =	shalt  }
0x3e: {  	_ =	shalt  }
0x3f: {  	_ =	shalt  }
0x40: {  	_ =	shalt  }
0x41: {  	_ =	shalt  }
0x42: {  	_ =	shalt  }
0x43: {  	_ =	shalt  }
0x44: {  	_ =	shalt  }
0x45: {  	_ =	shalt  }
0x46: {  	_ =	shalt  }
0x47: {  	_ =	shalt  }
0x48: {  	_ =	shalt  }
0x49: {  	_ =	shalt  }
0x4a: {  	_ =	shalt  }
0x4b: {  	_ =	shalt  }
0x4c: {  	_ =	shalt  }
0x4d: {  	_ =	shalt  }
0x4e: {  	_ =	shalt  }
0x4f: {  	_ =	shalt  }
0x50: {  	_ =	shalt  }
0x51: {  	_ =	shalt  }
0x52: {  	_ =	shalt  }
0x53: {  	_ =	shalt  }
0x54: {  	_ =	shalt  }
0x55: {  	_ =	shalt  }
0x56: {  	_ =	shalt  }
0x57: {  	_ =	shalt  }
0x58: {  	_ =	shalt  }
0x59: {  	_ =	shalt  }
0x5a: {  	_ =	shalt  }
0x5b: {  	_ =	shalt  }
0x5c: {  	_ =	shalt  }
0x5d: {  	_ =	shalt  }
0x5e: {  	_ =	shalt  }
0x5f: {  	_ =	shalt  }
0x60: {  	_ =	shalt  }
0x61: {  	_ =	shalt  }
0x62: {  	_ =	shalt  }
0x63: {  	_ =	shalt  }
0x64: {  	_ =	shalt  }
0x65: {  	_ =	shalt  }
0x66: {  	_ =	shalt  }
0x67: {  	_ =	shalt  }
0x68: {  	_ =	shalt  }
0x69: {  	_ =	shalt  }
0x6a: {  	_ =	shalt  }
0x6b: {  	_ =	shalt  }
0x6c: {  	_ =	shalt  }
0x6d: {  	_ =	shalt  }
0x6e: {  	_ =	shalt  }
0x6f: {  	_ =	shalt  }
0x70: {  	_ =	shalt  }
0x71: {  	_ =	shalt  }
0x72: {  	_ =	shalt  }
0x73: {  	_ =	shalt  }
0x74: {  	_ =	shalt  }
0x75: {  	_ =	shalt  }
0x76: {  	_ =	shalt  }
0x77: {  	_ =	shalt  }
0x78: {  	_ =	shalt  }
0x79: {  	_ =	shalt  }
0x7a: {  	_ =	shalt  }
0x7b: {  	_ =	shalt  }
0x7c: {  	_ =	shalt  }
0x7d: {  	_ =	shalt  }
0x7e: {  	_ =	shalt  }
0x7f: {  	_ =	shalt  }
0x80: {  	_ =	shalt  }
0x81: {  	_ =	shalt  }
0x82: {  	_ =	shalt  }
0x83: {  	_ =	shalt  }
0x84: {  	_ =	shalt  }
0x85: {  	_ =	shalt  }
0x86: {  	_ =	shalt  }
0x87: {  	_ =	shalt  }
.Lfunc_end0:
.L_simem_size_0:
called_computation.1_lowered:
.L_overlay_start_0:
0x88: {  	s2 =	sld [smem:$0x3FD9]  }
0x89: {  	s3 =	sld [smem:$0x3FFE];
	_ =	sdelay $0x1  }
0x8a: {  	s1 =	srdreg.scid  }
0x8b: {  	s0 =	sand.u32 $0x1, s1  }
0x8c: {  	s17 =	sshll.u32 s0, $0xA;
	s2 =	sadd.s32 s3, s2  }
0x8d: {  	s2 =	sadd.s32 s2, s17  }
0x8e: {  	[smem:$0x3FC3] =	sst s2  }
0x8f: {  	_ = 	snop  }
0x90: {  	s2 =	sld [smem:$0x3FD0];
	(tm) =	ssettm $0x1  }
0x91: {  	s18 =	sld [smem:$0x3FFB];
	_ =	sdelay $0x3  }
0x92: {  	_ =	strace s18  }
0x93: {  	s3 =	sld [smem:$0x3FFC];
	_ =	sdelay $0x3  }
0x94: {  	_ =	strace s3  }
0x95: {  	s3 =	sld [smem:$0x3FFD];
	_ =	sdelay $0x3  }
0x96: {  	_ =	strace s3  }
0x97: {  	_ =	strace $0x8FFFFFFF  }
0x98: {  	s19 =	sld [smem:$0x3FDB];
	_ =	sdelay $0x1  }
0x99: {  	s4 =	simm.s32 $_scs_section_size  }
0x9a: {  	s5 =	simm.s32 $_size__tile_overlayer_lowered;
	s6 =	simm.s32 $_tile_overlayer_lowered  }
0x9b: {  	s22 =	simm.s32 $0x1BFF;
	s21 =	sshll.u32 s6, $0x1;
	s3 =	sadd.s32 s4, s19  }
0x9c: {  	s7 =	simm.s32 $0x0;
	s20 =	sshll.u32 s5, $0x1;
	s5 =	sadd.s32 s21, s3  }
0x9d: {  	[timem:s7], [sflag:s22] =	dma.local [hbm:s5], s20  }
0x9e: {  	_ =	swait.ge [sflag:s22], s20  }
0x9f: {  	s4 =	ssub.s32 $0x0, s20;
	[sflag:s22] =	ssyncset.done $0x0  }
0xa0: {  	[sflag:s22] =	ssyncadd.s32 s4;
	_ =	sdelay $0x1  }
0xa1: {  	s23 =	simm.s32 $0x1B8B  }
0xa2: {  	_ =	swait.ge [sflag:s23], $0x1  }
0xa3: {  	[sflag:s23] =	ssyncset.done $0x0  }
0xa4: {  	s25 =	simm.s32 $0x1B8E;
	s24 =	sld [smem:$0x3FFE];
	[sflag:s23] =	ssyncadd.s32 $0xFFFFFFFF  }
0xa5: {  	s26 =	simm.s32 $execute0_lowered;
	[smem:$0x3FD2] =	sst s25  }
0xa6: {  	s5 =	sshll.u32 s26, $0x1;
	_ =	strace $0x80000049;
	[dreg:$0x1] =	wrdreg $0xFFFFFFFF  }
0xa7: {  	s28 =	simm.s32 $_size_execute0_lowered;
	s3 =	sadd.s32 s3, s5;
	[dreg:$0x0] =	wrdreg $0x0  }
0xa8: {  	s5 =	sshll.u32 s28, $0x1;
	[dreg:$0x2] =	wrdreg s3  }
0xa9: {  	[dreg:$0x3] =	wrdreg s5  }
0xaa: {  	[dreg:$0x4] =	wrdreg $0xC0  }
0xab: {  	_ =	task [dreg:s7], $0x5FFFF  }
0xac: {  	[dreg:$0x1] =	wrdreg $0xFFFFFFFF  }
0xad: {  	[dreg:$0x0] =	wrdreg $0x60  }
0xae: {  	[dreg:$0x2] =	wrdreg s24  }
0xaf: {  	[dreg:$0x3] =	wrdreg s2  }
0xb0: {  	[dreg:$0x4] =	wrdreg $0x158000  }
0xb1: {  	[dreg:$0x5] =	wrdreg $0x9  }
0xb2: {  	_ =	task.clear_ibuf [dreg:s7], $0x6FFFF;
	_ =	strace $0x90000049  }
0xb3: {  	s29 =	simm.s32 $0x9;
	_ =	strace $0x8000004B  }
0xb4: {  	_ =	swait.ge [sflag:s29], $0x1  }
0xb5: {  	[sflag:s29] =	ssyncadd.s32 $0xFFFFFFFF  }
0xb6: {  	_ =	strace $0x9000004B  }
0xb7: {  	_ =	sfence  }
0xb8: {  	s30 =	sld [smem:$0x0];
	_ =	sdelay $0x2  }
0xb9: {  	s31 =	sshll.u32 s1, $0xD;
	s1 =	sshrl.u32 s1, $0x2  }
0xba: {  	s3 =	sand.u32 $0x4000, s31;
	s1 =	sadd.s32 s1, s30  }
0xbb: {  	s0 =	sor.u32 s3, s0;
	s1 =	sshll.u32 s1, $0x11  }
0xbc: {  	s0 =	sor.u32 s1, s0  }
0xbd: {  	s0 =	sadd.s32 $0x8F2B, s0  }
0xbe: {  	[sflag:s0] =	ssyncadd.remote.s32 $0x1  }
0xbf: {  	_ =	sfence.sel $0xFFFF  }
0xc0: {  	[dreg:$0x0] =	wrdreg $0xFFFFFFFF;
	(pc) =	sbr.abs _section_cstart, $3  }
0xc1: {  	[dreg:$0x1] =	wrdreg $0xFFFFFFFF  }
0xc2: {  	_ =	task.clear_ibuf [dreg:s7], $0x2FFFF;
	_ =	strace $0x9FFFFFFF  }
0xc3: {  	(tm) =	ssettm $0x7FFFFFFF  }
tec
execute0_lowered:
.L_overlay_start_1:
0x0: {  	(tag) =	ssettag $0x1  }
0x1: {  	s0 =	rddreg [dreg:$0x0]  }
0x2: {  	s2 =	rddreg [dreg:$0x1]  }
0x3: {  	s1 =	rddreg [dreg:$0x2];
	s3 =	simm.s32 $0x0;
	s5 =	srdreg.scid  }
0x4: {  	s13 =	stileid.u32;
	s29 =	simm.s32 $0xD800;
	s30 =	simm.s32 $0x9  }
0x5: {  	s31 =	simm.s32 $0x80;
	[smem:$0x7FF] =	sst s3;
	s4 =	sadd.s32 $0x1F600, s0  }
0x6: {  	s7 =	sand.u32 $0x1, s5;
	s15 =	smul.u32 $0x28000, s13;
	s8 =	sadd.s32 $0x15600, s0  }
0x7: {  	s9 =	sadd.s32 $0x1600, s0;
	s0 =	sadd.s32 $0x33600, s0;
	s12 =	smul.u32 $0x900, s13  }
0x8: {  	s11 =	sshll.u32 s13, $0x8;
	s13 =	smul.u32 $0xA000, s13;
	_ =	strace $0x8000004A  }
0x9: {  	s6 =	ssub.s32 $0x2, s7;
	p0 =	seq.s32 s7, $0x0;
	s11 =	sor.u32 $0x9000, s11  }
0xa: {  	s17 =	smul.u32 $0xA0000, s7;
	s10 =	sshrl.u32 s6, $0x1;
	s5 =	sshrl.u32 s15, $0x2  }
0xb: {  	s14 =	sadd.s32 s8, s11;
	s16 =	sadd.s32 s2, s11;
	s11 =	sadd.s32 s9, s11  }
0xc: {  	s8 =	sadd.s32 s8, s12;
	s2 =	sadd.s32 s2, s12;
	[dreg:$0x4] =	wrdreg s14  }
0xd: {  	s9 =	sadd.s32 s9, s12;
	s23 =	sadd.s32 $0x4000, s13;
	[dreg:$0x5] =	wrdreg s16  }
0xe: {  	s24 =	sadd.s32 $0x6000, s13;
	s25 =	sadd.s32 $0x8000, s13;
	[dreg:$0x6] =	wrdreg s11  }
0xf: {  	s10 =	ssub.s32 s6, s10;
	s5 =	sadd.s32 s5, s1;
	[dreg:$0x7] =	wrdreg s8  }
0x10: {  	s6 =	simm.s32 $0x24;
	s8 =	sadd.s32 $0x2000, s13;
	[dreg:$0x8] =	wrdreg s2  }
0x11: {  	s18 =	sadd.s32 s17, s13;
	[dreg:$0x9] =	wrdreg s9;
	s26 =	sadd.s32 s17, s23  }
0x12: {  	s28 =	sadd.s32 s17, s24;
	s14 =	sadd.s32 s17, s25;
	s9 =	simm.s32 $0x9000  }
0x13: {  	s6 =	simm.s32 @!p0 $0x4;
	s19 =	sadd.s32 s17, s8;
	s2 =	sshrl.u32 s18, $0x3  }
0x14: {  	s21 =	smax.u32 s10, $0x1;
	s11 =	sshrl.u32 s26, $0x3;
	s12 =	sshrl.u32 s28, $0x3  }
0x15: {  	s14 =	sshrl.u32 s14, $0x3;
	s16 =	sadd.s32 $0x2000, s5;
	p0 =	sne.s32 s7, $0x0  }
0x16: {  	s17 =	sadd.s32 $0x4000, s5;
	s18 =	sadd.s32 s13, s1;
	[dreg:$0xb] =	wrdreg s21  }
0x17: {  	s26 =	sadd.s32 $0x6000, s5;
	s28 =	sadd.s32 $0x8000, s5;
	[dreg:$0x10] =	wrdreg s16  }
0x18: {  	s7 =	simm.s32 $0x13800;
	s10 =	simm.s32 $0x2;
	[dreg:$0x11] =	wrdreg s17  }
0x19: {  	s13 =	simm.s32 $0x5;
	s20 =	sshrl.u32 s19, $0x3;
	[dreg:$0x17] =	wrdreg s26  }
0x1a: {  	s2 =	sadd.s32 s0, s2;
	s11 =	sadd.s32 s0, s11;
	[dreg:$0x18] =	wrdreg s28  }
0x1b: {  	s15 =	sadd.s32 s0, s12;
	s19 =	sadd.s32 s8, s1;
	[dreg:$0xa] =	wrdreg s2  }
0x1c: {  	s21 =	sadd.s32 s25, s1;
	s8 =	simm.s32 $0x1;
	[dreg:$0xd] =	wrdreg s11  }
0x1d: {  	s12 =	simm.s32 $0x4;
	s22 =	sadd.s32 s0, s20;
	[dreg:$0xe] =	wrdreg s15  }
0x1e: {  	s16 =	simm.s32 $0x8;
	s0 =	sadd.s32 s0, s14;
	[dreg:$0xc] =	wrdreg s22  }
0x1f: {  	s2 =	sadd.s32 s23, s1;
	s25 =	sshrl.u32 s21, $0x3;
	[dreg:$0xf] =	wrdreg s0  }
0x20: {  	s20 =	sadd.s32 s24, s1;
	s0 =	sshrl.u32 s18, $0x3;
	[dreg:$0x16] =	wrdreg s25  }
0x21: {  	s11 =	simm.s32 $0x3;
	s22 =	sshrl.u32 s19, $0x3;
	[dreg:$0x12] =	wrdreg s0  }
0x22: {  	s14 =	simm.s32 $0x6;
	s23 =	sshrl.u32 s2, $0x3;
	[dreg:$0x13] =	wrdreg s22  }
0x23: {  	s15 =	simm.s32 $0x7;
	s24 =	sshrl.u32 s20, $0x3;
	[dreg:$0x14] =	wrdreg s23  }
0x24: {  	v0 =	vimm.f32 $0.0e+00;
	s2 =	simm.s32 $0x11800;
	[dreg:$0x15] =	wrdreg s24;
	s0 =	simm.s32 $0xF800  }
.LBB2_1:
0x25: {  	s18 =	simm.s32 $0x100;
	s17 =	simm.s32 $0x0  }
.LBB2_2:
0x26: {  	p1 =	sne.s32 s18, $0x7F00;
	[tilespmem:s17+$0xD830] =	vst v0;
	s19 =	smov.u32 s18;
	s18 =	sadd.s32 $0x100, s18  }
.Ltmp0:
0x27: {  	[tilespmem:s17+$0xD820] =	vst v0;
	(pc) =	sbr.rel @p1 .LBB2_2-.Ltmp0, $3  }
0x28: {  	[tilespmem:s17+$0xD800] =	vst v0  }
0x29: {  	[tilespmem:s17+$0xD810] =	vst v0;
	_ =	sdelay $0x1  }
0x2a: {  	s17 =	sshra.s32 s19, $0x2  }
0x2b: {  	[tilespmem:s17+$0xD830] =	vst v0  }
0x2c: {  	[tilespmem:s17+$0xD820] =	vst v0  }
0x2d: {  	[tilespmem:s17+$0xD800] =	vst v0  }
0x2e: {  	[tilespmem:s17+$0xD810] =	vst v0  }
0x2f: {  	[spmem:s5] =	stream.linear.scatter [tilespmem:s29], [sflag:$0x9], $0x2000, $0x38;
	[tilespmem:$0x1F800] =	vst v63  }
0x30: {  	_ =	swait.ge [sflag:s30], $0x2000  }
0x31: {  	[sflag:s30] =	ssyncset.done $0x0  }
0x32: {  	s24 =	rddreg [dreg:$0x10];
	[sflag:s30] =	ssyncadd.s32 $0xFFFFE000  }
0x33: {  	[spmem:s24] =	stream.linear.scatter [tilespmem:s29], [sflag:$0x9], $0x2000, $0x38;
	[tilespmem:$0x1F800] =	vst v63  }
0x34: {  	_ =	swait.ge [sflag:s30], $0x2000  }
0x35: {  	[sflag:s30] =	ssyncset.done $0x0  }
0x36: {  	s25 =	rddreg [dreg:$0x11];
	[sflag:s30] =	ssyncadd.s32 $0xFFFFE000  }
0x37: {  	[spmem:s25] =	stream.linear.scatter [tilespmem:s29], [sflag:$0x9], $0x2000, $0x38;
	[tilespmem:$0x1F800] =	vst v63  }
0x38: {  	_ =	swait.ge [sflag:s30], $0x2000  }
0x39: {  	[sflag:s30] =	ssyncset.done $0x0  }
0x3a: {  	s26 =	rddreg [dreg:$0x17];
	[sflag:s30] =	ssyncadd.s32 $0xFFFFE000  }
0x3b: {  	[spmem:s26] =	stream.linear.scatter [tilespmem:s29], [sflag:$0x9], $0x2000, $0x38;
	[tilespmem:$0x1F800] =	vst v63  }
0x3c: {  	_ =	swait.ge [sflag:s30], $0x2000  }
0x3d: {  	[sflag:s30] =	ssyncset.done $0x0  }
0x3e: {  	s28 =	rddreg [dreg:$0x18];
	[sflag:s30] =	ssyncadd.s32 $0xFFFFE000  }
0x3f: {  	[spmem:s28] =	stream.linear.scatter [tilespmem:s29], [sflag:$0x9], $0x2000, $0x38;
	[tilespmem:$0x1F800] =	vst v63  }
0x40: {  	_ =	swait.ge [sflag:s30], $0x2000  }
0x41: {  	[sflag:s30] =	ssyncset.done $0x0  }
0x42: {  	s17 =	simm.s32 @p0 $0x0;
	s18 =	rddreg [dreg:$0x4];
	[sflag:s30] =	ssyncadd.s32 $0xFFFFE000  }
0x43: {  	[tilespmem:s17], [sflag:$0x9] =	stream.linear.gather @p0 [hbm4b:s18+s17], $0x800, $0x38;
	[tilespmem:$0x1F800] =	vst v63  }
0x44: {  	s18 =	simm.s32 @p0 $0x9  }
0x45: {  	_ =	swait.ge @p0 [sflag:s18], $0x800  }
0x46: {  	[sflag:s18] =	ssyncset.done @p0 $0x0  }
0x47: {  	s19 =	simm.s32 @p0 $0x4800;
	s20 =	rddreg [dreg:$0x5];
	[sflag:s18] =	ssyncadd.s32 @p0 $0xFFFFF800  }
0x48: {  	[tilespmem:s19], [sflag:$0x9] =	stream.linear.gather @p0 [hbm4b:s20+s17], $0x800, $0x38;
	[tilespmem:$0x1F800] =	vst v63  }
0x49: {  	_ =	swait.ge @p0 [sflag:s18], $0x800  }
0x4a: {  	[sflag:s18] =	ssyncset.done @p0 $0x0  }
0x4b: {  	s19 =	simm.s32 @p0 $0x9000;
	s20 =	rddreg [dreg:$0x6];
	[sflag:s18] =	ssyncadd.s32 @p0 $0xFFFFF800  }
0x4c: {  	[tilespmem:s19], [sflag:$0x9] =	stream.linear.gather @p0 [hbm4b:s20+s17], $0x800, $0x38;
	[tilespmem:$0x1F800] =	vst v63  }
0x4d: {  	_ =	swait.ge @p0 [sflag:s18], $0x800  }
0x4e: {  	[sflag:s18] =	ssyncset.done @p0 $0x0  }
0x4f: {  	s17 =	simm.s32 @!p0 $0x0;
	[sflag:s18] =	ssyncadd.s32 @p0 $0xFFFFF800;
	s18 =	rddreg [dreg:$0x7]  }
0x50: {  	[tilespmem:s17], [sflag:$0x9] =	stream.linear.gather @!p0 [hbm4b:s18+s17], $0x4800, $0x38;
	[tilespmem:$0x1F800] =	vst v63  }
0x51: {  	s18 =	simm.s32 @!p0 $0x9  }
0x52: {  	_ =	swait.ge @!p0 [sflag:s18], $0x4800  }
0x53: {  	[sflag:s18] =	ssyncset.done @!p0 $0x0  }
0x54: {  	s19 =	simm.s32 @!p0 $0x4800;
	s20 =	rddreg [dreg:$0x8];
	[sflag:s18] =	ssyncadd.s32 @!p0 $0xFFFFB800  }
0x55: {  	[tilespmem:s19], [sflag:$0x9] =	stream.linear.gather @!p0 [hbm4b:s20+s17], $0x4800, $0x38;
	[tilespmem:$0x1F800] =	vst v63  }
0x56: {  	_ =	swait.ge @!p0 [sflag:s18], $0x4800  }
0x57: {  	[sflag:s18] =	ssyncset.done @!p0 $0x0  }
0x58: {  	s19 =	simm.s32 @!p0 $0x9000;
	s20 =	rddreg [dreg:$0x9];
	[sflag:s18] =	ssyncadd.s32 @!p0 $0xFFFFB800  }
0x59: {  	[tilespmem:s19], [sflag:$0x9] =	stream.linear.gather @!p0 [hbm4b:s20+s17], $0x4800, $0x38;
	[tilespmem:$0x1F800] =	vst v63  }
0x5a: {  	_ =	swait.ge @!p0 [sflag:s18], $0x4800  }
0x5b: {  	[sflag:s18] =	ssyncset.done @!p0 $0x0  }
0x5c: {  	[sflag:s18] =	ssyncadd.s32 @!p0 $0xFFFFB800  }
0x5d: {  	s17 =	simm.s32 $0x0;
	s18 =	simm.s32 $0x0;
	[bflag:$0x0] =	sbarrier.arrive $0xFFFF  }
.LBB2_4:
0x5e: {  	s22 =	sshll.u32 s18, $0x9;
	s19 =	sadd.s32 $0xFFFFFFFE, s17  }
0x5f: {  	[tilespmem:s29], [sflag:$0x1] =	stream.indirect.gather [hbm4b:s4+s31], $0x40, s22, s31, $0xb8;
	[tilespmem:$0x1F800] =	vst v63  }
0x60: {  	s21 =	sor.u32 $0x80, s22;
	s23 =	sadd.s32 $0x2, s19  }
0x61: {  	v1 =	vmov s23;
	[tilespmem:s0], [sflag:$0x2] =	stream.indirect.gather [hbm4b:s4+s31], $0x40, s21, s31, $0xb8;
	[tilespmem:$0x1F800] =	vst v63  }
0x62: {  	s20 =	sor.u32 $0x100, s22;
	v1 =	vand.u32 $0xFFFFFFFE, v1  }
0x63: {  	v3 =	vbroadcast v1, $0x0;
	[tilespmem:s2], [sflag:$0x3] =	stream.indirect.gather [hbm4b:s4+s31], $0x40, s20, s31, $0xb8;
	[tilespmem:$0x1F800] =	vst v63  }
0x64: {  	s28 =	sadd.s32 $0x3, s19;
	s19 =	sor.u32 $0x180, s22  }
0x65: {  	[tilespmem:s7], [sflag:$0x4] =	stream.indirect.gather [hbm4b:s4+s31], $0x40, s19, s31, $0xb8;
	[tilespmem:$0x1F800] =	vst v63  }
0x66: {  	v2 =	vmov s28;
	_ =	swait.ge [sflag:s8], $0x2000  }
0x67: {  	[sflag:s8] =	ssyncset.done $0x0  }
0x68: {  	[sflag:s8] =	ssyncadd.s32 $0xFFFFE000  }
0x69: {  	s23 =	simm.s32 $0xD840;
	v6 =	vld.idx.msk [tilespmem:v3+s9+$0x0], $0xffff  }
0x6a: {  	v7 =	vld [tilespmem:s23+$0xFFFFFFC0]  }
0x6b: {  	s24 =	sadd.s32 $0x0, s17;
	v1 =	vld.idx.msk [tilespmem:v2+s9+$0x0], $0xffff  }
0x6c: {  	s25 =	sadd.s32 $0x3, s24;
	s24 =	sadd.s32 $0x2, s24;
	v2 =	vld [tilespmem:s23+$0xFFFFFFF0]  }
0x6d: {  	v4 =	vmov s25;
	v9 =	vmov s24  }
0x6e: {  	v9 =	vand.u32 $0xFFFFFFFE, v9;
	v8 =	vld [tilespmem:s23+$0xFFFFFFD0]  }
0x6f: {  	v10 =	vld [tilespmem:s23+$0xFFFFFFE0];
	v12 =	vmul.f32 v7, v6;
	v7 =	vbroadcast v9, $0x0  }
0x70: {  	v5 =	vld [tilespmem:s23+$0x0]  }
0x71: {  	v3 =	vld [tilespmem:s23+$0x10];
	v11 =	vmul.f32 v2, v6  }
0x72: {  	v2 =	vld.idx.msk [tilespmem:v4+s9+$0x0], $0xffff  }
0x73: {  	v4 =	vld [tilespmem:s23+$0x20];
	v9 =	vmul.f32 v8, v6;
	[tilespmem:s23+$0xFFFFFFF0] =	vst v11  }
0x74: {  	s24 =	simm.s32 $0x2;
	s25 =	simm.s32 $0xD840;
	v8 =	vmul.f32 v10, v6;
	v6 =	vld [tilespmem:s23+$0x30];
	[tilespmem:s23+$0xFFFFFFC0] =	vst v12  }
.LBB2_5:
0x75: {  	s26 =	sadd.s32 s24, s17;
	s24 =	sadd.s32 $0x2, s24;
	v10 =	vld.idx.msk [tilespmem:v7+s9+$0x0], $0xffff;
	[tilespmem:s23+$0xFFFFFFD0] =	vst v9;
	v5 =	vmul.f32 v5, v1;
	s25 =	sadd.s32 $0x80, s25  }
0x76: {  	s28 =	sadd.s32 $0x2, s26;
	s26 =	sadd.s32 $0x3, s26;
	p1 =	slt.u32 s24, $0x7E;
	v9 =	vld [tilespmem:s25+$0xFFFFFFF0];
	[tilespmem:s23+$0xFFFFFFE0] =	vst v8;
	v3 =	vmul.f32 v3, v1  }
0x77: {  	v7 =	vmov s28;
	v8 =	vmov s26;
	v11 =	vld [tilespmem:s25+$0xFFFFFFC0];
	[tilespmem:s23+$0x0] =	vst v5  }
0x78: {  	v5 =	vand.u32 $0xFFFFFFFE, v7;
	v12 =	vld [tilespmem:s25+$0xFFFFFFD0];
	[tilespmem:s23+$0x10] =	vst v3;
	v3 =	vmul.f32 v4, v1  }
0x79: {  	v7 =	vbroadcast v5, $0x0;
	v13 =	vld [tilespmem:s25+$0xFFFFFFE0];
	v4 =	vmul.f32 v6, v1;
	v1 =	vmov v2  }
.Ltmp1:
0x7a: {  	v5 =	vld [tilespmem:s25+$0x0];
	[tilespmem:s23+$0x20] =	vst v3;
	(pc) =	sbr.rel @p1 .LBB2_5-.Ltmp1, $4  }
0x7b: {  	v6 =	vmul.f32 v9, v10;
	v3 =	vld [tilespmem:s25+$0x10];
	[tilespmem:s23+$0x30] =	vst v4;
	s23 =	smov.u32 s25  }
0x7c: {  	v2 =	vld.idx.msk [tilespmem:v8+s9+$0x0], $0xffff;
	v8 =	vmul.f32 v11, v10  }
0x7d: {  	v9 =	vmul.f32 v12, v10;
	[tilespmem:s25+$0xFFFFFFF0] =	vst v6;
	v4 =	vld [tilespmem:s25+$0x20]  }
0x7e: {  	[tilespmem:s25+$0xFFFFFFC0] =	vst v8;
	v8 =	vmul.f32 v13, v10;
	v6 =	vld [tilespmem:s25+$0x30]  }
0x7f: {  	_ =	sdelay $0x3  }
0x80: {  	v7 =	vld.idx.msk [tilespmem:v7+s9+$0x0], $0xffff;
	s24 =	sadd.s32 $0x80, s25  }
0x81: {  	v10 =	vld [tilespmem:s24+$0xFFFFFFF0]  }
0x82: {  	[tilespmem:s23+$0xFFFFFFD0] =	vst v9;
	v5 =	vmul.f32 v5, v1;
	v9 =	vld [tilespmem:s24+$0xFFFFFFC0]  }
0x83: {  	[tilespmem:s23+$0xFFFFFFE0] =	vst v8;
	v3 =	vmul.f32 v3, v1;
	v8 =	vld [tilespmem:s24+$0xFFFFFFD0]  }
0x84: {  	[tilespmem:s23+$0x0] =	vst v5;
	v5 =	vld [tilespmem:s24+$0xFFFFFFE0];
	v4 =	vmul.f32 v4, v1  }
0x85: {  	[tilespmem:s23+$0x10] =	vst v3;
	v3 =	vld [tilespmem:s24+$0x0];
	v1 =	vmul.f32 v6, v1  }
0x86: {  	v6 =	vld [tilespmem:s24+$0x10];
	[tilespmem:s23+$0x20] =	vst v4;
	v4 =	vmul.f32 v10, v7  }
0x87: {  	[tilespmem:s23+$0x30] =	vst v1;
	v1 =	vmul.f32 v9, v7;
	v9 =	vld [tilespmem:s24+$0x20]  }
0x88: {  	v8 =	vmul.f32 v8, v7;
	[tilespmem:s24+$0xFFFFFFF0] =	vst v4;
	v4 =	vld [tilespmem:s24+$0x30]  }
0x89: {  	[tilespmem:s24+$0xFFFFFFC0] =	vst v1;
	v1 =	vmul.f32 v5, v7  }
0x8a: {  	[tilespmem:s24+$0xFFFFFFD0] =	vst v8;
	v3 =	vmul.f32 v3, v2  }
0x8b: {  	s26 =	sadd.s32 $0xFFFFFFFE, s17;
	[tilespmem:s24+$0xFFFFFFE0] =	vst v1;
	v1 =	vmul.f32 v6, v2  }
0x8c: {  	s28 =	sadd.s32 $0x82, s26;
	[tilespmem:s24+$0x0] =	vst v3;
	v3 =	vmul.f32 v9, v2  }
0x8d: {  	[tilespmem:s24+$0x10] =	vst v1;
	v1 =	vmul.f32 v4, v2;
	v2 =	vmov s28  }
0x8e: {  	[tilespmem:s24+$0x20] =	vst v3;
	v2 =	vand.u32 $0xFFFFFFFE, v2  }
0x8f: {  	s22 =	sadd.s32 $0x4800, s22;
	[tilespmem:s24+$0x30] =	vst v1;
	v2 =	vbroadcast v2, $0x0  }
0x90: {  	[spmem:s1] =	stream.indirect.scatter.add.f32 [tilespmem:s29], [sflag:$0x5], $0x40, s22, s31, $0xb8;
	[tilespmem:$0x1F800] =	vst v63  }
0x91: {  	_ =	swait.ge [sflag:s10], $0x2000  }
0x92: {  	s23 =	sadd.s32 $0x83, s26;
	[sflag:s10] =	ssyncset.done $0x0  }
0x93: {  	v1 =	vmov s23;
	s22 =	simm.s32 $0xF840;
	[sflag:s10] =	ssyncadd.s32 $0xFFFFE000  }
0x94: {  	v7 =	vld [tilespmem:s22+$0xFFFFFFC0]  }
0x95: {  	v6 =	vld.idx.msk [tilespmem:v2+s9+$0x0], $0xffff  }
0x96: {  	s26 =	sadd.s32 $0x0, s17  }
0x97: {  	s28 =	sadd.s32 $0x83, s26;
	s23 =	sadd.s32 $0x82, s26;
	v2 =	vld [tilespmem:s22+$0xFFFFFFF0]  }
0x98: {  	v4 =	vmov s28;
	v9 =	vmov s23;
	v1 =	vld.idx.msk [tilespmem:v1+s9+$0x0], $0xffff  }
0x99: {  	v9 =	vand.u32 $0xFFFFFFFE, v9;
	v8 =	vld [tilespmem:s22+$0xFFFFFFD0]  }
0x9a: {  	v10 =	vld [tilespmem:s22+$0xFFFFFFE0];
	v12 =	vmul.f32 v7, v6;
	v7 =	vbroadcast v9, $0x0  }
0x9b: {  	v5 =	vld [tilespmem:s22+$0x0]  }
0x9c: {  	v3 =	vld [tilespmem:s22+$0x10];
	v11 =	vmul.f32 v2, v6  }
0x9d: {  	v2 =	vld.idx.msk [tilespmem:v4+s9+$0x0], $0xffff  }
0x9e: {  	v4 =	vld [tilespmem:s22+$0x20];
	v9 =	vmul.f32 v8, v6;
	[tilespmem:s22+$0xFFFFFFF0] =	vst v11  }
0x9f: {  	s24 =	simm.s32 $0xF840;
	s23 =	simm.s32 $0x2;
	v8 =	vmul.f32 v10, v6;
	v6 =	vld [tilespmem:s22+$0x30];
	[tilespmem:s22+$0xFFFFFFC0] =	vst v12  }
.LBB2_7:
0xa0: {  	s25 =	sadd.s32 s23, s17;
	s23 =	sadd.s32 $0x2, s23;
	v10 =	vld.idx.msk [tilespmem:v7+s9+$0x0], $0xffff;
	[tilespmem:s22+$0xFFFFFFD0] =	vst v9;
	v5 =	vmul.f32 v5, v1;
	s24 =	sadd.s32 $0x80, s24  }
0xa1: {  	s26 =	sadd.s32 $0x82, s25;
	s25 =	sadd.s32 $0x83, s25;
	p1 =	slt.u32 s23, $0x7E;
	v9 =	vld [tilespmem:s24+$0xFFFFFFF0];
	[tilespmem:s22+$0xFFFFFFE0] =	vst v8;
	v3 =	vmul.f32 v3, v1  }
0xa2: {  	v7 =	vmov s26;
	v8 =	vmov s25;
	v11 =	vld [tilespmem:s24+$0xFFFFFFC0];
	[tilespmem:s22+$0x0] =	vst v5  }
0xa3: {  	v5 =	vand.u32 $0xFFFFFFFE, v7;
	v12 =	vld [tilespmem:s24+$0xFFFFFFD0];
	[tilespmem:s22+$0x10] =	vst v3;
	v3 =	vmul.f32 v4, v1  }
0xa4: {  	v7 =	vbroadcast v5, $0x0;
	v13 =	vld [tilespmem:s24+$0xFFFFFFE0];
	v4 =	vmul.f32 v6, v1;
	v1 =	vmov v2  }
.Ltmp2:
0xa5: {  	v5 =	vld [tilespmem:s24+$0x0];
	[tilespmem:s22+$0x20] =	vst v3;
	(pc) =	sbr.rel @p1 .LBB2_7-.Ltmp2, $4  }
0xa6: {  	v6 =	vmul.f32 v9, v10;
	v3 =	vld [tilespmem:s24+$0x10];
	[tilespmem:s22+$0x30] =	vst v4;
	s22 =	smov.u32 s24  }
0xa7: {  	v2 =	vld.idx.msk [tilespmem:v8+s9+$0x0], $0xffff;
	v8 =	vmul.f32 v11, v10  }
0xa8: {  	v9 =	vmul.f32 v12, v10;
	[tilespmem:s24+$0xFFFFFFF0] =	vst v6;
	v4 =	vld [tilespmem:s24+$0x20]  }
0xa9: {  	[tilespmem:s24+$0xFFFFFFC0] =	vst v8;
	v8 =	vmul.f32 v13, v10;
	v6 =	vld [tilespmem:s24+$0x30]  }
0xaa: {  	_ =	sdelay $0x3  }
0xab: {  	v7 =	vld.idx.msk [tilespmem:v7+s9+$0x0], $0xffff;
	s23 =	sadd.s32 $0x80, s24  }
0xac: {  	v10 =	vld [tilespmem:s23+$0xFFFFFFF0]  }
0xad: {  	[tilespmem:s22+$0xFFFFFFD0] =	vst v9;
	v5 =	vmul.f32 v5, v1;
	v9 =	vld [tilespmem:s23+$0xFFFFFFC0]  }
0xae: {  	[tilespmem:s22+$0xFFFFFFE0] =	vst v8;
	v3 =	vmul.f32 v3, v1;
	v8 =	vld [tilespmem:s23+$0xFFFFFFD0]  }
0xaf: {  	[tilespmem:s22+$0x0] =	vst v5;
	v5 =	vld [tilespmem:s23+$0xFFFFFFE0];
	v4 =	vmul.f32 v4, v1  }
0xb0: {  	[tilespmem:s22+$0x10] =	vst v3;
	v3 =	vld [tilespmem:s23+$0x0];
	v1 =	vmul.f32 v6, v1  }
0xb1: {  	v6 =	vld [tilespmem:s23+$0x10];
	[tilespmem:s22+$0x20] =	vst v4;
	v4 =	vmul.f32 v10, v7  }
0xb2: {  	[tilespmem:s22+$0x30] =	vst v1;
	v1 =	vmul.f32 v9, v7;
	v9 =	vld [tilespmem:s23+$0x20]  }
0xb3: {  	v8 =	vmul.f32 v8, v7;
	[tilespmem:s23+$0xFFFFFFF0] =	vst v4;
	v4 =	vld [tilespmem:s23+$0x30]  }
0xb4: {  	[tilespmem:s23+$0xFFFFFFC0] =	vst v1;
	v1 =	vmul.f32 v5, v7  }
0xb5: {  	[tilespmem:s23+$0xFFFFFFD0] =	vst v8;
	v3 =	vmul.f32 v3, v2  }
0xb6: {  	s28 =	sadd.s32 $0xFFFFFFFE, s17;
	[tilespmem:s23+$0xFFFFFFE0] =	vst v1;
	v1 =	vmul.f32 v6, v2  }
0xb7: {  	s25 =	sadd.s32 $0x102, s28;
	[tilespmem:s23+$0x0] =	vst v3;
	v3 =	vmul.f32 v9, v2  }
0xb8: {  	[tilespmem:s23+$0x10] =	vst v1;
	v1 =	vmul.f32 v4, v2;
	v2 =	vmov s25  }
0xb9: {  	[tilespmem:s23+$0x20] =	vst v3;
	v2 =	vand.u32 $0xFFFFFFFE, v2  }
0xba: {  	s21 =	sadd.s32 $0x4800, s21;
	[tilespmem:s23+$0x30] =	vst v1;
	v2 =	vbroadcast v2, $0x0  }
0xbb: {  	[spmem:s1] =	stream.indirect.scatter.add.f32 [tilespmem:s0], [sflag:$0x6], $0x40, s21, s31, $0xb8;
	[tilespmem:$0x1F800] =	vst v63  }
0xbc: {  	_ =	swait.ge [sflag:s11], $0x2000  }
0xbd: {  	s22 =	sadd.s32 $0x103, s28;
	[sflag:s11] =	ssyncset.done $0x0  }
0xbe: {  	v1 =	vmov s22;
	s21 =	simm.s32 $0x11840;
	[sflag:s11] =	ssyncadd.s32 $0xFFFFE000  }
0xbf: {  	v7 =	vld [tilespmem:s21+$0xFFFFFFC0]  }
0xc0: {  	v6 =	vld.idx.msk [tilespmem:v2+s9+$0x0], $0xffff  }
0xc1: {  	s26 =	sadd.s32 $0x0, s17  }
0xc2: {  	s28 =	sadd.s32 $0x103, s26;
	s22 =	sadd.s32 $0x102, s26;
	v2 =	vld [tilespmem:s21+$0xFFFFFFF0]  }
0xc3: {  	v4 =	vmov s28;
	v9 =	vmov s22;
	v1 =	vld.idx.msk [tilespmem:v1+s9+$0x0], $0xffff  }
0xc4: {  	v9 =	vand.u32 $0xFFFFFFFE, v9;
	v8 =	vld [tilespmem:s21+$0xFFFFFFD0]  }
0xc5: {  	v10 =	vld [tilespmem:s21+$0xFFFFFFE0];
	v12 =	vmul.f32 v7, v6;
	v7 =	vbroadcast v9, $0x0  }
0xc6: {  	v5 =	vld [tilespmem:s21+$0x0]  }
0xc7: {  	v3 =	vld [tilespmem:s21+$0x10];
	v11 =	vmul.f32 v2, v6  }
0xc8: {  	v2 =	vld.idx.msk [tilespmem:v4+s9+$0x0], $0xffff  }
0xc9: {  	v4 =	vld [tilespmem:s21+$0x20];
	v9 =	vmul.f32 v8, v6;
	[tilespmem:s21+$0xFFFFFFF0] =	vst v11  }
0xca: {  	s23 =	simm.s32 $0x11840;
	s22 =	simm.s32 $0x2;
	v8 =	vmul.f32 v10, v6;
	v6 =	vld [tilespmem:s21+$0x30];
	[tilespmem:s21+$0xFFFFFFC0] =	vst v12  }
.LBB2_9:
0xcb: {  	s24 =	sadd.s32 s22, s17;
	s22 =	sadd.s32 $0x2, s22;
	v10 =	vld.idx.msk [tilespmem:v7+s9+$0x0], $0xffff;
	[tilespmem:s21+$0xFFFFFFD0] =	vst v9;
	v5 =	vmul.f32 v5, v1;
	s23 =	sadd.s32 $0x80, s23  }
0xcc: {  	s25 =	sadd.s32 $0x102, s24;
	s24 =	sadd.s32 $0x103, s24;
	p1 =	slt.u32 s22, $0x7E;
	v9 =	vld [tilespmem:s23+$0xFFFFFFF0];
	[tilespmem:s21+$0xFFFFFFE0] =	vst v8;
	v3 =	vmul.f32 v3, v1  }
0xcd: {  	v7 =	vmov s25;
	v8 =	vmov s24;
	v11 =	vld [tilespmem:s23+$0xFFFFFFC0];
	[tilespmem:s21+$0x0] =	vst v5  }
0xce: {  	v5 =	vand.u32 $0xFFFFFFFE, v7;
	v12 =	vld [tilespmem:s23+$0xFFFFFFD0];
	[tilespmem:s21+$0x10] =	vst v3;
	v3 =	vmul.f32 v4, v1  }
0xcf: {  	v7 =	vbroadcast v5, $0x0;
	v13 =	vld [tilespmem:s23+$0xFFFFFFE0];
	v4 =	vmul.f32 v6, v1;
	v1 =	vmov v2  }
.Ltmp3:
0xd0: {  	v5 =	vld [tilespmem:s23+$0x0];
	[tilespmem:s21+$0x20] =	vst v3;
	(pc) =	sbr.rel @p1 .LBB2_9-.Ltmp3, $4  }
0xd1: {  	v6 =	vmul.f32 v9, v10;
	v3 =	vld [tilespmem:s23+$0x10];
	[tilespmem:s21+$0x30] =	vst v4;
	s21 =	smov.u32 s23  }
0xd2: {  	v2 =	vld.idx.msk [tilespmem:v8+s9+$0x0], $0xffff;
	v8 =	vmul.f32 v11, v10  }
0xd3: {  	v9 =	vmul.f32 v12, v10;
	[tilespmem:s23+$0xFFFFFFF0] =	vst v6;
	v4 =	vld [tilespmem:s23+$0x20]  }
0xd4: {  	[tilespmem:s23+$0xFFFFFFC0] =	vst v8;
	v8 =	vmul.f32 v13, v10;
	v6 =	vld [tilespmem:s23+$0x30]  }
0xd5: {  	_ =	sdelay $0x3  }
0xd6: {  	v7 =	vld.idx.msk [tilespmem:v7+s9+$0x0], $0xffff;
	s22 =	sadd.s32 $0x80, s23  }
0xd7: {  	v10 =	vld [tilespmem:s22+$0xFFFFFFF0]  }
0xd8: {  	[tilespmem:s21+$0xFFFFFFD0] =	vst v9;
	v5 =	vmul.f32 v5, v1;
	v9 =	vld [tilespmem:s22+$0xFFFFFFC0]  }
0xd9: {  	[tilespmem:s21+$0xFFFFFFE0] =	vst v8;
	v3 =	vmul.f32 v3, v1;
	v8 =	vld [tilespmem:s22+$0xFFFFFFD0]  }
0xda: {  	[tilespmem:s21+$0x0] =	vst v5;
	v5 =	vld [tilespmem:s22+$0xFFFFFFE0];
	v4 =	vmul.f32 v4, v1  }
0xdb: {  	[tilespmem:s21+$0x10] =	vst v3;
	v3 =	vld [tilespmem:s22+$0x0];
	v1 =	vmul.f32 v6, v1  }
0xdc: {  	v6 =	vld [tilespmem:s22+$0x10];
	[tilespmem:s21+$0x20] =	vst v4;
	v4 =	vmul.f32 v10, v7  }
0xdd: {  	[tilespmem:s21+$0x30] =	vst v1;
	v1 =	vmul.f32 v9, v7;
	v9 =	vld [tilespmem:s22+$0x20]  }
0xde: {  	v8 =	vmul.f32 v8, v7;
	[tilespmem:s22+$0xFFFFFFF0] =	vst v4;
	v4 =	vld [tilespmem:s22+$0x30]  }
0xdf: {  	[tilespmem:s22+$0xFFFFFFC0] =	vst v1;
	v1 =	vmul.f32 v5, v7  }
0xe0: {  	[tilespmem:s22+$0xFFFFFFD0] =	vst v8;
	v3 =	vmul.f32 v3, v2  }
0xe1: {  	s24 =	sadd.s32 $0xFFFFFFFE, s17;
	[tilespmem:s22+$0xFFFFFFE0] =	vst v1;
	v1 =	vmul.f32 v6, v2  }
0xe2: {  	s25 =	sadd.s32 $0x182, s24;
	[tilespmem:s22+$0x0] =	vst v3;
	v3 =	vmul.f32 v9, v2  }
0xe3: {  	[tilespmem:s22+$0x10] =	vst v1;
	v1 =	vmul.f32 v4, v2;
	v2 =	vmov s25  }
0xe4: {  	[tilespmem:s22+$0x20] =	vst v3;
	v2 =	vand.u32 $0xFFFFFFFE, v2  }
0xe5: {  	s20 =	sadd.s32 $0x4800, s20;
	[tilespmem:s22+$0x30] =	vst v1;
	v2 =	vbroadcast v2, $0x0  }
0xe6: {  	[spmem:s1] =	stream.indirect.scatter.add.f32 [tilespmem:s2], [sflag:$0x7], $0x40, s20, s31, $0xb8;
	[tilespmem:$0x1F800] =	vst v63  }
0xe7: {  	_ =	swait.ge [sflag:s12], $0x2000  }
0xe8: {  	s21 =	sadd.s32 $0x183, s24;
	[sflag:s12] =	ssyncset.done $0x0  }
0xe9: {  	v1 =	vmov s21;
	s20 =	simm.s32 $0x13840;
	[sflag:s12] =	ssyncadd.s32 $0xFFFFE000  }
0xea: {  	v7 =	vld [tilespmem:s20+$0xFFFFFFC0]  }
0xeb: {  	v6 =	vld.idx.msk [tilespmem:v2+s9+$0x0], $0xffff  }
0xec: {  	s26 =	sadd.s32 $0x0, s17  }
0xed: {  	s28 =	sadd.s32 $0x183, s26;
	s21 =	sadd.s32 $0x182, s26;
	v2 =	vld [tilespmem:s20+$0xFFFFFFF0]  }
0xee: {  	v4 =	vmov s28;
	v9 =	vmov s21;
	v1 =	vld.idx.msk [tilespmem:v1+s9+$0x0], $0xffff  }
0xef: {  	v9 =	vand.u32 $0xFFFFFFFE, v9;
	v8 =	vld [tilespmem:s20+$0xFFFFFFD0]  }
0xf0: {  	v10 =	vld [tilespmem:s20+$0xFFFFFFE0];
	v12 =	vmul.f32 v7, v6;
	v7 =	vbroadcast v9, $0x0  }
0xf1: {  	v5 =	vld [tilespmem:s20+$0x0]  }
0xf2: {  	v3 =	vld [tilespmem:s20+$0x10];
	v11 =	vmul.f32 v2, v6  }
0xf3: {  	v2 =	vld.idx.msk [tilespmem:v4+s9+$0x0], $0xffff  }
0xf4: {  	v4 =	vld [tilespmem:s20+$0x20];
	v9 =	vmul.f32 v8, v6;
	[tilespmem:s20+$0xFFFFFFF0] =	vst v11  }
0xf5: {  	s22 =	simm.s32 $0x13840;
	s21 =	simm.s32 $0x2;
	v8 =	vmul.f32 v10, v6;
	v6 =	vld [tilespmem:s20+$0x30];
	[tilespmem:s20+$0xFFFFFFC0] =	vst v12  }
.LBB2_11:
0xf6: {  	s23 =	sadd.s32 s21, s17;
	s21 =	sadd.s32 $0x2, s21;
	v10 =	vld.idx.msk [tilespmem:v7+s9+$0x0], $0xffff;
	[tilespmem:s20+$0xFFFFFFD0] =	vst v9;
	v5 =	vmul.f32 v5, v1;
	s22 =	sadd.s32 $0x80, s22  }
0xf7: {  	s24 =	sadd.s32 $0x182, s23;
	s23 =	sadd.s32 $0x183, s23;
	p1 =	slt.u32 s21, $0x7E;
	v9 =	vld [tilespmem:s22+$0xFFFFFFF0];
	[tilespmem:s20+$0xFFFFFFE0] =	vst v8;
	v3 =	vmul.f32 v3, v1  }
0xf8: {  	v7 =	vmov s24;
	v8 =	vmov s23;
	v11 =	vld [tilespmem:s22+$0xFFFFFFC0];
	[tilespmem:s20+$0x0] =	vst v5  }
0xf9: {  	v5 =	vand.u32 $0xFFFFFFFE, v7;
	v12 =	vld [tilespmem:s22+$0xFFFFFFD0];
	[tilespmem:s20+$0x10] =	vst v3;
	v3 =	vmul.f32 v4, v1  }
0xfa: {  	v7 =	vbroadcast v5, $0x0;
	v13 =	vld [tilespmem:s22+$0xFFFFFFE0];
	v4 =	vmul.f32 v6, v1;
	v1 =	vmov v2  }
.Ltmp4:
0xfb: {  	v5 =	vld [tilespmem:s22+$0x0];
	[tilespmem:s20+$0x20] =	vst v3;
	(pc) =	sbr.rel @p1 .LBB2_11-.Ltmp4, $4  }
0xfc: {  	v6 =	vmul.f32 v9, v10;
	v3 =	vld [tilespmem:s22+$0x10];
	[tilespmem:s20+$0x30] =	vst v4;
	s20 =	smov.u32 s22  }
0xfd: {  	v2 =	vld.idx.msk [tilespmem:v8+s9+$0x0], $0xffff;
	v8 =	vmul.f32 v11, v10  }
0xfe: {  	v9 =	vmul.f32 v12, v10;
	[tilespmem:s22+$0xFFFFFFF0] =	vst v6;
	v4 =	vld [tilespmem:s22+$0x20]  }
0xff: {  	[tilespmem:s22+$0xFFFFFFC0] =	vst v8;
	v8 =	vmul.f32 v13, v10;
	v6 =	vld [tilespmem:s22+$0x30]  }
0x100: {  	_ =	sdelay $0x3  }
0x101: {  	v7 =	vld.idx.msk [tilespmem:v7+s9+$0x0], $0xffff;
	s21 =	sadd.s32 $0x80, s22  }
0x102: {  	v10 =	vld [tilespmem:s21+$0xFFFFFFF0]  }
0x103: {  	[tilespmem:s20+$0xFFFFFFD0] =	vst v9;
	v5 =	vmul.f32 v5, v1;
	v57 =	vld [tilespmem:s21+$0xFFFFFFC0]  }
0x104: {  	[tilespmem:s20+$0xFFFFFFE0] =	vst v8;
	v3 =	vmul.f32 v3, v1;
	v58 =	vld [tilespmem:s21+$0xFFFFFFD0]  }
0x105: {  	v59 =	vld [tilespmem:s21+$0xFFFFFFE0];
	[tilespmem:s20+$0x0] =	vst v5;
	v4 =	vmul.f32 v4, v1  }
0x106: {  	[tilespmem:s20+$0x10] =	vst v3;
	v3 =	vld [tilespmem:s21+$0x0];
	v1 =	vmul.f32 v6, v1  }
0x107: {  	v61 =	vld [tilespmem:s21+$0x10];
	[tilespmem:s20+$0x20] =	vst v4;
	v60 =	vmul.f32 v10, v7  }
0x108: {  	v62 =	vld [tilespmem:s21+$0x20];
	[tilespmem:s20+$0x30] =	vst v1;
	v1 =	vmul.f32 v57, v7  }
0x109: {  	v63 =	vld [tilespmem:s21+$0x30];
	v8 =	vmul.f32 v58, v7;
	[tilespmem:s21+$0xFFFFFFF0] =	vst v60  }
0x10a: {  	[tilespmem:s21+$0xFFFFFFC0] =	vst v1;
	v1 =	vmul.f32 v59, v7  }
0x10b: {  	[tilespmem:s21+$0xFFFFFFD0] =	vst v8;
	v3 =	vmul.f32 v3, v2  }
0x10c: {  	[tilespmem:s21+$0xFFFFFFE0] =	vst v1;
	v1 =	vmul.f32 v61, v2  }
0x10d: {  	[tilespmem:s21+$0x0] =	vst v3;
	v3 =	vmul.f32 v62, v2  }
0x10e: {  	[tilespmem:s21+$0x10] =	vst v1;
	v1 =	vmul.f32 v63, v2  }
0x10f: {  	[tilespmem:s21+$0x20] =	vst v3  }
0x110: {  	s19 =	sadd.s32 $0x4800, s19;
	[tilespmem:s21+$0x30] =	vst v1  }
0x111: {  	[spmem:s1] =	stream.indirect.scatter.add.f32 [tilespmem:s7], [sflag:$0x8], $0x40, s19, s31, $0xb8;
	[tilespmem:$0x1F800] =	vst v63  }
0x112: {  	_ =	swait.ge [sflag:s13], $0x2000  }
0x113: {  	[sflag:s13] =	ssyncset.done $0x0  }
0x114: {  	[sflag:s13] =	ssyncadd.s32 $0xFFFFE000  }
0x115: {  	_ =	swait.ge [sflag:s14], $0x2000  }
0x116: {  	[sflag:s14] =	ssyncset.done $0x0  }
0x117: {  	s18 =	sadd.s32 $0x1, s18;
	[sflag:s14] =	ssyncadd.s32 $0xFFFFE000  }
0x118: {  	p1 =	sne.s32 s18, s6;
	_ =	swait.ge [sflag:s15], $0x2000  }
.Ltmp5:
0x119: {  	[sflag:s15] =	ssyncset.done $0x0;
	(pc) =	sbr.rel @p1 .LBB2_4-.Ltmp5, $4  }
0x11a: {  	[sflag:s15] =	ssyncadd.s32 $0xFFFFE000  }
0x11b: {  	_ =	swait.ge [sflag:s16], $0x2000  }
0x11c: {  	[sflag:s16] =	ssyncset.done $0x0  }
0x11d: {  	s17 =	sadd.s32 $0x200, s17;
	[sflag:s16] =	ssyncadd.s32 $0xFFFFE000  }
0x11e: {  	s17 =	stileid.u32;
	[bflag:$0x0] =	sbarrier.arrive $0xFFFF  }
0x11f: {  	s17 =	sshll.u32 s17, $0x6;
	s18 =	rddreg [dreg:$0xa]  }
0x120: {  	s19 =	rddreg [dreg:$0x12];
	s17 =	sor.u32 $0x1C09, s17  }
0x121: {  	[hbm:s18], [sflag:s17] =	dma.local [spmem:s19], $0x400  }
0x122: {  	_ =	swait.ge [sflag:s30], $0x400  }
0x123: {  	[sflag:s30] =	ssyncset.done $0x0;
	s19 =	rddreg [dreg:$0xc]  }
0x124: {  	s20 =	rddreg [dreg:$0x13];
	[sflag:s30] =	ssyncadd.s32 $0xFFFFFC00  }
0x125: {  	[hbm:s19], [sflag:s17] =	dma.local [spmem:s20], $0x400  }
0x126: {  	_ =	swait.ge [sflag:s30], $0x400  }
0x127: {  	[sflag:s30] =	ssyncset.done $0x0;
	s21 =	rddreg [dreg:$0xd]  }
0x128: {  	s22 =	rddreg [dreg:$0x14];
	[sflag:s30] =	ssyncadd.s32 $0xFFFFFC00  }
0x129: {  	[hbm:s21], [sflag:s17] =	dma.local [spmem:s22], $0x400  }
0x12a: {  	_ =	swait.ge [sflag:s30], $0x400  }
0x12b: {  	[sflag:s30] =	ssyncset.done $0x0;
	s23 =	rddreg [dreg:$0xe]  }
0x12c: {  	s24 =	rddreg [dreg:$0x15];
	[sflag:s30] =	ssyncadd.s32 $0xFFFFFC00  }
0x12d: {  	[hbm:s23], [sflag:s17] =	dma.local [spmem:s24], $0x400  }
0x12e: {  	_ =	swait.ge [sflag:s30], $0x400  }
0x12f: {  	[sflag:s30] =	ssyncset.done $0x0;
	s25 =	rddreg [dreg:$0xf]  }
0x130: {  	s26 =	rddreg [dreg:$0x16];
	[sflag:s30] =	ssyncadd.s32 $0xFFFFFC00  }
0x131: {  	[hbm:s25], [sflag:s17] =	dma.local [spmem:s26], $0x400  }
0x132: {  	_ =	swait.ge [sflag:s30], $0x400  }
0x133: {  	s3 =	sadd.s32 $0x1, s3;
	s28 =	rddreg [dreg:$0xb]  }
0x134: {  	p1 =	sne.s32 s3, s28  }
.Ltmp6:
0x135: {  	_ = 	snop;
	(pc) =	sbr.rel @p1 .LBB2_1-.Ltmp6, $3  }
0x136: {  	_ =	sdelay $0x1  }
0x137: {  	[sflag:s30] =	ssyncset.done $0x0  }
0x138: {  	[sflag:s30] =	ssyncadd.s32 $0xFFFFFC00  }
0x139: {  	_ =	sfence.sel $0x180000  }
0x13a: {  	[bflag:$0x0] =	sbarrier.arrive $0xFFFF  }
0x13b: {  	_ =	strace $0x9000004A  }
0x13c: {  	s0 =	stileid.u32;
	[bflag:$0x2] =	sbarrier.arrive $0xFFFF  }
0x13d: {  	p0 =	sne.s32 s0, $0x0;
	s0 =	rddreg [dreg:$0x3]  }
0x13e: {  	s0 =	sadd.s32 @!p0 $0x100000, s0  }
0x13f: {  	[sflag:s0] =	ssyncadd.tile.s32 @!p0 $0x1;
	_ =	shalt  }
.Lfunc_end2:
_tile_overlayer_lowered:
.L_overlay_start_2:
0x140: {  	(tag) =	ssettag $0x2  }
0x141: {  	s0 =	rddreg [dreg:$0x0];
	s2 =	stileid.u32  }
0x142: {  	s1 =	rddreg [dreg:$0x1];
	p0 =	sne.s32 s2, $0x0  }
0x143: {  	s3 =	rddreg [dreg:$0x2];
	[bflag:$0x3] =	sbarrier.arrive $0xFFFF;
	s2 =	simm.s32 @!p0 $0x1C09  }
0x144: {  	[timem:s3], [sflag:s2] =	dma.local @!p0 [hbm:s0], s1  }
0x145: {  	s0 =	simm.s32 @!p0 $0x9  }
0x146: {  	_ =	swait.ge @!p0 [sflag:s0], s1  }
0x147: {  	s1 =	ssub.s32 @!p0 $0x0, s1;
	[sflag:s0] =	ssyncset.done @!p0 $0x0  }
0x148: {  	[sflag:s0] =	ssyncadd.s32 @!p0 s1  }
0x149: {  	[bflag:$0x3] =	sbarrier.arrive $0xFFFF  }
0x14a: {  	_ =	shalt  }

// kernel: kernel.15.cloned.1.call-start
scs
__scs_entry_jumppad:
0x0: {  	(pc) =	sbr.rel $0x88, $3  }
0x1: {  	(tag) =	ssettag $0x0;
	lr =	simm.s32 $0x1  }
0x2: {  	[smem:$0x3F9C] =	sst lr;
	_ =	strace $0xD0000000  }
0x3: {  	_ = 	snop  }
0x4: {  	_ = 	snop  }
0x5: {  	_ = 	snop  }
0x6: {  	_ = 	snop  }
0x7: {  	_ = 	snop  }
__scs_overlays_trampoline_lowered:
0x8: {  	[smem:$0x3FAB] =	sst s0  }
0x9: {  	[smem:$0x3FAC] =	sst s1  }
0xa: {  	[smem:$0x3FAD] =	sst s2  }
0xb: {  	[smem:$0x3FAE] =	sst s3  }
0xc: {  	[smem:$0x3FAF] =	sst s4  }
0xd: {  	[smem:$0x3FB0] =	sst s5  }
0xe: {  	[smem:$0x3FB1] =	sst s6  }
0xf: {  	[smem:$0x3FB2] =	sst s7  }
0x10: {  	[smem:$0x3FB3] =	sst s8  }
0x11: {  	[smem:$0x3FB4] =	sst s9;
	s0 =	simm.s32 @!p0 $0x0  }
0x12: {  	s1 =	sld [smem:$0x3F9A];
	s0 =	simm.s32 @p0 $0x1  }
0x13: {  	[smem:$0x3FB5] =	sst s0;
	s0 =	simm.s32 @!p1 $0x0  }
0x14: {  	s2 =	sld [smem:$0x3F99];
	s0 =	simm.s32 @p1 $0x1  }
0x15: {  	[smem:$0x3FB6] =	sst s0;
	s0 =	simm.s32 @!p2 $0x0  }
0x16: {  	s3 =	sld [smem:$0x3FDB];
	s0 =	simm.s32 @p2 $0x1  }
0x17: {  	s4 =	simm.s32 $0x1BF5;
	[smem:$0x3FB8] =	sst s0  }
0x18: {  	s0 =	sld [smem:$0x3F9B];
	_ =	swait.ge [sflag:s4], $0x0  }
0x19: {  	s7 =	sld [smem:$0x3F9C]  }
0x1a: {  	s8 =	sadd.s32 $0xFFFFE003, lr  }
0x1b: {  	s9 =	sadd.s32 $0xFFFFFEF7, lr;
	s5 =	simm.s32 $0xFFFFFFFF;
	p2 =	slt.u32 s8, $0xFFFFF086  }
0x1c: {  	p1 =	slt.u32 s9, $0xF7A;
	s5 =	simm.s32 @!p2 $0x0  }
0x1d: {  	s5 =	simm.s32 @p1 $0x1;
	p0 =	seq.s32 s7, s2  }
0x1e: {  	s7 =	smul.u32 @!p0 $0xF7A, s2;
	p2 =	seq.s32 @!p0 s5, $0x0  }
0x1f: {  	s9 =	smul.u32 $0xF7A, s1;
	s8 =	simm.s32 @!p0 $0x1BF5;
	p2 =	por !p2, p0  }
0x20: {  	[sflag:s8] =	ssyncset.s32 @!p0 $0xFFFFF086;
	s6 =	sadd.s32 @!p0 s3, s7;
	s7 =	simm.s32 @!p0 $0x108  }
0x21: {  	s3 =	sadd.s32 s3, s9;
	s6 =	sadd.s32 @!p0 $0x88, s6;
	s7 =	simm.s32 @p2 $0x1082  }
0x22: {  	[simem:s7], [sflag:s8] =	dma.local @!p0 [hbm:s6], $0xF7A  }
0x23: {  	s9 =	sor.u32 $0xD0000000, s2;
	s6 =	simm.s32 $0x108;
	_ =	swait.ge @!p0 [sflag:s8], $0x0  }
0x24: {  	s3 =	sadd.s32 $0x88, s3;
	s6 =	simm.s32 @!p1 $0x1082;
	[sflag:s4] =	ssyncset.s32 $0xFFFFF086  }
0x25: {  	[simem:s6], [sflag:s4] =	dma.local [hbm:s3], $0xF7A  }
0x26: {  	[smem:$0x3F9C] =	sst s1;
	(tag) =	ssettag s2;
	_ =	strace s9  }
0x27: {  	s1 =	sld [smem:$0x3FAC]  }
0x28: {  	s2 =	sld [smem:$0x3FAD]  }
0x29: {  	s4 =	sld [smem:$0x3FAF]  }
0x2a: {  	p0 =	seq.s32 s5, $0x0;
	s5 =	sld [smem:$0x3FB0]  }
0x2b: {  	s6 =	sld [smem:$0x3FB1]  }
0x2c: {  	s7 =	sld [smem:$0x3FB2]  }
0x2d: {  	s3 =	simm.s32 $0x108;
	s8 =	sld [smem:$0x3FB3]  }
0x2e: {  	s3 =	simm.s32 @!p0 $0x1082;
	s9 =	sld [smem:$0x3FB4]  }
0x2f: {  	lr =	sadd.s32 s0, s3;
	s0 =	sld [smem:$0x3FAB]  }
0x30: {  	s3 =	sld [smem:$0x3FAE]  }
0x31: {  	[smem:$0x3FB7] =	sst s10  }
0x32: {  	s10 =	sld [smem:$0x3FB5];
	_ =	sdelay $0x3  }
0x33: {  	p0 =	seq.s32 s10, $0x1;
	s10 =	sld [smem:$0x3FB7];
	_ =	sdelay $0x3  }
0x34: {  	[smem:$0x3FB7] =	sst s10  }
0x35: {  	s10 =	sld [smem:$0x3FB6];
	_ =	sdelay $0x3  }
0x36: {  	p1 =	seq.s32 s10, $0x1;
	s10 =	sld [smem:$0x3FB7];
	_ =	sdelay $0x3  }
0x37: {  	[smem:$0x3FB7] =	sst s10  }
0x38: {  	s10 =	sld [smem:$0x3FB8]  }
0x39: {  	_ = 	snop;
	(pc) =	sbr.ind lr, $3  }
0x3a: {  	_ = 	snop  }
0x3b: {  	_ = 	snop  }
0x3c: {  	p2 =	seq.s32 s10, $0x1;
	s10 =	sld [smem:$0x3FB7]  }
0x3d: {  	_ =	shalt  }
0x3e: {  	_ =	shalt  }
0x3f: {  	_ =	shalt  }
0x40: {  	_ =	shalt  }
0x41: {  	_ =	shalt  }
0x42: {  	_ =	shalt  }
0x43: {  	_ =	shalt  }
0x44: {  	_ =	shalt  }
0x45: {  	_ =	shalt  }
0x46: {  	_ =	shalt  }
0x47: {  	_ =	shalt  }
0x48: {  	_ =	shalt  }
0x49: {  	_ =	shalt  }
0x4a: {  	_ =	shalt  }
0x4b: {  	_ =	shalt  }
0x4c: {  	_ =	shalt  }
0x4d: {  	_ =	shalt  }
0x4e: {  	_ =	shalt  }
0x4f: {  	_ =	shalt  }
0x50: {  	_ =	shalt  }
0x51: {  	_ =	shalt  }
0x52: {  	_ =	shalt  }
0x53: {  	_ =	shalt  }
0x54: {  	_ =	shalt  }
0x55: {  	_ =	shalt  }
0x56: {  	_ =	shalt  }
0x57: {  	_ =	shalt  }
0x58: {  	_ =	shalt  }
0x59: {  	_ =	shalt  }
0x5a: {  	_ =	shalt  }
0x5b: {  	_ =	shalt  }
0x5c: {  	_ =	shalt  }
0x5d: {  	_ =	shalt  }
0x5e: {  	_ =	shalt  }
0x5f: {  	_ =	shalt  }
0x60: {  	_ =	shalt  }
0x61: {  	_ =	shalt  }
0x62: {  	_ =	shalt  }
0x63: {  	_ =	shalt  }
0x64: {  	_ =	shalt  }
0x65: {  	_ =	shalt  }
0x66: {  	_ =	shalt  }
0x67: {  	_ =	shalt  }
0x68: {  	_ =	shalt  }
0x69: {  	_ =	shalt  }
0x6a: {  	_ =	shalt  }
0x6b: {  	_ =	shalt  }
0x6c: {  	_ =	shalt  }
0x6d: {  	_ =	shalt  }
0x6e: {  	_ =	shalt  }
0x6f: {  	_ =	shalt  }
0x70: {  	_ =	shalt  }
0x71: {  	_ =	shalt  }
0x72: {  	_ =	shalt  }
0x73: {  	_ =	shalt  }
0x74: {  	_ =	shalt  }
0x75: {  	_ =	shalt  }
0x76: {  	_ =	shalt  }
0x77: {  	_ =	shalt  }
0x78: {  	_ =	shalt  }
0x79: {  	_ =	shalt  }
0x7a: {  	_ =	shalt  }
0x7b: {  	_ =	shalt  }
0x7c: {  	_ =	shalt  }
0x7d: {  	_ =	shalt  }
0x7e: {  	_ =	shalt  }
0x7f: {  	_ =	shalt  }
0x80: {  	_ =	shalt  }
0x81: {  	_ =	shalt  }
0x82: {  	_ =	shalt  }
0x83: {  	_ =	shalt  }
0x84: {  	_ =	shalt  }
0x85: {  	_ =	shalt  }
0x86: {  	_ =	shalt  }
0x87: {  	_ =	shalt  }
.Lfunc_end0:
.L_simem_size_0:
called_computation.2_lowered:
.L_overlay_start_0:
0x88: {  	s2 =	sld [smem:$0x3FD9]  }
0x89: {  	s3 =	sld [smem:$0x3FFE];
	_ =	sdelay $0x1  }
0x8a: {  	s1 =	srdreg.scid  }
0x8b: {  	s0 =	sand.u32 $0x1, s1  }
0x8c: {  	s17 =	sshll.u32 s0, $0xA;
	s2 =	sadd.s32 s3, s2  }
0x8d: {  	s2 =	sadd.s32 s2, s17  }
0x8e: {  	[smem:$0x3FC3] =	sst s2  }
0x8f: {  	_ = 	snop  }
0x90: {  	s2 =	sld [smem:$0x3FD0];
	(tm) =	ssettm $0x1  }
0x91: {  	s18 =	sld [smem:$0x3FFB];
	_ =	sdelay $0x3  }
0x92: {  	_ =	strace s18  }
0x93: {  	s3 =	sld [smem:$0x3FFC];
	_ =	sdelay $0x3  }
0x94: {  	_ =	strace s3  }
0x95: {  	s3 =	sld [smem:$0x3FFD];
	_ =	sdelay $0x3  }
0x96: {  	_ =	strace s3  }
0x97: {  	_ =	strace $0x8FFFFFFF  }
0x98: {  	s19 =	sld [smem:$0x3FDB];
	_ =	sdelay $0x1  }
0x99: {  	s4 =	simm.s32 $_scs_section_size  }
0x9a: {  	s5 =	simm.s32 $_size__tile_overlayer_lowered;
	s6 =	simm.s32 $_tile_overlayer_lowered  }
0x9b: {  	s22 =	simm.s32 $0x1BFF;
	s21 =	sshll.u32 s6, $0x1;
	s3 =	sadd.s32 s4, s19  }
0x9c: {  	s7 =	simm.s32 $0x0;
	s20 =	sshll.u32 s5, $0x1;
	s5 =	sadd.s32 s21, s3  }
0x9d: {  	[timem:s7], [sflag:s22] =	dma.local [hbm:s5], s20  }
0x9e: {  	_ =	swait.ge [sflag:s22], s20  }
0x9f: {  	s4 =	ssub.s32 $0x0, s20;
	[sflag:s22] =	ssyncset.done $0x0  }
0xa0: {  	[sflag:s22] =	ssyncadd.s32 s4;
	_ =	sdelay $0x1  }
0xa1: {  	s23 =	simm.s32 $0x1B8B  }
0xa2: {  	_ =	swait.ge [sflag:s23], $0x1  }
0xa3: {  	[sflag:s23] =	ssyncset.done $0x0  }
0xa4: {  	s25 =	simm.s32 $0x1B8E;
	s24 =	sld [smem:$0x3FFE];
	[sflag:s23] =	ssyncadd.s32 $0xFFFFFFFF  }
0xa5: {  	s26 =	simm.s32 $execute0_lowered;
	[smem:$0x3FD2] =	sst s25  }
0xa6: {  	s5 =	sshll.u32 s26, $0x1;
	_ =	strace $0x8000004C;
	[dreg:$0x1] =	wrdreg $0xFFFFFFFF  }
0xa7: {  	s28 =	simm.s32 $_size_execute0_lowered;
	s3 =	sadd.s32 s3, s5;
	[dreg:$0x0] =	wrdreg $0x0  }
0xa8: {  	s5 =	sshll.u32 s28, $0x1;
	[dreg:$0x2] =	wrdreg s3  }
0xa9: {  	[dreg:$0x3] =	wrdreg s5  }
0xaa: {  	[dreg:$0x4] =	wrdreg $0xC0  }
0xab: {  	_ =	task [dreg:s7], $0x5FFFF  }
0xac: {  	[dreg:$0x1] =	wrdreg $0xFFFFFFFF  }
0xad: {  	[dreg:$0x0] =	wrdreg $0x60  }
0xae: {  	[dreg:$0x2] =	wrdreg s24  }
0xaf: {  	[dreg:$0x3] =	wrdreg s2  }
0xb0: {  	[dreg:$0x4] =	wrdreg $0x158000  }
0xb1: {  	[dreg:$0x5] =	wrdreg $0x9  }
0xb2: {  	_ =	task.clear_ibuf [dreg:s7], $0x6FFFF;
	_ =	strace $0x9000004C  }
0xb3: {  	s29 =	simm.s32 $0x9;
	_ =	strace $0x8000004E  }
0xb4: {  	_ =	swait.ge [sflag:s29], $0x1  }
0xb5: {  	[sflag:s29] =	ssyncadd.s32 $0xFFFFFFFF  }
0xb6: {  	_ =	strace $0x9000004E  }
0xb7: {  	_ =	sfence  }
0xb8: {  	s30 =	sld [smem:$0x0];
	_ =	sdelay $0x2  }
0xb9: {  	s31 =	sshll.u32 s1, $0xD;
	s1 =	sshrl.u32 s1, $0x2  }
0xba: {  	s3 =	sand.u32 $0x4000, s31;
	s1 =	sadd.s32 s1, s30  }
0xbb: {  	s0 =	sor.u32 s3, s0;
	s1 =	sshll.u32 s1, $0x11  }
0xbc: {  	s0 =	sor.u32 s1, s0  }
0xbd: {  	s0 =	sadd.s32 $0x8F2B, s0  }
0xbe: {  	[sflag:s0] =	ssyncadd.remote.s32 $0x1  }
0xbf: {  	_ =	sfence.sel $0xFFFF  }
0xc0: {  	[dreg:$0x0] =	wrdreg $0xFFFFFFFF;
	(pc) =	sbr.abs _section_cstart, $3  }
0xc1: {  	[dreg:$0x1] =	wrdreg $0xFFFFFFFF  }
0xc2: {  	_ =	task.clear_ibuf [dreg:s7], $0x2FFFF;
	_ =	strace $0x9FFFFFFF  }
0xc3: {  	(tm) =	ssettm $0x7FFFFFFF  }
tec
execute0_lowered:
.L_overlay_start_1:
0x0: {  	(tag) =	ssettag $0x1  }
0x1: {  	s0 =	rddreg [dreg:$0x0]  }
0x2: {  	s2 =	rddreg [dreg:$0x1]  }
0x3: {  	s1 =	rddreg [dreg:$0x2];
	s3 =	simm.s32 $0x0;
	s5 =	srdreg.scid  }
0x4: {  	s13 =	stileid.u32;
	s29 =	simm.s32 $0xD800;
	s30 =	simm.s32 $0x9  }
0x5: {  	s31 =	simm.s32 $0x80;
	[smem:$0x7FF] =	sst s3;
	s4 =	sadd.s32 $0x1F600, s0  }
0x6: {  	s7 =	sand.u32 $0x1, s5;
	s15 =	smul.u32 $0x28000, s13;
	s8 =	sadd.s32 $0x15600, s0  }
0x7: {  	s9 =	sadd.s32 $0x1600, s0;
	s0 =	sadd.s32 $0x33600, s0;
	s12 =	smul.u32 $0x900, s13  }
0x8: {  	s11 =	sshll.u32 s13, $0x8;
	s13 =	smul.u32 $0xA000, s13;
	_ =	strace $0x8000004D  }
0x9: {  	s6 =	ssub.s32 $0x2, s7;
	p0 =	seq.s32 s7, $0x0;
	s11 =	sor.u32 $0x9000, s11  }
0xa: {  	s17 =	smul.u32 $0xA0000, s7;
	s10 =	sshrl.u32 s6, $0x1;
	s5 =	sshrl.u32 s15, $0x2  }
0xb: {  	s14 =	sadd.s32 s8, s11;
	s16 =	sadd.s32 s2, s11;
	s11 =	sadd.s32 s9, s11  }
0xc: {  	s8 =	sadd.s32 s8, s12;
	s2 =	sadd.s32 s2, s12;
	[dreg:$0x4] =	wrdreg s14  }
0xd: {  	s9 =	sadd.s32 s9, s12;
	s23 =	sadd.s32 $0x4000, s13;
	[dreg:$0x5] =	wrdreg s16  }
0xe: {  	s24 =	sadd.s32 $0x6000, s13;
	s25 =	sadd.s32 $0x8000, s13;
	[dreg:$0x6] =	wrdreg s11  }
0xf: {  	s10 =	ssub.s32 s6, s10;
	s5 =	sadd.s32 s5, s1;
	[dreg:$0x7] =	wrdreg s8  }
0x10: {  	s6 =	simm.s32 $0x24;
	s8 =	sadd.s32 $0x2000, s13;
	[dreg:$0x8] =	wrdreg s2  }
0x11: {  	s18 =	sadd.s32 s17, s13;
	[dreg:$0x9] =	wrdreg s9;
	s26 =	sadd.s32 s17, s23  }
0x12: {  	s28 =	sadd.s32 s17, s24;
	s14 =	sadd.s32 s17, s25;
	s9 =	simm.s32 $0x9000  }
0x13: {  	s6 =	simm.s32 @!p0 $0x4;
	s19 =	sadd.s32 s17, s8;
	s2 =	sshrl.u32 s18, $0x3  }
0x14: {  	s21 =	smax.u32 s10, $0x1;
	s11 =	sshrl.u32 s26, $0x3;
	s12 =	sshrl.u32 s28, $0x3  }
0x15: {  	s14 =	sshrl.u32 s14, $0x3;
	s16 =	sadd.s32 $0x2000, s5;
	p0 =	sne.s32 s7, $0x0  }
0x16: {  	s17 =	sadd.s32 $0x4000, s5;
	s18 =	sadd.s32 s13, s1;
	[dreg:$0xb] =	wrdreg s21  }
0x17: {  	s26 =	sadd.s32 $0x6000, s5;
	s28 =	sadd.s32 $0x8000, s5;
	[dreg:$0x10] =	wrdreg s16  }
0x18: {  	s7 =	simm.s32 $0x13800;
	s10 =	simm.s32 $0x2;
	[dreg:$0x11] =	wrdreg s17  }
0x19: {  	s13 =	simm.s32 $0x5;
	s20 =	sshrl.u32 s19, $0x3;
	[dreg:$0x17] =	wrdreg s26  }
0x1a: {  	s2 =	sadd.s32 s0, s2;
	s11 =	sadd.s32 s0, s11;
	[dreg:$0x18] =	wrdreg s28  }
0x1b: {  	s15 =	sadd.s32 s0, s12;
	s19 =	sadd.s32 s8, s1;
	[dreg:$0xa] =	wrdreg s2  }
0x1c: {  	s21 =	sadd.s32 s25, s1;
	s8 =	simm.s32 $0x1;
	[dreg:$0xd] =	wrdreg s11  }
0x1d: {  	s12 =	simm.s32 $0x4;
	s22 =	sadd.s32 s0, s20;
	[dreg:$0xe] =	wrdreg s15  }
0x1e: {  	s16 =	simm.s32 $0x8;
	s0 =	sadd.s32 s0, s14;
	[dreg:$0xc] =	wrdreg s22  }
0x1f: {  	s2 =	sadd.s32 s23, s1;
	s25 =	sshrl.u32 s21, $0x3;
	[dreg:$0xf] =	wrdreg s0  }
0x20: {  	s20 =	sadd.s32 s24, s1;
	s0 =	sshrl.u32 s18, $0x3;
	[dreg:$0x16] =	wrdreg s25  }
0x21: {  	s11 =	simm.s32 $0x3;
	s22 =	sshrl.u32 s19, $0x3;
	[dreg:$0x12] =	wrdreg s0  }
0x22: {  	s14 =	simm.s32 $0x6;
	s23 =	sshrl.u32 s2, $0x3;
	[dreg:$0x13] =	wrdreg s22  }
0x23: {  	s15 =	simm.s32 $0x7;
	s24 =	sshrl.u32 s20, $0x3;
	[dreg:$0x14] =	wrdreg s23  }
0x24: {  	v0 =	vimm.f32 $0.0e+00;
	s2 =	simm.s32 $0x11800;
	[dreg:$0x15] =	wrdreg s24;
	s0 =	simm.s32 $0xF800  }
.LBB2_1:
0x25: {  	s18 =	simm.s32 $0x100;
	s17 =	simm.s32 $0x0  }
.LBB2_2:
0x26: {  	p1 =	sne.s32 s18, $0x7F00;
	[tilespmem:s17+$0xD830] =	vst v0;
	s19 =	smov.u32 s18;
	s18 =	sadd.s32 $0x100, s18  }
.Ltmp0:
0x27: {  	[tilespmem:s17+$0xD820] =	vst v0;
	(pc) =	sbr.rel @p1 .LBB2_2-.Ltmp0, $3  }
0x28: {  	[tilespmem:s17+$0xD800] =	vst v0  }
0x29: {  	[tilespmem:s17+$0xD810] =	vst v0;
	_ =	sdelay $0x1  }
0x2a: {  	s17 =	sshra.s32 s19, $0x2  }
0x2b: {  	[tilespmem:s17+$0xD830] =	vst v0  }
0x2c: {  	[tilespmem:s17+$0xD820] =	vst v0  }
0x2d: {  	[tilespmem:s17+$0xD800] =	vst v0  }
0x2e: {  	[tilespmem:s17+$0xD810] =	vst v0  }
0x2f: {  	[spmem:s5] =	stream.linear.scatter [tilespmem:s29], [sflag:$0x9], $0x2000, $0x38;
	[tilespmem:$0x1F800] =	vst v63  }
0x30: {  	_ =	swait.ge [sflag:s30], $0x2000  }
0x31: {  	[sflag:s30] =	ssyncset.done $0x0  }
0x32: {  	s24 =	rddreg [dreg:$0x10];
	[sflag:s30] =	ssyncadd.s32 $0xFFFFE000  }
0x33: {  	[spmem:s24] =	stream.linear.scatter [tilespmem:s29], [sflag:$0x9], $0x2000, $0x38;
	[tilespmem:$0x1F800] =	vst v63  }
0x34: {  	_ =	swait.ge [sflag:s30], $0x2000  }
0x35: {  	[sflag:s30] =	ssyncset.done $0x0  }
0x36: {  	s25 =	rddreg [dreg:$0x11];
	[sflag:s30] =	ssyncadd.s32 $0xFFFFE000  }
0x37: {  	[spmem:s25] =	stream.linear.scatter [tilespmem:s29], [sflag:$0x9], $0x2000, $0x38;
	[tilespmem:$0x1F800] =	vst v63  }
0x38: {  	_ =	swait.ge [sflag:s30], $0x2000  }
0x39: {  	[sflag:s30] =	ssyncset.done $0x0  }
0x3a: {  	s26 =	rddreg [dreg:$0x17];
	[sflag:s30] =	ssyncadd.s32 $0xFFFFE000  }
0x3b: {  	[spmem:s26] =	stream.linear.scatter [tilespmem:s29], [sflag:$0x9], $0x2000, $0x38;
	[tilespmem:$0x1F800] =	vst v63  }
0x3c: {  	_ =	swait.ge [sflag:s30], $0x2000  }
0x3d: {  	[sflag:s30] =	ssyncset.done $0x0  }
0x3e: {  	s28 =	rddreg [dreg:$0x18];
	[sflag:s30] =	ssyncadd.s32 $0xFFFFE000  }
0x3f: {  	[spmem:s28] =	stream.linear.scatter [tilespmem:s29], [sflag:$0x9], $0x2000, $0x38;
	[tilespmem:$0x1F800] =	vst v63  }
0x40: {  	_ =	swait.ge [sflag:s30], $0x2000  }
0x41: {  	[sflag:s30] =	ssyncset.done $0x0  }
0x42: {  	s17 =	simm.s32 @p0 $0x0;
	s18 =	rddreg [dreg:$0x4];
	[sflag:s30] =	ssyncadd.s32 $0xFFFFE000  }
0x43: {  	[tilespmem:s17], [sflag:$0x9] =	stream.linear.gather @p0 [hbm4b:s18+s17], $0x800, $0x38;
	[tilespmem:$0x1F800] =	vst v63  }
0x44: {  	s18 =	simm.s32 @p0 $0x9  }
0x45: {  	_ =	swait.ge @p0 [sflag:s18], $0x800  }
0x46: {  	[sflag:s18] =	ssyncset.done @p0 $0x0  }
0x47: {  	s19 =	simm.s32 @p0 $0x4800;
	s20 =	rddreg [dreg:$0x5];
	[sflag:s18] =	ssyncadd.s32 @p0 $0xFFFFF800  }
0x48: {  	[tilespmem:s19], [sflag:$0x9] =	stream.linear.gather @p0 [hbm4b:s20+s17], $0x800, $0x38;
	[tilespmem:$0x1F800] =	vst v63  }
0x49: {  	_ =	swait.ge @p0 [sflag:s18], $0x800  }
0x4a: {  	[sflag:s18] =	ssyncset.done @p0 $0x0  }
0x4b: {  	s19 =	simm.s32 @p0 $0x9000;
	s20 =	rddreg [dreg:$0x6];
	[sflag:s18] =	ssyncadd.s32 @p0 $0xFFFFF800  }
0x4c: {  	[tilespmem:s19], [sflag:$0x9] =	stream.linear.gather @p0 [hbm4b:s20+s17], $0x800, $0x38;
	[tilespmem:$0x1F800] =	vst v63  }
0x4d: {  	_ =	swait.ge @p0 [sflag:s18], $0x800  }
0x4e: {  	[sflag:s18] =	ssyncset.done @p0 $0x0  }
0x4f: {  	s17 =	simm.s32 @!p0 $0x0;
	[sflag:s18] =	ssyncadd.s32 @p0 $0xFFFFF800;
	s18 =	rddreg [dreg:$0x7]  }
0x50: {  	[tilespmem:s17], [sflag:$0x9] =	stream.linear.gather @!p0 [hbm4b:s18+s17], $0x4800, $0x38;
	[tilespmem:$0x1F800] =	vst v63  }
0x51: {  	s18 =	simm.s32 @!p0 $0x9  }
0x52: {  	_ =	swait.ge @!p0 [sflag:s18], $0x4800  }
0x53: {  	[sflag:s18] =	ssyncset.done @!p0 $0x0  }
0x54: {  	s19 =	simm.s32 @!p0 $0x4800;
	s20 =	rddreg [dreg:$0x8];
	[sflag:s18] =	ssyncadd.s32 @!p0 $0xFFFFB800  }
0x55: {  	[tilespmem:s19], [sflag:$0x9] =	stream.linear.gather @!p0 [hbm4b:s20+s17], $0x4800, $0x38;
	[tilespmem:$0x1F800] =	vst v63  }
0x56: {  	_ =	swait.ge @!p0 [sflag:s18], $0x4800  }
0x57: {  	[sflag:s18] =	ssyncset.done @!p0 $0x0  }
0x58: {  	s19 =	simm.s32 @!p0 $0x9000;
	s20 =	rddreg [dreg:$0x9];
	[sflag:s18] =	ssyncadd.s32 @!p0 $0xFFFFB800  }
0x59: {  	[tilespmem:s19], [sflag:$0x9] =	stream.linear.gather @!p0 [hbm4b:s20+s17], $0x4800, $0x38;
	[tilespmem:$0x1F800] =	vst v63  }
0x5a: {  	_ =	swait.ge @!p0 [sflag:s18], $0x4800  }
0x5b: {  	[sflag:s18] =	ssyncset.done @!p0 $0x0  }
0x5c: {  	[sflag:s18] =	ssyncadd.s32 @!p0 $0xFFFFB800  }
0x5d: {  	s17 =	simm.s32 $0x0;
	s18 =	simm.s32 $0x0;
	[bflag:$0x0] =	sbarrier.arrive $0xFFFF  }
.LBB2_4:
0x5e: {  	s22 =	sshll.u32 s18, $0x9;
	s19 =	sadd.s32 $0xFFFFFFFE, s17  }
0x5f: {  	[tilespmem:s29], [sflag:$0x1] =	stream.indirect.gather [hbm4b:s4+s31], $0x40, s22, s31, $0xb8;
	[tilespmem:$0x1F800] =	vst v63  }
0x60: {  	s21 =	sor.u32 $0x80, s22;
	s23 =	sadd.s32 $0x2, s19  }
0x61: {  	v1 =	vmov s23;
	[tilespmem:s0], [sflag:$0x2] =	stream.indirect.gather [hbm4b:s4+s31], $0x40, s21, s31, $0xb8;
	[tilespmem:$0x1F800] =	vst v63  }
0x62: {  	s20 =	sor.u32 $0x100, s22;
	v1 =	vand.u32 $0xFFFFFFFE, v1  }
0x63: {  	v3 =	vbroadcast v1, $0x0;
	[tilespmem:s2], [sflag:$0x3] =	stream.indirect.gather [hbm4b:s4+s31], $0x40, s20, s31, $0xb8;
	[tilespmem:$0x1F800] =	vst v63  }
0x64: {  	s28 =	sadd.s32 $0x3, s19;
	s19 =	sor.u32 $0x180, s22  }
0x65: {  	[tilespmem:s7], [sflag:$0x4] =	stream.indirect.gather [hbm4b:s4+s31], $0x40, s19, s31, $0xb8;
	[tilespmem:$0x1F800] =	vst v63  }
0x66: {  	v2 =	vmov s28;
	_ =	swait.ge [sflag:s8], $0x2000  }
0x67: {  	[sflag:s8] =	ssyncset.done $0x0  }
0x68: {  	[sflag:s8] =	ssyncadd.s32 $0xFFFFE000  }
0x69: {  	s23 =	simm.s32 $0xD840;
	v6 =	vld.idx.msk [tilespmem:v3+s9+$0x0], $0xffff  }
0x6a: {  	v7 =	vld [tilespmem:s23+$0xFFFFFFC0]  }
0x6b: {  	s24 =	sadd.s32 $0x0, s17;
	v1 =	vld.idx.msk [tilespmem:v2+s9+$0x0], $0xffff  }
0x6c: {  	s25 =	sadd.s32 $0x3, s24;
	s24 =	sadd.s32 $0x2, s24;
	v2 =	vld [tilespmem:s23+$0xFFFFFFF0]  }
0x6d: {  	v4 =	vmov s25;
	v9 =	vmov s24  }
0x6e: {  	v9 =	vand.u32 $0xFFFFFFFE, v9;
	v8 =	vld [tilespmem:s23+$0xFFFFFFD0]  }
0x6f: {  	v10 =	vld [tilespmem:s23+$0xFFFFFFE0];
	v12 =	vmul.f32 v7, v6;
	v7 =	vbroadcast v9, $0x0  }
0x70: {  	v5 =	vld [tilespmem:s23+$0x0]  }
0x71: {  	v3 =	vld [tilespmem:s23+$0x10];
	v11 =	vmul.f32 v2, v6  }
0x72: {  	v2 =	vld.idx.msk [tilespmem:v4+s9+$0x0], $0xffff  }
0x73: {  	v4 =	vld [tilespmem:s23+$0x20];
	v9 =	vmul.f32 v8, v6;
	[tilespmem:s23+$0xFFFFFFF0] =	vst v11  }
0x74: {  	s24 =	simm.s32 $0x2;
	s25 =	simm.s32 $0xD840;
	v8 =	vmul.f32 v10, v6;
	v6 =	vld [tilespmem:s23+$0x30];
	[tilespmem:s23+$0xFFFFFFC0] =	vst v12  }
.LBB2_5:
0x75: {  	s26 =	sadd.s32 s24, s17;
	s24 =	sadd.s32 $0x2, s24;
	v10 =	vld.idx.msk [tilespmem:v7+s9+$0x0], $0xffff;
	[tilespmem:s23+$0xFFFFFFD0] =	vst v9;
	v5 =	vmul.f32 v5, v1;
	s25 =	sadd.s32 $0x80, s25  }
0x76: {  	s28 =	sadd.s32 $0x2, s26;
	s26 =	sadd.s32 $0x3, s26;
	p1 =	slt.u32 s24, $0x7E;
	v9 =	vld [tilespmem:s25+$0xFFFFFFF0];
	[tilespmem:s23+$0xFFFFFFE0] =	vst v8;
	v3 =	vmul.f32 v3, v1  }
0x77: {  	v7 =	vmov s28;
	v8 =	vmov s26;
	v11 =	vld [tilespmem:s25+$0xFFFFFFC0];
	[tilespmem:s23+$0x0] =	vst v5  }
0x78: {  	v5 =	vand.u32 $0xFFFFFFFE, v7;
	v12 =	vld [tilespmem:s25+$0xFFFFFFD0];
	[tilespmem:s23+$0x10] =	vst v3;
	v3 =	vmul.f32 v4, v1  }
0x79: {  	v7 =	vbroadcast v5, $0x0;
	v13 =	vld [tilespmem:s25+$0xFFFFFFE0];
	v4 =	vmul.f32 v6, v1;
	v1 =	vmov v2  }
.Ltmp1:
0x7a: {  	v5 =	vld [tilespmem:s25+$0x0];
	[tilespmem:s23+$0x20] =	vst v3;
	(pc) =	sbr.rel @p1 .LBB2_5-.Ltmp1, $4  }
0x7b: {  	v6 =	vmul.f32 v9, v10;
	v3 =	vld [tilespmem:s25+$0x10];
	[tilespmem:s23+$0x30] =	vst v4;
	s23 =	smov.u32 s25  }
0x7c: {  	v2 =	vld.idx.msk [tilespmem:v8+s9+$0x0], $0xffff;
	v8 =	vmul.f32 v11, v10  }
0x7d: {  	v9 =	vmul.f32 v12, v10;
	[tilespmem:s25+$0xFFFFFFF0] =	vst v6;
	v4 =	vld [tilespmem:s25+$0x20]  }
0x7e: {  	[tilespmem:s25+$0xFFFFFFC0] =	vst v8;
	v8 =	vmul.f32 v13, v10;
	v6 =	vld [tilespmem:s25+$0x30]  }
0x7f: {  	_ =	sdelay $0x3  }
0x80: {  	v7 =	vld.idx.msk [tilespmem:v7+s9+$0x0], $0xffff;
	s24 =	sadd.s32 $0x80, s25  }
0x81: {  	v10 =	vld [tilespmem:s24+$0xFFFFFFF0]  }
0x82: {  	[tilespmem:s23+$0xFFFFFFD0] =	vst v9;
	v5 =	vmul.f32 v5, v1;
	v9 =	vld [tilespmem:s24+$0xFFFFFFC0]  }
0x83: {  	[tilespmem:s23+$0xFFFFFFE0] =	vst v8;
	v3 =	vmul.f32 v3, v1;
	v8 =	vld [tilespmem:s24+$0xFFFFFFD0]  }
0x84: {  	[tilespmem:s23+$0x0] =	vst v5;
	v5 =	vld [tilespmem:s24+$0xFFFFFFE0];
	v4 =	vmul.f32 v4, v1  }
0x85: {  	[tilespmem:s23+$0x10] =	vst v3;
	v3 =	vld [tilespmem:s24+$0x0];
	v1 =	vmul.f32 v6, v1  }
0x86: {  	v6 =	vld [tilespmem:s24+$0x10];
	[tilespmem:s23+$0x20] =	vst v4;
	v4 =	vmul.f32 v10, v7  }
0x87: {  	[tilespmem:s23+$0x30] =	vst v1;
	v1 =	vmul.f32 v9, v7;
	v9 =	vld [tilespmem:s24+$0x20]  }
0x88: {  	v8 =	vmul.f32 v8, v7;
	[tilespmem:s24+$0xFFFFFFF0] =	vst v4;
	v4 =	vld [tilespmem:s24+$0x30]  }
0x89: {  	[tilespmem:s24+$0xFFFFFFC0] =	vst v1;
	v1 =	vmul.f32 v5, v7  }
0x8a: {  	[tilespmem:s24+$0xFFFFFFD0] =	vst v8;
	v3 =	vmul.f32 v3, v2  }
0x8b: {  	s26 =	sadd.s32 $0xFFFFFFFE, s17;
	[tilespmem:s24+$0xFFFFFFE0] =	vst v1;
	v1 =	vmul.f32 v6, v2  }
0x8c: {  	s28 =	sadd.s32 $0x82, s26;
	[tilespmem:s24+$0x0] =	vst v3;
	v3 =	vmul.f32 v9, v2  }
0x8d: {  	[tilespmem:s24+$0x10] =	vst v1;
	v1 =	vmul.f32 v4, v2;
	v2 =	vmov s28  }
0x8e: {  	[tilespmem:s24+$0x20] =	vst v3;
	v2 =	vand.u32 $0xFFFFFFFE, v2  }
0x8f: {  	s22 =	sadd.s32 $0x4800, s22;
	[tilespmem:s24+$0x30] =	vst v1;
	v2 =	vbroadcast v2, $0x0  }
0x90: {  	[spmem:s1] =	stream.indirect.scatter.add.f32 [tilespmem:s29], [sflag:$0x5], $0x40, s22, s31, $0xb8;
	[tilespmem:$0x1F800] =	vst v63  }
0x91: {  	_ =	swait.ge [sflag:s10], $0x2000  }
0x92: {  	s23 =	sadd.s32 $0x83, s26;
	[sflag:s10] =	ssyncset.done $0x0  }
0x93: {  	v1 =	vmov s23;
	s22 =	simm.s32 $0xF840;
	[sflag:s10] =	ssyncadd.s32 $0xFFFFE000  }
0x94: {  	v7 =	vld [tilespmem:s22+$0xFFFFFFC0]  }
0x95: {  	v6 =	vld.idx.msk [tilespmem:v2+s9+$0x0], $0xffff  }
0x96: {  	s26 =	sadd.s32 $0x0, s17  }
0x97: {  	s28 =	sadd.s32 $0x83, s26;
	s23 =	sadd.s32 $0x82, s26;
	v2 =	vld [tilespmem:s22+$0xFFFFFFF0]  }
0x98: {  	v4 =	vmov s28;
	v9 =	vmov s23;
	v1 =	vld.idx.msk [tilespmem:v1+s9+$0x0], $0xffff  }
0x99: {  	v9 =	vand.u32 $0xFFFFFFFE, v9;
	v8 =	vld [tilespmem:s22+$0xFFFFFFD0]  }
0x9a: {  	v10 =	vld [tilespmem:s22+$0xFFFFFFE0];
	v12 =	vmul.f32 v7, v6;
	v7 =	vbroadcast v9, $0x0  }
0x9b: {  	v5 =	vld [tilespmem:s22+$0x0]  }
0x9c: {  	v3 =	vld [tilespmem:s22+$0x10];
	v11 =	vmul.f32 v2, v6  }
0x9d: {  	v2 =	vld.idx.msk [tilespmem:v4+s9+$0x0], $0xffff  }
0x9e: {  	v4 =	vld [tilespmem:s22+$0x20];
	v9 =	vmul.f32 v8, v6;
	[tilespmem:s22+$0xFFFFFFF0] =	vst v11  }
0x9f: {  	s24 =	simm.s32 $0xF840;
	s23 =	simm.s32 $0x2;
	v8 =	vmul.f32 v10, v6;
	v6 =	vld [tilespmem:s22+$0x30];
	[tilespmem:s22+$0xFFFFFFC0] =	vst v12  }
.LBB2_7:
0xa0: {  	s25 =	sadd.s32 s23, s17;
	s23 =	sadd.s32 $0x2, s23;
	v10 =	vld.idx.msk [tilespmem:v7+s9+$0x0], $0xffff;
	[tilespmem:s22+$0xFFFFFFD0] =	vst v9;
	v5 =	vmul.f32 v5, v1;
	s24 =	sadd.s32 $0x80, s24  }
0xa1: {  	s26 =	sadd.s32 $0x82, s25;
	s25 =	sadd.s32 $0x83, s25;
	p1 =	slt.u32 s23, $0x7E;
	v9 =	vld [tilespmem:s24+$0xFFFFFFF0];
	[tilespmem:s22+$0xFFFFFFE0] =	vst v8;
	v3 =	vmul.f32 v3, v1  }
0xa2: {  	v7 =	vmov s26;
	v8 =	vmov s25;
	v11 =	vld [tilespmem:s24+$0xFFFFFFC0];
	[tilespmem:s22+$0x0] =	vst v5  }
0xa3: {  	v5 =	vand.u32 $0xFFFFFFFE, v7;
	v12 =	vld [tilespmem:s24+$0xFFFFFFD0];
	[tilespmem:s22+$0x10] =	vst v3;
	v3 =	vmul.f32 v4, v1  }
0xa4: {  	v7 =	vbroadcast v5, $0x0;
	v13 =	vld [tilespmem:s24+$0xFFFFFFE0];
	v4 =	vmul.f32 v6, v1;
	v1 =	vmov v2  }
.Ltmp2:
0xa5: {  	v5 =	vld [tilespmem:s24+$0x0];
	[tilespmem:s22+$0x20] =	vst v3;
	(pc) =	sbr.rel @p1 .LBB2_7-.Ltmp2, $4  }
0xa6: {  	v6 =	vmul.f32 v9, v10;
	v3 =	vld [tilespmem:s24+$0x10];
	[tilespmem:s22+$0x30] =	vst v4;
	s22 =	smov.u32 s24  }
0xa7: {  	v2 =	vld.idx.msk [tilespmem:v8+s9+$0x0], $0xffff;
	v8 =	vmul.f32 v11, v10  }
0xa8: {  	v9 =	vmul.f32 v12, v10;
	[tilespmem:s24+$0xFFFFFFF0] =	vst v6;
	v4 =	vld [tilespmem:s24+$0x20]  }
0xa9: {  	[tilespmem:s24+$0xFFFFFFC0] =	vst v8;
	v8 =	vmul.f32 v13, v10;
	v6 =	vld [tilespmem:s24+$0x30]  }
0xaa: {  	_ =	sdelay $0x3  }
0xab: {  	v7 =	vld.idx.msk [tilespmem:v7+s9+$0x0], $0xffff;
	s23 =	sadd.s32 $0x80, s24  }
0xac: {  	v10 =	vld [tilespmem:s23+$0xFFFFFFF0]  }
0xad: {  	[tilespmem:s22+$0xFFFFFFD0] =	vst v9;
	v5 =	vmul.f32 v5, v1;
	v9 =	vld [tilespmem:s23+$0xFFFFFFC0]  }
0xae: {  	[tilespmem:s22+$0xFFFFFFE0] =	vst v8;
	v3 =	vmul.f32 v3, v1;
	v8 =	vld [tilespmem:s23+$0xFFFFFFD0]  }
0xaf: {  	[tilespmem:s22+$0x0] =	vst v5;
	v5 =	vld [tilespmem:s23+$0xFFFFFFE0];
	v4 =	vmul.f32 v4, v1  }
0xb0: {  	[tilespmem:s22+$0x10] =	vst v3;
	v3 =	vld [tilespmem:s23+$0x0];
	v1 =	vmul.f32 v6, v1  }
0xb1: {  	v6 =	vld [tilespmem:s23+$0x10];
	[tilespmem:s22+$0x20] =	vst v4;
	v4 =	vmul.f32 v10, v7  }
0xb2: {  	[tilespmem:s22+$0x30] =	vst v1;
	v1 =	vmul.f32 v9, v7;
	v9 =	vld [tilespmem:s23+$0x20]  }
0xb3: {  	v8 =	vmul.f32 v8, v7;
	[tilespmem:s23+$0xFFFFFFF0] =	vst v4;
	v4 =	vld [tilespmem:s23+$0x30]  }
0xb4: {  	[tilespmem:s23+$0xFFFFFFC0] =	vst v1;
	v1 =	vmul.f32 v5, v7  }
0xb5: {  	[tilespmem:s23+$0xFFFFFFD0] =	vst v8;
	v3 =	vmul.f32 v3, v2  }
0xb6: {  	s28 =	sadd.s32 $0xFFFFFFFE, s17;
	[tilespmem:s23+$0xFFFFFFE0] =	vst v1;
	v1 =	vmul.f32 v6, v2  }
0xb7: {  	s25 =	sadd.s32 $0x102, s28;
	[tilespmem:s23+$0x0] =	vst v3;
	v3 =	vmul.f32 v9, v2  }
0xb8: {  	[tilespmem:s23+$0x10] =	vst v1;
	v1 =	vmul.f32 v4, v2;
	v2 =	vmov s25  }
0xb9: {  	[tilespmem:s23+$0x20] =	vst v3;
	v2 =	vand.u32 $0xFFFFFFFE, v2  }
0xba: {  	s21 =	sadd.s32 $0x4800, s21;
	[tilespmem:s23+$0x30] =	vst v1;
	v2 =	vbroadcast v2, $0x0  }
0xbb: {  	[spmem:s1] =	stream.indirect.scatter.add.f32 [tilespmem:s0], [sflag:$0x6], $0x40, s21, s31, $0xb8;
	[tilespmem:$0x1F800] =	vst v63  }
0xbc: {  	_ =	swait.ge [sflag:s11], $0x2000  }
0xbd: {  	s22 =	sadd.s32 $0x103, s28;
	[sflag:s11] =	ssyncset.done $0x0  }
0xbe: {  	v1 =	vmov s22;
	s21 =	simm.s32 $0x11840;
	[sflag:s11] =	ssyncadd.s32 $0xFFFFE000  }
0xbf: {  	v7 =	vld [tilespmem:s21+$0xFFFFFFC0]  }
0xc0: {  	v6 =	vld.idx.msk [tilespmem:v2+s9+$0x0], $0xffff  }
0xc1: {  	s26 =	sadd.s32 $0x0, s17  }
0xc2: {  	s28 =	sadd.s32 $0x103, s26;
	s22 =	sadd.s32 $0x102, s26;
	v2 =	vld [tilespmem:s21+$0xFFFFFFF0]  }
0xc3: {  	v4 =	vmov s28;
	v9 =	vmov s22;
	v1 =	vld.idx.msk [tilespmem:v1+s9+$0x0], $0xffff  }
0xc4: {  	v9 =	vand.u32 $0xFFFFFFFE, v9;
	v8 =	vld [tilespmem:s21+$0xFFFFFFD0]  }
0xc5: {  	v10 =	vld [tilespmem:s21+$0xFFFFFFE0];
	v12 =	vmul.f32 v7, v6;
	v7 =	vbroadcast v9, $0x0  }
0xc6: {  	v5 =	vld [tilespmem:s21+$0x0]  }
0xc7: {  	v3 =	vld [tilespmem:s21+$0x10];
	v11 =	vmul.f32 v2, v6  }
0xc8: {  	v2 =	vld.idx.msk [tilespmem:v4+s9+$0x0], $0xffff  }
0xc9: {  	v4 =	vld [tilespmem:s21+$0x20];
	v9 =	vmul.f32 v8, v6;
	[tilespmem:s21+$0xFFFFFFF0] =	vst v11  }
0xca: {  	s23 =	simm.s32 $0x11840;
	s22 =	simm.s32 $0x2;
	v8 =	vmul.f32 v10, v6;
	v6 =	vld [tilespmem:s21+$0x30];
	[tilespmem:s21+$0xFFFFFFC0] =	vst v12  }
.LBB2_9:
0xcb: {  	s24 =	sadd.s32 s22, s17;
	s22 =	sadd.s32 $0x2, s22;
	v10 =	vld.idx.msk [tilespmem:v7+s9+$0x0], $0xffff;
	[tilespmem:s21+$0xFFFFFFD0] =	vst v9;
	v5 =	vmul.f32 v5, v1;
	s23 =	sadd.s32 $0x80, s23  }
0xcc: {  	s25 =	sadd.s32 $0x102, s24;
	s24 =	sadd.s32 $0x103, s24;
	p1 =	slt.u32 s22, $0x7E;
	v9 =	vld [tilespmem:s23+$0xFFFFFFF0];
	[tilespmem:s21+$0xFFFFFFE0] =	vst v8;
	v3 =	vmul.f32 v3, v1  }
0xcd: {  	v7 =	vmov s25;
	v8 =	vmov s24;
	v11 =	vld [tilespmem:s23+$0xFFFFFFC0];
	[tilespmem:s21+$0x0] =	vst v5  }
0xce: {  	v5 =	vand.u32 $0xFFFFFFFE, v7;
	v12 =	vld [tilespmem:s23+$0xFFFFFFD0];
	[tilespmem:s21+$0x10] =	vst v3;
	v3 =	vmul.f32 v4, v1  }
0xcf: {  	v7 =	vbroadcast v5, $0x0;
	v13 =	vld [tilespmem:s23+$0xFFFFFFE0];
	v4 =	vmul.f32 v6, v1;
	v1 =	vmov v2  }
.Ltmp3:
0xd0: {  	v5 =	vld [tilespmem:s23+$0x0];
	[tilespmem:s21+$0x20] =	vst v3;
	(pc) =	sbr.rel @p1 .LBB2_9-.Ltmp3, $4  }
0xd1: {  	v6 =	vmul.f32 v9, v10;
	v3 =	vld [tilespmem:s23+$0x10];
	[tilespmem:s21+$0x30] =	vst v4;
	s21 =	smov.u32 s23  }
0xd2: {  	v2 =	vld.idx.msk [tilespmem:v8+s9+$0x0], $0xffff;
	v8 =	vmul.f32 v11, v10  }
0xd3: {  	v9 =	vmul.f32 v12, v10;
	[tilespmem:s23+$0xFFFFFFF0] =	vst v6;
	v4 =	vld [tilespmem:s23+$0x20]  }
0xd4: {  	[tilespmem:s23+$0xFFFFFFC0] =	vst v8;
	v8 =	vmul.f32 v13, v10;
	v6 =	vld [tilespmem:s23+$0x30]  }
0xd5: {  	_ =	sdelay $0x3  }
0xd6: {  	v7 =	vld.idx.msk [tilespmem:v7+s9+$0x0], $0xffff;
	s22 =	sadd.s32 $0x80, s23  }
0xd7: {  	v10 =	vld [tilespmem:s22+$0xFFFFFFF0]  }
0xd8: {  	[tilespmem:s21+$0xFFFFFFD0] =	vst v9;
	v5 =	vmul.f32 v5, v1;
	v9 =	vld [tilespmem:s22+$0xFFFFFFC0]  }
0xd9: {  	[tilespmem:s21+$0xFFFFFFE0] =	vst v8;
	v3 =	vmul.f32 v3, v1;
	v8 =	vld [tilespmem:s22+$0xFFFFFFD0]  }
0xda: {  	[tilespmem:s21+$0x0] =	vst v5;
	v5 =	vld [tilespmem:s22+$0xFFFFFFE0];
	v4 =	vmul.f32 v4, v1  }
0xdb: {  	[tilespmem:s21+$0x10] =	vst v3;
	v3 =	vld [tilespmem:s22+$0x0];
	v1 =	vmul.f32 v6, v1  }
0xdc: {  	v6 =	vld [tilespmem:s22+$0x10];
	[tilespmem:s21+$0x20] =	vst v4;
	v4 =	vmul.f32 v10, v7  }
0xdd: {  	[tilespmem:s21+$0x30] =	vst v1;
	v1 =	vmul.f32 v9, v7;
	v9 =	vld [tilespmem:s22+$0x20]  }
0xde: {  	v8 =	vmul.f32 v8, v7;
	[tilespmem:s22+$0xFFFFFFF0] =	vst v4;
	v4 =	vld [tilespmem:s22+$0x30]  }
0xdf: {  	[tilespmem:s22+$0xFFFFFFC0] =	vst v1;
	v1 =	vmul.f32 v5, v7  }
0xe0: {  	[tilespmem:s22+$0xFFFFFFD0] =	vst v8;
	v3 =	vmul.f32 v3, v2  }
0xe1: {  	s24 =	sadd.s32 $0xFFFFFFFE, s17;
	[tilespmem:s22+$0xFFFFFFE0] =	vst v1;
	v1 =	vmul.f32 v6, v2  }
0xe2: {  	s25 =	sadd.s32 $0x182, s24;
	[tilespmem:s22+$0x0] =	vst v3;
	v3 =	vmul.f32 v9, v2  }
0xe3: {  	[tilespmem:s22+$0x10] =	vst v1;
	v1 =	vmul.f32 v4, v2;
	v2 =	vmov s25  }
0xe4: {  	[tilespmem:s22+$0x20] =	vst v3;
	v2 =	vand.u32 $0xFFFFFFFE, v2  }
0xe5: {  	s20 =	sadd.s32 $0x4800, s20;
	[tilespmem:s22+$0x30] =	vst v1;
	v2 =	vbroadcast v2, $0x0  }
0xe6: {  	[spmem:s1] =	stream.indirect.scatter.add.f32 [tilespmem:s2], [sflag:$0x7], $0x40, s20, s31, $0xb8;
	[tilespmem:$0x1F800] =	vst v63  }
0xe7: {  	_ =	swait.ge [sflag:s12], $0x2000  }
0xe8: {  	s21 =	sadd.s32 $0x183, s24;
	[sflag:s12] =	ssyncset.done $0x0  }
0xe9: {  	v1 =	vmov s21;
	s20 =	simm.s32 $0x13840;
	[sflag:s12] =	ssyncadd.s32 $0xFFFFE000  }
0xea: {  	v7 =	vld [tilespmem:s20+$0xFFFFFFC0]  }
0xeb: {  	v6 =	vld.idx.msk [tilespmem:v2+s9+$0x0], $0xffff  }
0xec: {  	s26 =	sadd.s32 $0x0, s17  }
0xed: {  	s28 =	sadd.s32 $0x183, s26;
	s21 =	sadd.s32 $0x182, s26;
	v2 =	vld [tilespmem:s20+$0xFFFFFFF0]  }
0xee: {  	v4 =	vmov s28;
	v9 =	vmov s21;
	v1 =	vld.idx.msk [tilespmem:v1+s9+$0x0], $0xffff  }
0xef: {  	v9 =	vand.u32 $0xFFFFFFFE, v9;
	v8 =	vld [tilespmem:s20+$0xFFFFFFD0]  }
0xf0: {  	v10 =	vld [tilespmem:s20+$0xFFFFFFE0];
	v12 =	vmul.f32 v7, v6;
	v7 =	vbroadcast v9, $0x0  }
0xf1: {  	v5 =	vld [tilespmem:s20+$0x0]  }
0xf2: {  	v3 =	vld [tilespmem:s20+$0x10];
	v11 =	vmul.f32 v2, v6  }
0xf3: {  	v2 =	vld.idx.msk [tilespmem:v4+s9+$0x0], $0xffff  }
0xf4: {  	v4 =	vld [tilespmem:s20+$0x20];
	v9 =	vmul.f32 v8, v6;
	[tilespmem:s20+$0xFFFFFFF0] =	vst v11  }
0xf5: {  	s22 =	simm.s32 $0x13840;
	s21 =	simm.s32 $0x2;
	v8 =	vmul.f32 v10, v6;
	v6 =	vld [tilespmem:s20+$0x30];
	[tilespmem:s20+$0xFFFFFFC0] =	vst v12  }
.LBB2_11:
0xf6: {  	s23 =	sadd.s32 s21, s17;
	s21 =	sadd.s32 $0x2, s21;
	v10 =	vld.idx.msk [tilespmem:v7+s9+$0x0], $0xffff;
	[tilespmem:s20+$0xFFFFFFD0] =	vst v9;
	v5 =	vmul.f32 v5, v1;
	s22 =	sadd.s32 $0x80, s22  }
0xf7: {  	s24 =	sadd.s32 $0x182, s23;
	s23 =	sadd.s32 $0x183, s23;
	p1 =	slt.u32 s21, $0x7E;
	v9 =	vld [tilespmem:s22+$0xFFFFFFF0];
	[tilespmem:s20+$0xFFFFFFE0] =	vst v8;
	v3 =	vmul.f32 v3, v1  }
0xf8: {  	v7 =	vmov s24;
	v8 =	vmov s23;
	v11 =	vld [tilespmem:s22+$0xFFFFFFC0];
	[tilespmem:s20+$0x0] =	vst v5  }
0xf9: {  	v5 =	vand.u32 $0xFFFFFFFE, v7;
	v12 =	vld [tilespmem:s22+$0xFFFFFFD0];
	[tilespmem:s20+$0x10] =	vst v3;
	v3 =	vmul.f32 v4, v1  }
0xfa: {  	v7 =	vbroadcast v5, $0x0;
	v13 =	vld [tilespmem:s22+$0xFFFFFFE0];
	v4 =	vmul.f32 v6, v1;
	v1 =	vmov v2  }
.Ltmp4:
0xfb: {  	v5 =	vld [tilespmem:s22+$0x0];
	[tilespmem:s20+$0x20] =	vst v3;
	(pc) =	sbr.rel @p1 .LBB2_11-.Ltmp4, $4  }
0xfc: {  	v6 =	vmul.f32 v9, v10;
	v3 =	vld [tilespmem:s22+$0x10];
	[tilespmem:s20+$0x30] =	vst v4;
	s20 =	smov.u32 s22  }
0xfd: {  	v2 =	vld.idx.msk [tilespmem:v8+s9+$0x0], $0xffff;
	v8 =	vmul.f32 v11, v10  }
0xfe: {  	v9 =	vmul.f32 v12, v10;
	[tilespmem:s22+$0xFFFFFFF0] =	vst v6;
	v4 =	vld [tilespmem:s22+$0x20]  }
0xff: {  	[tilespmem:s22+$0xFFFFFFC0] =	vst v8;
	v8 =	vmul.f32 v13, v10;
	v6 =	vld [tilespmem:s22+$0x30]  }
0x100: {  	_ =	sdelay $0x3  }
0x101: {  	v7 =	vld.idx.msk [tilespmem:v7+s9+$0x0], $0xffff;
	s21 =	sadd.s32 $0x80, s22  }
0x102: {  	v10 =	vld [tilespmem:s21+$0xFFFFFFF0]  }
0x103: {  	[tilespmem:s20+$0xFFFFFFD0] =	vst v9;
	v5 =	vmul.f32 v5, v1;
	v57 =	vld [tilespmem:s21+$0xFFFFFFC0]  }
0x104: {  	[tilespmem:s20+$0xFFFFFFE0] =	vst v8;
	v3 =	vmul.f32 v3, v1;
	v58 =	vld [tilespmem:s21+$0xFFFFFFD0]  }
0x105: {  	v59 =	vld [tilespmem:s21+$0xFFFFFFE0];
	[tilespmem:s20+$0x0] =	vst v5;
	v4 =	vmul.f32 v4, v1  }
0x106: {  	[tilespmem:s20+$0x10] =	vst v3;
	v3 =	vld [tilespmem:s21+$0x0];
	v1 =	vmul.f32 v6, v1  }
0x107: {  	v61 =	vld [tilespmem:s21+$0x10];
	[tilespmem:s20+$0x20] =	vst v4;
	v60 =	vmul.f32 v10, v7  }
0x108: {  	v62 =	vld [tilespmem:s21+$0x20];
	[tilespmem:s20+$0x30] =	vst v1;
	v1 =	vmul.f32 v57, v7  }
0x109: {  	v63 =	vld [tilespmem:s21+$0x30];
	v8 =	vmul.f32 v58, v7;
	[tilespmem:s21+$0xFFFFFFF0] =	vst v60  }
0x10a: {  	[tilespmem:s21+$0xFFFFFFC0] =	vst v1;
	v1 =	vmul.f32 v59, v7  }
0x10b: {  	[tilespmem:s21+$0xFFFFFFD0] =	vst v8;
	v3 =	vmul.f32 v3, v2  }
0x10c: {  	[tilespmem:s21+$0xFFFFFFE0] =	vst v1;
	v1 =	vmul.f32 v61, v2  }
0x10d: {  	[tilespmem:s21+$0x0] =	vst v3;
	v3 =	vmul.f32 v62, v2  }
0x10e: {  	[tilespmem:s21+$0x10] =	vst v1;
	v1 =	vmul.f32 v63, v2  }
0x10f: {  	[tilespmem:s21+$0x20] =	vst v3  }
0x110: {  	s19 =	sadd.s32 $0x4800, s19;
	[tilespmem:s21+$0x30] =	vst v1  }
0x111: {  	[spmem:s1] =	stream.indirect.scatter.add.f32 [tilespmem:s7], [sflag:$0x8], $0x40, s19, s31, $0xb8;
	[tilespmem:$0x1F800] =	vst v63  }
0x112: {  	_ =	swait.ge [sflag:s13], $0x2000  }
0x113: {  	[sflag:s13] =	ssyncset.done $0x0  }
0x114: {  	[sflag:s13] =	ssyncadd.s32 $0xFFFFE000  }
0x115: {  	_ =	swait.ge [sflag:s14], $0x2000  }
0x116: {  	[sflag:s14] =	ssyncset.done $0x0  }
0x117: {  	s18 =	sadd.s32 $0x1, s18;
	[sflag:s14] =	ssyncadd.s32 $0xFFFFE000  }
0x118: {  	p1 =	sne.s32 s18, s6;
	_ =	swait.ge [sflag:s15], $0x2000  }
.Ltmp5:
0x119: {  	[sflag:s15] =	ssyncset.done $0x0;
	(pc) =	sbr.rel @p1 .LBB2_4-.Ltmp5, $4  }
0x11a: {  	[sflag:s15] =	ssyncadd.s32 $0xFFFFE000  }
0x11b: {  	_ =	swait.ge [sflag:s16], $0x2000  }
0x11c: {  	[sflag:s16] =	ssyncset.done $0x0  }
0x11d: {  	s17 =	sadd.s32 $0x200, s17;
	[sflag:s16] =	ssyncadd.s32 $0xFFFFE000  }
0x11e: {  	s17 =	stileid.u32;
	[bflag:$0x0] =	sbarrier.arrive $0xFFFF  }
0x11f: {  	s17 =	sshll.u32 s17, $0x6;
	s18 =	rddreg [dreg:$0xa]  }
0x120: {  	s19 =	rddreg [dreg:$0x12];
	s17 =	sor.u32 $0x1C09, s17  }
0x121: {  	[hbm:s18], [sflag:s17] =	dma.local [spmem:s19], $0x400  }
0x122: {  	_ =	swait.ge [sflag:s30], $0x400  }
0x123: {  	[sflag:s30] =	ssyncset.done $0x0;
	s19 =	rddreg [dreg:$0xc]  }
0x124: {  	s20 =	rddreg [dreg:$0x13];
	[sflag:s30] =	ssyncadd.s32 $0xFFFFFC00  }
0x125: {  	[hbm:s19], [sflag:s17] =	dma.local [spmem:s20], $0x400  }
0x126: {  	_ =	swait.ge [sflag:s30], $0x400  }
0x127: {  	[sflag:s30] =	ssyncset.done $0x0;
	s21 =	rddreg [dreg:$0xd]  }
0x128: {  	s22 =	rddreg [dreg:$0x14];
	[sflag:s30] =	ssyncadd.s32 $0xFFFFFC00  }
0x129: {  	[hbm:s21], [sflag:s17] =	dma.local [spmem:s22], $0x400  }
0x12a: {  	_ =	swait.ge [sflag:s30], $0x400  }
0x12b: {  	[sflag:s30] =	ssyncset.done $0x0;
	s23 =	rddreg [dreg:$0xe]  }
0x12c: {  	s24 =	rddreg [dreg:$0x15];
	[sflag:s30] =	ssyncadd.s32 $0xFFFFFC00  }
0x12d: {  	[hbm:s23], [sflag:s17] =	dma.local [spmem:s24], $0x400  }
0x12e: {  	_ =	swait.ge [sflag:s30], $0x400  }
0x12f: {  	[sflag:s30] =	ssyncset.done $0x0;
	s25 =	rddreg [dreg:$0xf]  }
0x130: {  	s26 =	rddreg [dreg:$0x16];
	[sflag:s30] =	ssyncadd.s32 $0xFFFFFC00  }
0x131: {  	[hbm:s25], [sflag:s17] =	dma.local [spmem:s26], $0x400  }
0x132: {  	_ =	swait.ge [sflag:s30], $0x400  }
0x133: {  	s3 =	sadd.s32 $0x1, s3;
	s28 =	rddreg [dreg:$0xb]  }
0x134: {  	p1 =	sne.s32 s3, s28  }
.Ltmp6:
0x135: {  	_ = 	snop;
	(pc) =	sbr.rel @p1 .LBB2_1-.Ltmp6, $3  }
0x136: {  	_ =	sdelay $0x1  }
0x137: {  	[sflag:s30] =	ssyncset.done $0x0  }
0x138: {  	[sflag:s30] =	ssyncadd.s32 $0xFFFFFC00  }
0x139: {  	_ =	sfence.sel $0x180000  }
0x13a: {  	[bflag:$0x0] =	sbarrier.arrive $0xFFFF  }
0x13b: {  	_ =	strace $0x9000004D  }
0x13c: {  	s0 =	stileid.u32;
	[bflag:$0x2] =	sbarrier.arrive $0xFFFF  }
0x13d: {  	p0 =	sne.s32 s0, $0x0;
	s0 =	rddreg [dreg:$0x3]  }
0x13e: {  	s0 =	sadd.s32 @!p0 $0x100000, s0  }
0x13f: {  	[sflag:s0] =	ssyncadd.tile.s32 @!p0 $0x1;
	_ =	shalt  }
.Lfunc_end2:
_tile_overlayer_lowered:
.L_overlay_start_2:
0x140: {  	(tag) =	ssettag $0x2  }
0x141: {  	s0 =	rddreg [dreg:$0x0];
	s2 =	stileid.u32  }
0x142: {  	s1 =	rddreg [dreg:$0x1];
	p0 =	sne.s32 s2, $0x0  }
0x143: {  	s3 =	rddreg [dreg:$0x2];
	[bflag:$0x3] =	sbarrier.arrive $0xFFFF;
	s2 =	simm.s32 @!p0 $0x1C09  }
0x144: {  	[timem:s3], [sflag:s2] =	dma.local @!p0 [hbm:s0], s1  }
0x145: {  	s0 =	simm.s32 @!p0 $0x9  }
0x146: {  	_ =	swait.ge @!p0 [sflag:s0], s1  }
0x147: {  	s1 =	ssub.s32 @!p0 $0x0, s1;
	[sflag:s0] =	ssyncset.done @!p0 $0x0  }
0x148: {  	[sflag:s0] =	ssyncadd.s32 @!p0 s1  }
0x149: {  	[bflag:$0x3] =	sbarrier.arrive $0xFFFF  }
0x14a: {  	_ =	shalt  }

// kernel: kernel.9.cloned.1.call-start
scs
__scs_entry_jumppad:
0x0: {  	(pc) =	sbr.rel $0x88, $3  }
0x1: {  	(tag) =	ssettag $0x0;
	lr =	simm.s32 $0x1  }
0x2: {  	[smem:$0x3F9C] =	sst lr;
	_ =	strace $0xD0000000  }
0x3: {  	_ = 	snop  }
0x4: {  	_ = 	snop  }
0x5: {  	_ = 	snop  }
0x6: {  	_ = 	snop  }
0x7: {  	_ = 	snop  }
__scs_overlays_trampoline_lowered:
0x8: {  	[smem:$0x3FAB] =	sst s0  }
0x9: {  	[smem:$0x3FAC] =	sst s1  }
0xa: {  	[smem:$0x3FAD] =	sst s2  }
0xb: {  	[smem:$0x3FAE] =	sst s3  }
0xc: {  	[smem:$0x3FAF] =	sst s4  }
0xd: {  	[smem:$0x3FB0] =	sst s5  }
0xe: {  	[smem:$0x3FB1] =	sst s6  }
0xf: {  	[smem:$0x3FB2] =	sst s7  }
0x10: {  	[smem:$0x3FB3] =	sst s8  }
0x11: {  	[smem:$0x3FB4] =	sst s9;
	s0 =	simm.s32 @!p0 $0x0  }
0x12: {  	s1 =	sld [smem:$0x3F9A];
	s0 =	simm.s32 @p0 $0x1  }
0x13: {  	[smem:$0x3FB5] =	sst s0;
	s0 =	simm.s32 @!p1 $0x0  }
0x14: {  	s2 =	sld [smem:$0x3F99];
	s0 =	simm.s32 @p1 $0x1  }
0x15: {  	[smem:$0x3FB6] =	sst s0;
	s0 =	simm.s32 @!p2 $0x0  }
0x16: {  	s3 =	sld [smem:$0x3FDB];
	s0 =	simm.s32 @p2 $0x1  }
0x17: {  	s4 =	simm.s32 $0x1BF5;
	[smem:$0x3FB8] =	sst s0  }
0x18: {  	s0 =	sld [smem:$0x3F9B];
	_ =	swait.ge [sflag:s4], $0x0  }
0x19: {  	s7 =	sld [smem:$0x3F9C]  }
0x1a: {  	s8 =	sadd.s32 $0xFFFFE003, lr  }
0x1b: {  	s9 =	sadd.s32 $0xFFFFFEF7, lr;
	s5 =	simm.s32 $0xFFFFFFFF;
	p2 =	slt.u32 s8, $0xFFFFF086  }
0x1c: {  	p1 =	slt.u32 s9, $0xF7A;
	s5 =	simm.s32 @!p2 $0x0  }
0x1d: {  	s5 =	simm.s32 @p1 $0x1;
	p0 =	seq.s32 s7, s2  }
0x1e: {  	s7 =	smul.u32 @!p0 $0xF7A, s2;
	p2 =	seq.s32 @!p0 s5, $0x0  }
0x1f: {  	s9 =	smul.u32 $0xF7A, s1;
	s8 =	simm.s32 @!p0 $0x1BF5;
	p2 =	por !p2, p0  }
0x20: {  	[sflag:s8] =	ssyncset.s32 @!p0 $0xFFFFF086;
	s6 =	sadd.s32 @!p0 s3, s7;
	s7 =	simm.s32 @!p0 $0x108  }
0x21: {  	s3 =	sadd.s32 s3, s9;
	s6 =	sadd.s32 @!p0 $0x88, s6;
	s7 =	simm.s32 @p2 $0x1082  }
0x22: {  	[simem:s7], [sflag:s8] =	dma.local @!p0 [hbm:s6], $0xF7A  }
0x23: {  	s9 =	sor.u32 $0xD0000000, s2;
	s6 =	simm.s32 $0x108;
	_ =	swait.ge @!p0 [sflag:s8], $0x0  }
0x24: {  	s3 =	sadd.s32 $0x88, s3;
	s6 =	simm.s32 @!p1 $0x1082;
	[sflag:s4] =	ssyncset.s32 $0xFFFFF086  }
0x25: {  	[simem:s6], [sflag:s4] =	dma.local [hbm:s3], $0xF7A  }
0x26: {  	[smem:$0x3F9C] =	sst s1;
	(tag) =	ssettag s2;
	_ =	strace s9  }
0x27: {  	s1 =	sld [smem:$0x3FAC]  }
0x28: {  	s2 =	sld [smem:$0x3FAD]  }
0x29: {  	s4 =	sld [smem:$0x3FAF]  }
0x2a: {  	p0 =	seq.s32 s5, $0x0;
	s5 =	sld [smem:$0x3FB0]  }
0x2b: {  	s6 =	sld [smem:$0x3FB1]  }
0x2c: {  	s7 =	sld [smem:$0x3FB2]  }
0x2d: {  	s3 =	simm.s32 $0x108;
	s8 =	sld [smem:$0x3FB3]  }
0x2e: {  	s3 =	simm.s32 @!p0 $0x1082;
	s9 =	sld [smem:$0x3FB4]  }
0x2f: {  	lr =	sadd.s32 s0, s3;
	s0 =	sld [smem:$0x3FAB]  }
0x30: {  	s3 =	sld [smem:$0x3FAE]  }
0x31: {  	[smem:$0x3FB7] =	sst s10  }
0x32: {  	s10 =	sld [smem:$0x3FB5];
	_ =	sdelay $0x3  }
0x33: {  	p0 =	seq.s32 s10, $0x1;
	s10 =	sld [smem:$0x3FB7];
	_ =	sdelay $0x3  }
0x34: {  	[smem:$0x3FB7] =	sst s10  }
0x35: {  	s10 =	sld [smem:$0x3FB6];
	_ =	sdelay $0x3  }
0x36: {  	p1 =	seq.s32 s10, $0x1;
	s10 =	sld [smem:$0x3FB7];
	_ =	sdelay $0x3  }
0x37: {  	[smem:$0x3FB7] =	sst s10  }
0x38: {  	s10 =	sld [smem:$0x3FB8]  }
0x39: {  	_ = 	snop;
	(pc) =	sbr.ind lr, $3  }
0x3a: {  	_ = 	snop  }
0x3b: {  	_ = 	snop  }
0x3c: {  	p2 =	seq.s32 s10, $0x1;
	s10 =	sld [smem:$0x3FB7]  }
0x3d: {  	_ =	shalt  }
0x3e: {  	_ =	shalt  }
0x3f: {  	_ =	shalt  }
0x40: {  	_ =	shalt  }
0x41: {  	_ =	shalt  }
0x42: {  	_ =	shalt  }
0x43: {  	_ =	shalt  }
0x44: {  	_ =	shalt  }
0x45: {  	_ =	shalt  }
0x46: {  	_ =	shalt  }
0x47: {  	_ =	shalt  }
0x48: {  	_ =	shalt  }
0x49: {  	_ =	shalt  }
0x4a: {  	_ =	shalt  }
0x4b: {  	_ =	shalt  }
0x4c: {  	_ =	shalt  }
0x4d: {  	_ =	shalt  }
0x4e: {  	_ =	shalt  }
0x4f: {  	_ =	shalt  }
0x50: {  	_ =	shalt  }
0x51: {  	_ =	shalt  }
0x52: {  	_ =	shalt  }
0x53: {  	_ =	shalt  }
0x54: {  	_ =	shalt  }
0x55: {  	_ =	shalt  }
0x56: {  	_ =	shalt  }
0x57: {  	_ =	shalt  }
0x58: {  	_ =	shalt  }
0x59: {  	_ =	shalt  }
0x5a: {  	_ =	shalt  }
0x5b: {  	_ =	shalt  }
0x5c: {  	_ =	shalt  }
0x5d: {  	_ =	shalt  }
0x5e: {  	_ =	shalt  }
0x5f: {  	_ =	shalt  }
0x60: {  	_ =	shalt  }
0x61: {  	_ =	shalt  }
0x62: {  	_ =	shalt  }
0x63: {  	_ =	shalt  }
0x64: {  	_ =	shalt  }
0x65: {  	_ =	shalt  }
0x66: {  	_ =	shalt  }
0x67: {  	_ =	shalt  }
0x68: {  	_ =	shalt  }
0x69: {  	_ =	shalt  }
0x6a: {  	_ =	shalt  }
0x6b: {  	_ =	shalt  }
0x6c: {  	_ =	shalt  }
0x6d: {  	_ =	shalt  }
0x6e: {  	_ =	shalt  }
0x6f: {  	_ =	shalt  }
0x70: {  	_ =	shalt  }
0x71: {  	_ =	shalt  }
0x72: {  	_ =	shalt  }
0x73: {  	_ =	shalt  }
0x74: {  	_ =	shalt  }
0x75: {  	_ =	shalt  }
0x76: {  	_ =	shalt  }
0x77: {  	_ =	shalt  }
0x78: {  	_ =	shalt  }
0x79: {  	_ =	shalt  }
0x7a: {  	_ =	shalt  }
0x7b: {  	_ =	shalt  }
0x7c: {  	_ =	shalt  }
0x7d: {  	_ =	shalt  }
0x7e: {  	_ =	shalt  }
0x7f: {  	_ =	shalt  }
0x80: {  	_ =	shalt  }
0x81: {  	_ =	shalt  }
0x82: {  	_ =	shalt  }
0x83: {  	_ =	shalt  }
0x84: {  	_ =	shalt  }
0x85: {  	_ =	shalt  }
0x86: {  	_ =	shalt  }
0x87: {  	_ =	shalt  }
.Lfunc_end0:
.L_simem_size_0:
called_computation_lowered:
.L_overlay_start_0:
0x88: {  	s2 =	sld [smem:$0x3FD9]  }
0x89: {  	s3 =	sld [smem:$0x3FFE];
	_ =	sdelay $0x1  }
0x8a: {  	s1 =	srdreg.scid  }
0x8b: {  	s0 =	sand.u32 $0x1, s1  }
0x8c: {  	s17 =	sshll.u32 s0, $0xA;
	s2 =	sadd.s32 s3, s2  }
0x8d: {  	s2 =	sadd.s32 s2, s17  }
0x8e: {  	[smem:$0x3FC3] =	sst s2  }
0x8f: {  	_ = 	snop  }
0x90: {  	s2 =	sld [smem:$0x3FD0];
	(tm) =	ssettm $0x1  }
0x91: {  	s18 =	sld [smem:$0x3FFB];
	_ =	sdelay $0x3  }
0x92: {  	_ =	strace s18  }
0x93: {  	s3 =	sld [smem:$0x3FFC];
	_ =	sdelay $0x3  }
0x94: {  	_ =	strace s3  }
0x95: {  	s3 =	sld [smem:$0x3FFD];
	_ =	sdelay $0x3  }
0x96: {  	_ =	strace s3  }
0x97: {  	_ =	strace $0x8FFFFFFF  }
0x98: {  	s19 =	sld [smem:$0x3FDB];
	_ =	sdelay $0x1  }
0x99: {  	s4 =	simm.s32 $_scs_section_size  }
0x9a: {  	s5 =	simm.s32 $_size__tile_overlayer_lowered;
	s6 =	simm.s32 $_tile_overlayer_lowered  }
0x9b: {  	s22 =	simm.s32 $0x1BFF;
	s21 =	sshll.u32 s6, $0x1;
	s3 =	sadd.s32 s4, s19  }
0x9c: {  	s7 =	simm.s32 $0x0;
	s20 =	sshll.u32 s5, $0x1;
	s5 =	sadd.s32 s21, s3  }
0x9d: {  	[timem:s7], [sflag:s22] =	dma.local [hbm:s5], s20  }
0x9e: {  	_ =	swait.ge [sflag:s22], s20  }
0x9f: {  	s4 =	ssub.s32 $0x0, s20;
	[sflag:s22] =	ssyncset.done $0x0  }
0xa0: {  	[sflag:s22] =	ssyncadd.s32 s4;
	_ =	sdelay $0x1  }
0xa1: {  	s23 =	simm.s32 $0x1B8B  }
0xa2: {  	_ =	swait.ge [sflag:s23], $0x1  }
0xa3: {  	[sflag:s23] =	ssyncset.done $0x0  }
0xa4: {  	s25 =	simm.s32 $0x1B8E;
	s24 =	sld [smem:$0x3FFE];
	[sflag:s23] =	ssyncadd.s32 $0xFFFFFFFF  }
0xa5: {  	s26 =	simm.s32 $execute0_lowered;
	[smem:$0x3FD2] =	sst s25  }
0xa6: {  	s5 =	sshll.u32 s26, $0x1;
	_ =	strace $0x80000046;
	[dreg:$0x1] =	wrdreg $0xFFFFFFFF  }
0xa7: {  	s28 =	simm.s32 $_size_execute0_lowered;
	s3 =	sadd.s32 s3, s5;
	[dreg:$0x0] =	wrdreg $0x0  }
0xa8: {  	s5 =	sshll.u32 s28, $0x1;
	[dreg:$0x2] =	wrdreg s3  }
0xa9: {  	[dreg:$0x3] =	wrdreg s5  }
0xaa: {  	[dreg:$0x4] =	wrdreg $0xC0  }
0xab: {  	_ =	task [dreg:s7], $0x5FFFF  }
0xac: {  	[dreg:$0x1] =	wrdreg $0xFFFFFFFF  }
0xad: {  	[dreg:$0x0] =	wrdreg $0x60  }
0xae: {  	[dreg:$0x2] =	wrdreg s2  }
0xaf: {  	[dreg:$0x3] =	wrdreg s24  }
0xb0: {  	[dreg:$0x4] =	wrdreg $0x9  }
0xb1: {  	_ =	task.clear_ibuf [dreg:s7], $0x5FFFF;
	_ =	strace $0x90000046  }
0xb2: {  	s29 =	simm.s32 $0x9;
	_ =	strace $0x80000048  }
0xb3: {  	_ =	swait.ge [sflag:s29], $0x1  }
0xb4: {  	[sflag:s29] =	ssyncadd.s32 $0xFFFFFFFF  }
0xb5: {  	_ =	strace $0x90000048  }
0xb6: {  	_ =	sfence  }
0xb7: {  	s30 =	sld [smem:$0x0];
	_ =	sdelay $0x2  }
0xb8: {  	s31 =	sshll.u32 s1, $0xD;
	s1 =	sshrl.u32 s1, $0x2  }
0xb9: {  	s3 =	sand.u32 $0x4000, s31;
	s1 =	sadd.s32 s1, s30  }
0xba: {  	s0 =	sor.u32 s3, s0;
	s1 =	sshll.u32 s1, $0x11  }
0xbb: {  	s0 =	sor.u32 s1, s0  }
0xbc: {  	s0 =	sadd.s32 $0x8F2B, s0  }
0xbd: {  	[sflag:s0] =	ssyncadd.remote.s32 $0x1  }
0xbe: {  	_ =	sfence.sel $0xFFFF  }
0xbf: {  	[dreg:$0x0] =	wrdreg $0xFFFFFFFF;
	(pc) =	sbr.abs _section_cstart, $3  }
0xc0: {  	[dreg:$0x1] =	wrdreg $0xFFFFFFFF  }
0xc1: {  	_ =	task.clear_ibuf [dreg:s7], $0x2FFFF;
	_ =	strace $0x9FFFFFFF  }
0xc2: {  	(tm) =	ssettm $0x7FFFFFFF  }
0xc3: {  	_ =	shalt  }
tec
execute0_lowered:
.L_overlay_start_1:
0x0: {  	(tag) =	ssettag $0x1  }
0x1: {  	s2 =	rddreg [dreg:$0x0]  }
0x2: {  	s1 =	srdreg.scid;
	s0 =	stileid.u32  }
0x3: {  	s5 =	rddreg [dreg:$0x1];
	s3 =	simm.s32 $0x0;
	s10 =	simm.s32 $0x800  }
0x4: {  	s11 =	simm.s32 $0x0;
	s4 =	sand.u32 $0x1, s1;
	s6 =	sshll.u32 s0, $0x1  }
0x5: {  	s1 =	rddreg [dreg:$0x2];
	s6 =	sor.u32 s4, s6;
	s8 =	ssub.s32 $0x2, s4  }
0x6: {  	[smem:$0x7FF] =	sst s3;
	s7 =	smul.u32 $0x500, s6;
	s9 =	sshrl.u32 s8, $0x1  }
0x7: {  	_ =	strace $0x80000047;
	s4 =	sadd.s32 $0x1600, s5;
	s8 =	ssub.s32 s8, s9  }
0x8: {  	s9 =	simm.s32 $0x400;
	s7 =	sadd.s32 s7, s5;
	s5 =	smul.u32 $0x2800, s6  }
0x9: {  	v0 =	vimm.f32 $0.0e+00;
	s6 =	sadd.s32 $0xB600, s7;
	s7 =	smax.u32 s8, $0x1;
	s8 =	simm.s32 $0x1  }
.LBB2_1:
0xa: {  	s12 =	simm.s32 $0x40;
	s13 =	simm.s32 $0x0  }
.LBB2_2:
0xb: {  	p0 =	sne.s32 s12, $0x9FC0;
	[tilespmem:s13+$0x800] =	vst v0;
	s13 =	smov.u32 s12;
	s12 =	sadd.s32 $0x40, s12  }
.Ltmp0:
0xc: {  	(pc) =	sbr.rel @p0 .LBB2_2-.Ltmp0, $2  }
0xd: {  	_ =	sdelay $0x2  }
0xe: {  	s13 =	sshra.s32 s13, $0x2  }
0xf: {  	[tilespmem:s13+$0x800] =	vst v0;
	s12 =	simm.s32 $0x0;
	s13 =	simm.s32 $0x0  }
.LBB2_4:
0x10: {  	s14 =	sshll.u32 s13, $0xA  }
0x11: {  	s14 =	sadd.s32 s5, s14  }
0x12: {  	s14 =	sshrl.u32 s14, $0x3  }
0x13: {  	s15 =	sadd.s32 s2, s14  }
0x14: {  	[tilespmem:s12], [sflag:$0x1] =	stream.linear.gather [hbm4b:s15+s12], $0x400, $0x38;
	[tilespmem:$0x3000] =	vst v63  }
0x15: {  	_ =	swait.ge [sflag:s8], $0x400  }
0x16: {  	[sflag:s8] =	ssyncset.done $0x0  }
0x17: {  	s14 =	sadd.s32 s4, s14;
	[sflag:s8] =	ssyncadd.s32 $0xFFFFFC00  }
0x18: {  	[tilespmem:s9], [sflag:$0x1] =	stream.linear.gather [hbm4b:s14+s12], $0x400, $0x38;
	[tilespmem:$0x3000] =	vst v63  }
0x19: {  	_ =	swait.ge [sflag:s8], $0x400  }
0x1a: {  	[sflag:s8] =	ssyncset.done $0x0  }
0x1b: {  	s15 =	simm.s32 $0x0;
	s14 =	simm.s32 $0x40;
	[sflag:s8] =	ssyncadd.s32 $0xFFFFFC00  }
.LBB2_5:
0x1c: {  	p0 =	sne.s32 s14, $0xFC0;
	v1 =	vld [tilespmem:s15+$0x0];
	_ =	sdelay $0x2  }
0x1d: {  	v2 =	vld [tilespmem:s15+$0x400]  }
.Ltmp1:
0x1e: {  	(pc) =	sbr.rel @p0 .LBB2_5-.Ltmp1, $2  }
0x1f: {  	_ =	sdelay $0x2  }
0x20: {  	s15 =	sshra.s32 s14, $0x2;
	s14 =	sadd.s32 $0x40, s14;
	[tilespmem:v1+s10+$0x0] =	vst.idx.add.f32.msk $0xffff, v2  }
0x21: {  	v1 =	vld [tilespmem:s15+$0x0];
	_ =	sdelay $0x1  }
0x22: {  	s13 =	sadd.s32 $0x1, s13  }
0x23: {  	v2 =	vld [tilespmem:s15+$0x400];
	p0 =	sne.s32 s13, $0xA  }
.Ltmp2:
0x24: {  	_ = 	snop;
	(pc) =	sbr.rel @p0 .LBB2_4-.Ltmp2, $2  }
0x25: {  	_ =	sdelay $0x2  }
0x26: {  	[tilespmem:v1+s10+$0x0] =	vst.idx.add.f32.msk $0xffff, v2  }
0x27: {  	s11 =	sadd.s32 $0x1, s11  }
0x28: {  	p0 =	sne.s32 s11, s7  }
.Ltmp3:
0x29: {  	_ = 	snop;
	(pc) =	sbr.rel @p0 .LBB2_1-.Ltmp3, $4  }
0x2a: {  	[hbm4b:s6+s3] =	stream.linear.scatter [tilespmem:s10], [sflag:$0x1], $0x2800, $0x38;
	[tilespmem:$0x3000] =	vst v63  }
0x2b: {  	_ =	swait.ge [sflag:s8], $0x2800  }
0x2c: {  	[sflag:s8] =	ssyncset.done $0x0  }
0x2d: {  	[sflag:s8] =	ssyncadd.s32 $0xFFFFD800  }
0x2e: {  	_ =	sfence.sel $0x180000  }
0x2f: {  	[bflag:$0x0] =	sbarrier.arrive $0xFFFF  }
0x30: {  	p0 =	sne.s32 s0, $0x0;
	_ =	strace $0x90000047  }
0x31: {  	s0 =	sadd.s32 @!p0 $0x100000, s1;
	[bflag:$0x2] =	sbarrier.arrive $0xFFFF  }
0x32: {  	[sflag:s0] =	ssyncadd.tile.s32 @!p0 $0x1;
	_ =	shalt  }
.Lfunc_end2:
_tile_overlayer_lowered:
.L_overlay_start_2:
0x33: {  	(tag) =	ssettag $0x2  }
0x34: {  	s0 =	rddreg [dreg:$0x0];
	s2 =	stileid.u32  }
0x35: {  	s1 =	rddreg [dreg:$0x1];
	p0 =	sne.s32 s2, $0x0  }
0x36: {  	s3 =	rddreg [dreg:$0x2];
	[bflag:$0x3] =	sbarrier.arrive $0xFFFF;
	s2 =	simm.s32 @!p0 $0x1C01  }
0x37: {  	[timem:s3], [sflag:s2] =	dma.local @!p0 [hbm:s0], s1  }
0x38: {  	s0 =	simm.s32 @!p0 $0x1  }
0x39: {  	_ =	swait.ge @!p0 [sflag:s0], s1  }
0x3a: {  	s1 =	ssub.s32 @!p0 $0x0, s1;
	[sflag:s0] =	ssyncset.done @!p0 $0x0  }
0x3b: {  	[sflag:s0] =	ssyncadd.s32 @!p0 s1  }
0x3c: {  	[bflag:$0x3] =	sbarrier.arrive $0xFFFF  }
0x3d: {  	_ =	shalt  }

</sc_bundles>
